<compile_context>
chip_gen: v7x
topology: tpu7x:2x2x1
jax: 0.10.2.dev20260603
libtpu: 0.0.44.dev20260713+nightly
codegen_flags: <defaults>
</compile_context>

<pallas_src>
import functools

import jax
import jax.numpy as jnp
from jax import lax
from jax.experimental import pallas as pl
from jax.experimental.pallas import tpu as pltpu
from jax.experimental.pallas import tpu_sc as plsc

_NC = 2
_NS = 16
_NW = _NC * _NS
_LANES = 16


def _make_kernel(vocab, dim, batch):
    b_per_w = batch // _NW
    n_groups = b_per_w // _LANES
    mesh = plsc.VectorSubcoreMesh(core_axis_name="c", subcore_axis_name="s")

    @functools.partial(
        pl.kernel,
        out_type=jax.ShapeDtypeStruct((batch,), jnp.float32),
        mesh=mesh,
        compiler_params=pltpu.CompilerParams(needs_layout_passes=False),
        scratch_types=[
            pltpu.VMEM((b_per_w,), jnp.int32),
            pltpu.VMEM((b_per_w,), jnp.int32),
            pltpu.VMEM((_LANES, 8, dim), jnp.float32),
            pltpu.VMEM((_LANES, 8, dim), jnp.float32),
            pltpu.VMEM((_LANES, 8, dim), jnp.float32),
            pltpu.VMEM((_LANES, 8, dim), jnp.float32),
            pltpu.VMEM((b_per_w,), jnp.float32),
            pltpu.SemaphoreType.DMA,
            pltpu.SemaphoreType.DMA,
        ],
    )
    def k(hero_ids, ctx_ids, hero_tab, ctx_tab, out,
          hidx_v, cidx_v, hbuf_a, cbuf_a, hbuf_b, cbuf_b, score_v,
          sem_a, sem_b):
        wid = lax.axis_index("s") * _NC + lax.axis_index("c")
        base = wid * b_per_w

        pltpu.sync_copy(hero_ids.at[pl.ds(base, b_per_w)], hidx_v)
        pltpu.sync_copy(ctx_ids.at[pl.ds(base, b_per_w)], cidx_v)

        lane = lax.iota(jnp.int32, _LANES)

        def issue(g, hbuf, cbuf, sem):
            e0 = g * _LANES
            htile = lax.shift_right_logical(hidx_v[pl.ds(e0, _LANES)], 3)
            ctile = lax.shift_right_logical(cidx_v[pl.ds(e0, _LANES)], 3)
            for j in range(_LANES):
                pltpu.async_copy(hero_tab.at[htile[j]], hbuf.at[j], sem)
                pltpu.async_copy(ctx_tab.at[ctile[j]], cbuf.at[j], sem)

        def drain(hbuf, cbuf, sem):
            pltpu.make_async_copy(
                hero_tab.at[pl.ds(0, _LANES)], hbuf, sem).wait()
            pltpu.make_async_copy(
                ctx_tab.at[pl.ds(0, _LANES)], cbuf, sem).wait()

        def compute(g, hbuf, cbuf):
            e0 = g * _LANES
            hsub = hidx_v[pl.ds(e0, _LANES)] & 7
            csub = cidx_v[pl.ds(e0, _LANES)] & 7
            acc = jnp.zeros((_LANES,), jnp.float32)
            for d in range(dim):
                col = jnp.full((_LANES,), d, jnp.int32)
                h = plsc.load_gather(hbuf, [lane, hsub, col])
                c = plsc.load_gather(cbuf, [lane, csub, col])
                acc = acc + h * c
            score_v[pl.ds(e0, _LANES)] = acc

        issue(0, hbuf_a, cbuf_a, sem_a)

        def body(i, carry):
            g = 2 * i
            issue(g + 1, hbuf_b, cbuf_b, sem_b)
            drain(hbuf_a, cbuf_a, sem_a)
            compute(g, hbuf_a, cbuf_a)

            @pl.when(i < n_groups // 2 - 1)
            def _():
                issue(g + 2, hbuf_a, cbuf_a, sem_a)

            drain(hbuf_b, cbuf_b, sem_b)
            compute(g + 1, hbuf_b, cbuf_b)
            return carry

        lax.fori_loop(0, n_groups // 2, body, 0)

        pltpu.sync_copy(score_v, out.at[pl.ds(base, b_per_w)])

    return k


@jax.jit
def kernel(hero_ids, context_ids, hero_table, context_table):
    vocab, dim = hero_table.shape
    batch = hero_ids.shape[0]
    k = _make_kernel(vocab, dim, batch)
    hero3 = hero_table.reshape(vocab // 8, 8, dim)
    ctx3 = context_table.reshape(vocab // 8, 8, dim)
    return k(hero_ids.astype(jnp.int32), context_ids.astype(jnp.int32),
             hero3, ctx3)

# --- scband reference (transcript-rebuilt; emitter-appended) ---
"""Pipeline reference for scband-hero2-vec-12970801234225 (READ-ONLY COPY).

The authoritative reference and input builder live on the scoring server;
editing this copy changes nothing except your own understanding.
"""

import jax, jax.numpy as jnp
import numpy as np

VOCAB = 1000000
DIM = 32
BATCH = 16384

def setup_inputs(seed: int = 0) -> dict:
    key = jax.random.key(seed)
    k1, k2, k3, k4 = jax.random.split(key, 4)
    hero_ids = jax.random.randint(k1, (BATCH,), 0, VOCAB, dtype=jnp.int64 if jax.config.jax_enable_x64 else jnp.int32)
    context_ids = jax.random.randint(k2, (BATCH,), 0, VOCAB, dtype=jnp.int64 if jax.config.jax_enable_x64 else jnp.int32)
    bound = 0.5 / DIM
    hero_table = jax.random.uniform(k3, (VOCAB, DIM), minval=-bound, maxval=bound, dtype=jnp.float32)
    context_table = jax.random.uniform(k4, (VOCAB, DIM), minval=-bound, maxval=bound, dtype=jnp.float32)
    return {"hero_ids": hero_ids, "context_ids": context_ids, "hero_table": hero_table, "context_table": context_table}

def reference(hero_ids, context_ids, hero_table, context_table):
    hero_emb = jnp.take(hero_table, hero_ids, axis=0)
    context_emb = jnp.take(context_table, context_ids, axis=0)
    scores = jnp.sum(hero_emb * context_emb, axis=1)
    return scores

if __name__ == "__main__":
    import jax
    _d = setup_inputs()
    print(jax.jit(kernel)(*tuple(_d.values())))

</pallas_src>

<mosaic_0001>
#map = affine_map<(d0, d1) -> (0)>
#map1 = affine_map<(d0, d1) -> (0, 0, 0)>
module attributes {stable_mosaic.version = 14 : i64} {
  func.func @k(%arg0: i32, %arg1: i32, %arg2: memref<16384xi32, #tpu.memory_space<hbm>>, %arg3: memref<16384xi32, #tpu.memory_space<hbm>>, %arg4: memref<125000x8x32xf32, #tpu.memory_space<hbm>>, %arg5: memref<125000x8x32xf32, #tpu.memory_space<hbm>>, %arg6: memref<16384xf32, #tpu.memory_space<hbm>>, %arg7: memref<512xi32, #tpu.memory_space<vmem>>, %arg8: memref<512xi32, #tpu.memory_space<vmem>>, %arg9: memref<16x8x32xf32, #tpu.memory_space<vmem>>, %arg10: memref<16x8x32xf32, #tpu.memory_space<vmem>>, %arg11: memref<16x8x32xf32, #tpu.memory_space<vmem>>, %arg12: memref<16x8x32xf32, #tpu.memory_space<vmem>>, %arg13: memref<512xf32, #tpu.memory_space<vmem>>, %arg14: memref<!tpu.dma_semaphore, #tpu.memory_space<semaphore_mem>>, %arg15: memref<!tpu.dma_semaphore, #tpu.memory_space<semaphore_mem>>) attributes {dimension_semantics = [#tpu.dimension_semantics<core_parallel>, #tpu.dimension_semantics<subcore_parallel>], iteration_bounds = array<i64: 2, 16>, scalar_prefetch = 0 : i64, scratch_operands = 9 : i64, tpu.core_type = #tpu.core_type<sc_vector_subcore>, window_params = [{transform_indices = #map}, {transform_indices = #map}, {transform_indices = #map1}, {transform_indices = #map1}, {transform_indices = #map}]} {
    %mul3A = arith.constant 2 : i32
    %mul3A_0 = arith.muli %arg1, %mul3A : i32
    %add3A = arith.addi %mul3A_0, %arg0 : i32
    %mul3A_1 = arith.constant 512 : i32
    %mul3A_2 = arith.muli %add3A, %mul3A_1 : i32
    "tpu.region"() ({
      %run_scoped3A = tpu.sem_alloc : memref<!tpu.dma_semaphore, #tpu.memory_space<semaphore_mem>>
      %dma_start3A_621 = tpu.memref_slice %arg2[%mul3A_2] : memref<16384xi32, #tpu.memory_space<hbm>> -> memref<512xi32, #tpu.memory_space<hbm>>
      %dma_start3A_622 = tpu.memref_slice %arg2[%mul3A_2] : memref<16384xi32, #tpu.memory_space<hbm>> -> memref<512xi32, #tpu.memory_space<hbm>>
      tpu.enqueue_dma source(%dma_start3A_622 : memref<512xi32, #tpu.memory_space<hbm>>) target(%arg7 : memref<512xi32, #tpu.memory_space<vmem>>) target_semaphore(%run_scoped3A : memref<!tpu.dma_semaphore, #tpu.memory_space<semaphore_mem>>)
      %dma_wait3A = tpu.memref_slice %arg2[%mul3A_2] : memref<16384xi32, #tpu.memory_space<hbm>> -> memref<512xi32, #tpu.memory_space<hbm>>
      %dma_wait3A_623 = tpu.memref_slice %arg2[%mul3A_2] : memref<16384xi32, #tpu.memory_space<hbm>> -> memref<512xi32, #tpu.memory_space<hbm>>
      tpu.wait_dma2 semaphore(%run_scoped3A : memref<!tpu.dma_semaphore, #tpu.memory_space<semaphore_mem>>) src(%dma_wait3A_623 : memref<512xi32, #tpu.memory_space<hbm>>) dst(%arg7 : memref<512xi32, #tpu.memory_space<vmem>>)
      tpu.yield
    }) : () -> ()
    "tpu.region"() ({
      %run_scoped3A = tpu.sem_alloc : memref<!tpu.dma_semaphore, #tpu.memory_space<semaphore_mem>>
      %dma_start3A_621 = tpu.memref_slice %arg3[%mul3A_2] : memref<16384xi32, #tpu.memory_space<hbm>> -> memref<512xi32, #tpu.memory_space<hbm>>
      %dma_start3A_622 = tpu.memref_slice %arg3[%mul3A_2] : memref<16384xi32, #tpu.memory_space<hbm>> -> memref<512xi32, #tpu.memory_space<hbm>>
      tpu.enqueue_dma source(%dma_start3A_622 : memref<512xi32, #tpu.memory_space<hbm>>) target(%arg8 : memref<512xi32, #tpu.memory_space<vmem>>) target_semaphore(%run_scoped3A : memref<!tpu.dma_semaphore, #tpu.memory_space<semaphore_mem>>)
      %dma_wait3A = tpu.memref_slice %arg3[%mul3A_2] : memref<16384xi32, #tpu.memory_space<hbm>> -> memref<512xi32, #tpu.memory_space<hbm>>
      %dma_wait3A_623 = tpu.memref_slice %arg3[%mul3A_2] : memref<16384xi32, #tpu.memory_space<hbm>> -> memref<512xi32, #tpu.memory_space<hbm>>
      tpu.wait_dma2 semaphore(%run_scoped3A : memref<!tpu.dma_semaphore, #tpu.memory_space<semaphore_mem>>) src(%dma_wait3A_623 : memref<512xi32, #tpu.memory_space<hbm>>) dst(%arg8 : memref<512xi32, #tpu.memory_space<vmem>>)
      tpu.yield
    }) : () -> ()
    %iota3A = tpu.iota {dimensions = array<i32: 0>} : vector<16xi32>
    %get3A = arith.constant 0 : index
    %get3A_3 = tpu.vector_load %arg7[%get3A] {strides = array<i32>} : memref<512xi32, #tpu.memory_space<vmem>>, vector<16xi32>,
    %shift_right_logical3A = arith.constant 3 : i32
    %shift_right_logical3A_4 = vector.broadcast %shift_right_logical3A : i32 to vector<16xi32>
    %shift_right_logical3A_5 = arith.shrui %get3A_3, %shift_right_logical3A_4 : vector<16xi32>
    %get3A_6 = arith.constant 0 : index
    %get3A_7 = tpu.vector_load %arg8[%get3A_6] {strides = array<i32>} : memref<512xi32, #tpu.memory_space<vmem>>, vector<16xi32>,
    %shift_right_logical3A_8 = arith.constant 3 : i32
    %shift_right_logical3A_9 = vector.broadcast %shift_right_logical3A_8 : i32 to vector<16xi32>
    %shift_right_logical3A_10 = arith.shrui %get3A_7, %shift_right_logical3A_9 : vector<16xi32>
    %slice3A = vector.extract_strided_slice %shift_right_logical3A_5 {offsets = [0], sizes = [1], strides = [1]} : vector<16xi32> to vector<1xi32>
    %squeeze3A = vector.extract %slice3A[0] : i32 from vector<1xi32>
    %dma_start3A = arith.constant 0 : i32
    %dma_start3A_11 = arith.constant 0 : i32
    %dma_start3A_12 = arith.constant 0 : i32
    %dma_start3A_13 = tpu.memref_slice %arg9[%dma_start3A, %dma_start3A_11, %dma_start3A_12] : memref<16x8x32xf32, #tpu.memory_space<vmem>> -> memref<1x8x32xf32, #tpu.memory_space<vmem>>
    %dma_start3A_14 = tpu.memref_squeeze %dma_start3A_13 : memref<1x8x32xf32, #tpu.memory_space<vmem>> -> memref<8x32xf32, #tpu.memory_space<vmem>>
    %dma_start3A_15 = arith.constant 0 : i32
    %dma_start3A_16 = arith.constant 0 : i32
    %dma_start3A_17 = tpu.memref_slice %arg4[%squeeze3A, %dma_start3A_15, %dma_start3A_16] : memref<125000x8x32xf32, #tpu.memory_space<hbm>> -> memref<1x8x32xf32, #tpu.memory_space<hbm>>
    %dma_start3A_18 = tpu.memref_squeeze %dma_start3A_17 : memref<1x8x32xf32, #tpu.memory_space<hbm>> -> memref<8x32xf32, #tpu.memory_space<hbm>>
    %dma_start3A_19 = arith.constant 0 : i32
    %dma_start3A_20 = arith.constant 0 : i32
    %dma_start3A_21 = tpu.memref_slice %arg9[%dma_start3A, %dma_start3A_19, %dma_start3A_20] : memref<16x8x32xf32, #tpu.memory_space<vmem>> -> memref<1x8x32xf32, #tpu.memory_space<vmem>>
    %dma_start3A_22 = tpu.memref_squeeze %dma_start3A_21 : memref<1x8x32xf32, #tpu.memory_space<vmem>> -> memref<8x32xf32, #tpu.memory_space<vmem>>
    %dma_start3A_23 = arith.constant 0 : i32
    %dma_start3A_24 = arith.constant 0 : i32
    %dma_start3A_25 = tpu.memref_slice %arg4[%squeeze3A, %dma_start3A_23, %dma_start3A_24] : memref<125000x8x32xf32, #tpu.memory_space<hbm>> -> memref<1x8x32xf32, #tpu.memory_space<hbm>>
    %dma_start3A_26 = tpu.memref_squeeze %dma_start3A_25 : memref<1x8x32xf32, #tpu.memory_space<hbm>> -> memref<8x32xf32, #tpu.memory_space<hbm>>
    tpu.enqueue_dma source(%dma_start3A_26 : memref<8x32xf32, #tpu.memory_space<hbm>>) target(%dma_start3A_22 : memref<8x32xf32, #tpu.memory_space<vmem>>) target_semaphore(%arg14 : memref<!tpu.dma_semaphore, #tpu.memory_space<semaphore_mem>>)
    %slice3A_27 = vector.extract_strided_slice %shift_right_logical3A_10 {offsets = [0], sizes = [1], strides = [1]} : vector<16xi32> to vector<1xi32>
    %squeeze3A_28 = vector.extract %slice3A_27[0] : i32 from vector<1xi32>
    %dma_start3A_29 = arith.constant 0 : i32
    %dma_start3A_30 = arith.constant 0 : i32
    %dma_start3A_31 = arith.constant 0 : i32
    %dma_start3A_32 = tpu.memref_slice %arg10[%dma_start3A_29, %dma_start3A_30, %dma_start3A_31] : memref<16x8x32xf32, #tpu.memory_space<vmem>> -> memref<1x8x32xf32, #tpu.memory_space<vmem>>
    %dma_start3A_33 = tpu.memref_squeeze %dma_start3A_32 : memref<1x8x32xf32, #tpu.memory_space<vmem>> -> memref<8x32xf32, #tpu.memory_space<vmem>>
    %dma_start3A_34 = arith.constant 0 : i32
    %dma_start3A_35 = arith.constant 0 : i32
    %dma_start3A_36 = tpu.memref_slice %arg5[%squeeze3A_28, %dma_start3A_34, %dma_start3A_35] : memref<125000x8x32xf32, #tpu.memory_space<hbm>> -> memref<1x8x32xf32, #tpu.memory_space<hbm>>
    %dma_start3A_37 = tpu.memref_squeeze %dma_start3A_36 : memref<1x8x32xf32, #tpu.memory_space<hbm>> -> memref<8x32xf32, #tpu.memory_space<hbm>>
    %dma_start3A_38 = arith.constant 0 : i32
    %dma_start3A_39 = arith.constant 0 : i32
    %dma_start3A_40 = tpu.memref_slice %arg10[%dma_start3A_29, %dma_start3A_38, %dma_start3A_39] : memref<16x8x32xf32, #tpu.memory_space<vmem>> -> memref<1x8x32xf32, #tpu.memory_space<vmem>>
    %dma_start3A_41 = tpu.memref_squeeze %dma_start3A_40 : memref<1x8x32xf32, #tpu.memory_space<vmem>> -> memref<8x32xf32, #tpu.memory_space<vmem>>
    %dma_start3A_42 = arith.constant 0 : i32
    %dma_start3A_43 = arith.constant 0 : i32
    %dma_start3A_44 = tpu.memref_slice %arg5[%squeeze3A_28, %dma_start3A_42, %dma_start3A_43] : memref<125000x8x32xf32, #tpu.memory_space<hbm>> -> memref<1x8x32xf32, #tpu.memory_space<hbm>>
    %dma_start3A_45 = tpu.memref_squeeze %dma_start3A_44 : memref<1x8x32xf32, #tpu.memory_space<hbm>> -> memref<8x32xf32, #tpu.memory_space<hbm>>
    tpu.enqueue_dma source(%dma_start3A_45 : memref<8x32xf32, #tpu.memory_space<hbm>>) target(%dma_start3A_41 : memref<8x32xf32, #tpu.memory_space<vmem>>) target_semaphore(%arg14 : memref<!tpu.dma_semaphore, #tpu.memory_space<semaphore_mem>>)
    %slice3A_46 = vector.extract_strided_slice %shift_right_logical3A_5 {offsets = [1], sizes = [1], strides = [1]} : vector<16xi32> to vector<1xi32>
    %squeeze3A_47 = vector.extract %slice3A_46[0] : i32 from vector<1xi32>
    %dma_start3A_48 = arith.constant 1 : i32
    %dma_start3A_49 = arith.constant 0 : i32
    %dma_start3A_50 = arith.constant 0 : i32
    %dma_start3A_51 = tpu.memref_slice %arg9[%dma_start3A_48, %dma_start3A_49, %dma_start3A_50] : memref<16x8x32xf32, #tpu.memory_space<vmem>> -> memref<1x8x32xf32, #tpu.memory_space<vmem>>
    %dma_start3A_52 = tpu.memref_squeeze %dma_start3A_51 : memref<1x8x32xf32, #tpu.memory_space<vmem>> -> memref<8x32xf32, #tpu.memory_space<vmem>>
    %dma_start3A_53 = arith.constant 0 : i32
    %dma_start3A_54 = arith.constant 0 : i32
    %dma_start3A_55 = tpu.memref_slice %arg4[%squeeze3A_47, %dma_start3A_53, %dma_start3A_54] : memref<125000x8x32xf32, #tpu.memory_space<hbm>> -> memref<1x8x32xf32, #tpu.memory_space<hbm>>
    %dma_start3A_56 = tpu.memref_squeeze %dma_start3A_55 : memref<1x8x32xf32, #tpu.memory_space<hbm>> -> memref<8x32xf32, #tpu.memory_space<hbm>>
    %dma_start3A_57 = arith.constant 0 : i32
    %dma_start3A_58 = arith.constant 0 : i32
    %dma_start3A_59 = tpu.memref_slice %arg9[%dma_start3A_48, %dma_start3A_57, %dma_start3A_58] : memref<16x8x32xf32, #tpu.memory_space<vmem>> -> memref<1x8x32xf32, #tpu.memory_space<vmem>>
    %dma_start3A_60 = tpu.memref_squeeze %dma_start3A_59 : memref<1x8x32xf32, #tpu.memory_space<vmem>> -> memref<8x32xf32, #tpu.memory_space<vmem>>
    %dma_start3A_61 = arith.constant 0 : i32
    %dma_start3A_62 = arith.constant 0 : i32
    %dma_start3A_63 = tpu.memref_slice %arg4[%squeeze3A_47, %dma_start3A_61, %dma_start3A_62] : memref<125000x8x32xf32, #tpu.memory_space<hbm>> -> memref<1x8x32xf32, #tpu.memory_space<hbm>>
    %dma_start3A_64 = tpu.memref_squeeze %dma_start3A_63 : memref<1x8x32xf32, #tpu.memory_space<hbm>> -> memref<8x32xf32, #tpu.memory_space<hbm>>
    tpu.enqueue_dma source(%dma_start3A_64 : memref<8x32xf32, #tpu.memory_space<hbm>>) target(%dma_start3A_60 : memref<8x32xf32, #tpu.memory_space<vmem>>) target_semaphore(%arg14 : memref<!tpu.dma_semaphore, #tpu.memory_space<semaphore_mem>>)
    %slice3A_65 = vector.extract_strided_slice %shift_right_logical3A_10 {offsets = [1], sizes = [1], strides = [1]} : vector<16xi32> to vector<1xi32>
    %squeeze3A_66 = vector.extract %slice3A_65[0] : i32 from vector<1xi32>
    %dma_start3A_67 = arith.constant 1 : i32
    %dma_start3A_68 = arith.constant 0 : i32
    %dma_start3A_69 = arith.constant 0 : i32
    %dma_start3A_70 = tpu.memref_slice %arg10[%dma_start3A_67, %dma_start3A_68, %dma_start3A_69] : memref<16x8x32xf32, #tpu.memory_space<vmem>> -> memref<1x8x32xf32, #tpu.memory_space<vmem>>
    %dma_start3A_71 = tpu.memref_squeeze %dma_start3A_70 : memref<1x8x32xf32, #tpu.memory_space<vmem>> -> memref<8x32xf32, #tpu.memory_space<vmem>>
    %dma_start3A_72 = arith.constant 0 : i32
    %dma_start3A_73 = arith.constant 0 : i32
    %dma_start3A_74 = tpu.memref_slice %arg5[%squeeze3A_66, %dma_start3A_72, %dma_start3A_73] : memref<125000x8x32xf32, #tpu.memory_space<hbm>> -> memref<1x8x32xf32, #tpu.memory_space<hbm>>
    %dma_start3A_75 = tpu.memref_squeeze %dma_start3A_74 : memref<1x8x32xf32, #tpu.memory_space<hbm>> -> memref<8x32xf32, #tpu.memory_space<hbm>>
    %dma_start3A_76 = arith.constant 0 : i32
    %dma_start3A_77 = arith.constant 0 : i32
    %dma_start3A_78 = tpu.memref_slice %arg10[%dma_start3A_67, %dma_start3A_76, %dma_start3A_77] : memref<16x8x32xf32, #tpu.memory_space<vmem>> -> memref<1x8x32xf32, #tpu.memory_space<vmem>>
    %dma_start3A_79 = tpu.memref_squeeze %dma_start3A_78 : memref<1x8x32xf32, #tpu.memory_space<vmem>> -> memref<8x32xf32, #tpu.memory_space<vmem>>
    %dma_start3A_80 = arith.constant 0 : i32
    %dma_start3A_81 = arith.constant 0 : i32
    %dma_start3A_82 = tpu.memref_slice %arg5[%squeeze3A_66, %dma_start3A_80, %dma_start3A_81] : memref<125000x8x32xf32, #tpu.memory_space<hbm>> -> memref<1x8x32xf32, #tpu.memory_space<hbm>>
    %dma_start3A_83 = tpu.memref_squeeze %dma_start3A_82 : memref<1x8x32xf32, #tpu.memory_space<hbm>> -> memref<8x32xf32, #tpu.memory_space<hbm>>
    tpu.enqueue_dma source(%dma_start3A_83 : memref<8x32xf32, #tpu.memory_space<hbm>>) target(%dma_start3A_79 : memref<8x32xf32, #tpu.memory_space<vmem>>) target_semaphore(%arg14 : memref<!tpu.dma_semaphore, #tpu.memory_space<semaphore_mem>>)
    %slice3A_84 = vector.extract_strided_slice %shift_right_logical3A_5 {offsets = [2], sizes = [1], strides = [1]} : vector<16xi32> to vector<1xi32>
    %squeeze3A_85 = vector.extract %slice3A_84[0] : i32 from vector<1xi32>
    %dma_start3A_86 = arith.constant 2 : i32
    %dma_start3A_87 = arith.constant 0 : i32
    %dma_start3A_88 = arith.constant 0 : i32
    %dma_start3A_89 = tpu.memref_slice %arg9[%dma_start3A_86, %dma_start3A_87, %dma_start3A_88] : memref<16x8x32xf32, #tpu.memory_space<vmem>> -> memref<1x8x32xf32, #tpu.memory_space<vmem>>
    %dma_start3A_90 = tpu.memref_squeeze %dma_start3A_89 : memref<1x8x32xf32, #tpu.memory_space<vmem>> -> memref<8x32xf32, #tpu.memory_space<vmem>>
    %dma_start3A_91 = arith.constant 0 : i32
    %dma_start3A_92 = arith.constant 0 : i32
    %dma_start3A_93 = tpu.memref_slice %arg4[%squeeze3A_85, %dma_start3A_91, %dma_start3A_92] : memref<125000x8x32xf32, #tpu.memory_space<hbm>> -> memref<1x8x32xf32, #tpu.memory_space<hbm>>
    %dma_start3A_94 = tpu.memref_squeeze %dma_start3A_93 : memref<1x8x32xf32, #tpu.memory_space<hbm>> -> memref<8x32xf32, #tpu.memory_space<hbm>>
    %dma_start3A_95 = arith.constant 0 : i32
    %dma_start3A_96 = arith.constant 0 : i32
    %dma_start3A_97 = tpu.memref_slice %arg9[%dma_start3A_86, %dma_start3A_95, %dma_start3A_96] : memref<16x8x32xf32, #tpu.memory_space<vmem>> -> memref<1x8x32xf32, #tpu.memory_space<vmem>>
    %dma_start3A_98 = tpu.memref_squeeze %dma_start3A_97 : memref<1x8x32xf32, #tpu.memory_space<vmem>> -> memref<8x32xf32, #tpu.memory_space<vmem>>
    %dma_start3A_99 = arith.constant 0 : i32
    %dma_start3A_100 = arith.constant 0 : i32
    %dma_start3A_101 = tpu.memref_slice %arg4[%squeeze3A_85, %dma_start3A_99, %dma_start3A_100] : memref<125000x8x32xf32, #tpu.memory_space<hbm>> -> memref<1x8x32xf32, #tpu.memory_space<hbm>>
    %dma_start3A_102 = tpu.memref_squeeze %dma_start3A_101 : memref<1x8x32xf32, #tpu.memory_space<hbm>> -> memref<8x32xf32, #tpu.memory_space<hbm>>
    tpu.enqueue_dma source(%dma_start3A_102 : memref<8x32xf32, #tpu.memory_space<hbm>>) target(%dma_start3A_98 : memref<8x32xf32, #tpu.memory_space<vmem>>) target_semaphore(%arg14 : memref<!tpu.dma_semaphore, #tpu.memory_space<semaphore_mem>>)
    %slice3A_103 = vector.extract_strided_slice %shift_right_logical3A_10 {offsets = [2], sizes = [1], strides = [1]} : vector<16xi32> to vector<1xi32>
    %squeeze3A_104 = vector.extract %slice3A_103[0] : i32 from vector<1xi32>
    %dma_start3A_105 = arith.constant 2 : i32
    %dma_start3A_106 = arith.constant 0 : i32
    %dma_start3A_107 = arith.constant 0 : i32
    %dma_start3A_108 = tpu.memref_slice %arg10[%dma_start3A_105, %dma_start3A_106, %dma_start3A_107] : memref<16x8x32xf32, #tpu.memory_space<vmem>> -> memref<1x8x32xf32, #tpu.memory_space<vmem>>
    %dma_start3A_109 = tpu.memref_squeeze %dma_start3A_108 : memref<1x8x32xf32, #tpu.memory_space<vmem>> -> memref<8x32xf32, #tpu.memory_space<vmem>>
    %dma_start3A_110 = arith.constant 0 : i32
    %dma_start3A_111 = arith.constant 0 : i32
    %dma_start3A_112 = tpu.memref_slice %arg5[%squeeze3A_104, %dma_start3A_110, %dma_start3A_111] : memref<125000x8x32xf32, #tpu.memory_space<hbm>> -> memref<1x8x32xf32, #tpu.memory_space<hbm>>
    %dma_start3A_113 = tpu.memref_squeeze %dma_start3A_112 : memref<1x8x32xf32, #tpu.memory_space<hbm>> -> memref<8x32xf32, #tpu.memory_space<hbm>>
    %dma_start3A_114 = arith.constant 0 : i32
    %dma_start3A_115 = arith.constant 0 : i32
    %dma_start3A_116 = tpu.memref_slice %arg10[%dma_start3A_105, %dma_start3A_114, %dma_start3A_115] : memref<16x8x32xf32, #tpu.memory_space<vmem>> -> memref<1x8x32xf32, #tpu.memory_space<vmem>>
    %dma_start3A_117 = tpu.memref_squeeze %dma_start3A_116 : memref<1x8x32xf32, #tpu.memory_space<vmem>> -> memref<8x32xf32, #tpu.memory_space<vmem>>
    %dma_start3A_118 = arith.constant 0 : i32
    %dma_start3A_119 = arith.constant 0 : i32
    %dma_start3A_120 = tpu.memref_slice %arg5[%squeeze3A_104, %dma_start3A_118, %dma_start3A_119] : memref<125000x8x32xf32, #tpu.memory_space<hbm>> -> memref<1x8x32xf32, #tpu.memory_space<hbm>>
    %dma_start3A_121 = tpu.memref_squeeze %dma_start3A_120 : memref<1x8x32xf32, #tpu.memory_space<hbm>> -> memref<8x32xf32, #tpu.memory_space<hbm>>
    tpu.enqueue_dma source(%dma_start3A_121 : memref<8x32xf32, #tpu.memory_space<hbm>>) target(%dma_start3A_117 : memref<8x32xf32, #tpu.memory_space<vmem>>) target_semaphore(%arg14 : memref<!tpu.dma_semaphore, #tpu.memory_space<semaphore_mem>>)
    %slice3A_122 = vector.extract_strided_slice %shift_right_logical3A_5 {offsets = [3], sizes = [1], strides = [1]} : vector<16xi32> to vector<1xi32>
    %squeeze3A_123 = vector.extract %slice3A_122[0] : i32 from vector<1xi32>
    %dma_start3A_124 = arith.constant 3 : i32
    %dma_start3A_125 = arith.constant 0 : i32
    %dma_start3A_126 = arith.constant 0 : i32
    %dma_start3A_127 = tpu.memref_slice %arg9[%dma_start3A_124, %dma_start3A_125, %dma_start3A_126] : memref<16x8x32xf32, #tpu.memory_space<vmem>> -> memref<1x8x32xf32, #tpu.memory_space<vmem>>
    %dma_start3A_128 = tpu.memref_squeeze %dma_start3A_127 : memref<1x8x32xf32, #tpu.memory_space<vmem>> -> memref<8x32xf32, #tpu.memory_space<vmem>>
    %dma_start3A_129 = arith.constant 0 : i32
    %dma_start3A_130 = arith.constant 0 : i32
    %dma_start3A_131 = tpu.memref_slice %arg4[%squeeze3A_123, %dma_start3A_129, %dma_start3A_130] : memref<125000x8x32xf32, #tpu.memory_space<hbm>> -> memref<1x8x32xf32, #tpu.memory_space<hbm>>
    %dma_start3A_132 = tpu.memref_squeeze %dma_start3A_131 : memref<1x8x32xf32, #tpu.memory_space<hbm>> -> memref<8x32xf32, #tpu.memory_space<hbm>>
    %dma_start3A_133 = arith.constant 0 : i32
    %dma_start3A_134 = arith.constant 0 : i32
    %dma_start3A_135 = tpu.memref_slice %arg9[%dma_start3A_124, %dma_start3A_133, %dma_start3A_134] : memref<16x8x32xf32, #tpu.memory_space<vmem>> -> memref<1x8x32xf32, #tpu.memory_space<vmem>>
    %dma_start3A_136 = tpu.memref_squeeze %dma_start3A_135 : memref<1x8x32xf32, #tpu.memory_space<vmem>> -> memref<8x32xf32, #tpu.memory_space<vmem>>
    %dma_start3A_137 = arith.constant 0 : i32
    %dma_start3A_138 = arith.constant 0 : i32
    %dma_start3A_139 = tpu.memref_slice %arg4[%squeeze3A_123, %dma_start3A_137, %dma_start3A_138] : memref<125000x8x32xf32, #tpu.memory_space<hbm>> -> memref<1x8x32xf32, #tpu.memory_space<hbm>>
    %dma_start3A_140 = tpu.memref_squeeze %dma_start3A_139 : memref<1x8x32xf32, #tpu.memory_space<hbm>> -> memref<8x32xf32, #tpu.memory_space<hbm>>
    tpu.enqueue_dma source(%dma_start3A_140 : memref<8x32xf32, #tpu.memory_space<hbm>>) target(%dma_start3A_136 : memref<8x32xf32, #tpu.memory_space<vmem>>) target_semaphore(%arg14 : memref<!tpu.dma_semaphore, #tpu.memory_space<semaphore_mem>>)
    %slice3A_141 = vector.extract_strided_slice %shift_right_logical3A_10 {offsets = [3], sizes = [1], strides = [1]} : vector<16xi32> to vector<1xi32>
    %squeeze3A_142 = vector.extract %slice3A_141[0] : i32 from vector<1xi32>
    %dma_start3A_143 = arith.constant 3 : i32
    %dma_start3A_144 = arith.constant 0 : i32
    %dma_start3A_145 = arith.constant 0 : i32
    %dma_start3A_146 = tpu.memref_slice %arg10[%dma_start3A_143, %dma_start3A_144, %dma_start3A_145] : memref<16x8x32xf32, #tpu.memory_space<vmem>> -> memref<1x8x32xf32, #tpu.memory_space<vmem>>
    %dma_start3A_147 = tpu.memref_squeeze %dma_start3A_146 : memref<1x8x32xf32, #tpu.memory_space<vmem>> -> memref<8x32xf32, #tpu.memory_space<vmem>>
    %dma_start3A_148 = arith.constant 0 : i32
    %dma_start3A_149 = arith.constant 0 : i32
    %dma_start3A_150 = tpu.memref_slice %arg5[%squeeze3A_142, %dma_start3A_148, %dma_start3A_149] : memref<125000x8x32xf32, #tpu.memory_space<hbm>> -> memref<1x8x32xf32, #tpu.memory_space<hbm>>
    %dma_start3A_151 = tpu.memref_squeeze %dma_start3A_150 : memref<1x8x32xf32, #tpu.memory_space<hbm>> -> memref<8x32xf32, #tpu.memory_space<hbm>>
    %dma_start3A_152 = arith.constant 0 : i32
    %dma_start3A_153 = arith.constant 0 : i32
    %dma_start3A_154 = tpu.memref_slice %arg10[%dma_start3A_143, %dma_start3A_152, %dma_start3A_153] : memref<16x8x32xf32, #tpu.memory_space<vmem>> -> memref<1x8x32xf32, #tpu.memory_space<vmem>>
    %dma_start3A_155 = tpu.memref_squeeze %dma_start3A_154 : memref<1x8x32xf32, #tpu.memory_space<vmem>> -> memref<8x32xf32, #tpu.memory_space<vmem>>
    %dma_start3A_156 = arith.constant 0 : i32
    %dma_start3A_157 = arith.constant 0 : i32
    %dma_start3A_158 = tpu.memref_slice %arg5[%squeeze3A_142, %dma_start3A_156, %dma_start3A_157] : memref<125000x8x32xf32, #tpu.memory_space<hbm>> -> memref<1x8x32xf32, #tpu.memory_space<hbm>>
    %dma_start3A_159 = tpu.memref_squeeze %dma_start3A_158 : memref<1x8x32xf32, #tpu.memory_space<hbm>> -> memref<8x32xf32, #tpu.memory_space<hbm>>
    tpu.enqueue_dma source(%dma_start3A_159 : memref<8x32xf32, #tpu.memory_space<hbm>>) target(%dma_start3A_155 : memref<8x32xf32, #tpu.memory_space<vmem>>) target_semaphore(%arg14 : memref<!tpu.dma_semaphore, #tpu.memory_space<semaphore_mem>>)
    %slice3A_160 = vector.extract_strided_slice %shift_right_logical3A_5 {offsets = [4], sizes = [1], strides = [1]} : vector<16xi32> to vector<1xi32>
    %squeeze3A_161 = vector.extract %slice3A_160[0] : i32 from vector<1xi32>
    %dma_start3A_162 = arith.constant 4 : i32
    %dma_start3A_163 = arith.constant 0 : i32
    %dma_start3A_164 = arith.constant 0 : i32
    %dma_start3A_165 = tpu.memref_slice %arg9[%dma_start3A_162, %dma_start3A_163, %dma_start3A_164] : memref<16x8x32xf32, #tpu.memory_space<vmem>> -> memref<1x8x32xf32, #tpu.memory_space<vmem>>
    %dma_start3A_166 = tpu.memref_squeeze %dma_start3A_165 : memref<1x8x32xf32, #tpu.memory_space<vmem>> -> memref<8x32xf32, #tpu.memory_space<vmem>>
    %dma_start3A_167 = arith.constant 0 : i32
    %dma_start3A_168 = arith.constant 0 : i32
    %dma_start3A_169 = tpu.memref_slice %arg4[%squeeze3A_161, %dma_start3A_167, %dma_start3A_168] : memref<125000x8x32xf32, #tpu.memory_space<hbm>> -> memref<1x8x32xf32, #tpu.memory_space<hbm>>
    %dma_start3A_170 = tpu.memref_squeeze %dma_start3A_169 : memref<1x8x32xf32, #tpu.memory_space<hbm>> -> memref<8x32xf32, #tpu.memory_space<hbm>>
    %dma_start3A_171 = arith.constant 0 : i32
    %dma_start3A_172 = arith.constant 0 : i32
    %dma_start3A_173 = tpu.memref_slice %arg9[%dma_start3A_162, %dma_start3A_171, %dma_start3A_172] : memref<16x8x32xf32, #tpu.memory_space<vmem>> -> memref<1x8x32xf32, #tpu.memory_space<vmem>>
    %dma_start3A_174 = tpu.memref_squeeze %dma_start3A_173 : memref<1x8x32xf32, #tpu.memory_space<vmem>> -> memref<8x32xf32, #tpu.memory_space<vmem>>
    %dma_start3A_175 = arith.constant 0 : i32
    %dma_start3A_176 = arith.constant 0 : i32
    %dma_start3A_177 = tpu.memref_slice %arg4[%squeeze3A_161, %dma_start3A_175, %dma_start3A_176] : memref<125000x8x32xf32, #tpu.memory_space<hbm>> -> memref<1x8x32xf32, #tpu.memory_space<hbm>>
    %dma_start3A_178 = tpu.memref_squeeze %dma_start3A_177 : memref<1x8x32xf32, #tpu.memory_space<hbm>> -> memref<8x32xf32, #tpu.memory_space<hbm>>
    tpu.enqueue_dma source(%dma_start3A_178 : memref<8x32xf32, #tpu.memory_space<hbm>>) target(%dma_start3A_174 : memref<8x32xf32, #tpu.memory_space<vmem>>) target_semaphore(%arg14 : memref<!tpu.dma_semaphore, #tpu.memory_space<semaphore_mem>>)
    %slice3A_179 = vector.extract_strided_slice %shift_right_logical3A_10 {offsets = [4], sizes = [1], strides = [1]} : vector<16xi32> to vector<1xi32>
    %squeeze3A_180 = vector.extract %slice3A_179[0] : i32 from vector<1xi32>
    %dma_start3A_181 = arith.constant 4 : i32
    %dma_start3A_182 = arith.constant 0 : i32
    %dma_start3A_183 = arith.constant 0 : i32
    %dma_start3A_184 = tpu.memref_slice %arg10[%dma_start3A_181, %dma_start3A_182, %dma_start3A_183] : memref<16x8x32xf32, #tpu.memory_space<vmem>> -> memref<1x8x32xf32, #tpu.memory_space<vmem>>
    %dma_start3A_185 = tpu.memref_squeeze %dma_start3A_184 : memref<1x8x32xf32, #tpu.memory_space<vmem>> -> memref<8x32xf32, #tpu.memory_space<vmem>>
    %dma_start3A_186 = arith.constant 0 : i32
    %dma_start3A_187 = arith.constant 0 : i32
    %dma_start3A_188 = tpu.memref_slice %arg5[%squeeze3A_180, %dma_start3A_186, %dma_start3A_187] : memref<125000x8x32xf32, #tpu.memory_space<hbm>> -> memref<1x8x32xf32, #tpu.memory_space<hbm>>
    %dma_start3A_189 = tpu.memref_squeeze %dma_start3A_188 : memref<1x8x32xf32, #tpu.memory_space<hbm>> -> memref<8x32xf32, #tpu.memory_space<hbm>>
    %dma_start3A_190 = arith.constant 0 : i32
    %dma_start3A_191 = arith.constant 0 : i32
    %dma_start3A_192 = tpu.memref_slice %arg10[%dma_start3A_181, %dma_start3A_190, %dma_start3A_191] : memref<16x8x32xf32, #tpu.memory_space<vmem>> -> memref<1x8x32xf32, #tpu.memory_space<vmem>>
    %dma_start3A_193 = tpu.memref_squeeze %dma_start3A_192 : memref<1x8x32xf32, #tpu.memory_space<vmem>> -> memref<8x32xf32, #tpu.memory_space<vmem>>
    %dma_start3A_194 = arith.constant 0 : i32
    %dma_start3A_195 = arith.constant 0 : i32
    %dma_start3A_196 = tpu.memref_slice %arg5[%squeeze3A_180, %dma_start3A_194, %dma_start3A_195] : memref<125000x8x32xf32, #tpu.memory_space<hbm>> -> memref<1x8x32xf32, #tpu.memory_space<hbm>>
    %dma_start3A_197 = tpu.memref_squeeze %dma_start3A_196 : memref<1x8x32xf32, #tpu.memory_space<hbm>> -> memref<8x32xf32, #tpu.memory_space<hbm>>
    tpu.enqueue_dma source(%dma_start3A_197 : memref<8x32xf32, #tpu.memory_space<hbm>>) target(%dma_start3A_193 : memref<8x32xf32, #tpu.memory_space<vmem>>) target_semaphore(%arg14 : memref<!tpu.dma_semaphore, #tpu.memory_space<semaphore_mem>>)
    %slice3A_198 = vector.extract_strided_slice %shift_right_logical3A_5 {offsets = [5], sizes = [1], strides = [1]} : vector<16xi32> to vector<1xi32>
    %squeeze3A_199 = vector.extract %slice3A_198[0] : i32 from vector<1xi32>
    %dma_start3A_200 = arith.constant 5 : i32
    %dma_start3A_201 = arith.constant 0 : i32
    %dma_start3A_202 = arith.constant 0 : i32
    %dma_start3A_203 = tpu.memref_slice %arg9[%dma_start3A_200, %dma_start3A_201, %dma_start3A_202] : memref<16x8x32xf32, #tpu.memory_space<vmem>> -> memref<1x8x32xf32, #tpu.memory_space<vmem>>
    %dma_start3A_204 = tpu.memref_squeeze %dma_start3A_203 : memref<1x8x32xf32, #tpu.memory_space<vmem>> -> memref<8x32xf32, #tpu.memory_space<vmem>>
    %dma_start3A_205 = arith.constant 0 : i32
    %dma_start3A_206 = arith.constant 0 : i32
    %dma_start3A_207 = tpu.memref_slice %arg4[%squeeze3A_199, %dma_start3A_205, %dma_start3A_206] : memref<125000x8x32xf32, #tpu.memory_space<hbm>> -> memref<1x8x32xf32, #tpu.memory_space<hbm>>
    %dma_start3A_208 = tpu.memref_squeeze %dma_start3A_207 : memref<1x8x32xf32, #tpu.memory_space<hbm>> -> memref<8x32xf32, #tpu.memory_space<hbm>>
    %dma_start3A_209 = arith.constant 0 : i32
    %dma_start3A_210 = arith.constant 0 : i32
    %dma_start3A_211 = tpu.memref_slice %arg9[%dma_start3A_200, %dma_start3A_209, %dma_start3A_210] : memref<16x8x32xf32, #tpu.memory_space<vmem>> -> memref<1x8x32xf32, #tpu.memory_space<vmem>>
    %dma_start3A_212 = tpu.memref_squeeze %dma_start3A_211 : memref<1x8x32xf32, #tpu.memory_space<vmem>> -> memref<8x32xf32, #tpu.memory_space<vmem>>
    %dma_start3A_213 = arith.constant 0 : i32
    %dma_start3A_214 = arith.constant 0 : i32
    %dma_start3A_215 = tpu.memref_slice %arg4[%squeeze3A_199, %dma_start3A_213, %dma_start3A_214] : memref<125000x8x32xf32, #tpu.memory_space<hbm>> -> memref<1x8x32xf32, #tpu.memory_space<hbm>>
    %dma_start3A_216 = tpu.memref_squeeze %dma_start3A_215 : memref<1x8x32xf32, #tpu.memory_space<hbm>> -> memref<8x32xf32, #tpu.memory_space<hbm>>
    tpu.enqueue_dma source(%dma_start3A_216 : memref<8x32xf32, #tpu.memory_space<hbm>>) target(%dma_start3A_212 : memref<8x32xf32, #tpu.memory_space<vmem>>) target_semaphore(%arg14 : memref<!tpu.dma_semaphore, #tpu.memory_space<semaphore_mem>>)
    %slice3A_217 = vector.extract_strided_slice %shift_right_logical3A_10 {offsets = [5], sizes = [1], strides = [1]} : vector<16xi32> to vector<1xi32>
    %squeeze3A_218 = vector.extract %slice3A_217[0] : i32 from vector<1xi32>
    %dma_start3A_219 = arith.constant 5 : i32
    %dma_start3A_220 = arith.constant 0 : i32
    %dma_start3A_221 = arith.constant 0 : i32
    %dma_start3A_222 = tpu.memref_slice %arg10[%dma_start3A_219, %dma_start3A_220, %dma_start3A_221] : memref<16x8x32xf32, #tpu.memory_space<vmem>> -> memref<1x8x32xf32, #tpu.memory_space<vmem>>
    %dma_start3A_223 = tpu.memref_squeeze %dma_start3A_222 : memref<1x8x32xf32, #tpu.memory_space<vmem>> -> memref<8x32xf32, #tpu.memory_space<vmem>>
    %dma_start3A_224 = arith.constant 0 : i32
    %dma_start3A_225 = arith.constant 0 : i32
    %dma_start3A_226 = tpu.memref_slice %arg5[%squeeze3A_218, %dma_start3A_224, %dma_start3A_225] : memref<125000x8x32xf32, #tpu.memory_space<hbm>> -> memref<1x8x32xf32, #tpu.memory_space<hbm>>
    %dma_start3A_227 = tpu.memref_squeeze %dma_start3A_226 : memref<1x8x32xf32, #tpu.memory_space<hbm>> -> memref<8x32xf32, #tpu.memory_space<hbm>>
    %dma_start3A_228 = arith.constant 0 : i32
    %dma_start3A_229 = arith.constant 0 : i32
    %dma_start3A_230 = tpu.memref_slice %arg10[%dma_start3A_219, %dma_start3A_228, %dma_start3A_229] : memref<16x8x32xf32, #tpu.memory_space<vmem>> -> memref<1x8x32xf32, #tpu.memory_space<vmem>>
    %dma_start3A_231 = tpu.memref_squeeze %dma_start3A_230 : memref<1x8x32xf32, #tpu.memory_space<vmem>> -> memref<8x32xf32, #tpu.memory_space<vmem>>
    %dma_start3A_232 = arith.constant 0 : i32
    %dma_start3A_233 = arith.constant 0 : i32
    %dma_start3A_234 = tpu.memref_slice %arg5[%squeeze3A_218, %dma_start3A_232, %dma_start3A_233] : memref<125000x8x32xf32, #tpu.memory_space<hbm>> -> memref<1x8x32xf32, #tpu.memory_space<hbm>>
    %dma_start3A_235 = tpu.memref_squeeze %dma_start3A_234 : memref<1x8x32xf32, #tpu.memory_space<hbm>> -> memref<8x32xf32, #tpu.memory_space<hbm>>
    tpu.enqueue_dma source(%dma_start3A_235 : memref<8x32xf32, #tpu.memory_space<hbm>>) target(%dma_start3A_231 : memref<8x32xf32, #tpu.memory_space<vmem>>) target_semaphore(%arg14 : memref<!tpu.dma_semaphore, #tpu.memory_space<semaphore_mem>>)
    %slice3A_236 = vector.extract_strided_slice %shift_right_logical3A_5 {offsets = [6], sizes = [1], strides = [1]} : vector<16xi32> to vector<1xi32>
    %squeeze3A_237 = vector.extract %slice3A_236[0] : i32 from vector<1xi32>
    %dma_start3A_238 = arith.constant 6 : i32
    %dma_start3A_239 = arith.constant 0 : i32
    %dma_start3A_240 = arith.constant 0 : i32
    %dma_start3A_241 = tpu.memref_slice %arg9[%dma_start3A_238, %dma_start3A_239, %dma_start3A_240] : memref<16x8x32xf32, #tpu.memory_space<vmem>> -> memref<1x8x32xf32, #tpu.memory_space<vmem>>
    %dma_start3A_242 = tpu.memref_squeeze %dma_start3A_241 : memref<1x8x32xf32, #tpu.memory_space<vmem>> -> memref<8x32xf32, #tpu.memory_space<vmem>>
    %dma_start3A_243 = arith.constant 0 : i32
    %dma_start3A_244 = arith.constant 0 : i32
    %dma_start3A_245 = tpu.memref_slice %arg4[%squeeze3A_237, %dma_start3A_243, %dma_start3A_244] : memref<125000x8x32xf32, #tpu.memory_space<hbm>> -> memref<1x8x32xf32, #tpu.memory_space<hbm>>
    %dma_start3A_246 = tpu.memref_squeeze %dma_start3A_245 : memref<1x8x32xf32, #tpu.memory_space<hbm>> -> memref<8x32xf32, #tpu.memory_space<hbm>>
    %dma_start3A_247 = arith.constant 0 : i32
    %dma_start3A_248 = arith.constant 0 : i32
    %dma_start3A_249 = tpu.memref_slice %arg9[%dma_start3A_238, %dma_start3A_247, %dma_start3A_248] : memref<16x8x32xf32, #tpu.memory_space<vmem>> -> memref<1x8x32xf32, #tpu.memory_space<vmem>>
    %dma_start3A_250 = tpu.memref_squeeze %dma_start3A_249 : memref<1x8x32xf32, #tpu.memory_space<vmem>> -> memref<8x32xf32, #tpu.memory_space<vmem>>
    %dma_start3A_251 = arith.constant 0 : i32
    %dma_start3A_252 = arith.constant 0 : i32
    %dma_start3A_253 = tpu.memref_slice %arg4[%squeeze3A_237, %dma_start3A_251, %dma_start3A_252] : memref<125000x8x32xf32, #tpu.memory_space<hbm>> -> memref<1x8x32xf32, #tpu.memory_space<hbm>>
    %dma_start3A_254 = tpu.memref_squeeze %dma_start3A_253 : memref<1x8x32xf32, #tpu.memory_space<hbm>> -> memref<8x32xf32, #tpu.memory_space<hbm>>
    tpu.enqueue_dma source(%dma_start3A_254 : memref<8x32xf32, #tpu.memory_space<hbm>>) target(%dma_start3A_250 : memref<8x32xf32, #tpu.memory_space<vmem>>) target_semaphore(%arg14 : memref<!tpu.dma_semaphore, #tpu.memory_space<semaphore_mem>>)
    %slice3A_255 = vector.extract_strided_slice %shift_right_logical3A_10 {offsets = [6], sizes = [1], strides = [1]} : vector<16xi32> to vector<1xi32>
    %squeeze3A_256 = vector.extract %slice3A_255[0] : i32 from vector<1xi32>
    %dma_start3A_257 = arith.constant 6 : i32
    %dma_start3A_258 = arith.constant 0 : i32
    %dma_start3A_259 = arith.constant 0 : i32
    %dma_start3A_260 = tpu.memref_slice %arg10[%dma_start3A_257, %dma_start3A_258, %dma_start3A_259] : memref<16x8x32xf32, #tpu.memory_space<vmem>> -> memref<1x8x32xf32, #tpu.memory_space<vmem>>
    %dma_start3A_261 = tpu.memref_squeeze %dma_start3A_260 : memref<1x8x32xf32, #tpu.memory_space<vmem>> -> memref<8x32xf32, #tpu.memory_space<vmem>>
    %dma_start3A_262 = arith.constant 0 : i32
    %dma_start3A_263 = arith.constant 0 : i32
    %dma_start3A_264 = tpu.memref_slice %arg5[%squeeze3A_256, %dma_start3A_262, %dma_start3A_263] : memref<125000x8x32xf32, #tpu.memory_space<hbm>> -> memref<1x8x32xf32, #tpu.memory_space<hbm>>
    %dma_start3A_265 = tpu.memref_squeeze %dma_start3A_264 : memref<1x8x32xf32, #tpu.memory_space<hbm>> -> memref<8x32xf32, #tpu.memory_space<hbm>>
    %dma_start3A_266 = arith.constant 0 : i32
    %dma_start3A_267 = arith.constant 0 : i32
    %dma_start3A_268 = tpu.memref_slice %arg10[%dma_start3A_257, %dma_start3A_266, %dma_start3A_267] : memref<16x8x32xf32, #tpu.memory_space<vmem>> -> memref<1x8x32xf32, #tpu.memory_space<vmem>>
    %dma_start3A_269 = tpu.memref_squeeze %dma_start3A_268 : memref<1x8x32xf32, #tpu.memory_space<vmem>> -> memref<8x32xf32, #tpu.memory_space<vmem>>
    %dma_start3A_270 = arith.constant 0 : i32
    %dma_start3A_271 = arith.constant 0 : i32
    %dma_start3A_272 = tpu.memref_slice %arg5[%squeeze3A_256, %dma_start3A_270, %dma_start3A_271] : memref<125000x8x32xf32, #tpu.memory_space<hbm>> -> memref<1x8x32xf32, #tpu.memory_space<hbm>>
    %dma_start3A_273 = tpu.memref_squeeze %dma_start3A_272 : memref<1x8x32xf32, #tpu.memory_space<hbm>> -> memref<8x32xf32, #tpu.memory_space<hbm>>
    tpu.enqueue_dma source(%dma_start3A_273 : memref<8x32xf32, #tpu.memory_space<hbm>>) target(%dma_start3A_269 : memref<8x32xf32, #tpu.memory_space<vmem>>) target_semaphore(%arg14 : memref<!tpu.dma_semaphore, #tpu.memory_space<semaphore_mem>>)
    %slice3A_274 = vector.extract_strided_slice %shift_right_logical3A_5 {offsets = [7], sizes = [1], strides = [1]} : vector<16xi32> to vector<1xi32>
    %squeeze3A_275 = vector.extract %slice3A_274[0] : i32 from vector<1xi32>
    %dma_start3A_276 = arith.constant 7 : i32
    %dma_start3A_277 = arith.constant 0 : i32
    %dma_start3A_278 = arith.constant 0 : i32
    %dma_start3A_279 = tpu.memref_slice %arg9[%dma_start3A_276, %dma_start3A_277, %dma_start3A_278] : memref<16x8x32xf32, #tpu.memory_space<vmem>> -> memref<1x8x32xf32, #tpu.memory_space<vmem>>
    %dma_start3A_280 = tpu.memref_squeeze %dma_start3A_279 : memref<1x8x32xf32, #tpu.memory_space<vmem>> -> memref<8x32xf32, #tpu.memory_space<vmem>>
    %dma_start3A_281 = arith.constant 0 : i32
    %dma_start3A_282 = arith.constant 0 : i32
    %dma_start3A_283 = tpu.memref_slice %arg4[%squeeze3A_275, %dma_start3A_281, %dma_start3A_282] : memref<125000x8x32xf32, #tpu.memory_space<hbm>> -> memref<1x8x32xf32, #tpu.memory_space<hbm>>
    %dma_start3A_284 = tpu.memref_squeeze %dma_start3A_283 : memref<1x8x32xf32, #tpu.memory_space<hbm>> -> memref<8x32xf32, #tpu.memory_space<hbm>>
    %dma_start3A_285 = arith.constant 0 : i32
    %dma_start3A_286 = arith.constant 0 : i32
    %dma_start3A_287 = tpu.memref_slice %arg9[%dma_start3A_276, %dma_start3A_285, %dma_start3A_286] : memref<16x8x32xf32, #tpu.memory_space<vmem>> -> memref<1x8x32xf32, #tpu.memory_space<vmem>>
    %dma_start3A_288 = tpu.memref_squeeze %dma_start3A_287 : memref<1x8x32xf32, #tpu.memory_space<vmem>> -> memref<8x32xf32, #tpu.memory_space<vmem>>
    %dma_start3A_289 = arith.constant 0 : i32
    %dma_start3A_290 = arith.constant 0 : i32
    %dma_start3A_291 = tpu.memref_slice %arg4[%squeeze3A_275, %dma_start3A_289, %dma_start3A_290] : memref<125000x8x32xf32, #tpu.memory_space<hbm>> -> memref<1x8x32xf32, #tpu.memory_space<hbm>>
    %dma_start3A_292 = tpu.memref_squeeze %dma_start3A_291 : memref<1x8x32xf32, #tpu.memory_space<hbm>> -> memref<8x32xf32, #tpu.memory_space<hbm>>
    tpu.enqueue_dma source(%dma_start3A_292 : memref<8x32xf32, #tpu.memory_space<hbm>>) target(%dma_start3A_288 : memref<8x32xf32, #tpu.memory_space<vmem>>) target_semaphore(%arg14 : memref<!tpu.dma_semaphore, #tpu.memory_space<semaphore_mem>>)
    %slice3A_293 = vector.extract_strided_slice %shift_right_logical3A_10 {offsets = [7], sizes = [1], strides = [1]} : vector<16xi32> to vector<1xi32>
    %squeeze3A_294 = vector.extract %slice3A_293[0] : i32 from vector<1xi32>
    %dma_start3A_295 = arith.constant 7 : i32
    %dma_start3A_296 = arith.constant 0 : i32
    %dma_start3A_297 = arith.constant 0 : i32
    %dma_start3A_298 = tpu.memref_slice %arg10[%dma_start3A_295, %dma_start3A_296, %dma_start3A_297] : memref<16x8x32xf32, #tpu.memory_space<vmem>> -> memref<1x8x32xf32, #tpu.memory_space<vmem>>
    %dma_start3A_299 = tpu.memref_squeeze %dma_start3A_298 : memref<1x8x32xf32, #tpu.memory_space<vmem>> -> memref<8x32xf32, #tpu.memory_space<vmem>>
    %dma_start3A_300 = arith.constant 0 : i32
    %dma_start3A_301 = arith.constant 0 : i32
    %dma_start3A_302 = tpu.memref_slice %arg5[%squeeze3A_294, %dma_start3A_300, %dma_start3A_301] : memref<125000x8x32xf32, #tpu.memory_space<hbm>> -> memref<1x8x32xf32, #tpu.memory_space<hbm>>
    %dma_start3A_303 = tpu.memref_squeeze %dma_start3A_302 : memref<1x8x32xf32, #tpu.memory_space<hbm>> -> memref<8x32xf32, #tpu.memory_space<hbm>>
    %dma_start3A_304 = arith.constant 0 : i32
    %dma_start3A_305 = arith.constant 0 : i32
    %dma_start3A_306 = tpu.memref_slice %arg10[%dma_start3A_295, %dma_start3A_304, %dma_start3A_305] : memref<16x8x32xf32, #tpu.memory_space<vmem>> -> memref<1x8x32xf32, #tpu.memory_space<vmem>>
    %dma_start3A_307 = tpu.memref_squeeze %dma_start3A_306 : memref<1x8x32xf32, #tpu.memory_space<vmem>> -> memref<8x32xf32, #tpu.memory_space<vmem>>
    %dma_start3A_308 = arith.constant 0 : i32
    %dma_start3A_309 = arith.constant 0 : i32
    %dma_start3A_310 = tpu.memref_slice %arg5[%squeeze3A_294, %dma_start3A_308, %dma_start3A_309] : memref<125000x8x32xf32, #tpu.memory_space<hbm>> -> memref<1x8x32xf32, #tpu.memory_space<hbm>>
    %dma_start3A_311 = tpu.memref_squeeze %dma_start3A_310 : memref<1x8x32xf32, #tpu.memory_space<hbm>> -> memref<8x32xf32, #tpu.memory_space<hbm>>
    tpu.enqueue_dma source(%dma_start3A_311 : memref<8x32xf32, #tpu.memory_space<hbm>>) target(%dma_start3A_307 : memref<8x32xf32, #tpu.memory_space<vmem>>) target_semaphore(%arg14 : memref<!tpu.dma_semaphore, #tpu.memory_space<semaphore_mem>>)
    %slice3A_312 = vector.extract_strided_slice %shift_right_logical3A_5 {offsets = [8], sizes = [1], strides = [1]} : vector<16xi32> to vector<1xi32>
    %squeeze3A_313 = vector.extract %slice3A_312[0] : i32 from vector<1xi32>
    %dma_start3A_314 = arith.constant 8 : i32
    %dma_start3A_315 = arith.constant 0 : i32
    %dma_start3A_316 = arith.constant 0 : i32
    %dma_start3A_317 = tpu.memref_slice %arg9[%dma_start3A_314, %dma_start3A_315, %dma_start3A_316] : memref<16x8x32xf32, #tpu.memory_space<vmem>> -> memref<1x8x32xf32, #tpu.memory_space<vmem>>
    %dma_start3A_318 = tpu.memref_squeeze %dma_start3A_317 : memref<1x8x32xf32, #tpu.memory_space<vmem>> -> memref<8x32xf32, #tpu.memory_space<vmem>>
    %dma_start3A_319 = arith.constant 0 : i32
    %dma_start3A_320 = arith.constant 0 : i32
    %dma_start3A_321 = tpu.memref_slice %arg4[%squeeze3A_313, %dma_start3A_319, %dma_start3A_320] : memref<125000x8x32xf32, #tpu.memory_space<hbm>> -> memref<1x8x32xf32, #tpu.memory_space<hbm>>
    %dma_start3A_322 = tpu.memref_squeeze %dma_start3A_321 : memref<1x8x32xf32, #tpu.memory_space<hbm>> -> memref<8x32xf32, #tpu.memory_space<hbm>>
    %dma_start3A_323 = arith.constant 0 : i32
    %dma_start3A_324 = arith.constant 0 : i32
    %dma_start3A_325 = tpu.memref_slice %arg9[%dma_start3A_314, %dma_start3A_323, %dma_start3A_324] : memref<16x8x32xf32, #tpu.memory_space<vmem>> -> memref<1x8x32xf32, #tpu.memory_space<vmem>>
    %dma_start3A_326 = tpu.memref_squeeze %dma_start3A_325 : memref<1x8x32xf32, #tpu.memory_space<vmem>> -> memref<8x32xf32, #tpu.memory_space<vmem>>
    %dma_start3A_327 = arith.constant 0 : i32
    %dma_start3A_328 = arith.constant 0 : i32
    %dma_start3A_329 = tpu.memref_slice %arg4[%squeeze3A_313, %dma_start3A_327, %dma_start3A_328] : memref<125000x8x32xf32, #tpu.memory_space<hbm>> -> memref<1x8x32xf32, #tpu.memory_space<hbm>>
    %dma_start3A_330 = tpu.memref_squeeze %dma_start3A_329 : memref<1x8x32xf32, #tpu.memory_space<hbm>> -> memref<8x32xf32, #tpu.memory_space<hbm>>
    tpu.enqueue_dma source(%dma_start3A_330 : memref<8x32xf32, #tpu.memory_space<hbm>>) target(%dma_start3A_326 : memref<8x32xf32, #tpu.memory_space<vmem>>) target_semaphore(%arg14 : memref<!tpu.dma_semaphore, #tpu.memory_space<semaphore_mem>>)
    %slice3A_331 = vector.extract_strided_slice %shift_right_logical3A_10 {offsets = [8], sizes = [1], strides = [1]} : vector<16xi32> to vector<1xi32>
    %squeeze3A_332 = vector.extract %slice3A_331[0] : i32 from vector<1xi32>
    %dma_start3A_333 = arith.constant 8 : i32
    %dma_start3A_334 = arith.constant 0 : i32
    %dma_start3A_335 = arith.constant 0 : i32
    %dma_start3A_336 = tpu.memref_slice %arg10[%dma_start3A_333, %dma_start3A_334, %dma_start3A_335] : memref<16x8x32xf32, #tpu.memory_space<vmem>> -> memref<1x8x32xf32, #tpu.memory_space<vmem>>
    %dma_start3A_337 = tpu.memref_squeeze %dma_start3A_336 : memref<1x8x32xf32, #tpu.memory_space<vmem>> -> memref<8x32xf32, #tpu.memory_space<vmem>>
    %dma_start3A_338 = arith.constant 0 : i32
    %dma_start3A_339 = arith.constant 0 : i32
    %dma_start3A_340 = tpu.memref_slice %arg5[%squeeze3A_332, %dma_start3A_338, %dma_start3A_339] : memref<125000x8x32xf32, #tpu.memory_space<hbm>> -> memref<1x8x32xf32, #tpu.memory_space<hbm>>
    %dma_start3A_341 = tpu.memref_squeeze %dma_start3A_340 : memref<1x8x32xf32, #tpu.memory_space<hbm>> -> memref<8x32xf32, #tpu.memory_space<hbm>>
    %dma_start3A_342 = arith.constant 0 : i32
    %dma_start3A_343 = arith.constant 0 : i32
    %dma_start3A_344 = tpu.memref_slice %arg10[%dma_start3A_333, %dma_start3A_342, %dma_start3A_343] : memref<16x8x32xf32, #tpu.memory_space<vmem>> -> memref<1x8x32xf32, #tpu.memory_space<vmem>>
    %dma_start3A_345 = tpu.memref_squeeze %dma_start3A_344 : memref<1x8x32xf32, #tpu.memory_space<vmem>> -> memref<8x32xf32, #tpu.memory_space<vmem>>
    %dma_start3A_346 = arith.constant 0 : i32
    %dma_start3A_347 = arith.constant 0 : i32
    %dma_start3A_348 = tpu.memref_slice %arg5[%squeeze3A_332, %dma_start3A_346, %dma_start3A_347] : memref<125000x8x32xf32, #tpu.memory_space<hbm>> -> memref<1x8x32xf32, #tpu.memory_space<hbm>>
    %dma_start3A_349 = tpu.memref_squeeze %dma_start3A_348 : memref<1x8x32xf32, #tpu.memory_space<hbm>> -> memref<8x32xf32, #tpu.memory_space<hbm>>
    tpu.enqueue_dma source(%dma_start3A_349 : memref<8x32xf32, #tpu.memory_space<hbm>>) target(%dma_start3A_345 : memref<8x32xf32, #tpu.memory_space<vmem>>) target_semaphore(%arg14 : memref<!tpu.dma_semaphore, #tpu.memory_space<semaphore_mem>>)
    %slice3A_350 = vector.extract_strided_slice %shift_right_logical3A_5 {offsets = [9], sizes = [1], strides = [1]} : vector<16xi32> to vector<1xi32>
    %squeeze3A_351 = vector.extract %slice3A_350[0] : i32 from vector<1xi32>
    %dma_start3A_352 = arith.constant 9 : i32
    %dma_start3A_353 = arith.constant 0 : i32
    %dma_start3A_354 = arith.constant 0 : i32
    %dma_start3A_355 = tpu.memref_slice %arg9[%dma_start3A_352, %dma_start3A_353, %dma_start3A_354] : memref<16x8x32xf32, #tpu.memory_space<vmem>> -> memref<1x8x32xf32, #tpu.memory_space<vmem>>
    %dma_start3A_356 = tpu.memref_squeeze %dma_start3A_355 : memref<1x8x32xf32, #tpu.memory_space<vmem>> -> memref<8x32xf32, #tpu.memory_space<vmem>>
    %dma_start3A_357 = arith.constant 0 : i32
    %dma_start3A_358 = arith.constant 0 : i32
    %dma_start3A_359 = tpu.memref_slice %arg4[%squeeze3A_351, %dma_start3A_357, %dma_start3A_358] : memref<125000x8x32xf32, #tpu.memory_space<hbm>> -> memref<1x8x32xf32, #tpu.memory_space<hbm>>
    %dma_start3A_360 = tpu.memref_squeeze %dma_start3A_359 : memref<1x8x32xf32, #tpu.memory_space<hbm>> -> memref<8x32xf32, #tpu.memory_space<hbm>>
    %dma_start3A_361 = arith.constant 0 : i32
    %dma_start3A_362 = arith.constant 0 : i32
    %dma_start3A_363 = tpu.memref_slice %arg9[%dma_start3A_352, %dma_start3A_361, %dma_start3A_362] : memref<16x8x32xf32, #tpu.memory_space<vmem>> -> memref<1x8x32xf32, #tpu.memory_space<vmem>>
    %dma_start3A_364 = tpu.memref_squeeze %dma_start3A_363 : memref<1x8x32xf32, #tpu.memory_space<vmem>> -> memref<8x32xf32, #tpu.memory_space<vmem>>
    %dma_start3A_365 = arith.constant 0 : i32
    %dma_start3A_366 = arith.constant 0 : i32
    %dma_start3A_367 = tpu.memref_slice %arg4[%squeeze3A_351, %dma_start3A_365, %dma_start3A_366] : memref<125000x8x32xf32, #tpu.memory_space<hbm>> -> memref<1x8x32xf32, #tpu.memory_space<hbm>>
    %dma_start3A_368 = tpu.memref_squeeze %dma_start3A_367 : memref<1x8x32xf32, #tpu.memory_space<hbm>> -> memref<8x32xf32, #tpu.memory_space<hbm>>
    tpu.enqueue_dma source(%dma_start3A_368 : memref<8x32xf32, #tpu.memory_space<hbm>>) target(%dma_start3A_364 : memref<8x32xf32, #tpu.memory_space<vmem>>) target_semaphore(%arg14 : memref<!tpu.dma_semaphore, #tpu.memory_space<semaphore_mem>>)
    %slice3A_369 = vector.extract_strided_slice %shift_right_logical3A_10 {offsets = [9], sizes = [1], strides = [1]} : vector<16xi32> to vector<1xi32>
    %squeeze3A_370 = vector.extract %slice3A_369[0] : i32 from vector<1xi32>
    %dma_start3A_371 = arith.constant 9 : i32
    %dma_start3A_372 = arith.constant 0 : i32
    %dma_start3A_373 = arith.constant 0 : i32
    %dma_start3A_374 = tpu.memref_slice %arg10[%dma_start3A_371, %dma_start3A_372, %dma_start3A_373] : memref<16x8x32xf32, #tpu.memory_space<vmem>> -> memref<1x8x32xf32, #tpu.memory_space<vmem>>
    %dma_start3A_375 = tpu.memref_squeeze %dma_start3A_374 : memref<1x8x32xf32, #tpu.memory_space<vmem>> -> memref<8x32xf32, #tpu.memory_space<vmem>>
    %dma_start3A_376 = arith.constant 0 : i32
    %dma_start3A_377 = arith.constant 0 : i32
    %dma_start3A_378 = tpu.memref_slice %arg5[%squeeze3A_370, %dma_start3A_376, %dma_start3A_377] : memref<125000x8x32xf32, #tpu.memory_space<hbm>> -> memref<1x8x32xf32, #tpu.memory_space<hbm>>
    %dma_start3A_379 = tpu.memref_squeeze %dma_start3A_378 : memref<1x8x32xf32, #tpu.memory_space<hbm>> -> memref<8x32xf32, #tpu.memory_space<hbm>>
    %dma_start3A_380 = arith.constant 0 : i32
    %dma_start3A_381 = arith.constant 0 : i32
    %dma_start3A_382 = tpu.memref_slice %arg10[%dma_start3A_371, %dma_start3A_380, %dma_start3A_381] : memref<16x8x32xf32, #tpu.memory_space<vmem>> -> memref<1x8x32xf32, #tpu.memory_space<vmem>>
    %dma_start3A_383 = tpu.memref_squeeze %dma_start3A_382 : memref<1x8x32xf32, #tpu.memory_space<vmem>> -> memref<8x32xf32, #tpu.memory_space<vmem>>
    %dma_start3A_384 = arith.constant 0 : i32
    %dma_start3A_385 = arith.constant 0 : i32
    %dma_start3A_386 = tpu.memref_slice %arg5[%squeeze3A_370, %dma_start3A_384, %dma_start3A_385] : memref<125000x8x32xf32, #tpu.memory_space<hbm>> -> memref<1x8x32xf32, #tpu.memory_space<hbm>>
    %dma_start3A_387 = tpu.memref_squeeze %dma_start3A_386 : memref<1x8x32xf32, #tpu.memory_space<hbm>> -> memref<8x32xf32, #tpu.memory_space<hbm>>
    tpu.enqueue_dma source(%dma_start3A_387 : memref<8x32xf32, #tpu.memory_space<hbm>>) target(%dma_start3A_383 : memref<8x32xf32, #tpu.memory_space<vmem>>) target_semaphore(%arg14 : memref<!tpu.dma_semaphore, #tpu.memory_space<semaphore_mem>>)
    %slice3A_388 = vector.extract_strided_slice %shift_right_logical3A_5 {offsets = [10], sizes = [1], strides = [1]} : vector<16xi32> to vector<1xi32>
    %squeeze3A_389 = vector.extract %slice3A_388[0] : i32 from vector<1xi32>
    %dma_start3A_390 = arith.constant 10 : i32
    %dma_start3A_391 = arith.constant 0 : i32
    %dma_start3A_392 = arith.constant 0 : i32
    %dma_start3A_393 = tpu.memref_slice %arg9[%dma_start3A_390, %dma_start3A_391, %dma_start3A_392] : memref<16x8x32xf32, #tpu.memory_space<vmem>> -> memref<1x8x32xf32, #tpu.memory_space<vmem>>
    %dma_start3A_394 = tpu.memref_squeeze %dma_start3A_393 : memref<1x8x32xf32, #tpu.memory_space<vmem>> -> memref<8x32xf32, #tpu.memory_space<vmem>>
    %dma_start3A_395 = arith.constant 0 : i32
    %dma_start3A_396 = arith.constant 0 : i32
    %dma_start3A_397 = tpu.memref_slice %arg4[%squeeze3A_389, %dma_start3A_395, %dma_start3A_396] : memref<125000x8x32xf32, #tpu.memory_space<hbm>> -> memref<1x8x32xf32, #tpu.memory_space<hbm>>
    %dma_start3A_398 = tpu.memref_squeeze %dma_start3A_397 : memref<1x8x32xf32, #tpu.memory_space<hbm>> -> memref<8x32xf32, #tpu.memory_space<hbm>>
    %dma_start3A_399 = arith.constant 0 : i32
    %dma_start3A_400 = arith.constant 0 : i32
    %dma_start3A_401 = tpu.memref_slice %arg9[%dma_start3A_390, %dma_start3A_399, %dma_start3A_400] : memref<16x8x32xf32, #tpu.memory_space<vmem>> -> memref<1x8x32xf32, #tpu.memory_space<vmem>>
    %dma_start3A_402 = tpu.memref_squeeze %dma_start3A_401 : memref<1x8x32xf32, #tpu.memory_space<vmem>> -> memref<8x32xf32, #tpu.memory_space<vmem>>
    %dma_start3A_403 = arith.constant 0 : i32
    %dma_start3A_404 = arith.constant 0 : i32
    %dma_start3A_405 = tpu.memref_slice %arg4[%squeeze3A_389, %dma_start3A_403, %dma_start3A_404] : memref<125000x8x32xf32, #tpu.memory_space<hbm>> -> memref<1x8x32xf32, #tpu.memory_space<hbm>>
    %dma_start3A_406 = tpu.memref_squeeze %dma_start3A_405 : memref<1x8x32xf32, #tpu.memory_space<hbm>> -> memref<8x32xf32, #tpu.memory_space<hbm>>
    tpu.enqueue_dma source(%dma_start3A_406 : memref<8x32xf32, #tpu.memory_space<hbm>>) target(%dma_start3A_402 : memref<8x32xf32, #tpu.memory_space<vmem>>) target_semaphore(%arg14 : memref<!tpu.dma_semaphore, #tpu.memory_space<semaphore_mem>>)
    %slice3A_407 = vector.extract_strided_slice %shift_right_logical3A_10 {offsets = [10], sizes = [1], strides = [1]} : vector<16xi32> to vector<1xi32>
    %squeeze3A_408 = vector.extract %slice3A_407[0] : i32 from vector<1xi32>
    %dma_start3A_409 = arith.constant 10 : i32
    %dma_start3A_410 = arith.constant 0 : i32
    %dma_start3A_411 = arith.constant 0 : i32
    %dma_start3A_412 = tpu.memref_slice %arg10[%dma_start3A_409, %dma_start3A_410, %dma_start3A_411] : memref<16x8x32xf32, #tpu.memory_space<vmem>> -> memref<1x8x32xf32, #tpu.memory_space<vmem>>
    %dma_start3A_413 = tpu.memref_squeeze %dma_start3A_412 : memref<1x8x32xf32, #tpu.memory_space<vmem>> -> memref<8x32xf32, #tpu.memory_space<vmem>>
    %dma_start3A_414 = arith.constant 0 : i32
    %dma_start3A_415 = arith.constant 0 : i32
    %dma_start3A_416 = tpu.memref_slice %arg5[%squeeze3A_408, %dma_start3A_414, %dma_start3A_415] : memref<125000x8x32xf32, #tpu.memory_space<hbm>> -> memref<1x8x32xf32, #tpu.memory_space<hbm>>
    %dma_start3A_417 = tpu.memref_squeeze %dma_start3A_416 : memref<1x8x32xf32, #tpu.memory_space<hbm>> -> memref<8x32xf32, #tpu.memory_space<hbm>>
    %dma_start3A_418 = arith.constant 0 : i32
    %dma_start3A_419 = arith.constant 0 : i32
    %dma_start3A_420 = tpu.memref_slice %arg10[%dma_start3A_409, %dma_start3A_418, %dma_start3A_419] : memref<16x8x32xf32, #tpu.memory_space<vmem>> -> memref<1x8x32xf32, #tpu.memory_space<vmem>>
    %dma_start3A_421 = tpu.memref_squeeze %dma_start3A_420 : memref<1x8x32xf32, #tpu.memory_space<vmem>> -> memref<8x32xf32, #tpu.memory_space<vmem>>
    %dma_start3A_422 = arith.constant 0 : i32
    %dma_start3A_423 = arith.constant 0 : i32
    %dma_start3A_424 = tpu.memref_slice %arg5[%squeeze3A_408, %dma_start3A_422, %dma_start3A_423] : memref<125000x8x32xf32, #tpu.memory_space<hbm>> -> memref<1x8x32xf32, #tpu.memory_space<hbm>>
    %dma_start3A_425 = tpu.memref_squeeze %dma_start3A_424 : memref<1x8x32xf32, #tpu.memory_space<hbm>> -> memref<8x32xf32, #tpu.memory_space<hbm>>
    tpu.enqueue_dma source(%dma_start3A_425 : memref<8x32xf32, #tpu.memory_space<hbm>>) target(%dma_start3A_421 : memref<8x32xf32, #tpu.memory_space<vmem>>) target_semaphore(%arg14 : memref<!tpu.dma_semaphore, #tpu.memory_space<semaphore_mem>>)
    %slice3A_426 = vector.extract_strided_slice %shift_right_logical3A_5 {offsets = [11], sizes = [1], strides = [1]} : vector<16xi32> to vector<1xi32>
    %squeeze3A_427 = vector.extract %slice3A_426[0] : i32 from vector<1xi32>
    %dma_start3A_428 = arith.constant 11 : i32
    %dma_start3A_429 = arith.constant 0 : i32
    %dma_start3A_430 = arith.constant 0 : i32
    %dma_start3A_431 = tpu.memref_slice %arg9[%dma_start3A_428, %dma_start3A_429, %dma_start3A_430] : memref<16x8x32xf32, #tpu.memory_space<vmem>> -> memref<1x8x32xf32, #tpu.memory_space<vmem>>
    %dma_start3A_432 = tpu.memref_squeeze %dma_start3A_431 : memref<1x8x32xf32, #tpu.memory_space<vmem>> -> memref<8x32xf32, #tpu.memory_space<vmem>>
    %dma_start3A_433 = arith.constant 0 : i32
    %dma_start3A_434 = arith.constant 0 : i32
    %dma_start3A_435 = tpu.memref_slice %arg4[%squeeze3A_427, %dma_start3A_433, %dma_start3A_434] : memref<125000x8x32xf32, #tpu.memory_space<hbm>> -> memref<1x8x32xf32, #tpu.memory_space<hbm>>
    %dma_start3A_436 = tpu.memref_squeeze %dma_start3A_435 : memref<1x8x32xf32, #tpu.memory_space<hbm>> -> memref<8x32xf32, #tpu.memory_space<hbm>>
    %dma_start3A_437 = arith.constant 0 : i32
    %dma_start3A_438 = arith.constant 0 : i32
    %dma_start3A_439 = tpu.memref_slice %arg9[%dma_start3A_428, %dma_start3A_437, %dma_start3A_438] : memref<16x8x32xf32, #tpu.memory_space<vmem>> -> memref<1x8x32xf32, #tpu.memory_space<vmem>>
    %dma_start3A_440 = tpu.memref_squeeze %dma_start3A_439 : memref<1x8x32xf32, #tpu.memory_space<vmem>> -> memref<8x32xf32, #tpu.memory_space<vmem>>
    %dma_start3A_441 = arith.constant 0 : i32
    %dma_start3A_442 = arith.constant 0 : i32
    %dma_start3A_443 = tpu.memref_slice %arg4[%squeeze3A_427, %dma_start3A_441, %dma_start3A_442] : memref<125000x8x32xf32, #tpu.memory_space<hbm>> -> memref<1x8x32xf32, #tpu.memory_space<hbm>>
    %dma_start3A_444 = tpu.memref_squeeze %dma_start3A_443 : memref<1x8x32xf32, #tpu.memory_space<hbm>> -> memref<8x32xf32, #tpu.memory_space<hbm>>
    tpu.enqueue_dma source(%dma_start3A_444 : memref<8x32xf32, #tpu.memory_space<hbm>>) target(%dma_start3A_440 : memref<8x32xf32, #tpu.memory_space<vmem>>) target_semaphore(%arg14 : memref<!tpu.dma_semaphore, #tpu.memory_space<semaphore_mem>>)
    %slice3A_445 = vector.extract_strided_slice %shift_right_logical3A_10 {offsets = [11], sizes = [1], strides = [1]} : vector<16xi32> to vector<1xi32>
    %squeeze3A_446 = vector.extract %slice3A_445[0] : i32 from vector<1xi32>
    %dma_start3A_447 = arith.constant 11 : i32
    %dma_start3A_448 = arith.constant 0 : i32
    %dma_start3A_449 = arith.constant 0 : i32
    %dma_start3A_450 = tpu.memref_slice %arg10[%dma_start3A_447, %dma_start3A_448, %dma_start3A_449] : memref<16x8x32xf32, #tpu.memory_space<vmem>> -> memref<1x8x32xf32, #tpu.memory_space<vmem>>
    %dma_start3A_451 = tpu.memref_squeeze %dma_start3A_450 : memref<1x8x32xf32, #tpu.memory_space<vmem>> -> memref<8x32xf32, #tpu.memory_space<vmem>>
    %dma_start3A_452 = arith.constant 0 : i32
    %dma_start3A_453 = arith.constant 0 : i32
    %dma_start3A_454 = tpu.memref_slice %arg5[%squeeze3A_446, %dma_start3A_452, %dma_start3A_453] : memref<125000x8x32xf32, #tpu.memory_space<hbm>> -> memref<1x8x32xf32, #tpu.memory_space<hbm>>
    %dma_start3A_455 = tpu.memref_squeeze %dma_start3A_454 : memref<1x8x32xf32, #tpu.memory_space<hbm>> -> memref<8x32xf32, #tpu.memory_space<hbm>>
    %dma_start3A_456 = arith.constant 0 : i32
    %dma_start3A_457 = arith.constant 0 : i32
    %dma_start3A_458 = tpu.memref_slice %arg10[%dma_start3A_447, %dma_start3A_456, %dma_start3A_457] : memref<16x8x32xf32, #tpu.memory_space<vmem>> -> memref<1x8x32xf32, #tpu.memory_space<vmem>>
    %dma_start3A_459 = tpu.memref_squeeze %dma_start3A_458 : memref<1x8x32xf32, #tpu.memory_space<vmem>> -> memref<8x32xf32, #tpu.memory_space<vmem>>
    %dma_start3A_460 = arith.constant 0 : i32
    %dma_start3A_461 = arith.constant 0 : i32
    %dma_start3A_462 = tpu.memref_slice %arg5[%squeeze3A_446, %dma_start3A_460, %dma_start3A_461] : memref<125000x8x32xf32, #tpu.memory_space<hbm>> -> memref<1x8x32xf32, #tpu.memory_space<hbm>>
    %dma_start3A_463 = tpu.memref_squeeze %dma_start3A_462 : memref<1x8x32xf32, #tpu.memory_space<hbm>> -> memref<8x32xf32, #tpu.memory_space<hbm>>
    tpu.enqueue_dma source(%dma_start3A_463 : memref<8x32xf32, #tpu.memory_space<hbm>>) target(%dma_start3A_459 : memref<8x32xf32, #tpu.memory_space<vmem>>) target_semaphore(%arg14 : memref<!tpu.dma_semaphore, #tpu.memory_space<semaphore_mem>>)
    %slice3A_464 = vector.extract_strided_slice %shift_right_logical3A_5 {offsets = [12], sizes = [1], strides = [1]} : vector<16xi32> to vector<1xi32>
    %squeeze3A_465 = vector.extract %slice3A_464[0] : i32 from vector<1xi32>
    %dma_start3A_466 = arith.constant 12 : i32
    %dma_start3A_467 = arith.constant 0 : i32
    %dma_start3A_468 = arith.constant 0 : i32
    %dma_start3A_469 = tpu.memref_slice %arg9[%dma_start3A_466, %dma_start3A_467, %dma_start3A_468] : memref<16x8x32xf32, #tpu.memory_space<vmem>> -> memref<1x8x32xf32, #tpu.memory_space<vmem>>
    %dma_start3A_470 = tpu.memref_squeeze %dma_start3A_469 : memref<1x8x32xf32, #tpu.memory_space<vmem>> -> memref<8x32xf32, #tpu.memory_space<vmem>>
    %dma_start3A_471 = arith.constant 0 : i32
    %dma_start3A_472 = arith.constant 0 : i32
    %dma_start3A_473 = tpu.memref_slice %arg4[%squeeze3A_465, %dma_start3A_471, %dma_start3A_472] : memref<125000x8x32xf32, #tpu.memory_space<hbm>> -> memref<1x8x32xf32, #tpu.memory_space<hbm>>
    %dma_start3A_474 = tpu.memref_squeeze %dma_start3A_473 : memref<1x8x32xf32, #tpu.memory_space<hbm>> -> memref<8x32xf32, #tpu.memory_space<hbm>>
    %dma_start3A_475 = arith.constant 0 : i32
    %dma_start3A_476 = arith.constant 0 : i32
    %dma_start3A_477 = tpu.memref_slice %arg9[%dma_start3A_466, %dma_start3A_475, %dma_start3A_476] : memref<16x8x32xf32, #tpu.memory_space<vmem>> -> memref<1x8x32xf32, #tpu.memory_space<vmem>>
    %dma_start3A_478 = tpu.memref_squeeze %dma_start3A_477 : memref<1x8x32xf32, #tpu.memory_space<vmem>> -> memref<8x32xf32, #tpu.memory_space<vmem>>
    %dma_start3A_479 = arith.constant 0 : i32
    %dma_start3A_480 = arith.constant 0 : i32
    %dma_start3A_481 = tpu.memref_slice %arg4[%squeeze3A_465, %dma_start3A_479, %dma_start3A_480] : memref<125000x8x32xf32, #tpu.memory_space<hbm>> -> memref<1x8x32xf32, #tpu.memory_space<hbm>>
    %dma_start3A_482 = tpu.memref_squeeze %dma_start3A_481 : memref<1x8x32xf32, #tpu.memory_space<hbm>> -> memref<8x32xf32, #tpu.memory_space<hbm>>
    tpu.enqueue_dma source(%dma_start3A_482 : memref<8x32xf32, #tpu.memory_space<hbm>>) target(%dma_start3A_478 : memref<8x32xf32, #tpu.memory_space<vmem>>) target_semaphore(%arg14 : memref<!tpu.dma_semaphore, #tpu.memory_space<semaphore_mem>>)
    %slice3A_483 = vector.extract_strided_slice %shift_right_logical3A_10 {offsets = [12], sizes = [1], strides = [1]} : vector<16xi32> to vector<1xi32>
    %squeeze3A_484 = vector.extract %slice3A_483[0] : i32 from vector<1xi32>
    %dma_start3A_485 = arith.constant 12 : i32
    %dma_start3A_486 = arith.constant 0 : i32
    %dma_start3A_487 = arith.constant 0 : i32
    %dma_start3A_488 = tpu.memref_slice %arg10[%dma_start3A_485, %dma_start3A_486, %dma_start3A_487] : memref<16x8x32xf32, #tpu.memory_space<vmem>> -> memref<1x8x32xf32, #tpu.memory_space<vmem>>
    %dma_start3A_489 = tpu.memref_squeeze %dma_start3A_488 : memref<1x8x32xf32, #tpu.memory_space<vmem>> -> memref<8x32xf32, #tpu.memory_space<vmem>>
    %dma_start3A_490 = arith.constant 0 : i32
    %dma_start3A_491 = arith.constant 0 : i32
    %dma_start3A_492 = tpu.memref_slice %arg5[%squeeze3A_484, %dma_start3A_490, %dma_start3A_491] : memref<125000x8x32xf32, #tpu.memory_space<hbm>> -> memref<1x8x32xf32, #tpu.memory_space<hbm>>
    %dma_start3A_493 = tpu.memref_squeeze %dma_start3A_492 : memref<1x8x32xf32, #tpu.memory_space<hbm>> -> memref<8x32xf32, #tpu.memory_space<hbm>>
    %dma_start3A_494 = arith.constant 0 : i32
    %dma_start3A_495 = arith.constant 0 : i32
    %dma_start3A_496 = tpu.memref_slice %arg10[%dma_start3A_485, %dma_start3A_494, %dma_start3A_495] : memref<16x8x32xf32, #tpu.memory_space<vmem>> -> memref<1x8x32xf32, #tpu.memory_space<vmem>>
    %dma_start3A_497 = tpu.memref_squeeze %dma_start3A_496 : memref<1x8x32xf32, #tpu.memory_space<vmem>> -> memref<8x32xf32, #tpu.memory_space<vmem>>
    %dma_start3A_498 = arith.constant 0 : i32
    %dma_start3A_499 = arith.constant 0 : i32
    %dma_start3A_500 = tpu.memref_slice %arg5[%squeeze3A_484, %dma_start3A_498, %dma_start3A_499] : memref<125000x8x32xf32, #tpu.memory_space<hbm>> -> memref<1x8x32xf32, #tpu.memory_space<hbm>>
    %dma_start3A_501 = tpu.memref_squeeze %dma_start3A_500 : memref<1x8x32xf32, #tpu.memory_space<hbm>> -> memref<8x32xf32, #tpu.memory_space<hbm>>
    tpu.enqueue_dma source(%dma_start3A_501 : memref<8x32xf32, #tpu.memory_space<hbm>>) target(%dma_start3A_497 : memref<8x32xf32, #tpu.memory_space<vmem>>) target_semaphore(%arg14 : memref<!tpu.dma_semaphore, #tpu.memory_space<semaphore_mem>>)
    %slice3A_502 = vector.extract_strided_slice %shift_right_logical3A_5 {offsets = [13], sizes = [1], strides = [1]} : vector<16xi32> to vector<1xi32>
    %squeeze3A_503 = vector.extract %slice3A_502[0] : i32 from vector<1xi32>
    %dma_start3A_504 = arith.constant 13 : i32
    %dma_start3A_505 = arith.constant 0 : i32
    %dma_start3A_506 = arith.constant 0 : i32
    %dma_start3A_507 = tpu.memref_slice %arg9[%dma_start3A_504, %dma_start3A_505, %dma_start3A_506] : memref<16x8x32xf32, #tpu.memory_space<vmem>> -> memref<1x8x32xf32, #tpu.memory_space<vmem>>
    %dma_start3A_508 = tpu.memref_squeeze %dma_start3A_507 : memref<1x8x32xf32, #tpu.memory_space<vmem>> -> memref<8x32xf32, #tpu.memory_space<vmem>>
    %dma_start3A_509 = arith.constant 0 : i32
    %dma_start3A_510 = arith.constant 0 : i32
    %dma_start3A_511 = tpu.memref_slice %arg4[%squeeze3A_503, %dma_start3A_509, %dma_start3A_510] : memref<125000x8x32xf32, #tpu.memory_space<hbm>> -> memref<1x8x32xf32, #tpu.memory_space<hbm>>
    %dma_start3A_512 = tpu.memref_squeeze %dma_start3A_511 : memref<1x8x32xf32, #tpu.memory_space<hbm>> -> memref<8x32xf32, #tpu.memory_space<hbm>>
    %dma_start3A_513 = arith.constant 0 : i32
    %dma_start3A_514 = arith.constant 0 : i32
    %dma_start3A_515 = tpu.memref_slice %arg9[%dma_start3A_504, %dma_start3A_513, %dma_start3A_514] : memref<16x8x32xf32, #tpu.memory_space<vmem>> -> memref<1x8x32xf32, #tpu.memory_space<vmem>>
    %dma_start3A_516 = tpu.memref_squeeze %dma_start3A_515 : memref<1x8x32xf32, #tpu.memory_space<vmem>> -> memref<8x32xf32, #tpu.memory_space<vmem>>
    %dma_start3A_517 = arith.constant 0 : i32
    %dma_start3A_518 = arith.constant 0 : i32
    %dma_start3A_519 = tpu.memref_slice %arg4[%squeeze3A_503, %dma_start3A_517, %dma_start3A_518] : memref<125000x8x32xf32, #tpu.memory_space<hbm>> -> memref<1x8x32xf32, #tpu.memory_space<hbm>>
    %dma_start3A_520 = tpu.memref_squeeze %dma_start3A_519 : memref<1x8x32xf32, #tpu.memory_space<hbm>> -> memref<8x32xf32, #tpu.memory_space<hbm>>
    tpu.enqueue_dma source(%dma_start3A_520 : memref<8x32xf32, #tpu.memory_space<hbm>>) target(%dma_start3A_516 : memref<8x32xf32, #tpu.memory_space<vmem>>) target_semaphore(%arg14 : memref<!tpu.dma_semaphore, #tpu.memory_space<semaphore_mem>>)
    %slice3A_521 = vector.extract_strided_slice %shift_right_logical3A_10 {offsets = [13], sizes = [1], strides = [1]} : vector<16xi32> to vector<1xi32>
    %squeeze3A_522 = vector.extract %slice3A_521[0] : i32 from vector<1xi32>
    %dma_start3A_523 = arith.constant 13 : i32
    %dma_start3A_524 = arith.constant 0 : i32
    %dma_start3A_525 = arith.constant 0 : i32
    %dma_start3A_526 = tpu.memref_slice %arg10[%dma_start3A_523, %dma_start3A_524, %dma_start3A_525] : memref<16x8x32xf32, #tpu.memory_space<vmem>> -> memref<1x8x32xf32, #tpu.memory_space<vmem>>
    %dma_start3A_527 = tpu.memref_squeeze %dma_start3A_526 : memref<1x8x32xf32, #tpu.memory_space<vmem>> -> memref<8x32xf32, #tpu.memory_space<vmem>>
    %dma_start3A_528 = arith.constant 0 : i32
    %dma_start3A_529 = arith.constant 0 : i32
    %dma_start3A_530 = tpu.memref_slice %arg5[%squeeze3A_522, %dma_start3A_528, %dma_start3A_529] : memref<125000x8x32xf32, #tpu.memory_space<hbm>> -> memref<1x8x32xf32, #tpu.memory_space<hbm>>
    %dma_start3A_531 = tpu.memref_squeeze %dma_start3A_530 : memref<1x8x32xf32, #tpu.memory_space<hbm>> -> memref<8x32xf32, #tpu.memory_space<hbm>>
    %dma_start3A_532 = arith.constant 0 : i32
    %dma_start3A_533 = arith.constant 0 : i32
    %dma_start3A_534 = tpu.memref_slice %arg10[%dma_start3A_523, %dma_start3A_532, %dma_start3A_533] : memref<16x8x32xf32, #tpu.memory_space<vmem>> -> memref<1x8x32xf32, #tpu.memory_space<vmem>>
    %dma_start3A_535 = tpu.memref_squeeze %dma_start3A_534 : memref<1x8x32xf32, #tpu.memory_space<vmem>> -> memref<8x32xf32, #tpu.memory_space<vmem>>
    %dma_start3A_536 = arith.constant 0 : i32
    %dma_start3A_537 = arith.constant 0 : i32
    %dma_start3A_538 = tpu.memref_slice %arg5[%squeeze3A_522, %dma_start3A_536, %dma_start3A_537] : memref<125000x8x32xf32, #tpu.memory_space<hbm>> -> memref<1x8x32xf32, #tpu.memory_space<hbm>>
    %dma_start3A_539 = tpu.memref_squeeze %dma_start3A_538 : memref<1x8x32xf32, #tpu.memory_space<hbm>> -> memref<8x32xf32, #tpu.memory_space<hbm>>
    tpu.enqueue_dma source(%dma_start3A_539 : memref<8x32xf32, #tpu.memory_space<hbm>>) target(%dma_start3A_535 : memref<8x32xf32, #tpu.memory_space<vmem>>) target_semaphore(%arg14 : memref<!tpu.dma_semaphore, #tpu.memory_space<semaphore_mem>>)
    %slice3A_540 = vector.extract_strided_slice %shift_right_logical3A_5 {offsets = [14], sizes = [1], strides = [1]} : vector<16xi32> to vector<1xi32>
    %squeeze3A_541 = vector.extract %slice3A_540[0] : i32 from vector<1xi32>
    %dma_start3A_542 = arith.constant 14 : i32
    %dma_start3A_543 = arith.constant 0 : i32
    %dma_start3A_544 = arith.constant 0 : i32
    %dma_start3A_545 = tpu.memref_slice %arg9[%dma_start3A_542, %dma_start3A_543, %dma_start3A_544] : memref<16x8x32xf32, #tpu.memory_space<vmem>> -> memref<1x8x32xf32, #tpu.memory_space<vmem>>
    %dma_start3A_546 = tpu.memref_squeeze %dma_start3A_545 : memref<1x8x32xf32, #tpu.memory_space<vmem>> -> memref<8x32xf32, #tpu.memory_space<vmem>>
    %dma_start3A_547 = arith.constant 0 : i32
    %dma_start3A_548 = arith.constant 0 : i32
    %dma_start3A_549 = tpu.memref_slice %arg4[%squeeze3A_541, %dma_start3A_547, %dma_start3A_548] : memref<125000x8x32xf32, #tpu.memory_space<hbm>> -> memref<1x8x32xf32, #tpu.memory_space<hbm>>
    %dma_start3A_550 = tpu.memref_squeeze %dma_start3A_549 : memref<1x8x32xf32, #tpu.memory_space<hbm>> -> memref<8x32xf32, #tpu.memory_space<hbm>>
    %dma_start3A_551 = arith.constant 0 : i32
    %dma_start3A_552 = arith.constant 0 : i32
    %dma_start3A_553 = tpu.memref_slice %arg9[%dma_start3A_542, %dma_start3A_551, %dma_start3A_552] : memref<16x8x32xf32, #tpu.memory_space<vmem>> -> memref<1x8x32xf32, #tpu.memory_space<vmem>>
    %dma_start3A_554 = tpu.memref_squeeze %dma_start3A_553 : memref<1x8x32xf32, #tpu.memory_space<vmem>> -> memref<8x32xf32, #tpu.memory_space<vmem>>
    %dma_start3A_555 = arith.constant 0 : i32
    %dma_start3A_556 = arith.constant 0 : i32
    %dma_start3A_557 = tpu.memref_slice %arg4[%squeeze3A_541, %dma_start3A_555, %dma_start3A_556] : memref<125000x8x32xf32, #tpu.memory_space<hbm>> -> memref<1x8x32xf32, #tpu.memory_space<hbm>>
    %dma_start3A_558 = tpu.memref_squeeze %dma_start3A_557 : memref<1x8x32xf32, #tpu.memory_space<hbm>> -> memref<8x32xf32, #tpu.memory_space<hbm>>
    tpu.enqueue_dma source(%dma_start3A_558 : memref<8x32xf32, #tpu.memory_space<hbm>>) target(%dma_start3A_554 : memref<8x32xf32, #tpu.memory_space<vmem>>) target_semaphore(%arg14 : memref<!tpu.dma_semaphore, #tpu.memory_space<semaphore_mem>>)
    %slice3A_559 = vector.extract_strided_slice %shift_right_logical3A_10 {offsets = [14], sizes = [1], strides = [1]} : vector<16xi32> to vector<1xi32>
    %squeeze3A_560 = vector.extract %slice3A_559[0] : i32 from vector<1xi32>
    %dma_start3A_561 = arith.constant 14 : i32
    %dma_start3A_562 = arith.constant 0 : i32
    %dma_start3A_563 = arith.constant 0 : i32
    %dma_start3A_564 = tpu.memref_slice %arg10[%dma_start3A_561, %dma_start3A_562, %dma_start3A_563] : memref<16x8x32xf32, #tpu.memory_space<vmem>> -> memref<1x8x32xf32, #tpu.memory_space<vmem>>
    %dma_start3A_565 = tpu.memref_squeeze %dma_start3A_564 : memref<1x8x32xf32, #tpu.memory_space<vmem>> -> memref<8x32xf32, #tpu.memory_space<vmem>>
    %dma_start3A_566 = arith.constant 0 : i32
    %dma_start3A_567 = arith.constant 0 : i32
    %dma_start3A_568 = tpu.memref_slice %arg5[%squeeze3A_560, %dma_start3A_566, %dma_start3A_567] : memref<125000x8x32xf32, #tpu.memory_space<hbm>> -> memref<1x8x32xf32, #tpu.memory_space<hbm>>
    %dma_start3A_569 = tpu.memref_squeeze %dma_start3A_568 : memref<1x8x32xf32, #tpu.memory_space<hbm>> -> memref<8x32xf32, #tpu.memory_space<hbm>>
    %dma_start3A_570 = arith.constant 0 : i32
    %dma_start3A_571 = arith.constant 0 : i32
    %dma_start3A_572 = tpu.memref_slice %arg10[%dma_start3A_561, %dma_start3A_570, %dma_start3A_571] : memref<16x8x32xf32, #tpu.memory_space<vmem>> -> memref<1x8x32xf32, #tpu.memory_space<vmem>>
    %dma_start3A_573 = tpu.memref_squeeze %dma_start3A_572 : memref<1x8x32xf32, #tpu.memory_space<vmem>> -> memref<8x32xf32, #tpu.memory_space<vmem>>
    %dma_start3A_574 = arith.constant 0 : i32
    %dma_start3A_575 = arith.constant 0 : i32
    %dma_start3A_576 = tpu.memref_slice %arg5[%squeeze3A_560, %dma_start3A_574, %dma_start3A_575] : memref<125000x8x32xf32, #tpu.memory_space<hbm>> -> memref<1x8x32xf32, #tpu.memory_space<hbm>>
    %dma_start3A_577 = tpu.memref_squeeze %dma_start3A_576 : memref<1x8x32xf32, #tpu.memory_space<hbm>> -> memref<8x32xf32, #tpu.memory_space<hbm>>
    tpu.enqueue_dma source(%dma_start3A_577 : memref<8x32xf32, #tpu.memory_space<hbm>>) target(%dma_start3A_573 : memref<8x32xf32, #tpu.memory_space<vmem>>) target_semaphore(%arg14 : memref<!tpu.dma_semaphore, #tpu.memory_space<semaphore_mem>>)
    %slice3A_578 = vector.extract_strided_slice %shift_right_logical3A_5 {offsets = [15], sizes = [1], strides = [1]} : vector<16xi32> to vector<1xi32>
    %squeeze3A_579 = vector.extract %slice3A_578[0] : i32 from vector<1xi32>
    %dma_start3A_580 = arith.constant 15 : i32
    %dma_start3A_581 = arith.constant 0 : i32
    %dma_start3A_582 = arith.constant 0 : i32
    %dma_start3A_583 = tpu.memref_slice %arg9[%dma_start3A_580, %dma_start3A_581, %dma_start3A_582] : memref<16x8x32xf32, #tpu.memory_space<vmem>> -> memref<1x8x32xf32, #tpu.memory_space<vmem>>
    %dma_start3A_584 = tpu.memref_squeeze %dma_start3A_583 : memref<1x8x32xf32, #tpu.memory_space<vmem>> -> memref<8x32xf32, #tpu.memory_space<vmem>>
    %dma_start3A_585 = arith.constant 0 : i32
    %dma_start3A_586 = arith.constant 0 : i32
    %dma_start3A_587 = tpu.memref_slice %arg4[%squeeze3A_579, %dma_start3A_585, %dma_start3A_586] : memref<125000x8x32xf32, #tpu.memory_space<hbm>> -> memref<1x8x32xf32, #tpu.memory_space<hbm>>
    %dma_start3A_588 = tpu.memref_squeeze %dma_start3A_587 : memref<1x8x32xf32, #tpu.memory_space<hbm>> -> memref<8x32xf32, #tpu.memory_space<hbm>>
    %dma_start3A_589 = arith.constant 0 : i32
    %dma_start3A_590 = arith.constant 0 : i32
    %dma_start3A_591 = tpu.memref_slice %arg9[%dma_start3A_580, %dma_start3A_589, %dma_start3A_590] : memref<16x8x32xf32, #tpu.memory_space<vmem>> -> memref<1x8x32xf32, #tpu.memory_space<vmem>>
    %dma_start3A_592 = tpu.memref_squeeze %dma_start3A_591 : memref<1x8x32xf32, #tpu.memory_space<vmem>> -> memref<8x32xf32, #tpu.memory_space<vmem>>
    %dma_start3A_593 = arith.constant 0 : i32
    %dma_start3A_594 = arith.constant 0 : i32
    %dma_start3A_595 = tpu.memref_slice %arg4[%squeeze3A_579, %dma_start3A_593, %dma_start3A_594] : memref<125000x8x32xf32, #tpu.memory_space<hbm>> -> memref<1x8x32xf32, #tpu.memory_space<hbm>>
    %dma_start3A_596 = tpu.memref_squeeze %dma_start3A_595 : memref<1x8x32xf32, #tpu.memory_space<hbm>> -> memref<8x32xf32, #tpu.memory_space<hbm>>
    tpu.enqueue_dma source(%dma_start3A_596 : memref<8x32xf32, #tpu.memory_space<hbm>>) target(%dma_start3A_592 : memref<8x32xf32, #tpu.memory_space<vmem>>) target_semaphore(%arg14 : memref<!tpu.dma_semaphore, #tpu.memory_space<semaphore_mem>>)
    %slice3A_597 = vector.extract_strided_slice %shift_right_logical3A_10 {offsets = [15], sizes = [1], strides = [1]} : vector<16xi32> to vector<1xi32>
    %squeeze3A_598 = vector.extract %slice3A_597[0] : i32 from vector<1xi32>
    %dma_start3A_599 = arith.constant 15 : i32
    %dma_start3A_600 = arith.constant 0 : i32
    %dma_start3A_601 = arith.constant 0 : i32
    %dma_start3A_602 = tpu.memref_slice %arg10[%dma_start3A_599, %dma_start3A_600, %dma_start3A_601] : memref<16x8x32xf32, #tpu.memory_space<vmem>> -> memref<1x8x32xf32, #tpu.memory_space<vmem>>
    %dma_start3A_603 = tpu.memref_squeeze %dma_start3A_602 : memref<1x8x32xf32, #tpu.memory_space<vmem>> -> memref<8x32xf32, #tpu.memory_space<vmem>>
    %dma_start3A_604 = arith.constant 0 : i32
    %dma_start3A_605 = arith.constant 0 : i32
    %dma_start3A_606 = tpu.memref_slice %arg5[%squeeze3A_598, %dma_start3A_604, %dma_start3A_605] : memref<125000x8x32xf32, #tpu.memory_space<hbm>> -> memref<1x8x32xf32, #tpu.memory_space<hbm>>
    %dma_start3A_607 = tpu.memref_squeeze %dma_start3A_606 : memref<1x8x32xf32, #tpu.memory_space<hbm>> -> memref<8x32xf32, #tpu.memory_space<hbm>>
    %dma_start3A_608 = arith.constant 0 : i32
    %dma_start3A_609 = arith.constant 0 : i32
    %dma_start3A_610 = tpu.memref_slice %arg10[%dma_start3A_599, %dma_start3A_608, %dma_start3A_609] : memref<16x8x32xf32, #tpu.memory_space<vmem>> -> memref<1x8x32xf32, #tpu.memory_space<vmem>>
    %dma_start3A_611 = tpu.memref_squeeze %dma_start3A_610 : memref<1x8x32xf32, #tpu.memory_space<vmem>> -> memref<8x32xf32, #tpu.memory_space<vmem>>
    %dma_start3A_612 = arith.constant 0 : i32
    %dma_start3A_613 = arith.constant 0 : i32
    %dma_start3A_614 = tpu.memref_slice %arg5[%squeeze3A_598, %dma_start3A_612, %dma_start3A_613] : memref<125000x8x32xf32, #tpu.memory_space<hbm>> -> memref<1x8x32xf32, #tpu.memory_space<hbm>>
    %dma_start3A_615 = tpu.memref_squeeze %dma_start3A_614 : memref<1x8x32xf32, #tpu.memory_space<hbm>> -> memref<8x32xf32, #tpu.memory_space<hbm>>
    tpu.enqueue_dma source(%dma_start3A_615 : memref<8x32xf32, #tpu.memory_space<hbm>>) target(%dma_start3A_611 : memref<8x32xf32, #tpu.memory_space<vmem>>) target_semaphore(%arg14 : memref<!tpu.dma_semaphore, #tpu.memory_space<semaphore_mem>>)
    %scan3A = arith.constant 0 : i32
    %scan3A_616 = arith.constant 0 : i32
    %scan3A_617 = arith.constant 16 : i32
    %scan3A_618 = arith.addi %scan3A_616, %scan3A_617 : i32
    %scan3A_619 = arith.constant 1 : i32
    scf.for %scan3A_621 = %scan3A_616 to %scan3A_618 step %scan3A_619  : i32 {
      %mul3A_622 = arith.constant 2 : i32
      %mul3A_623 = arith.muli %mul3A_622, %scan3A_621 : i32
      %add3A_624 = arith.constant 1 : i32
      %add3A_625 = arith.addi %mul3A_623, %add3A_624 : i32
      %mul3A_626 = arith.constant 16 : i32
      %mul3A_627 = arith.muli %add3A_625, %mul3A_626 : i32
      %get3A_628 = arith.index_cast %mul3A_627 : i32 to index
      %get3A_629 = tpu.vector_load %arg7[%get3A_628] {strides = array<i32>} : memref<512xi32, #tpu.memory_space<vmem>>, vector<16xi32>,
      %shift_right_logical3A_630 = arith.constant 3 : i32
      %shift_right_logical3A_631 = vector.broadcast %shift_right_logical3A_630 : i32 to vector<16xi32>
      %shift_right_logical3A_632 = arith.shrui %get3A_629, %shift_right_logical3A_631 : vector<16xi32>
      %get3A_633 = arith.index_cast %mul3A_627 : i32 to index
      %get3A_634 = tpu.vector_load %arg8[%get3A_633] {strides = array<i32>} : memref<512xi32, #tpu.memory_space<vmem>>, vector<16xi32>,
      %shift_right_logical3A_635 = arith.constant 3 : i32
      %shift_right_logical3A_636 = vector.broadcast %shift_right_logical3A_635 : i32 to vector<16xi32>
      %shift_right_logical3A_637 = arith.shrui %get3A_634, %shift_right_logical3A_636 : vector<16xi32>
      %slice3A_638 = vector.extract_strided_slice %shift_right_logical3A_632 {offsets = [0], sizes = [1], strides = [1]} : vector<16xi32> to vector<1xi32>
      %squeeze3A_639 = vector.extract %slice3A_638[0] : i32 from vector<1xi32>
      %dma_start3A_640 = arith.constant 0 : i32
      %dma_start3A_641 = arith.constant 0 : i32
      %dma_start3A_642 = arith.constant 0 : i32
      %dma_start3A_643 = tpu.memref_slice %arg11[%dma_start3A_640, %dma_start3A_641, %dma_start3A_642] : memref<16x8x32xf32, #tpu.memory_space<vmem>> -> memref<1x8x32xf32, #tpu.memory_space<vmem>>
      %dma_start3A_644 = tpu.memref_squeeze %dma_start3A_643 : memref<1x8x32xf32, #tpu.memory_space<vmem>> -> memref<8x32xf32, #tpu.memory_space<vmem>>
      %dma_start3A_645 = arith.constant 0 : i32
      %dma_start3A_646 = arith.constant 0 : i32
      %dma_start3A_647 = tpu.memref_slice %arg4[%squeeze3A_639, %dma_start3A_645, %dma_start3A_646] : memref<125000x8x32xf32, #tpu.memory_space<hbm>> -> memref<1x8x32xf32, #tpu.memory_space<hbm>>
      %dma_start3A_648 = tpu.memref_squeeze %dma_start3A_647 : memref<1x8x32xf32, #tpu.memory_space<hbm>> -> memref<8x32xf32, #tpu.memory_space<hbm>>
      %dma_start3A_649 = arith.constant 0 : i32
      %dma_start3A_650 = arith.constant 0 : i32
      %dma_start3A_651 = tpu.memref_slice %arg11[%dma_start3A_640, %dma_start3A_649, %dma_start3A_650] : memref<16x8x32xf32, #tpu.memory_space<vmem>> -> memref<1x8x32xf32, #tpu.memory_space<vmem>>
      %dma_start3A_652 = tpu.memref_squeeze %dma_start3A_651 : memref<1x8x32xf32, #tpu.memory_space<vmem>> -> memref<8x32xf32, #tpu.memory_space<vmem>>
      %dma_start3A_653 = arith.constant 0 : i32
      %dma_start3A_654 = arith.constant 0 : i32
      %dma_start3A_655 = tpu.memref_slice %arg4[%squeeze3A_639, %dma_start3A_653, %dma_start3A_654] : memref<125000x8x32xf32, #tpu.memory_space<hbm>> -> memref<1x8x32xf32, #tpu.memory_space<hbm>>
      %dma_start3A_656 = tpu.memref_squeeze %dma_start3A_655 : memref<1x8x32xf32, #tpu.memory_space<hbm>> -> memref<8x32xf32, #tpu.memory_space<hbm>>
      tpu.enqueue_dma source(%dma_start3A_656 : memref<8x32xf32, #tpu.memory_space<hbm>>) target(%dma_start3A_652 : memref<8x32xf32, #tpu.memory_space<vmem>>) target_semaphore(%arg15 : memref<!tpu.dma_semaphore, #tpu.memory_space<semaphore_mem>>)
      %slice3A_657 = vector.extract_strided_slice %shift_right_logical3A_637 {offsets = [0], sizes = [1], strides = [1]} : vector<16xi32> to vector<1xi32>
      %squeeze3A_658 = vector.extract %slice3A_657[0] : i32 from vector<1xi32>
      %dma_start3A_659 = arith.constant 0 : i32
      %dma_start3A_660 = arith.constant 0 : i32
      %dma_start3A_661 = arith.constant 0 : i32
      %dma_start3A_662 = tpu.memref_slice %arg12[%dma_start3A_659, %dma_start3A_660, %dma_start3A_661] : memref<16x8x32xf32, #tpu.memory_space<vmem>> -> memref<1x8x32xf32, #tpu.memory_space<vmem>>
      %dma_start3A_663 = tpu.memref_squeeze %dma_start3A_662 : memref<1x8x32xf32, #tpu.memory_space<vmem>> -> memref<8x32xf32, #tpu.memory_space<vmem>>
      %dma_start3A_664 = arith.constant 0 : i32
      %dma_start3A_665 = arith.constant 0 : i32
      %dma_start3A_666 = tpu.memref_slice %arg5[%squeeze3A_658, %dma_start3A_664, %dma_start3A_665] : memref<125000x8x32xf32, #tpu.memory_space<hbm>> -> memref<1x8x32xf32, #tpu.memory_space<hbm>>
      %dma_start3A_667 = tpu.memref_squeeze %dma_start3A_666 : memref<1x8x32xf32, #tpu.memory_space<hbm>> -> memref<8x32xf32, #tpu.memory_space<hbm>>
      %dma_start3A_668 = arith.constant 0 : i32
      %dma_start3A_669 = arith.constant 0 : i32
      %dma_start3A_670 = tpu.memref_slice %arg12[%dma_start3A_659, %dma_start3A_668, %dma_start3A_669] : memref<16x8x32xf32, #tpu.memory_space<vmem>> -> memref<1x8x32xf32, #tpu.memory_space<vmem>>
      %dma_start3A_671 = tpu.memref_squeeze %dma_start3A_670 : memref<1x8x32xf32, #tpu.memory_space<vmem>> -> memref<8x32xf32, #tpu.memory_space<vmem>>
      %dma_start3A_672 = arith.constant 0 : i32
      %dma_start3A_673 = arith.constant 0 : i32
      %dma_start3A_674 = tpu.memref_slice %arg5[%squeeze3A_658, %dma_start3A_672, %dma_start3A_673] : memref<125000x8x32xf32, #tpu.memory_space<hbm>> -> memref<1x8x32xf32, #tpu.memory_space<hbm>>
      %dma_start3A_675 = tpu.memref_squeeze %dma_start3A_674 : memref<1x8x32xf32, #tpu.memory_space<hbm>> -> memref<8x32xf32, #tpu.memory_space<hbm>>
      tpu.enqueue_dma source(%dma_start3A_675 : memref<8x32xf32, #tpu.memory_space<hbm>>) target(%dma_start3A_671 : memref<8x32xf32, #tpu.memory_space<vmem>>) target_semaphore(%arg15 : memref<!tpu.dma_semaphore, #tpu.memory_space<semaphore_mem>>)
      %slice3A_676 = vector.extract_strided_slice %shift_right_logical3A_632 {offsets = [1], sizes = [1], strides = [1]} : vector<16xi32> to vector<1xi32>
      %squeeze3A_677 = vector.extract %slice3A_676[0] : i32 from vector<1xi32>
      %dma_start3A_678 = arith.constant 1 : i32
      %dma_start3A_679 = arith.constant 0 : i32
      %dma_start3A_680 = arith.constant 0 : i32
      %dma_start3A_681 = tpu.memref_slice %arg11[%dma_start3A_678, %dma_start3A_679, %dma_start3A_680] : memref<16x8x32xf32, #tpu.memory_space<vmem>> -> memref<1x8x32xf32, #tpu.memory_space<vmem>>
      %dma_start3A_682 = tpu.memref_squeeze %dma_start3A_681 : memref<1x8x32xf32, #tpu.memory_space<vmem>> -> memref<8x32xf32, #tpu.memory_space<vmem>>
      %dma_start3A_683 = arith.constant 0 : i32
      %dma_start3A_684 = arith.constant 0 : i32
      %dma_start3A_685 = tpu.memref_slice %arg4[%squeeze3A_677, %dma_start3A_683, %dma_start3A_684] : memref<125000x8x32xf32, #tpu.memory_space<hbm>> -> memref<1x8x32xf32, #tpu.memory_space<hbm>>
      %dma_start3A_686 = tpu.memref_squeeze %dma_start3A_685 : memref<1x8x32xf32, #tpu.memory_space<hbm>> -> memref<8x32xf32, #tpu.memory_space<hbm>>
      %dma_start3A_687 = arith.constant 0 : i32
      %dma_start3A_688 = arith.constant 0 : i32
      %dma_start3A_689 = tpu.memref_slice %arg11[%dma_start3A_678, %dma_start3A_687, %dma_start3A_688] : memref<16x8x32xf32, #tpu.memory_space<vmem>> -> memref<1x8x32xf32, #tpu.memory_space<vmem>>
      %dma_start3A_690 = tpu.memref_squeeze %dma_start3A_689 : memref<1x8x32xf32, #tpu.memory_space<vmem>> -> memref<8x32xf32, #tpu.memory_space<vmem>>
      %dma_start3A_691 = arith.constant 0 : i32
      %dma_start3A_692 = arith.constant 0 : i32
      %dma_start3A_693 = tpu.memref_slice %arg4[%squeeze3A_677, %dma_start3A_691, %dma_start3A_692] : memref<125000x8x32xf32, #tpu.memory_space<hbm>> -> memref<1x8x32xf32, #tpu.memory_space<hbm>>
      %dma_start3A_694 = tpu.memref_squeeze %dma_start3A_693 : memref<1x8x32xf32, #tpu.memory_space<hbm>> -> memref<8x32xf32, #tpu.memory_space<hbm>>
      tpu.enqueue_dma source(%dma_start3A_694 : memref<8x32xf32, #tpu.memory_space<hbm>>) target(%dma_start3A_690 : memref<8x32xf32, #tpu.memory_space<vmem>>) target_semaphore(%arg15 : memref<!tpu.dma_semaphore, #tpu.memory_space<semaphore_mem>>)
      %slice3A_695 = vector.extract_strided_slice %shift_right_logical3A_637 {offsets = [1], sizes = [1], strides = [1]} : vector<16xi32> to vector<1xi32>
      %squeeze3A_696 = vector.extract %slice3A_695[0] : i32 from vector<1xi32>
      %dma_start3A_697 = arith.constant 1 : i32
      %dma_start3A_698 = arith.constant 0 : i32
      %dma_start3A_699 = arith.constant 0 : i32
      %dma_start3A_700 = tpu.memref_slice %arg12[%dma_start3A_697, %dma_start3A_698, %dma_start3A_699] : memref<16x8x32xf32, #tpu.memory_space<vmem>> -> memref<1x8x32xf32, #tpu.memory_space<vmem>>
      %dma_start3A_701 = tpu.memref_squeeze %dma_start3A_700 : memref<1x8x32xf32, #tpu.memory_space<vmem>> -> memref<8x32xf32, #tpu.memory_space<vmem>>
      %dma_start3A_702 = arith.constant 0 : i32
      %dma_start3A_703 = arith.constant 0 : i32
      %dma_start3A_704 = tpu.memref_slice %arg5[%squeeze3A_696, %dma_start3A_702, %dma_start3A_703] : memref<125000x8x32xf32, #tpu.memory_space<hbm>> -> memref<1x8x32xf32, #tpu.memory_space<hbm>>
      %dma_start3A_705 = tpu.memref_squeeze %dma_start3A_704 : memref<1x8x32xf32, #tpu.memory_space<hbm>> -> memref<8x32xf32, #tpu.memory_space<hbm>>
      %dma_start3A_706 = arith.constant 0 : i32
      %dma_start3A_707 = arith.constant 0 : i32
      %dma_start3A_708 = tpu.memref_slice %arg12[%dma_start3A_697, %dma_start3A_706, %dma_start3A_707] : memref<16x8x32xf32, #tpu.memory_space<vmem>> -> memref<1x8x32xf32, #tpu.memory_space<vmem>>
      %dma_start3A_709 = tpu.memref_squeeze %dma_start3A_708 : memref<1x8x32xf32, #tpu.memory_space<vmem>> -> memref<8x32xf32, #tpu.memory_space<vmem>>
      %dma_start3A_710 = arith.constant 0 : i32
      %dma_start3A_711 = arith.constant 0 : i32
      %dma_start3A_712 = tpu.memref_slice %arg5[%squeeze3A_696, %dma_start3A_710, %dma_start3A_711] : memref<125000x8x32xf32, #tpu.memory_space<hbm>> -> memref<1x8x32xf32, #tpu.memory_space<hbm>>
      %dma_start3A_713 = tpu.memref_squeeze %dma_start3A_712 : memref<1x8x32xf32, #tpu.memory_space<hbm>> -> memref<8x32xf32, #tpu.memory_space<hbm>>
      tpu.enqueue_dma source(%dma_start3A_713 : memref<8x32xf32, #tpu.memory_space<hbm>>) target(%dma_start3A_709 : memref<8x32xf32, #tpu.memory_space<vmem>>) target_semaphore(%arg15 : memref<!tpu.dma_semaphore, #tpu.memory_space<semaphore_mem>>)
      %slice3A_714 = vector.extract_strided_slice %shift_right_logical3A_632 {offsets = [2], sizes = [1], strides = [1]} : vector<16xi32> to vector<1xi32>
      %squeeze3A_715 = vector.extract %slice3A_714[0] : i32 from vector<1xi32>
      %dma_start3A_716 = arith.constant 2 : i32
      %dma_start3A_717 = arith.constant 0 : i32
      %dma_start3A_718 = arith.constant 0 : i32
      %dma_start3A_719 = tpu.memref_slice %arg11[%dma_start3A_716, %dma_start3A_717, %dma_start3A_718] : memref<16x8x32xf32, #tpu.memory_space<vmem>> -> memref<1x8x32xf32, #tpu.memory_space<vmem>>
      %dma_start3A_720 = tpu.memref_squeeze %dma_start3A_719 : memref<1x8x32xf32, #tpu.memory_space<vmem>> -> memref<8x32xf32, #tpu.memory_space<vmem>>
      %dma_start3A_721 = arith.constant 0 : i32
      %dma_start3A_722 = arith.constant 0 : i32
      %dma_start3A_723 = tpu.memref_slice %arg4[%squeeze3A_715, %dma_start3A_721, %dma_start3A_722] : memref<125000x8x32xf32, #tpu.memory_space<hbm>> -> memref<1x8x32xf32, #tpu.memory_space<hbm>>
      %dma_start3A_724 = tpu.memref_squeeze %dma_start3A_723 : memref<1x8x32xf32, #tpu.memory_space<hbm>> -> memref<8x32xf32, #tpu.memory_space<hbm>>
      %dma_start3A_725 = arith.constant 0 : i32
      %dma_start3A_726 = arith.constant 0 : i32
      %dma_start3A_727 = tpu.memref_slice %arg11[%dma_start3A_716, %dma_start3A_725, %dma_start3A_726] : memref<16x8x32xf32, #tpu.memory_space<vmem>> -> memref<1x8x32xf32, #tpu.memory_space<vmem>>
      %dma_start3A_728 = tpu.memref_squeeze %dma_start3A_727 : memref<1x8x32xf32, #tpu.memory_space<vmem>> -> memref<8x32xf32, #tpu.memory_space<vmem>>
      %dma_start3A_729 = arith.constant 0 : i32
      %dma_start3A_730 = arith.constant 0 : i32
      %dma_start3A_731 = tpu.memref_slice %arg4[%squeeze3A_715, %dma_start3A_729, %dma_start3A_730] : memref<125000x8x32xf32, #tpu.memory_space<hbm>> -> memref<1x8x32xf32, #tpu.memory_space<hbm>>
      %dma_start3A_732 = tpu.memref_squeeze %dma_start3A_731 : memref<1x8x32xf32, #tpu.memory_space<hbm>> -> memref<8x32xf32, #tpu.memory_space<hbm>>
      tpu.enqueue_dma source(%dma_start3A_732 : memref<8x32xf32, #tpu.memory_space<hbm>>) target(%dma_start3A_728 : memref<8x32xf32, #tpu.memory_space<vmem>>) target_semaphore(%arg15 : memref<!tpu.dma_semaphore, #tpu.memory_space<semaphore_mem>>)
      %slice3A_733 = vector.extract_strided_slice %shift_right_logical3A_637 {offsets = [2], sizes = [1], strides = [1]} : vector<16xi32> to vector<1xi32>
      %squeeze3A_734 = vector.extract %slice3A_733[0] : i32 from vector<1xi32>
      %dma_start3A_735 = arith.constant 2 : i32
      %dma_start3A_736 = arith.constant 0 : i32
      %dma_start3A_737 = arith.constant 0 : i32
      %dma_start3A_738 = tpu.memref_slice %arg12[%dma_start3A_735, %dma_start3A_736, %dma_start3A_737] : memref<16x8x32xf32, #tpu.memory_space<vmem>> -> memref<1x8x32xf32, #tpu.memory_space<vmem>>
      %dma_start3A_739 = tpu.memref_squeeze %dma_start3A_738 : memref<1x8x32xf32, #tpu.memory_space<vmem>> -> memref<8x32xf32, #tpu.memory_space<vmem>>
      %dma_start3A_740 = arith.constant 0 : i32
      %dma_start3A_741 = arith.constant 0 : i32
      %dma_start3A_742 = tpu.memref_slice %arg5[%squeeze3A_734, %dma_start3A_740, %dma_start3A_741] : memref<125000x8x32xf32, #tpu.memory_space<hbm>> -> memref<1x8x32xf32, #tpu.memory_space<hbm>>
      %dma_start3A_743 = tpu.memref_squeeze %dma_start3A_742 : memref<1x8x32xf32, #tpu.memory_space<hbm>> -> memref<8x32xf32, #tpu.memory_space<hbm>>
      %dma_start3A_744 = arith.constant 0 : i32
      %dma_start3A_745 = arith.constant 0 : i32
      %dma_start3A_746 = tpu.memref_slice %arg12[%dma_start3A_735, %dma_start3A_744, %dma_start3A_745] : memref<16x8x32xf32, #tpu.memory_space<vmem>> -> memref<1x8x32xf32, #tpu.memory_space<vmem>>
      %dma_start3A_747 = tpu.memref_squeeze %dma_start3A_746 : memref<1x8x32xf32, #tpu.memory_space<vmem>> -> memref<8x32xf32, #tpu.memory_space<vmem>>
      %dma_start3A_748 = arith.constant 0 : i32
      %dma_start3A_749 = arith.constant 0 : i32
      %dma_start3A_750 = tpu.memref_slice %arg5[%squeeze3A_734, %dma_start3A_748, %dma_start3A_749] : memref<125000x8x32xf32, #tpu.memory_space<hbm>> -> memref<1x8x32xf32, #tpu.memory_space<hbm>>
      %dma_start3A_751 = tpu.memref_squeeze %dma_start3A_750 : memref<1x8x32xf32, #tpu.memory_space<hbm>> -> memref<8x32xf32, #tpu.memory_space<hbm>>
      tpu.enqueue_dma source(%dma_start3A_751 : memref<8x32xf32, #tpu.memory_space<hbm>>) target(%dma_start3A_747 : memref<8x32xf32, #tpu.memory_space<vmem>>) target_semaphore(%arg15 : memref<!tpu.dma_semaphore, #tpu.memory_space<semaphore_mem>>)
      %slice3A_752 = vector.extract_strided_slice %shift_right_logical3A_632 {offsets = [3], sizes = [1], strides = [1]} : vector<16xi32> to vector<1xi32>
      %squeeze3A_753 = vector.extract %slice3A_752[0] : i32 from vector<1xi32>
      %dma_start3A_754 = arith.constant 3 : i32
      %dma_start3A_755 = arith.constant 0 : i32
      %dma_start3A_756 = arith.constant 0 : i32
      %dma_start3A_757 = tpu.memref_slice %arg11[%dma_start3A_754, %dma_start3A_755, %dma_start3A_756] : memref<16x8x32xf32, #tpu.memory_space<vmem>> -> memref<1x8x32xf32, #tpu.memory_space<vmem>>
      %dma_start3A_758 = tpu.memref_squeeze %dma_start3A_757 : memref<1x8x32xf32, #tpu.memory_space<vmem>> -> memref<8x32xf32, #tpu.memory_space<vmem>>
      %dma_start3A_759 = arith.constant 0 : i32
      %dma_start3A_760 = arith.constant 0 : i32
      %dma_start3A_761 = tpu.memref_slice %arg4[%squeeze3A_753, %dma_start3A_759, %dma_start3A_760] : memref<125000x8x32xf32, #tpu.memory_space<hbm>> -> memref<1x8x32xf32, #tpu.memory_space<hbm>>
      %dma_start3A_762 = tpu.memref_squeeze %dma_start3A_761 : memref<1x8x32xf32, #tpu.memory_space<hbm>> -> memref<8x32xf32, #tpu.memory_space<hbm>>
      %dma_start3A_763 = arith.constant 0 : i32
      %dma_start3A_764 = arith.constant 0 : i32
      %dma_start3A_765 = tpu.memref_slice %arg11[%dma_start3A_754, %dma_start3A_763, %dma_start3A_764] : memref<16x8x32xf32, #tpu.memory_space<vmem>> -> memref<1x8x32xf32, #tpu.memory_space<vmem>>
      %dma_start3A_766 = tpu.memref_squeeze %dma_start3A_765 : memref<1x8x32xf32, #tpu.memory_space<vmem>> -> memref<8x32xf32, #tpu.memory_space<vmem>>
      %dma_start3A_767 = arith.constant 0 : i32
      %dma_start3A_768 = arith.constant 0 : i32
      %dma_start3A_769 = tpu.memref_slice %arg4[%squeeze3A_753, %dma_start3A_767, %dma_start3A_768] : memref<125000x8x32xf32, #tpu.memory_space<hbm>> -> memref<1x8x32xf32, #tpu.memory_space<hbm>>
      %dma_start3A_770 = tpu.memref_squeeze %dma_start3A_769 : memref<1x8x32xf32, #tpu.memory_space<hbm>> -> memref<8x32xf32, #tpu.memory_space<hbm>>
      tpu.enqueue_dma source(%dma_start3A_770 : memref<8x32xf32, #tpu.memory_space<hbm>>) target(%dma_start3A_766 : memref<8x32xf32, #tpu.memory_space<vmem>>) target_semaphore(%arg15 : memref<!tpu.dma_semaphore, #tpu.memory_space<semaphore_mem>>)
      %slice3A_771 = vector.extract_strided_slice %shift_right_logical3A_637 {offsets = [3], sizes = [1], strides = [1]} : vector<16xi32> to vector<1xi32>
      %squeeze3A_772 = vector.extract %slice3A_771[0] : i32 from vector<1xi32>
      %dma_start3A_773 = arith.constant 3 : i32
      %dma_start3A_774 = arith.constant 0 : i32
      %dma_start3A_775 = arith.constant 0 : i32
      %dma_start3A_776 = tpu.memref_slice %arg12[%dma_start3A_773, %dma_start3A_774, %dma_start3A_775] : memref<16x8x32xf32, #tpu.memory_space<vmem>> -> memref<1x8x32xf32, #tpu.memory_space<vmem>>
      %dma_start3A_777 = tpu.memref_squeeze %dma_start3A_776 : memref<1x8x32xf32, #tpu.memory_space<vmem>> -> memref<8x32xf32, #tpu.memory_space<vmem>>
      %dma_start3A_778 = arith.constant 0 : i32
      %dma_start3A_779 = arith.constant 0 : i32
      %dma_start3A_780 = tpu.memref_slice %arg5[%squeeze3A_772, %dma_start3A_778, %dma_start3A_779] : memref<125000x8x32xf32, #tpu.memory_space<hbm>> -> memref<1x8x32xf32, #tpu.memory_space<hbm>>
      %dma_start3A_781 = tpu.memref_squeeze %dma_start3A_780 : memref<1x8x32xf32, #tpu.memory_space<hbm>> -> memref<8x32xf32, #tpu.memory_space<hbm>>
      %dma_start3A_782 = arith.constant 0 : i32
      %dma_start3A_783 = arith.constant 0 : i32
      %dma_start3A_784 = tpu.memref_slice %arg12[%dma_start3A_773, %dma_start3A_782, %dma_start3A_783] : memref<16x8x32xf32, #tpu.memory_space<vmem>> -> memref<1x8x32xf32, #tpu.memory_space<vmem>>
      %dma_start3A_785 = tpu.memref_squeeze %dma_start3A_784 : memref<1x8x32xf32, #tpu.memory_space<vmem>> -> memref<8x32xf32, #tpu.memory_space<vmem>>
      %dma_start3A_786 = arith.constant 0 : i32
      %dma_start3A_787 = arith.constant 0 : i32
      %dma_start3A_788 = tpu.memref_slice %arg5[%squeeze3A_772, %dma_start3A_786, %dma_start3A_787] : memref<125000x8x32xf32, #tpu.memory_space<hbm>> -> memref<1x8x32xf32, #tpu.memory_space<hbm>>
      %dma_start3A_789 = tpu.memref_squeeze %dma_start3A_788 : memref<1x8x32xf32, #tpu.memory_space<hbm>> -> memref<8x32xf32, #tpu.memory_space<hbm>>
      tpu.enqueue_dma source(%dma_start3A_789 : memref<8x32xf32, #tpu.memory_space<hbm>>) target(%dma_start3A_785 : memref<8x32xf32, #tpu.memory_space<vmem>>) target_semaphore(%arg15 : memref<!tpu.dma_semaphore, #tpu.memory_space<semaphore_mem>>)
      %slice3A_790 = vector.extract_strided_slice %shift_right_logical3A_632 {offsets = [4], sizes = [1], strides = [1]} : vector<16xi32> to vector<1xi32>
      %squeeze3A_791 = vector.extract %slice3A_790[0] : i32 from vector<1xi32>
      %dma_start3A_792 = arith.constant 4 : i32
      %dma_start3A_793 = arith.constant 0 : i32
      %dma_start3A_794 = arith.constant 0 : i32
      %dma_start3A_795 = tpu.memref_slice %arg11[%dma_start3A_792, %dma_start3A_793, %dma_start3A_794] : memref<16x8x32xf32, #tpu.memory_space<vmem>> -> memref<1x8x32xf32, #tpu.memory_space<vmem>>
      %dma_start3A_796 = tpu.memref_squeeze %dma_start3A_795 : memref<1x8x32xf32, #tpu.memory_space<vmem>> -> memref<8x32xf32, #tpu.memory_space<vmem>>
      %dma_start3A_797 = arith.constant 0 : i32
      %dma_start3A_798 = arith.constant 0 : i32
      %dma_start3A_799 = tpu.memref_slice %arg4[%squeeze3A_791, %dma_start3A_797, %dma_start3A_798] : memref<125000x8x32xf32, #tpu.memory_space<hbm>> -> memref<1x8x32xf32, #tpu.memory_space<hbm>>
      %dma_start3A_800 = tpu.memref_squeeze %dma_start3A_799 : memref<1x8x32xf32, #tpu.memory_space<hbm>> -> memref<8x32xf32, #tpu.memory_space<hbm>>
      %dma_start3A_801 = arith.constant 0 : i32
      %dma_start3A_802 = arith.constant 0 : i32
      %dma_start3A_803 = tpu.memref_slice %arg11[%dma_start3A_792, %dma_start3A_801, %dma_start3A_802] : memref<16x8x32xf32, #tpu.memory_space<vmem>> -> memref<1x8x32xf32, #tpu.memory_space<vmem>>
      %dma_start3A_804 = tpu.memref_squeeze %dma_start3A_803 : memref<1x8x32xf32, #tpu.memory_space<vmem>> -> memref<8x32xf32, #tpu.memory_space<vmem>>
      %dma_start3A_805 = arith.constant 0 : i32
      %dma_start3A_806 = arith.constant 0 : i32
      %dma_start3A_807 = tpu.memref_slice %arg4[%squeeze3A_791, %dma_start3A_805, %dma_start3A_806] : memref<125000x8x32xf32, #tpu.memory_space<hbm>> -> memref<1x8x32xf32, #tpu.memory_space<hbm>>
      %dma_start3A_808 = tpu.memref_squeeze %dma_start3A_807 : memref<1x8x32xf32, #tpu.memory_space<hbm>> -> memref<8x32xf32, #tpu.memory_space<hbm>>
      tpu.enqueue_dma source(%dma_start3A_808 : memref<8x32xf32, #tpu.memory_space<hbm>>) target(%dma_start3A_804 : memref<8x32xf32, #tpu.memory_space<vmem>>) target_semaphore(%arg15 : memref<!tpu.dma_semaphore, #tpu.memory_space<semaphore_mem>>)
      %slice3A_809 = vector.extract_strided_slice %shift_right_logical3A_637 {offsets = [4], sizes = [1], strides = [1]} : vector<16xi32> to vector<1xi32>
      %squeeze3A_810 = vector.extract %slice3A_809[0] : i32 from vector<1xi32>
      %dma_start3A_811 = arith.constant 4 : i32
      %dma_start3A_812 = arith.constant 0 : i32
      %dma_start3A_813 = arith.constant 0 : i32
      %dma_start3A_814 = tpu.memref_slice %arg12[%dma_start3A_811, %dma_start3A_812, %dma_start3A_813] : memref<16x8x32xf32, #tpu.memory_space<vmem>> -> memref<1x8x32xf32, #tpu.memory_space<vmem>>
      %dma_start3A_815 = tpu.memref_squeeze %dma_start3A_814 : memref<1x8x32xf32, #tpu.memory_space<vmem>> -> memref<8x32xf32, #tpu.memory_space<vmem>>
      %dma_start3A_816 = arith.constant 0 : i32
      %dma_start3A_817 = arith.constant 0 : i32
      %dma_start3A_818 = tpu.memref_slice %arg5[%squeeze3A_810, %dma_start3A_816, %dma_start3A_817] : memref<125000x8x32xf32, #tpu.memory_space<hbm>> -> memref<1x8x32xf32, #tpu.memory_space<hbm>>
      %dma_start3A_819 = tpu.memref_squeeze %dma_start3A_818 : memref<1x8x32xf32, #tpu.memory_space<hbm>> -> memref<8x32xf32, #tpu.memory_space<hbm>>
      %dma_start3A_820 = arith.constant 0 : i32
      %dma_start3A_821 = arith.constant 0 : i32
      %dma_start3A_822 = tpu.memref_slice %arg12[%dma_start3A_811, %dma_start3A_820, %dma_start3A_821] : memref<16x8x32xf32, #tpu.memory_space<vmem>> -> memref<1x8x32xf32, #tpu.memory_space<vmem>>
      %dma_start3A_823 = tpu.memref_squeeze %dma_start3A_822 : memref<1x8x32xf32, #tpu.memory_space<vmem>> -> memref<8x32xf32, #tpu.memory_space<vmem>>
      %dma_start3A_824 = arith.constant 0 : i32
      %dma_start3A_825 = arith.constant 0 : i32
      %dma_start3A_826 = tpu.memref_slice %arg5[%squeeze3A_810, %dma_start3A_824, %dma_start3A_825] : memref<125000x8x32xf32, #tpu.memory_space<hbm>> -> memref<1x8x32xf32, #tpu.memory_space<hbm>>
      %dma_start3A_827 = tpu.memref_squeeze %dma_start3A_826 : memref<1x8x32xf32, #tpu.memory_space<hbm>> -> memref<8x32xf32, #tpu.memory_space<hbm>>
      tpu.enqueue_dma source(%dma_start3A_827 : memref<8x32xf32, #tpu.memory_space<hbm>>) target(%dma_start3A_823 : memref<8x32xf32, #tpu.memory_space<vmem>>) target_semaphore(%arg15 : memref<!tpu.dma_semaphore, #tpu.memory_space<semaphore_mem>>)
      %slice3A_828 = vector.extract_strided_slice %shift_right_logical3A_632 {offsets = [5], sizes = [1], strides = [1]} : vector<16xi32> to vector<1xi32>
      %squeeze3A_829 = vector.extract %slice3A_828[0] : i32 from vector<1xi32>
      %dma_start3A_830 = arith.constant 5 : i32
      %dma_start3A_831 = arith.constant 0 : i32
      %dma_start3A_832 = arith.constant 0 : i32
      %dma_start3A_833 = tpu.memref_slice %arg11[%dma_start3A_830, %dma_start3A_831, %dma_start3A_832] : memref<16x8x32xf32, #tpu.memory_space<vmem>> -> memref<1x8x32xf32, #tpu.memory_space<vmem>>
      %dma_start3A_834 = tpu.memref_squeeze %dma_start3A_833 : memref<1x8x32xf32, #tpu.memory_space<vmem>> -> memref<8x32xf32, #tpu.memory_space<vmem>>
      %dma_start3A_835 = arith.constant 0 : i32
      %dma_start3A_836 = arith.constant 0 : i32
      %dma_start3A_837 = tpu.memref_slice %arg4[%squeeze3A_829, %dma_start3A_835, %dma_start3A_836] : memref<125000x8x32xf32, #tpu.memory_space<hbm>> -> memref<1x8x32xf32, #tpu.memory_space<hbm>>
      %dma_start3A_838 = tpu.memref_squeeze %dma_start3A_837 : memref<1x8x32xf32, #tpu.memory_space<hbm>> -> memref<8x32xf32, #tpu.memory_space<hbm>>
      %dma_start3A_839 = arith.constant 0 : i32
      %dma_start3A_840 = arith.constant 0 : i32
      %dma_start3A_841 = tpu.memref_slice %arg11[%dma_start3A_830, %dma_start3A_839, %dma_start3A_840] : memref<16x8x32xf32, #tpu.memory_space<vmem>> -> memref<1x8x32xf32, #tpu.memory_space<vmem>>
      %dma_start3A_842 = tpu.memref_squeeze %dma_start3A_841 : memref<1x8x32xf32, #tpu.memory_space<vmem>> -> memref<8x32xf32, #tpu.memory_space<vmem>>
      %dma_start3A_843 = arith.constant 0 : i32
      %dma_start3A_844 = arith.constant 0 : i32
      %dma_start3A_845 = tpu.memref_slice %arg4[%squeeze3A_829, %dma_start3A_843, %dma_start3A_844] : memref<125000x8x32xf32, #tpu.memory_space<hbm>> -> memref<1x8x32xf32, #tpu.memory_space<hbm>>
      %dma_start3A_846 = tpu.memref_squeeze %dma_start3A_845 : memref<1x8x32xf32, #tpu.memory_space<hbm>> -> memref<8x32xf32, #tpu.memory_space<hbm>>
      tpu.enqueue_dma source(%dma_start3A_846 : memref<8x32xf32, #tpu.memory_space<hbm>>) target(%dma_start3A_842 : memref<8x32xf32, #tpu.memory_space<vmem>>) target_semaphore(%arg15 : memref<!tpu.dma_semaphore, #tpu.memory_space<semaphore_mem>>)
      %slice3A_847 = vector.extract_strided_slice %shift_right_logical3A_637 {offsets = [5], sizes = [1], strides = [1]} : vector<16xi32> to vector<1xi32>
      %squeeze3A_848 = vector.extract %slice3A_847[0] : i32 from vector<1xi32>
      %dma_start3A_849 = arith.constant 5 : i32
      %dma_start3A_850 = arith.constant 0 : i32
      %dma_start3A_851 = arith.constant 0 : i32
      %dma_start3A_852 = tpu.memref_slice %arg12[%dma_start3A_849, %dma_start3A_850, %dma_start3A_851] : memref<16x8x32xf32, #tpu.memory_space<vmem>> -> memref<1x8x32xf32, #tpu.memory_space<vmem>>
      %dma_start3A_853 = tpu.memref_squeeze %dma_start3A_852 : memref<1x8x32xf32, #tpu.memory_space<vmem>> -> memref<8x32xf32, #tpu.memory_space<vmem>>
      %dma_start3A_854 = arith.constant 0 : i32
      %dma_start3A_855 = arith.constant 0 : i32
      %dma_start3A_856 = tpu.memref_slice %arg5[%squeeze3A_848, %dma_start3A_854, %dma_start3A_855] : memref<125000x8x32xf32, #tpu.memory_space<hbm>> -> memref<1x8x32xf32, #tpu.memory_space<hbm>>
      %dma_start3A_857 = tpu.memref_squeeze %dma_start3A_856 : memref<1x8x32xf32, #tpu.memory_space<hbm>> -> memref<8x32xf32, #tpu.memory_space<hbm>>
      %dma_start3A_858 = arith.constant 0 : i32
      %dma_start3A_859 = arith.constant 0 : i32
      %dma_start3A_860 = tpu.memref_slice %arg12[%dma_start3A_849, %dma_start3A_858, %dma_start3A_859] : memref<16x8x32xf32, #tpu.memory_space<vmem>> -> memref<1x8x32xf32, #tpu.memory_space<vmem>>
      %dma_start3A_861 = tpu.memref_squeeze %dma_start3A_860 : memref<1x8x32xf32, #tpu.memory_space<vmem>> -> memref<8x32xf32, #tpu.memory_space<vmem>>
      %dma_start3A_862 = arith.constant 0 : i32
      %dma_start3A_863 = arith.constant 0 : i32
      %dma_start3A_864 = tpu.memref_slice %arg5[%squeeze3A_848, %dma_start3A_862, %dma_start3A_863] : memref<125000x8x32xf32, #tpu.memory_space<hbm>> -> memref<1x8x32xf32, #tpu.memory_space<hbm>>
      %dma_start3A_865 = tpu.memref_squeeze %dma_start3A_864 : memref<1x8x32xf32, #tpu.memory_space<hbm>> -> memref<8x32xf32, #tpu.memory_space<hbm>>
      tpu.enqueue_dma source(%dma_start3A_865 : memref<8x32xf32, #tpu.memory_space<hbm>>) target(%dma_start3A_861 : memref<8x32xf32, #tpu.memory_space<vmem>>) target_semaphore(%arg15 : memref<!tpu.dma_semaphore, #tpu.memory_space<semaphore_mem>>)
      %slice3A_866 = vector.extract_strided_slice %shift_right_logical3A_632 {offsets = [6], sizes = [1], strides = [1]} : vector<16xi32> to vector<1xi32>
      %squeeze3A_867 = vector.extract %slice3A_866[0] : i32 from vector<1xi32>
      %dma_start3A_868 = arith.constant 6 : i32
      %dma_start3A_869 = arith.constant 0 : i32
      %dma_start3A_870 = arith.constant 0 : i32
      %dma_start3A_871 = tpu.memref_slice %arg11[%dma_start3A_868, %dma_start3A_869, %dma_start3A_870] : memref<16x8x32xf32, #tpu.memory_space<vmem>> -> memref<1x8x32xf32, #tpu.memory_space<vmem>>
      %dma_start3A_872 = tpu.memref_squeeze %dma_start3A_871 : memref<1x8x32xf32, #tpu.memory_space<vmem>> -> memref<8x32xf32, #tpu.memory_space<vmem>>
      %dma_start3A_873 = arith.constant 0 : i32
      %dma_start3A_874 = arith.constant 0 : i32
      %dma_start3A_875 = tpu.memref_slice %arg4[%squeeze3A_867, %dma_start3A_873, %dma_start3A_874] : memref<125000x8x32xf32, #tpu.memory_space<hbm>> -> memref<1x8x32xf32, #tpu.memory_space<hbm>>
      %dma_start3A_876 = tpu.memref_squeeze %dma_start3A_875 : memref<1x8x32xf32, #tpu.memory_space<hbm>> -> memref<8x32xf32, #tpu.memory_space<hbm>>
      %dma_start3A_877 = arith.constant 0 : i32
      %dma_start3A_878 = arith.constant 0 : i32
      %dma_start3A_879 = tpu.memref_slice %arg11[%dma_start3A_868, %dma_start3A_877, %dma_start3A_878] : memref<16x8x32xf32, #tpu.memory_space<vmem>> -> memref<1x8x32xf32, #tpu.memory_space<vmem>>
      %dma_start3A_880 = tpu.memref_squeeze %dma_start3A_879 : memref<1x8x32xf32, #tpu.memory_space<vmem>> -> memref<8x32xf32, #tpu.memory_space<vmem>>
      %dma_start3A_881 = arith.constant 0 : i32
      %dma_start3A_882 = arith.constant 0 : i32
      %dma_start3A_883 = tpu.memref_slice %arg4[%squeeze3A_867, %dma_start3A_881, %dma_start3A_882] : memref<125000x8x32xf32, #tpu.memory_space<hbm>> -> memref<1x8x32xf32, #tpu.memory_space<hbm>>
      %dma_start3A_884 = tpu.memref_squeeze %dma_start3A_883 : memref<1x8x32xf32, #tpu.memory_space<hbm>> -> memref<8x32xf32, #tpu.memory_space<hbm>>
      tpu.enqueue_dma source(%dma_start3A_884 : memref<8x32xf32, #tpu.memory_space<hbm>>) target(%dma_start3A_880 : memref<8x32xf32, #tpu.memory_space<vmem>>) target_semaphore(%arg15 : memref<!tpu.dma_semaphore, #tpu.memory_space<semaphore_mem>>)
      %slice3A_885 = vector.extract_strided_slice %shift_right_logical3A_637 {offsets = [6], sizes = [1], strides = [1]} : vector<16xi32> to vector<1xi32>
      %squeeze3A_886 = vector.extract %slice3A_885[0] : i32 from vector<1xi32>
      %dma_start3A_887 = arith.constant 6 : i32
      %dma_start3A_888 = arith.constant 0 : i32
      %dma_start3A_889 = arith.constant 0 : i32
      %dma_start3A_890 = tpu.memref_slice %arg12[%dma_start3A_887, %dma_start3A_888, %dma_start3A_889] : memref<16x8x32xf32, #tpu.memory_space<vmem>> -> memref<1x8x32xf32, #tpu.memory_space<vmem>>
      %dma_start3A_891 = tpu.memref_squeeze %dma_start3A_890 : memref<1x8x32xf32, #tpu.memory_space<vmem>> -> memref<8x32xf32, #tpu.memory_space<vmem>>
      %dma_start3A_892 = arith.constant 0 : i32
      %dma_start3A_893 = arith.constant 0 : i32
      %dma_start3A_894 = tpu.memref_slice %arg5[%squeeze3A_886, %dma_start3A_892, %dma_start3A_893] : memref<125000x8x32xf32, #tpu.memory_space<hbm>> -> memref<1x8x32xf32, #tpu.memory_space<hbm>>
      %dma_start3A_895 = tpu.memref_squeeze %dma_start3A_894 : memref<1x8x32xf32, #tpu.memory_space<hbm>> -> memref<8x32xf32, #tpu.memory_space<hbm>>
      %dma_start3A_896 = arith.constant 0 : i32
      %dma_start3A_897 = arith.constant 0 : i32
      %dma_start3A_898 = tpu.memref_slice %arg12[%dma_start3A_887, %dma_start3A_896, %dma_start3A_897] : memref<16x8x32xf32, #tpu.memory_space<vmem>> -> memref<1x8x32xf32, #tpu.memory_space<vmem>>
      %dma_start3A_899 = tpu.memref_squeeze %dma_start3A_898 : memref<1x8x32xf32, #tpu.memory_space<vmem>> -> memref<8x32xf32, #tpu.memory_space<vmem>>
      %dma_start3A_900 = arith.constant 0 : i32
      %dma_start3A_901 = arith.constant 0 : i32
      %dma_start3A_902 = tpu.memref_slice %arg5[%squeeze3A_886, %dma_start3A_900, %dma_start3A_901] : memref<125000x8x32xf32, #tpu.memory_space<hbm>> -> memref<1x8x32xf32, #tpu.memory_space<hbm>>
      %dma_start3A_903 = tpu.memref_squeeze %dma_start3A_902 : memref<1x8x32xf32, #tpu.memory_space<hbm>> -> memref<8x32xf32, #tpu.memory_space<hbm>>
      tpu.enqueue_dma source(%dma_start3A_903 : memref<8x32xf32, #tpu.memory_space<hbm>>) target(%dma_start3A_899 : memref<8x32xf32, #tpu.memory_space<vmem>>) target_semaphore(%arg15 : memref<!tpu.dma_semaphore, #tpu.memory_space<semaphore_mem>>)
      %slice3A_904 = vector.extract_strided_slice %shift_right_logical3A_632 {offsets = [7], sizes = [1], strides = [1]} : vector<16xi32> to vector<1xi32>
      %squeeze3A_905 = vector.extract %slice3A_904[0] : i32 from vector<1xi32>
      %dma_start3A_906 = arith.constant 7 : i32
      %dma_start3A_907 = arith.constant 0 : i32
      %dma_start3A_908 = arith.constant 0 : i32
      %dma_start3A_909 = tpu.memref_slice %arg11[%dma_start3A_906, %dma_start3A_907, %dma_start3A_908] : memref<16x8x32xf32, #tpu.memory_space<vmem>> -> memref<1x8x32xf32, #tpu.memory_space<vmem>>
      %dma_start3A_910 = tpu.memref_squeeze %dma_start3A_909 : memref<1x8x32xf32, #tpu.memory_space<vmem>> -> memref<8x32xf32, #tpu.memory_space<vmem>>
      %dma_start3A_911 = arith.constant 0 : i32
      %dma_start3A_912 = arith.constant 0 : i32
      %dma_start3A_913 = tpu.memref_slice %arg4[%squeeze3A_905, %dma_start3A_911, %dma_start3A_912] : memref<125000x8x32xf32, #tpu.memory_space<hbm>> -> memref<1x8x32xf32, #tpu.memory_space<hbm>>
      %dma_start3A_914 = tpu.memref_squeeze %dma_start3A_913 : memref<1x8x32xf32, #tpu.memory_space<hbm>> -> memref<8x32xf32, #tpu.memory_space<hbm>>
      %dma_start3A_915 = arith.constant 0 : i32
      %dma_start3A_916 = arith.constant 0 : i32
      %dma_start3A_917 = tpu.memref_slice %arg11[%dma_start3A_906, %dma_start3A_915, %dma_start3A_916] : memref<16x8x32xf32, #tpu.memory_space<vmem>> -> memref<1x8x32xf32, #tpu.memory_space<vmem>>
      %dma_start3A_918 = tpu.memref_squeeze %dma_start3A_917 : memref<1x8x32xf32, #tpu.memory_space<vmem>> -> memref<8x32xf32, #tpu.memory_space<vmem>>
      %dma_start3A_919 = arith.constant 0 : i32
      %dma_start3A_920 = arith.constant 0 : i32
      %dma_start3A_921 = tpu.memref_slice %arg4[%squeeze3A_905, %dma_start3A_919, %dma_start3A_920] : memref<125000x8x32xf32, #tpu.memory_space<hbm>> -> memref<1x8x32xf32, #tpu.memory_space<hbm>>
      %dma_start3A_922 = tpu.memref_squeeze %dma_start3A_921 : memref<1x8x32xf32, #tpu.memory_space<hbm>> -> memref<8x32xf32, #tpu.memory_space<hbm>>
      tpu.enqueue_dma source(%dma_start3A_922 : memref<8x32xf32, #tpu.memory_space<hbm>>) target(%dma_start3A_918 : memref<8x32xf32, #tpu.memory_space<vmem>>) target_semaphore(%arg15 : memref<!tpu.dma_semaphore, #tpu.memory_space<semaphore_mem>>)
      %slice3A_923 = vector.extract_strided_slice %shift_right_logical3A_637 {offsets = [7], sizes = [1], strides = [1]} : vector<16xi32> to vector<1xi32>
      %squeeze3A_924 = vector.extract %slice3A_923[0] : i32 from vector<1xi32>
      %dma_start3A_925 = arith.constant 7 : i32
      %dma_start3A_926 = arith.constant 0 : i32
      %dma_start3A_927 = arith.constant 0 : i32
      %dma_start3A_928 = tpu.memref_slice %arg12[%dma_start3A_925, %dma_start3A_926, %dma_start3A_927] : memref<16x8x32xf32, #tpu.memory_space<vmem>> -> memref<1x8x32xf32, #tpu.memory_space<vmem>>
      %dma_start3A_929 = tpu.memref_squeeze %dma_start3A_928 : memref<1x8x32xf32, #tpu.memory_space<vmem>> -> memref<8x32xf32, #tpu.memory_space<vmem>>
      %dma_start3A_930 = arith.constant 0 : i32
      %dma_start3A_931 = arith.constant 0 : i32
      %dma_start3A_932 = tpu.memref_slice %arg5[%squeeze3A_924, %dma_start3A_930, %dma_start3A_931] : memref<125000x8x32xf32, #tpu.memory_space<hbm>> -> memref<1x8x32xf32, #tpu.memory_space<hbm>>
      %dma_start3A_933 = tpu.memref_squeeze %dma_start3A_932 : memref<1x8x32xf32, #tpu.memory_space<hbm>> -> memref<8x32xf32, #tpu.memory_space<hbm>>
      %dma_start3A_934 = arith.constant 0 : i32
      %dma_start3A_935 = arith.constant 0 : i32
      %dma_start3A_936 = tpu.memref_slice %arg12[%dma_start3A_925, %dma_start3A_934, %dma_start3A_935] : memref<16x8x32xf32, #tpu.memory_space<vmem>> -> memref<1x8x32xf32, #tpu.memory_space<vmem>>
      %dma_start3A_937 = tpu.memref_squeeze %dma_start3A_936 : memref<1x8x32xf32, #tpu.memory_space<vmem>> -> memref<8x32xf32, #tpu.memory_space<vmem>>
      %dma_start3A_938 = arith.constant 0 : i32
      %dma_start3A_939 = arith.constant 0 : i32
      %dma_start3A_940 = tpu.memref_slice %arg5[%squeeze3A_924, %dma_start3A_938, %dma_start3A_939] : memref<125000x8x32xf32, #tpu.memory_space<hbm>> -> memref<1x8x32xf32, #tpu.memory_space<hbm>>
      %dma_start3A_941 = tpu.memref_squeeze %dma_start3A_940 : memref<1x8x32xf32, #tpu.memory_space<hbm>> -> memref<8x32xf32, #tpu.memory_space<hbm>>
      tpu.enqueue_dma source(%dma_start3A_941 : memref<8x32xf32, #tpu.memory_space<hbm>>) target(%dma_start3A_937 : memref<8x32xf32, #tpu.memory_space<vmem>>) target_semaphore(%arg15 : memref<!tpu.dma_semaphore, #tpu.memory_space<semaphore_mem>>)
      %slice3A_942 = vector.extract_strided_slice %shift_right_logical3A_632 {offsets = [8], sizes = [1], strides = [1]} : vector<16xi32> to vector<1xi32>
      %squeeze3A_943 = vector.extract %slice3A_942[0] : i32 from vector<1xi32>
      %dma_start3A_944 = arith.constant 8 : i32
      %dma_start3A_945 = arith.constant 0 : i32
      %dma_start3A_946 = arith.constant 0 : i32
      %dma_start3A_947 = tpu.memref_slice %arg11[%dma_start3A_944, %dma_start3A_945, %dma_start3A_946] : memref<16x8x32xf32, #tpu.memory_space<vmem>> -> memref<1x8x32xf32, #tpu.memory_space<vmem>>
      %dma_start3A_948 = tpu.memref_squeeze %dma_start3A_947 : memref<1x8x32xf32, #tpu.memory_space<vmem>> -> memref<8x32xf32, #tpu.memory_space<vmem>>
      %dma_start3A_949 = arith.constant 0 : i32
      %dma_start3A_950 = arith.constant 0 : i32
      %dma_start3A_951 = tpu.memref_slice %arg4[%squeeze3A_943, %dma_start3A_949, %dma_start3A_950] : memref<125000x8x32xf32, #tpu.memory_space<hbm>> -> memref<1x8x32xf32, #tpu.memory_space<hbm>>
      %dma_start3A_952 = tpu.memref_squeeze %dma_start3A_951 : memref<1x8x32xf32, #tpu.memory_space<hbm>> -> memref<8x32xf32, #tpu.memory_space<hbm>>
      %dma_start3A_953 = arith.constant 0 : i32
      %dma_start3A_954 = arith.constant 0 : i32
      %dma_start3A_955 = tpu.memref_slice %arg11[%dma_start3A_944, %dma_start3A_953, %dma_start3A_954] : memref<16x8x32xf32, #tpu.memory_space<vmem>> -> memref<1x8x32xf32, #tpu.memory_space<vmem>>
      %dma_start3A_956 = tpu.memref_squeeze %dma_start3A_955 : memref<1x8x32xf32, #tpu.memory_space<vmem>> -> memref<8x32xf32, #tpu.memory_space<vmem>>
      %dma_start3A_957 = arith.constant 0 : i32
      %dma_start3A_958 = arith.constant 0 : i32
      %dma_start3A_959 = tpu.memref_slice %arg4[%squeeze3A_943, %dma_start3A_957, %dma_start3A_958] : memref<125000x8x32xf32, #tpu.memory_space<hbm>> -> memref<1x8x32xf32, #tpu.memory_space<hbm>>
      %dma_start3A_960 = tpu.memref_squeeze %dma_start3A_959 : memref<1x8x32xf32, #tpu.memory_space<hbm>> -> memref<8x32xf32, #tpu.memory_space<hbm>>
      tpu.enqueue_dma source(%dma_start3A_960 : memref<8x32xf32, #tpu.memory_space<hbm>>) target(%dma_start3A_956 : memref<8x32xf32, #tpu.memory_space<vmem>>) target_semaphore(%arg15 : memref<!tpu.dma_semaphore, #tpu.memory_space<semaphore_mem>>)
      %slice3A_961 = vector.extract_strided_slice %shift_right_logical3A_637 {offsets = [8], sizes = [1], strides = [1]} : vector<16xi32> to vector<1xi32>
      %squeeze3A_962 = vector.extract %slice3A_961[0] : i32 from vector<1xi32>
      %dma_start3A_963 = arith.constant 8 : i32
      %dma_start3A_964 = arith.constant 0 : i32
      %dma_start3A_965 = arith.constant 0 : i32
      %dma_start3A_966 = tpu.memref_slice %arg12[%dma_start3A_963, %dma_start3A_964, %dma_start3A_965] : memref<16x8x32xf32, #tpu.memory_space<vmem>> -> memref<1x8x32xf32, #tpu.memory_space<vmem>>
      %dma_start3A_967 = tpu.memref_squeeze %dma_start3A_966 : memref<1x8x32xf32, #tpu.memory_space<vmem>> -> memref<8x32xf32, #tpu.memory_space<vmem>>
      %dma_start3A_968 = arith.constant 0 : i32
      %dma_start3A_969 = arith.constant 0 : i32
      %dma_start3A_970 = tpu.memref_slice %arg5[%squeeze3A_962, %dma_start3A_968, %dma_start3A_969] : memref<125000x8x32xf32, #tpu.memory_space<hbm>> -> memref<1x8x32xf32, #tpu.memory_space<hbm>>
      %dma_start3A_971 = tpu.memref_squeeze %dma_start3A_970 : memref<1x8x32xf32, #tpu.memory_space<hbm>> -> memref<8x32xf32, #tpu.memory_space<hbm>>
      %dma_start3A_972 = arith.constant 0 : i32
      %dma_start3A_973 = arith.constant 0 : i32
      %dma_start3A_974 = tpu.memref_slice %arg12[%dma_start3A_963, %dma_start3A_972, %dma_start3A_973] : memref<16x8x32xf32, #tpu.memory_space<vmem>> -> memref<1x8x32xf32, #tpu.memory_space<vmem>>
      %dma_start3A_975 = tpu.memref_squeeze %dma_start3A_974 : memref<1x8x32xf32, #tpu.memory_space<vmem>> -> memref<8x32xf32, #tpu.memory_space<vmem>>
      %dma_start3A_976 = arith.constant 0 : i32
      %dma_start3A_977 = arith.constant 0 : i32
      %dma_start3A_978 = tpu.memref_slice %arg5[%squeeze3A_962, %dma_start3A_976, %dma_start3A_977] : memref<125000x8x32xf32, #tpu.memory_space<hbm>> -> memref<1x8x32xf32, #tpu.memory_space<hbm>>
      %dma_start3A_979 = tpu.memref_squeeze %dma_start3A_978 : memref<1x8x32xf32, #tpu.memory_space<hbm>> -> memref<8x32xf32, #tpu.memory_space<hbm>>
      tpu.enqueue_dma source(%dma_start3A_979 : memref<8x32xf32, #tpu.memory_space<hbm>>) target(%dma_start3A_975 : memref<8x32xf32, #tpu.memory_space<vmem>>) target_semaphore(%arg15 : memref<!tpu.dma_semaphore, #tpu.memory_space<semaphore_mem>>)
      %slice3A_980 = vector.extract_strided_slice %shift_right_logical3A_632 {offsets = [9], sizes = [1], strides = [1]} : vector<16xi32> to vector<1xi32>
      %squeeze3A_981 = vector.extract %slice3A_980[0] : i32 from vector<1xi32>
      %dma_start3A_982 = arith.constant 9 : i32
      %dma_start3A_983 = arith.constant 0 : i32
      %dma_start3A_984 = arith.constant 0 : i32
      %dma_start3A_985 = tpu.memref_slice %arg11[%dma_start3A_982, %dma_start3A_983, %dma_start3A_984] : memref<16x8x32xf32, #tpu.memory_space<vmem>> -> memref<1x8x32xf32, #tpu.memory_space<vmem>>
      %dma_start3A_986 = tpu.memref_squeeze %dma_start3A_985 : memref<1x8x32xf32, #tpu.memory_space<vmem>> -> memref<8x32xf32, #tpu.memory_space<vmem>>
      %dma_start3A_987 = arith.constant 0 : i32
      %dma_start3A_988 = arith.constant 0 : i32
      %dma_start3A_989 = tpu.memref_slice %arg4[%squeeze3A_981, %dma_start3A_987, %dma_start3A_988] : memref<125000x8x32xf32, #tpu.memory_space<hbm>> -> memref<1x8x32xf32, #tpu.memory_space<hbm>>
      %dma_start3A_990 = tpu.memref_squeeze %dma_start3A_989 : memref<1x8x32xf32, #tpu.memory_space<hbm>> -> memref<8x32xf32, #tpu.memory_space<hbm>>
      %dma_start3A_991 = arith.constant 0 : i32
      %dma_start3A_992 = arith.constant 0 : i32
      %dma_start3A_993 = tpu.memref_slice %arg11[%dma_start3A_982, %dma_start3A_991, %dma_start3A_992] : memref<16x8x32xf32, #tpu.memory_space<vmem>> -> memref<1x8x32xf32, #tpu.memory_space<vmem>>
      %dma_start3A_994 = tpu.memref_squeeze %dma_start3A_993 : memref<1x8x32xf32, #tpu.memory_space<vmem>> -> memref<8x32xf32, #tpu.memory_space<vmem>>
      %dma_start3A_995 = arith.constant 0 : i32
      %dma_start3A_996 = arith.constant 0 : i32
      %dma_start3A_997 = tpu.memref_slice %arg4[%squeeze3A_981, %dma_start3A_995, %dma_start3A_996] : memref<125000x8x32xf32, #tpu.memory_space<hbm>> -> memref<1x8x32xf32, #tpu.memory_space<hbm>>
      %dma_start3A_998 = tpu.memref_squeeze %dma_start3A_997 : memref<1x8x32xf32, #tpu.memory_space<hbm>> -> memref<8x32xf32, #tpu.memory_space<hbm>>
      tpu.enqueue_dma source(%dma_start3A_998 : memref<8x32xf32, #tpu.memory_space<hbm>>) target(%dma_start3A_994 : memref<8x32xf32, #tpu.memory_space<vmem>>) target_semaphore(%arg15 : memref<!tpu.dma_semaphore, #tpu.memory_space<semaphore_mem>>)
      %slice3A_999 = vector.extract_strided_slice %shift_right_logical3A_637 {offsets = [9], sizes = [1], strides = [1]} : vector<16xi32> to vector<1xi32>
      %squeeze3A_1000 = vector.extract %slice3A_999[0] : i32 from vector<1xi32>
      %dma_start3A_1001 = arith.constant 9 : i32
      %dma_start3A_1002 = arith.constant 0 : i32
      %dma_start3A_1003 = arith.constant 0 : i32
      %dma_start3A_1004 = tpu.memref_slice %arg12[%dma_start3A_1001, %dma_start3A_1002, %dma_start3A_1003] : memref<16x8x32xf32, #tpu.memory_space<vmem>> -> memref<1x8x32xf32, #tpu.memory_space<vmem>>
      %dma_start3A_1005 = tpu.memref_squeeze %dma_start3A_1004 : memref<1x8x32xf32, #tpu.memory_space<vmem>> -> memref<8x32xf32, #tpu.memory_space<vmem>>
      %dma_start3A_1006 = arith.constant 0 : i32
      %dma_start3A_1007 = arith.constant 0 : i32
      %dma_start3A_1008 = tpu.memref_slice %arg5[%squeeze3A_1000, %dma_start3A_1006, %dma_start3A_1007] : memref<125000x8x32xf32, #tpu.memory_space<hbm>> -> memref<1x8x32xf32, #tpu.memory_space<hbm>>
      %dma_start3A_1009 = tpu.memref_squeeze %dma_start3A_1008 : memref<1x8x32xf32, #tpu.memory_space<hbm>> -> memref<8x32xf32, #tpu.memory_space<hbm>>
      %dma_start3A_1010 = arith.constant 0 : i32
      %dma_start3A_1011 = arith.constant 0 : i32
      %dma_start3A_1012 = tpu.memref_slice %arg12[%dma_start3A_1001, %dma_start3A_1010, %dma_start3A_1011] : memref<16x8x32xf32, #tpu.memory_space<vmem>> -> memref<1x8x32xf32, #tpu.memory_space<vmem>>
      %dma_start3A_1013 = tpu.memref_squeeze %dma_start3A_1012 : memref<1x8x32xf32, #tpu.memory_space<vmem>> -> memref<8x32xf32, #tpu.memory_space<vmem>>
      %dma_start3A_1014 = arith.constant 0 : i32
      %dma_start3A_1015 = arith.constant 0 : i32
      %dma_start3A_1016 = tpu.memref_slice %arg5[%squeeze3A_1000, %dma_start3A_1014, %dma_start3A_1015] : memref<125000x8x32xf32, #tpu.memory_space<hbm>> -> memref<1x8x32xf32, #tpu.memory_space<hbm>>
      %dma_start3A_1017 = tpu.memref_squeeze %dma_start3A_1016 : memref<1x8x32xf32, #tpu.memory_space<hbm>> -> memref<8x32xf32, #tpu.memory_space<hbm>>
      tpu.enqueue_dma source(%dma_start3A_1017 : memref<8x32xf32, #tpu.memory_space<hbm>>) target(%dma_start3A_1013 : memref<8x32xf32, #tpu.memory_space<vmem>>) target_semaphore(%arg15 : memref<!tpu.dma_semaphore, #tpu.memory_space<semaphore_mem>>)
      %slice3A_1018 = vector.extract_strided_slice %shift_right_logical3A_632 {offsets = [10], sizes = [1], strides = [1]} : vector<16xi32> to vector<1xi32>
      %squeeze3A_1019 = vector.extract %slice3A_1018[0] : i32 from vector<1xi32>
      %dma_start3A_1020 = arith.constant 10 : i32
      %dma_start3A_1021 = arith.constant 0 : i32
      %dma_start3A_1022 = arith.constant 0 : i32
      %dma_start3A_1023 = tpu.memref_slice %arg11[%dma_start3A_1020, %dma_start3A_1021, %dma_start3A_1022] : memref<16x8x32xf32, #tpu.memory_space<vmem>> -> memref<1x8x32xf32, #tpu.memory_space<vmem>>
      %dma_start3A_1024 = tpu.memref_squeeze %dma_start3A_1023 : memref<1x8x32xf32, #tpu.memory_space<vmem>> -> memref<8x32xf32, #tpu.memory_space<vmem>>
      %dma_start3A_1025 = arith.constant 0 : i32
      %dma_start3A_1026 = arith.constant 0 : i32
      %dma_start3A_1027 = tpu.memref_slice %arg4[%squeeze3A_1019, %dma_start3A_1025, %dma_start3A_1026] : memref<125000x8x32xf32, #tpu.memory_space<hbm>> -> memref<1x8x32xf32, #tpu.memory_space<hbm>>
      %dma_start3A_1028 = tpu.memref_squeeze %dma_start3A_1027 : memref<1x8x32xf32, #tpu.memory_space<hbm>> -> memref<8x32xf32, #tpu.memory_space<hbm>>
      %dma_start3A_1029 = arith.constant 0 : i32
      %dma_start3A_1030 = arith.constant 0 : i32
      %dma_start3A_1031 = tpu.memref_slice %arg11[%dma_start3A_1020, %dma_start3A_1029, %dma_start3A_1030] : memref<16x8x32xf32, #tpu.memory_space<vmem>> -> memref<1x8x32xf32, #tpu.memory_space<vmem>>
      %dma_start3A_1032 = tpu.memref_squeeze %dma_start3A_1031 : memref<1x8x32xf32, #tpu.memory_space<vmem>> -> memref<8x32xf32, #tpu.memory_space<vmem>>
      %dma_start3A_1033 = arith.constant 0 : i32
      %dma_start3A_1034 = arith.constant 0 : i32
      %dma_start3A_1035 = tpu.memref_slice %arg4[%squeeze3A_1019, %dma_start3A_1033, %dma_start3A_1034] : memref<125000x8x32xf32, #tpu.memory_space<hbm>> -> memref<1x8x32xf32, #tpu.memory_space<hbm>>
      %dma_start3A_1036 = tpu.memref_squeeze %dma_start3A_1035 : memref<1x8x32xf32, #tpu.memory_space<hbm>> -> memref<8x32xf32, #tpu.memory_space<hbm>>
      tpu.enqueue_dma source(%dma_start3A_1036 : memref<8x32xf32, #tpu.memory_space<hbm>>) target(%dma_start3A_1032 : memref<8x32xf32, #tpu.memory_space<vmem>>) target_semaphore(%arg15 : memref<!tpu.dma_semaphore, #tpu.memory_space<semaphore_mem>>)
      %slice3A_1037 = vector.extract_strided_slice %shift_right_logical3A_637 {offsets = [10], sizes = [1], strides = [1]} : vector<16xi32> to vector<1xi32>
      %squeeze3A_1038 = vector.extract %slice3A_1037[0] : i32 from vector<1xi32>
      %dma_start3A_1039 = arith.constant 10 : i32
      %dma_start3A_1040 = arith.constant 0 : i32
      %dma_start3A_1041 = arith.constant 0 : i32
      %dma_start3A_1042 = tpu.memref_slice %arg12[%dma_start3A_1039, %dma_start3A_1040, %dma_start3A_1041] : memref<16x8x32xf32, #tpu.memory_space<vmem>> -> memref<1x8x32xf32, #tpu.memory_space<vmem>>
      %dma_start3A_1043 = tpu.memref_squeeze %dma_start3A_1042 : memref<1x8x32xf32, #tpu.memory_space<vmem>> -> memref<8x32xf32, #tpu.memory_space<vmem>>
      %dma_start3A_1044 = arith.constant 0 : i32
      %dma_start3A_1045 = arith.constant 0 : i32
      %dma_start3A_1046 = tpu.memref_slice %arg5[%squeeze3A_1038, %dma_start3A_1044, %dma_start3A_1045] : memref<125000x8x32xf32, #tpu.memory_space<hbm>> -> memref<1x8x32xf32, #tpu.memory_space<hbm>>
      %dma_start3A_1047 = tpu.memref_squeeze %dma_start3A_1046 : memref<1x8x32xf32, #tpu.memory_space<hbm>> -> memref<8x32xf32, #tpu.memory_space<hbm>>
      %dma_start3A_1048 = arith.constant 0 : i32
      %dma_start3A_1049 = arith.constant 0 : i32
      %dma_start3A_1050 = tpu.memref_slice %arg12[%dma_start3A_1039, %dma_start3A_1048, %dma_start3A_1049] : memref<16x8x32xf32, #tpu.memory_space<vmem>> -> memref<1x8x32xf32, #tpu.memory_space<vmem>>
      %dma_start3A_1051 = tpu.memref_squeeze %dma_start3A_1050 : memref<1x8x32xf32, #tpu.memory_space<vmem>> -> memref<8x32xf32, #tpu.memory_space<vmem>>
      %dma_start3A_1052 = arith.constant 0 : i32
      %dma_start3A_1053 = arith.constant 0 : i32
      %dma_start3A_1054 = tpu.memref_slice %arg5[%squeeze3A_1038, %dma_start3A_1052, %dma_start3A_1053] : memref<125000x8x32xf32, #tpu.memory_space<hbm>> -> memref<1x8x32xf32, #tpu.memory_space<hbm>>
      %dma_start3A_1055 = tpu.memref_squeeze %dma_start3A_1054 : memref<1x8x32xf32, #tpu.memory_space<hbm>> -> memref<8x32xf32, #tpu.memory_space<hbm>>
      tpu.enqueue_dma source(%dma_start3A_1055 : memref<8x32xf32, #tpu.memory_space<hbm>>) target(%dma_start3A_1051 : memref<8x32xf32, #tpu.memory_space<vmem>>) target_semaphore(%arg15 : memref<!tpu.dma_semaphore, #tpu.memory_space<semaphore_mem>>)
      %slice3A_1056 = vector.extract_strided_slice %shift_right_logical3A_632 {offsets = [11], sizes = [1], strides = [1]} : vector<16xi32> to vector<1xi32>
      %squeeze3A_1057 = vector.extract %slice3A_1056[0] : i32 from vector<1xi32>
      %dma_start3A_1058 = arith.constant 11 : i32
      %dma_start3A_1059 = arith.constant 0 : i32
      %dma_start3A_1060 = arith.constant 0 : i32
      %dma_start3A_1061 = tpu.memref_slice %arg11[%dma_start3A_1058, %dma_start3A_1059, %dma_start3A_1060] : memref<16x8x32xf32, #tpu.memory_space<vmem>> -> memref<1x8x32xf32, #tpu.memory_space<vmem>>
      %dma_start3A_1062 = tpu.memref_squeeze %dma_start3A_1061 : memref<1x8x32xf32, #tpu.memory_space<vmem>> -> memref<8x32xf32, #tpu.memory_space<vmem>>
      %dma_start3A_1063 = arith.constant 0 : i32
      %dma_start3A_1064 = arith.constant 0 : i32
      %dma_start3A_1065 = tpu.memref_slice %arg4[%squeeze3A_1057, %dma_start3A_1063, %dma_start3A_1064] : memref<125000x8x32xf32, #tpu.memory_space<hbm>> -> memref<1x8x32xf32, #tpu.memory_space<hbm>>
      %dma_start3A_1066 = tpu.memref_squeeze %dma_start3A_1065 : memref<1x8x32xf32, #tpu.memory_space<hbm>> -> memref<8x32xf32, #tpu.memory_space<hbm>>
      %dma_start3A_1067 = arith.constant 0 : i32
      %dma_start3A_1068 = arith.constant 0 : i32
      %dma_start3A_1069 = tpu.memref_slice %arg11[%dma_start3A_1058, %dma_start3A_1067, %dma_start3A_1068] : memref<16x8x32xf32, #tpu.memory_space<vmem>> -> memref<1x8x32xf32, #tpu.memory_space<vmem>>
      %dma_start3A_1070 = tpu.memref_squeeze %dma_start3A_1069 : memref<1x8x32xf32, #tpu.memory_space<vmem>> -> memref<8x32xf32, #tpu.memory_space<vmem>>
      %dma_start3A_1071 = arith.constant 0 : i32
      %dma_start3A_1072 = arith.constant 0 : i32
      %dma_start3A_1073 = tpu.memref_slice %arg4[%squeeze3A_1057, %dma_start3A_1071, %dma_start3A_1072] : memref<125000x8x32xf32, #tpu.memory_space<hbm>> -> memref<1x8x32xf32, #tpu.memory_space<hbm>>
      %dma_start3A_1074 = tpu.memref_squeeze %dma_start3A_1073 : memref<1x8x32xf32, #tpu.memory_space<hbm>> -> memref<8x32xf32, #tpu.memory_space<hbm>>
      tpu.enqueue_dma source(%dma_start3A_1074 : memref<8x32xf32, #tpu.memory_space<hbm>>) target(%dma_start3A_1070 : memref<8x32xf32, #tpu.memory_space<vmem>>) target_semaphore(%arg15 : memref<!tpu.dma_semaphore, #tpu.memory_space<semaphore_mem>>)
      %slice3A_1075 = vector.extract_strided_slice %shift_right_logical3A_637 {offsets = [11], sizes = [1], strides = [1]} : vector<16xi32> to vector<1xi32>
      %squeeze3A_1076 = vector.extract %slice3A_1075[0] : i32 from vector<1xi32>
      %dma_start3A_1077 = arith.constant 11 : i32
      %dma_start3A_1078 = arith.constant 0 : i32
      %dma_start3A_1079 = arith.constant 0 : i32
      %dma_start3A_1080 = tpu.memref_slice %arg12[%dma_start3A_1077, %dma_start3A_1078, %dma_start3A_1079] : memref<16x8x32xf32, #tpu.memory_space<vmem>> -> memref<1x8x32xf32, #tpu.memory_space<vmem>>
      %dma_start3A_1081 = tpu.memref_squeeze %dma_start3A_1080 : memref<1x8x32xf32, #tpu.memory_space<vmem>> -> memref<8x32xf32, #tpu.memory_space<vmem>>
      %dma_start3A_1082 = arith.constant 0 : i32
      %dma_start3A_1083 = arith.constant 0 : i32
      %dma_start3A_1084 = tpu.memref_slice %arg5[%squeeze3A_1076, %dma_start3A_1082, %dma_start3A_1083] : memref<125000x8x32xf32, #tpu.memory_space<hbm>> -> memref<1x8x32xf32, #tpu.memory_space<hbm>>
      %dma_start3A_1085 = tpu.memref_squeeze %dma_start3A_1084 : memref<1x8x32xf32, #tpu.memory_space<hbm>> -> memref<8x32xf32, #tpu.memory_space<hbm>>
      %dma_start3A_1086 = arith.constant 0 : i32
      %dma_start3A_1087 = arith.constant 0 : i32
      %dma_start3A_1088 = tpu.memref_slice %arg12[%dma_start3A_1077, %dma_start3A_1086, %dma_start3A_1087] : memref<16x8x32xf32, #tpu.memory_space<vmem>> -> memref<1x8x32xf32, #tpu.memory_space<vmem>>
      %dma_start3A_1089 = tpu.memref_squeeze %dma_start3A_1088 : memref<1x8x32xf32, #tpu.memory_space<vmem>> -> memref<8x32xf32, #tpu.memory_space<vmem>>
      %dma_start3A_1090 = arith.constant 0 : i32
      %dma_start3A_1091 = arith.constant 0 : i32
      %dma_start3A_1092 = tpu.memref_slice %arg5[%squeeze3A_1076, %dma_start3A_1090, %dma_start3A_1091] : memref<125000x8x32xf32, #tpu.memory_space<hbm>> -> memref<1x8x32xf32, #tpu.memory_space<hbm>>
      %dma_start3A_1093 = tpu.memref_squeeze %dma_start3A_1092 : memref<1x8x32xf32, #tpu.memory_space<hbm>> -> memref<8x32xf32, #tpu.memory_space<hbm>>
      tpu.enqueue_dma source(%dma_start3A_1093 : memref<8x32xf32, #tpu.memory_space<hbm>>) target(%dma_start3A_1089 : memref<8x32xf32, #tpu.memory_space<vmem>>) target_semaphore(%arg15 : memref<!tpu.dma_semaphore, #tpu.memory_space<semaphore_mem>>)
      %slice3A_1094 = vector.extract_strided_slice %shift_right_logical3A_632 {offsets = [12], sizes = [1], strides = [1]} : vector<16xi32> to vector<1xi32>
      %squeeze3A_1095 = vector.extract %slice3A_1094[0] : i32 from vector<1xi32>
      %dma_start3A_1096 = arith.constant 12 : i32
      %dma_start3A_1097 = arith.constant 0 : i32
      %dma_start3A_1098 = arith.constant 0 : i32
      %dma_start3A_1099 = tpu.memref_slice %arg11[%dma_start3A_1096, %dma_start3A_1097, %dma_start3A_1098] : memref<16x8x32xf32, #tpu.memory_space<vmem>> -> memref<1x8x32xf32, #tpu.memory_space<vmem>>
      %dma_start3A_1100 = tpu.memref_squeeze %dma_start3A_1099 : memref<1x8x32xf32, #tpu.memory_space<vmem>> -> memref<8x32xf32, #tpu.memory_space<vmem>>
      %dma_start3A_1101 = arith.constant 0 : i32
      %dma_start3A_1102 = arith.constant 0 : i32
      %dma_start3A_1103 = tpu.memref_slice %arg4[%squeeze3A_1095, %dma_start3A_1101, %dma_start3A_1102] : memref<125000x8x32xf32, #tpu.memory_space<hbm>> -> memref<1x8x32xf32, #tpu.memory_space<hbm>>
      %dma_start3A_1104 = tpu.memref_squeeze %dma_start3A_1103 : memref<1x8x32xf32, #tpu.memory_space<hbm>> -> memref<8x32xf32, #tpu.memory_space<hbm>>
      %dma_start3A_1105 = arith.constant 0 : i32
      %dma_start3A_1106 = arith.constant 0 : i32
      %dma_start3A_1107 = tpu.memref_slice %arg11[%dma_start3A_1096, %dma_start3A_1105, %dma_start3A_1106] : memref<16x8x32xf32, #tpu.memory_space<vmem>> -> memref<1x8x32xf32, #tpu.memory_space<vmem>>
      %dma_start3A_1108 = tpu.memref_squeeze %dma_start3A_1107 : memref<1x8x32xf32, #tpu.memory_space<vmem>> -> memref<8x32xf32, #tpu.memory_space<vmem>>
      %dma_start3A_1109 = arith.constant 0 : i32
      %dma_start3A_1110 = arith.constant 0 : i32
      %dma_start3A_1111 = tpu.memref_slice %arg4[%squeeze3A_1095, %dma_start3A_1109, %dma_start3A_1110] : memref<125000x8x32xf32, #tpu.memory_space<hbm>> -> memref<1x8x32xf32, #tpu.memory_space<hbm>>
      %dma_start3A_1112 = tpu.memref_squeeze %dma_start3A_1111 : memref<1x8x32xf32, #tpu.memory_space<hbm>> -> memref<8x32xf32, #tpu.memory_space<hbm>>
      tpu.enqueue_dma source(%dma_start3A_1112 : memref<8x32xf32, #tpu.memory_space<hbm>>) target(%dma_start3A_1108 : memref<8x32xf32, #tpu.memory_space<vmem>>) target_semaphore(%arg15 : memref<!tpu.dma_semaphore, #tpu.memory_space<semaphore_mem>>)
      %slice3A_1113 = vector.extract_strided_slice %shift_right_logical3A_637 {offsets = [12], sizes = [1], strides = [1]} : vector<16xi32> to vector<1xi32>
      %squeeze3A_1114 = vector.extract %slice3A_1113[0] : i32 from vector<1xi32>
      %dma_start3A_1115 = arith.constant 12 : i32
      %dma_start3A_1116 = arith.constant 0 : i32
      %dma_start3A_1117 = arith.constant 0 : i32
      %dma_start3A_1118 = tpu.memref_slice %arg12[%dma_start3A_1115, %dma_start3A_1116, %dma_start3A_1117] : memref<16x8x32xf32, #tpu.memory_space<vmem>> -> memref<1x8x32xf32, #tpu.memory_space<vmem>>
      %dma_start3A_1119 = tpu.memref_squeeze %dma_start3A_1118 : memref<1x8x32xf32, #tpu.memory_space<vmem>> -> memref<8x32xf32, #tpu.memory_space<vmem>>
      %dma_start3A_1120 = arith.constant 0 : i32
      %dma_start3A_1121 = arith.constant 0 : i32
      %dma_start3A_1122 = tpu.memref_slice %arg5[%squeeze3A_1114, %dma_start3A_1120, %dma_start3A_1121] : memref<125000x8x32xf32, #tpu.memory_space<hbm>> -> memref<1x8x32xf32, #tpu.memory_space<hbm>>
      %dma_start3A_1123 = tpu.memref_squeeze %dma_start3A_1122 : memref<1x8x32xf32, #tpu.memory_space<hbm>> -> memref<8x32xf32, #tpu.memory_space<hbm>>
      %dma_start3A_1124 = arith.constant 0 : i32
      %dma_start3A_1125 = arith.constant 0 : i32
      %dma_start3A_1126 = tpu.memref_slice %arg12[%dma_start3A_1115, %dma_start3A_1124, %dma_start3A_1125] : memref<16x8x32xf32, #tpu.memory_space<vmem>> -> memref<1x8x32xf32, #tpu.memory_space<vmem>>
      %dma_start3A_1127 = tpu.memref_squeeze %dma_start3A_1126 : memref<1x8x32xf32, #tpu.memory_space<vmem>> -> memref<8x32xf32, #tpu.memory_space<vmem>>
      %dma_start3A_1128 = arith.constant 0 : i32
      %dma_start3A_1129 = arith.constant 0 : i32
      %dma_start3A_1130 = tpu.memref_slice %arg5[%squeeze3A_1114, %dma_start3A_1128, %dma_start3A_1129] : memref<125000x8x32xf32, #tpu.memory_space<hbm>> -> memref<1x8x32xf32, #tpu.memory_space<hbm>>
      %dma_start3A_1131 = tpu.memref_squeeze %dma_start3A_1130 : memref<1x8x32xf32, #tpu.memory_space<hbm>> -> memref<8x32xf32, #tpu.memory_space<hbm>>
      tpu.enqueue_dma source(%dma_start3A_1131 : memref<8x32xf32, #tpu.memory_space<hbm>>) target(%dma_start3A_1127 : memref<8x32xf32, #tpu.memory_space<vmem>>) target_semaphore(%arg15 : memref<!tpu.dma_semaphore, #tpu.memory_space<semaphore_mem>>)
      %slice3A_1132 = vector.extract_strided_slice %shift_right_logical3A_632 {offsets = [13], sizes = [1], strides = [1]} : vector<16xi32> to vector<1xi32>
      %squeeze3A_1133 = vector.extract %slice3A_1132[0] : i32 from vector<1xi32>
      %dma_start3A_1134 = arith.constant 13 : i32
      %dma_start3A_1135 = arith.constant 0 : i32
      %dma_start3A_1136 = arith.constant 0 : i32
      %dma_start3A_1137 = tpu.memref_slice %arg11[%dma_start3A_1134, %dma_start3A_1135, %dma_start3A_1136] : memref<16x8x32xf32, #tpu.memory_space<vmem>> -> memref<1x8x32xf32, #tpu.memory_space<vmem>>
      %dma_start3A_1138 = tpu.memref_squeeze %dma_start3A_1137 : memref<1x8x32xf32, #tpu.memory_space<vmem>> -> memref<8x32xf32, #tpu.memory_space<vmem>>
      %dma_start3A_1139 = arith.constant 0 : i32
      %dma_start3A_1140 = arith.constant 0 : i32
      %dma_start3A_1141 = tpu.memref_slice %arg4[%squeeze3A_1133, %dma_start3A_1139, %dma_start3A_1140] : memref<125000x8x32xf32, #tpu.memory_space<hbm>> -> memref<1x8x32xf32, #tpu.memory_space<hbm>>
      %dma_start3A_1142 = tpu.memref_squeeze %dma_start3A_1141 : memref<1x8x32xf32, #tpu.memory_space<hbm>> -> memref<8x32xf32, #tpu.memory_space<hbm>>
      %dma_start3A_1143 = arith.constant 0 : i32
      %dma_start3A_1144 = arith.constant 0 : i32
      %dma_start3A_1145 = tpu.memref_slice %arg11[%dma_start3A_1134, %dma_start3A_1143, %dma_start3A_1144] : memref<16x8x32xf32, #tpu.memory_space<vmem>> -> memref<1x8x32xf32, #tpu.memory_space<vmem>>
      %dma_start3A_1146 = tpu.memref_squeeze %dma_start3A_1145 : memref<1x8x32xf32, #tpu.memory_space<vmem>> -> memref<8x32xf32, #tpu.memory_space<vmem>>
      %dma_start3A_1147 = arith.constant 0 : i32
      %dma_start3A_1148 = arith.constant 0 : i32
      %dma_start3A_1149 = tpu.memref_slice %arg4[%squeeze3A_1133, %dma_start3A_1147, %dma_start3A_1148] : memref<125000x8x32xf32, #tpu.memory_space<hbm>> -> memref<1x8x32xf32, #tpu.memory_space<hbm>>
      %dma_start3A_1150 = tpu.memref_squeeze %dma_start3A_1149 : memref<1x8x32xf32, #tpu.memory_space<hbm>> -> memref<8x32xf32, #tpu.memory_space<hbm>>
      tpu.enqueue_dma source(%dma_start3A_1150 : memref<8x32xf32, #tpu.memory_space<hbm>>) target(%dma_start3A_1146 : memref<8x32xf32, #tpu.memory_space<vmem>>) target_semaphore(%arg15 : memref<!tpu.dma_semaphore, #tpu.memory_space<semaphore_mem>>)
      %slice3A_1151 = vector.extract_strided_slice %shift_right_logical3A_637 {offsets = [13], sizes = [1], strides = [1]} : vector<16xi32> to vector<1xi32>
      %squeeze3A_1152 = vector.extract %slice3A_1151[0] : i32 from vector<1xi32>
      %dma_start3A_1153 = arith.constant 13 : i32
      %dma_start3A_1154 = arith.constant 0 : i32
      %dma_start3A_1155 = arith.constant 0 : i32
      %dma_start3A_1156 = tpu.memref_slice %arg12[%dma_start3A_1153, %dma_start3A_1154, %dma_start3A_1155] : memref<16x8x32xf32, #tpu.memory_space<vmem>> -> memref<1x8x32xf32, #tpu.memory_space<vmem>>
      %dma_start3A_1157 = tpu.memref_squeeze %dma_start3A_1156 : memref<1x8x32xf32, #tpu.memory_space<vmem>> -> memref<8x32xf32, #tpu.memory_space<vmem>>
      %dma_start3A_1158 = arith.constant 0 : i32
      %dma_start3A_1159 = arith.constant 0 : i32
      %dma_start3A_1160 = tpu.memref_slice %arg5[%squeeze3A_1152, %dma_start3A_1158, %dma_start3A_1159] : memref<125000x8x32xf32, #tpu.memory_space<hbm>> -> memref<1x8x32xf32, #tpu.memory_space<hbm>>
      %dma_start3A_1161 = tpu.memref_squeeze %dma_start3A_1160 : memref<1x8x32xf32, #tpu.memory_space<hbm>> -> memref<8x32xf32, #tpu.memory_space<hbm>>
      %dma_start3A_1162 = arith.constant 0 : i32
      %dma_start3A_1163 = arith.constant 0 : i32
      %dma_start3A_1164 = tpu.memref_slice %arg12[%dma_start3A_1153, %dma_start3A_1162, %dma_start3A_1163] : memref<16x8x32xf32, #tpu.memory_space<vmem>> -> memref<1x8x32xf32, #tpu.memory_space<vmem>>
      %dma_start3A_1165 = tpu.memref_squeeze %dma_start3A_1164 : memref<1x8x32xf32, #tpu.memory_space<vmem>> -> memref<8x32xf32, #tpu.memory_space<vmem>>
      %dma_start3A_1166 = arith.constant 0 : i32
      %dma_start3A_1167 = arith.constant 0 : i32
      %dma_start3A_1168 = tpu.memref_slice %arg5[%squeeze3A_1152, %dma_start3A_1166, %dma_start3A_1167] : memref<125000x8x32xf32, #tpu.memory_space<hbm>> -> memref<1x8x32xf32, #tpu.memory_space<hbm>>
      %dma_start3A_1169 = tpu.memref_squeeze %dma_start3A_1168 : memref<1x8x32xf32, #tpu.memory_space<hbm>> -> memref<8x32xf32, #tpu.memory_space<hbm>>
      tpu.enqueue_dma source(%dma_start3A_1169 : memref<8x32xf32, #tpu.memory_space<hbm>>) target(%dma_start3A_1165 : memref<8x32xf32, #tpu.memory_space<vmem>>) target_semaphore(%arg15 : memref<!tpu.dma_semaphore, #tpu.memory_space<semaphore_mem>>)
      %slice3A_1170 = vector.extract_strided_slice %shift_right_logical3A_632 {offsets = [14], sizes = [1], strides = [1]} : vector<16xi32> to vector<1xi32>
      %squeeze3A_1171 = vector.extract %slice3A_1170[0] : i32 from vector<1xi32>
      %dma_start3A_1172 = arith.constant 14 : i32
      %dma_start3A_1173 = arith.constant 0 : i32
      %dma_start3A_1174 = arith.constant 0 : i32
      %dma_start3A_1175 = tpu.memref_slice %arg11[%dma_start3A_1172, %dma_start3A_1173, %dma_start3A_1174] : memref<16x8x32xf32, #tpu.memory_space<vmem>> -> memref<1x8x32xf32, #tpu.memory_space<vmem>>
      %dma_start3A_1176 = tpu.memref_squeeze %dma_start3A_1175 : memref<1x8x32xf32, #tpu.memory_space<vmem>> -> memref<8x32xf32, #tpu.memory_space<vmem>>
      %dma_start3A_1177 = arith.constant 0 : i32
      %dma_start3A_1178 = arith.constant 0 : i32
      %dma_start3A_1179 = tpu.memref_slice %arg4[%squeeze3A_1171, %dma_start3A_1177, %dma_start3A_1178] : memref<125000x8x32xf32, #tpu.memory_space<hbm>> -> memref<1x8x32xf32, #tpu.memory_space<hbm>>
      %dma_start3A_1180 = tpu.memref_squeeze %dma_start3A_1179 : memref<1x8x32xf32, #tpu.memory_space<hbm>> -> memref<8x32xf32, #tpu.memory_space<hbm>>
      %dma_start3A_1181 = arith.constant 0 : i32
      %dma_start3A_1182 = arith.constant 0 : i32
      %dma_start3A_1183 = tpu.memref_slice %arg11[%dma_start3A_1172, %dma_start3A_1181, %dma_start3A_1182] : memref<16x8x32xf32, #tpu.memory_space<vmem>> -> memref<1x8x32xf32, #tpu.memory_space<vmem>>
      %dma_start3A_1184 = tpu.memref_squeeze %dma_start3A_1183 : memref<1x8x32xf32, #tpu.memory_space<vmem>> -> memref<8x32xf32, #tpu.memory_space<vmem>>
      %dma_start3A_1185 = arith.constant 0 : i32
      %dma_start3A_1186 = arith.constant 0 : i32
      %dma_start3A_1187 = tpu.memref_slice %arg4[%squeeze3A_1171, %dma_start3A_1185, %dma_start3A_1186] : memref<125000x8x32xf32, #tpu.memory_space<hbm>> -> memref<1x8x32xf32, #tpu.memory_space<hbm>>
      %dma_start3A_1188 = tpu.memref_squeeze %dma_start3A_1187 : memref<1x8x32xf32, #tpu.memory_space<hbm>> -> memref<8x32xf32, #tpu.memory_space<hbm>>
      tpu.enqueue_dma source(%dma_start3A_1188 : memref<8x32xf32, #tpu.memory_space<hbm>>) target(%dma_start3A_1184 : memref<8x32xf32, #tpu.memory_space<vmem>>) target_semaphore(%arg15 : memref<!tpu.dma_semaphore, #tpu.memory_space<semaphore_mem>>)
      %slice3A_1189 = vector.extract_strided_slice %shift_right_logical3A_637 {offsets = [14], sizes = [1], strides = [1]} : vector<16xi32> to vector<1xi32>
      %squeeze3A_1190 = vector.extract %slice3A_1189[0] : i32 from vector<1xi32>
      %dma_start3A_1191 = arith.constant 14 : i32
      %dma_start3A_1192 = arith.constant 0 : i32
      %dma_start3A_1193 = arith.constant 0 : i32
      %dma_start3A_1194 = tpu.memref_slice %arg12[%dma_start3A_1191, %dma_start3A_1192, %dma_start3A_1193] : memref<16x8x32xf32, #tpu.memory_space<vmem>> -> memref<1x8x32xf32, #tpu.memory_space<vmem>>
      %dma_start3A_1195 = tpu.memref_squeeze %dma_start3A_1194 : memref<1x8x32xf32, #tpu.memory_space<vmem>> -> memref<8x32xf32, #tpu.memory_space<vmem>>
      %dma_start3A_1196 = arith.constant 0 : i32
      %dma_start3A_1197 = arith.constant 0 : i32
      %dma_start3A_1198 = tpu.memref_slice %arg5[%squeeze3A_1190, %dma_start3A_1196, %dma_start3A_1197] : memref<125000x8x32xf32, #tpu.memory_space<hbm>> -> memref<1x8x32xf32, #tpu.memory_space<hbm>>
      %dma_start3A_1199 = tpu.memref_squeeze %dma_start3A_1198 : memref<1x8x32xf32, #tpu.memory_space<hbm>> -> memref<8x32xf32, #tpu.memory_space<hbm>>
      %dma_start3A_1200 = arith.constant 0 : i32
      %dma_start3A_1201 = arith.constant 0 : i32
      %dma_start3A_1202 = tpu.memref_slice %arg12[%dma_start3A_1191, %dma_start3A_1200, %dma_start3A_1201] : memref<16x8x32xf32, #tpu.memory_space<vmem>> -> memref<1x8x32xf32, #tpu.memory_space<vmem>>
      %dma_start3A_1203 = tpu.memref_squeeze %dma_start3A_1202 : memref<1x8x32xf32, #tpu.memory_space<vmem>> -> memref<8x32xf32, #tpu.memory_space<vmem>>
      %dma_start3A_1204 = arith.constant 0 : i32
      %dma_start3A_1205 = arith.constant 0 : i32
      %dma_start3A_1206 = tpu.memref_slice %arg5[%squeeze3A_1190, %dma_start3A_1204, %dma_start3A_1205] : memref<125000x8x32xf32, #tpu.memory_space<hbm>> -> memref<1x8x32xf32, #tpu.memory_space<hbm>>
      %dma_start3A_1207 = tpu.memref_squeeze %dma_start3A_1206 : memref<1x8x32xf32, #tpu.memory_space<hbm>> -> memref<8x32xf32, #tpu.memory_space<hbm>>
      tpu.enqueue_dma source(%dma_start3A_1207 : memref<8x32xf32, #tpu.memory_space<hbm>>) target(%dma_start3A_1203 : memref<8x32xf32, #tpu.memory_space<vmem>>) target_semaphore(%arg15 : memref<!tpu.dma_semaphore, #tpu.memory_space<semaphore_mem>>)
      %slice3A_1208 = vector.extract_strided_slice %shift_right_logical3A_632 {offsets = [15], sizes = [1], strides = [1]} : vector<16xi32> to vector<1xi32>
      %squeeze3A_1209 = vector.extract %slice3A_1208[0] : i32 from vector<1xi32>
      %dma_start3A_1210 = arith.constant 15 : i32
      %dma_start3A_1211 = arith.constant 0 : i32
      %dma_start3A_1212 = arith.constant 0 : i32
      %dma_start3A_1213 = tpu.memref_slice %arg11[%dma_start3A_1210, %dma_start3A_1211, %dma_start3A_1212] : memref<16x8x32xf32, #tpu.memory_space<vmem>> -> memref<1x8x32xf32, #tpu.memory_space<vmem>>
      %dma_start3A_1214 = tpu.memref_squeeze %dma_start3A_1213 : memref<1x8x32xf32, #tpu.memory_space<vmem>> -> memref<8x32xf32, #tpu.memory_space<vmem>>
      %dma_start3A_1215 = arith.constant 0 : i32
      %dma_start3A_1216 = arith.constant 0 : i32
      %dma_start3A_1217 = tpu.memref_slice %arg4[%squeeze3A_1209, %dma_start3A_1215, %dma_start3A_1216] : memref<125000x8x32xf32, #tpu.memory_space<hbm>> -> memref<1x8x32xf32, #tpu.memory_space<hbm>>
      %dma_start3A_1218 = tpu.memref_squeeze %dma_start3A_1217 : memref<1x8x32xf32, #tpu.memory_space<hbm>> -> memref<8x32xf32, #tpu.memory_space<hbm>>
      %dma_start3A_1219 = arith.constant 0 : i32
      %dma_start3A_1220 = arith.constant 0 : i32
      %dma_start3A_1221 = tpu.memref_slice %arg11[%dma_start3A_1210, %dma_start3A_1219, %dma_start3A_1220] : memref<16x8x32xf32, #tpu.memory_space<vmem>> -> memref<1x8x32xf32, #tpu.memory_space<vmem>>
      %dma_start3A_1222 = tpu.memref_squeeze %dma_start3A_1221 : memref<1x8x32xf32, #tpu.memory_space<vmem>> -> memref<8x32xf32, #tpu.memory_space<vmem>>
      %dma_start3A_1223 = arith.constant 0 : i32
      %dma_start3A_1224 = arith.constant 0 : i32
      %dma_start3A_1225 = tpu.memref_slice %arg4[%squeeze3A_1209, %dma_start3A_1223, %dma_start3A_1224] : memref<125000x8x32xf32, #tpu.memory_space<hbm>> -> memref<1x8x32xf32, #tpu.memory_space<hbm>>
      %dma_start3A_1226 = tpu.memref_squeeze %dma_start3A_1225 : memref<1x8x32xf32, #tpu.memory_space<hbm>> -> memref<8x32xf32, #tpu.memory_space<hbm>>
      tpu.enqueue_dma source(%dma_start3A_1226 : memref<8x32xf32, #tpu.memory_space<hbm>>) target(%dma_start3A_1222 : memref<8x32xf32, #tpu.memory_space<vmem>>) target_semaphore(%arg15 : memref<!tpu.dma_semaphore, #tpu.memory_space<semaphore_mem>>)
      %slice3A_1227 = vector.extract_strided_slice %shift_right_logical3A_637 {offsets = [15], sizes = [1], strides = [1]} : vector<16xi32> to vector<1xi32>
      %squeeze3A_1228 = vector.extract %slice3A_1227[0] : i32 from vector<1xi32>
      %dma_start3A_1229 = arith.constant 15 : i32
      %dma_start3A_1230 = arith.constant 0 : i32
      %dma_start3A_1231 = arith.constant 0 : i32
      %dma_start3A_1232 = tpu.memref_slice %arg12[%dma_start3A_1229, %dma_start3A_1230, %dma_start3A_1231] : memref<16x8x32xf32, #tpu.memory_space<vmem>> -> memref<1x8x32xf32, #tpu.memory_space<vmem>>
      %dma_start3A_1233 = tpu.memref_squeeze %dma_start3A_1232 : memref<1x8x32xf32, #tpu.memory_space<vmem>> -> memref<8x32xf32, #tpu.memory_space<vmem>>
      %dma_start3A_1234 = arith.constant 0 : i32
      %dma_start3A_1235 = arith.constant 0 : i32
      %dma_start3A_1236 = tpu.memref_slice %arg5[%squeeze3A_1228, %dma_start3A_1234, %dma_start3A_1235] : memref<125000x8x32xf32, #tpu.memory_space<hbm>> -> memref<1x8x32xf32, #tpu.memory_space<hbm>>
      %dma_start3A_1237 = tpu.memref_squeeze %dma_start3A_1236 : memref<1x8x32xf32, #tpu.memory_space<hbm>> -> memref<8x32xf32, #tpu.memory_space<hbm>>
      %dma_start3A_1238 = arith.constant 0 : i32
      %dma_start3A_1239 = arith.constant 0 : i32
      %dma_start3A_1240 = tpu.memref_slice %arg12[%dma_start3A_1229, %dma_start3A_1238, %dma_start3A_1239] : memref<16x8x32xf32, #tpu.memory_space<vmem>> -> memref<1x8x32xf32, #tpu.memory_space<vmem>>
      %dma_start3A_1241 = tpu.memref_squeeze %dma_start3A_1240 : memref<1x8x32xf32, #tpu.memory_space<vmem>> -> memref<8x32xf32, #tpu.memory_space<vmem>>
      %dma_start3A_1242 = arith.constant 0 : i32
      %dma_start3A_1243 = arith.constant 0 : i32
      %dma_start3A_1244 = tpu.memref_slice %arg5[%squeeze3A_1228, %dma_start3A_1242, %dma_start3A_1243] : memref<125000x8x32xf32, #tpu.memory_space<hbm>> -> memref<1x8x32xf32, #tpu.memory_space<hbm>>
      %dma_start3A_1245 = tpu.memref_squeeze %dma_start3A_1244 : memref<1x8x32xf32, #tpu.memory_space<hbm>> -> memref<8x32xf32, #tpu.memory_space<hbm>>
      tpu.enqueue_dma source(%dma_start3A_1245 : memref<8x32xf32, #tpu.memory_space<hbm>>) target(%dma_start3A_1241 : memref<8x32xf32, #tpu.memory_space<vmem>>) target_semaphore(%arg15 : memref<!tpu.dma_semaphore, #tpu.memory_space<semaphore_mem>>)
      %dma_wait3A = arith.constant 0 : i32
      %dma_wait3A_1246 = arith.constant 0 : i32
      %dma_wait3A_1247 = arith.constant 0 : i32
      %dma_wait3A_1248 = tpu.memref_slice %arg4[%dma_wait3A, %dma_wait3A_1246, %dma_wait3A_1247] : memref<125000x8x32xf32, #tpu.memory_space<hbm>> -> memref<16x8x32xf32, #tpu.memory_space<hbm>>
      %dma_wait3A_1249 = arith.constant 0 : i32
      %dma_wait3A_1250 = arith.constant 0 : i32
      %dma_wait3A_1251 = arith.constant 0 : i32
      %dma_wait3A_1252 = tpu.memref_slice %arg4[%dma_wait3A_1249, %dma_wait3A_1250, %dma_wait3A_1251] : memref<125000x8x32xf32, #tpu.memory_space<hbm>> -> memref<16x8x32xf32, #tpu.memory_space<hbm>>
      tpu.wait_dma2 semaphore(%arg14 : memref<!tpu.dma_semaphore, #tpu.memory_space<semaphore_mem>>) src(%dma_wait3A_1252 : memref<16x8x32xf32, #tpu.memory_space<hbm>>) dst(%arg9 : memref<16x8x32xf32, #tpu.memory_space<vmem>>)
      %dma_wait3A_1253 = arith.constant 0 : i32
      %dma_wait3A_1254 = arith.constant 0 : i32
      %dma_wait3A_1255 = arith.constant 0 : i32
      %dma_wait3A_1256 = tpu.memref_slice %arg5[%dma_wait3A_1253, %dma_wait3A_1254, %dma_wait3A_1255] : memref<125000x8x32xf32, #tpu.memory_space<hbm>> -> memref<16x8x32xf32, #tpu.memory_space<hbm>>
      %dma_wait3A_1257 = arith.constant 0 : i32
      %dma_wait3A_1258 = arith.constant 0 : i32
      %dma_wait3A_1259 = arith.constant 0 : i32
      %dma_wait3A_1260 = tpu.memref_slice %arg5[%dma_wait3A_1257, %dma_wait3A_1258, %dma_wait3A_1259] : memref<125000x8x32xf32, #tpu.memory_space<hbm>> -> memref<16x8x32xf32, #tpu.memory_space<hbm>>
      tpu.wait_dma2 semaphore(%arg14 : memref<!tpu.dma_semaphore, #tpu.memory_space<semaphore_mem>>) src(%dma_wait3A_1260 : memref<16x8x32xf32, #tpu.memory_space<hbm>>) dst(%arg10 : memref<16x8x32xf32, #tpu.memory_space<vmem>>)
      %mul3A_1261 = arith.constant 16 : i32
      %mul3A_1262 = arith.muli %mul3A_623, %mul3A_1261 : i32
      %get3A_1263 = arith.index_cast %mul3A_1262 : i32 to index
      %get3A_1264 = tpu.vector_load %arg7[%get3A_1263] {strides = array<i32>} : memref<512xi32, #tpu.memory_space<vmem>>, vector<16xi32>,
      %and3A = arith.constant 7 : i32
      %and3A_1265 = vector.broadcast %and3A : i32 to vector<16xi32>
      %and3A_1266 = arith.andi %get3A_1264, %and3A_1265 : vector<16xi32>
      %get3A_1267 = arith.index_cast %mul3A_1262 : i32 to index
      %get3A_1268 = tpu.vector_load %arg8[%get3A_1267] {strides = array<i32>} : memref<512xi32, #tpu.memory_space<vmem>>, vector<16xi32>,
      %and3A_1269 = arith.constant 7 : i32
      %and3A_1270 = vector.broadcast %and3A_1269 : i32 to vector<16xi32>
      %and3A_1271 = arith.andi %get3A_1268, %and3A_1270 : vector<16xi32>
      %broadcast_in_dim3A = arith.constant 0.000000e+00 : f32
      %broadcast_in_dim3A_1272 = vector.broadcast %broadcast_in_dim3A : f32 to vector<16xf32>
      %broadcast_in_dim3A_1273 = arith.constant 0 : i32
      %broadcast_in_dim3A_1274 = vector.broadcast %broadcast_in_dim3A_1273 : i32 to vector<16xi32>
      %gather3A = tpu.vector_load_idx %arg9[%iota3A, %and3A_1266, %broadcast_in_dim3A_1274] : memref<16x8x32xf32, #tpu.memory_space<vmem>>[vector<16xi32>, vector<16xi32>, vector<16xi32>], vector<16xf32>,
      %gather3A_1275 = tpu.vector_load_idx %arg10[%iota3A, %and3A_1271, %broadcast_in_dim3A_1274] : memref<16x8x32xf32, #tpu.memory_space<vmem>>[vector<16xi32>, vector<16xi32>, vector<16xi32>], vector<16xf32>,
      %mul3A_1276 = arith.mulf %gather3A, %gather3A_1275 : vector<16xf32>
      %add3A_1277 = arith.addf %broadcast_in_dim3A_1272, %mul3A_1276 : vector<16xf32>
      %broadcast_in_dim3A_1278 = arith.constant 1 : i32
      %broadcast_in_dim3A_1279 = vector.broadcast %broadcast_in_dim3A_1278 : i32 to vector<16xi32>
      %gather3A_1280 = tpu.vector_load_idx %arg9[%iota3A, %and3A_1266, %broadcast_in_dim3A_1279] : memref<16x8x32xf32, #tpu.memory_space<vmem>>[vector<16xi32>, vector<16xi32>, vector<16xi32>], vector<16xf32>,
      %gather3A_1281 = tpu.vector_load_idx %arg10[%iota3A, %and3A_1271, %broadcast_in_dim3A_1279] : memref<16x8x32xf32, #tpu.memory_space<vmem>>[vector<16xi32>, vector<16xi32>, vector<16xi32>], vector<16xf32>,
      %mul3A_1282 = arith.mulf %gather3A_1280, %gather3A_1281 : vector<16xf32>
      %add3A_1283 = arith.addf %add3A_1277, %mul3A_1282 : vector<16xf32>
      %broadcast_in_dim3A_1284 = arith.constant 2 : i32
      %broadcast_in_dim3A_1285 = vector.broadcast %broadcast_in_dim3A_1284 : i32 to vector<16xi32>
      %gather3A_1286 = tpu.vector_load_idx %arg9[%iota3A, %and3A_1266, %broadcast_in_dim3A_1285] : memref<16x8x32xf32, #tpu.memory_space<vmem>>[vector<16xi32>, vector<16xi32>, vector<16xi32>], vector<16xf32>,
      %gather3A_1287 = tpu.vector_load_idx %arg10[%iota3A, %and3A_1271, %broadcast_in_dim3A_1285] : memref<16x8x32xf32, #tpu.memory_space<vmem>>[vector<16xi32>, vector<16xi32>, vector<16xi32>], vector<16xf32>,
      %mul3A_1288 = arith.mulf %gather3A_1286, %gather3A_1287 : vector<16xf32>
      %add3A_1289 = arith.addf %add3A_1283, %mul3A_1288 : vector<16xf32>
      %broadcast_in_dim3A_1290 = arith.constant 3 : i32
      %broadcast_in_dim3A_1291 = vector.broadcast %broadcast_in_dim3A_1290 : i32 to vector<16xi32>
      %gather3A_1292 = tpu.vector_load_idx %arg9[%iota3A, %and3A_1266, %broadcast_in_dim3A_1291] : memref<16x8x32xf32, #tpu.memory_space<vmem>>[vector<16xi32>, vector<16xi32>, vector<16xi32>], vector<16xf32>,
      %gather3A_1293 = tpu.vector_load_idx %arg10[%iota3A, %and3A_1271, %broadcast_in_dim3A_1291] : memref<16x8x32xf32, #tpu.memory_space<vmem>>[vector<16xi32>, vector<16xi32>, vector<16xi32>], vector<16xf32>,
      %mul3A_1294 = arith.mulf %gather3A_1292, %gather3A_1293 : vector<16xf32>
      %add3A_1295 = arith.addf %add3A_1289, %mul3A_1294 : vector<16xf32>
      %broadcast_in_dim3A_1296 = arith.constant 4 : i32
      %broadcast_in_dim3A_1297 = vector.broadcast %broadcast_in_dim3A_1296 : i32 to vector<16xi32>
      %gather3A_1298 = tpu.vector_load_idx %arg9[%iota3A, %and3A_1266, %broadcast_in_dim3A_1297] : memref<16x8x32xf32, #tpu.memory_space<vmem>>[vector<16xi32>, vector<16xi32>, vector<16xi32>], vector<16xf32>,
      %gather3A_1299 = tpu.vector_load_idx %arg10[%iota3A, %and3A_1271, %broadcast_in_dim3A_1297] : memref<16x8x32xf32, #tpu.memory_space<vmem>>[vector<16xi32>, vector<16xi32>, vector<16xi32>], vector<16xf32>,
      %mul3A_1300 = arith.mulf %gather3A_1298, %gather3A_1299 : vector<16xf32>
      %add3A_1301 = arith.addf %add3A_1295, %mul3A_1300 : vector<16xf32>
      %broadcast_in_dim3A_1302 = arith.constant 5 : i32
      %broadcast_in_dim3A_1303 = vector.broadcast %broadcast_in_dim3A_1302 : i32 to vector<16xi32>
      %gather3A_1304 = tpu.vector_load_idx %arg9[%iota3A, %and3A_1266, %broadcast_in_dim3A_1303] : memref<16x8x32xf32, #tpu.memory_space<vmem>>[vector<16xi32>, vector<16xi32>, vector<16xi32>], vector<16xf32>,
      %gather3A_1305 = tpu.vector_load_idx %arg10[%iota3A, %and3A_1271, %broadcast_in_dim3A_1303] : memref<16x8x32xf32, #tpu.memory_space<vmem>>[vector<16xi32>, vector<16xi32>, vector<16xi32>], vector<16xf32>,
      %mul3A_1306 = arith.mulf %gather3A_1304, %gather3A_1305 : vector<16xf32>
      %add3A_1307 = arith.addf %add3A_1301, %mul3A_1306 : vector<16xf32>
      %broadcast_in_dim3A_1308 = arith.constant 6 : i32
      %broadcast_in_dim3A_1309 = vector.broadcast %broadcast_in_dim3A_1308 : i32 to vector<16xi32>
      %gather3A_1310 = tpu.vector_load_idx %arg9[%iota3A, %and3A_1266, %broadcast_in_dim3A_1309] : memref<16x8x32xf32, #tpu.memory_space<vmem>>[vector<16xi32>, vector<16xi32>, vector<16xi32>], vector<16xf32>,
      %gather3A_1311 = tpu.vector_load_idx %arg10[%iota3A, %and3A_1271, %broadcast_in_dim3A_1309] : memref<16x8x32xf32, #tpu.memory_space<vmem>>[vector<16xi32>, vector<16xi32>, vector<16xi32>], vector<16xf32>,
      %mul3A_1312 = arith.mulf %gather3A_1310, %gather3A_1311 : vector<16xf32>
      %add3A_1313 = arith.addf %add3A_1307, %mul3A_1312 : vector<16xf32>
      %broadcast_in_dim3A_1314 = arith.constant 7 : i32
      %broadcast_in_dim3A_1315 = vector.broadcast %broadcast_in_dim3A_1314 : i32 to vector<16xi32>
      %gather3A_1316 = tpu.vector_load_idx %arg9[%iota3A, %and3A_1266, %broadcast_in_dim3A_1315] : memref<16x8x32xf32, #tpu.memory_space<vmem>>[vector<16xi32>, vector<16xi32>, vector<16xi32>], vector<16xf32>,
      %gather3A_1317 = tpu.vector_load_idx %arg10[%iota3A, %and3A_1271, %broadcast_in_dim3A_1315] : memref<16x8x32xf32, #tpu.memory_space<vmem>>[vector<16xi32>, vector<16xi32>, vector<16xi32>], vector<16xf32>,
      %mul3A_1318 = arith.mulf %gather3A_1316, %gather3A_1317 : vector<16xf32>
      %add3A_1319 = arith.addf %add3A_1313, %mul3A_1318 : vector<16xf32>
      %broadcast_in_dim3A_1320 = arith.constant 8 : i32
      %broadcast_in_dim3A_1321 = vector.broadcast %broadcast_in_dim3A_1320 : i32 to vector<16xi32>
      %gather3A_1322 = tpu.vector_load_idx %arg9[%iota3A, %and3A_1266, %broadcast_in_dim3A_1321] : memref<16x8x32xf32, #tpu.memory_space<vmem>>[vector<16xi32>, vector<16xi32>, vector<16xi32>], vector<16xf32>,
      %gather3A_1323 = tpu.vector_load_idx %arg10[%iota3A, %and3A_1271, %broadcast_in_dim3A_1321] : memref<16x8x32xf32, #tpu.memory_space<vmem>>[vector<16xi32>, vector<16xi32>, vector<16xi32>], vector<16xf32>,
      %mul3A_1324 = arith.mulf %gather3A_1322, %gather3A_1323 : vector<16xf32>
      %add3A_1325 = arith.addf %add3A_1319, %mul3A_1324 : vector<16xf32>
      %broadcast_in_dim3A_1326 = arith.constant 9 : i32
      %broadcast_in_dim3A_1327 = vector.broadcast %broadcast_in_dim3A_1326 : i32 to vector<16xi32>
      %gather3A_1328 = tpu.vector_load_idx %arg9[%iota3A, %and3A_1266, %broadcast_in_dim3A_1327] : memref<16x8x32xf32, #tpu.memory_space<vmem>>[vector<16xi32>, vector<16xi32>, vector<16xi32>], vector<16xf32>,
      %gather3A_1329 = tpu.vector_load_idx %arg10[%iota3A, %and3A_1271, %broadcast_in_dim3A_1327] : memref<16x8x32xf32, #tpu.memory_space<vmem>>[vector<16xi32>, vector<16xi32>, vector<16xi32>], vector<16xf32>,
      %mul3A_1330 = arith.mulf %gather3A_1328, %gather3A_1329 : vector<16xf32>
      %add3A_1331 = arith.addf %add3A_1325, %mul3A_1330 : vector<16xf32>
      %broadcast_in_dim3A_1332 = arith.constant 10 : i32
      %broadcast_in_dim3A_1333 = vector.broadcast %broadcast_in_dim3A_1332 : i32 to vector<16xi32>
      %gather3A_1334 = tpu.vector_load_idx %arg9[%iota3A, %and3A_1266, %broadcast_in_dim3A_1333] : memref<16x8x32xf32, #tpu.memory_space<vmem>>[vector<16xi32>, vector<16xi32>, vector<16xi32>], vector<16xf32>,
      %gather3A_1335 = tpu.vector_load_idx %arg10[%iota3A, %and3A_1271, %broadcast_in_dim3A_1333] : memref<16x8x32xf32, #tpu.memory_space<vmem>>[vector<16xi32>, vector<16xi32>, vector<16xi32>], vector<16xf32>,
      %mul3A_1336 = arith.mulf %gather3A_1334, %gather3A_1335 : vector<16xf32>
      %add3A_1337 = arith.addf %add3A_1331, %mul3A_1336 : vector<16xf32>
      %broadcast_in_dim3A_1338 = arith.constant 11 : i32
      %broadcast_in_dim3A_1339 = vector.broadcast %broadcast_in_dim3A_1338 : i32 to vector<16xi32>
      %gather3A_1340 = tpu.vector_load_idx %arg9[%iota3A, %and3A_1266, %broadcast_in_dim3A_1339] : memref<16x8x32xf32, #tpu.memory_space<vmem>>[vector<16xi32>, vector<16xi32>, vector<16xi32>], vector<16xf32>,
      %gather3A_1341 = tpu.vector_load_idx %arg10[%iota3A, %and3A_1271, %broadcast_in_dim3A_1339] : memref<16x8x32xf32, #tpu.memory_space<vmem>>[vector<16xi32>, vector<16xi32>, vector<16xi32>], vector<16xf32>,
      %mul3A_1342 = arith.mulf %gather3A_1340, %gather3A_1341 : vector<16xf32>
      %add3A_1343 = arith.addf %add3A_1337, %mul3A_1342 : vector<16xf32>
      %broadcast_in_dim3A_1344 = arith.constant 12 : i32
      %broadcast_in_dim3A_1345 = vector.broadcast %broadcast_in_dim3A_1344 : i32 to vector<16xi32>
      %gather3A_1346 = tpu.vector_load_idx %arg9[%iota3A, %and3A_1266, %broadcast_in_dim3A_1345] : memref<16x8x32xf32, #tpu.memory_space<vmem>>[vector<16xi32>, vector<16xi32>, vector<16xi32>], vector<16xf32>,
      %gather3A_1347 = tpu.vector_load_idx %arg10[%iota3A, %and3A_1271, %broadcast_in_dim3A_1345] : memref<16x8x32xf32, #tpu.memory_space<vmem>>[vector<16xi32>, vector<16xi32>, vector<16xi32>], vector<16xf32>,
      %mul3A_1348 = arith.mulf %gather3A_1346, %gather3A_1347 : vector<16xf32>
      %add3A_1349 = arith.addf %add3A_1343, %mul3A_1348 : vector<16xf32>
      %broadcast_in_dim3A_1350 = arith.constant 13 : i32
      %broadcast_in_dim3A_1351 = vector.broadcast %broadcast_in_dim3A_1350 : i32 to vector<16xi32>
      %gather3A_1352 = tpu.vector_load_idx %arg9[%iota3A, %and3A_1266, %broadcast_in_dim3A_1351] : memref<16x8x32xf32, #tpu.memory_space<vmem>>[vector<16xi32>, vector<16xi32>, vector<16xi32>], vector<16xf32>,
      %gather3A_1353 = tpu.vector_load_idx %arg10[%iota3A, %and3A_1271, %broadcast_in_dim3A_1351] : memref<16x8x32xf32, #tpu.memory_space<vmem>>[vector<16xi32>, vector<16xi32>, vector<16xi32>], vector<16xf32>,
      %mul3A_1354 = arith.mulf %gather3A_1352, %gather3A_1353 : vector<16xf32>
      %add3A_1355 = arith.addf %add3A_1349, %mul3A_1354 : vector<16xf32>
      %broadcast_in_dim3A_1356 = arith.constant 14 : i32
      %broadcast_in_dim3A_1357 = vector.broadcast %broadcast_in_dim3A_1356 : i32 to vector<16xi32>
      %gather3A_1358 = tpu.vector_load_idx %arg9[%iota3A, %and3A_1266, %broadcast_in_dim3A_1357] : memref<16x8x32xf32, #tpu.memory_space<vmem>>[vector<16xi32>, vector<16xi32>, vector<16xi32>], vector<16xf32>,
      %gather3A_1359 = tpu.vector_load_idx %arg10[%iota3A, %and3A_1271, %broadcast_in_dim3A_1357] : memref<16x8x32xf32, #tpu.memory_space<vmem>>[vector<16xi32>, vector<16xi32>, vector<16xi32>], vector<16xf32>,
      %mul3A_1360 = arith.mulf %gather3A_1358, %gather3A_1359 : vector<16xf32>
      %add3A_1361 = arith.addf %add3A_1355, %mul3A_1360 : vector<16xf32>
      %broadcast_in_dim3A_1362 = arith.constant 15 : i32
      %broadcast_in_dim3A_1363 = vector.broadcast %broadcast_in_dim3A_1362 : i32 to vector<16xi32>
      %gather3A_1364 = tpu.vector_load_idx %arg9[%iota3A, %and3A_1266, %broadcast_in_dim3A_1363] : memref<16x8x32xf32, #tpu.memory_space<vmem>>[vector<16xi32>, vector<16xi32>, vector<16xi32>], vector<16xf32>,
      %gather3A_1365 = tpu.vector_load_idx %arg10[%iota3A, %and3A_1271, %broadcast_in_dim3A_1363] : memref<16x8x32xf32, #tpu.memory_space<vmem>>[vector<16xi32>, vector<16xi32>, vector<16xi32>], vector<16xf32>,
      %mul3A_1366 = arith.mulf %gather3A_1364, %gather3A_1365 : vector<16xf32>
      %add3A_1367 = arith.addf %add3A_1361, %mul3A_1366 : vector<16xf32>
      %broadcast_in_dim3A_1368 = arith.constant 16 : i32
      %broadcast_in_dim3A_1369 = vector.broadcast %broadcast_in_dim3A_1368 : i32 to vector<16xi32>
      %gather3A_1370 = tpu.vector_load_idx %arg9[%iota3A, %and3A_1266, %broadcast_in_dim3A_1369] : memref<16x8x32xf32, #tpu.memory_space<vmem>>[vector<16xi32>, vector<16xi32>, vector<16xi32>], vector<16xf32>,
      %gather3A_1371 = tpu.vector_load_idx %arg10[%iota3A, %and3A_1271, %broadcast_in_dim3A_1369] : memref<16x8x32xf32, #tpu.memory_space<vmem>>[vector<16xi32>, vector<16xi32>, vector<16xi32>], vector<16xf32>,
      %mul3A_1372 = arith.mulf %gather3A_1370, %gather3A_1371 : vector<16xf32>
      %add3A_1373 = arith.addf %add3A_1367, %mul3A_1372 : vector<16xf32>
      %broadcast_in_dim3A_1374 = arith.constant 17 : i32
      %broadcast_in_dim3A_1375 = vector.broadcast %broadcast_in_dim3A_1374 : i32 to vector<16xi32>
      %gather3A_1376 = tpu.vector_load_idx %arg9[%iota3A, %and3A_1266, %broadcast_in_dim3A_1375] : memref<16x8x32xf32, #tpu.memory_space<vmem>>[vector<16xi32>, vector<16xi32>, vector<16xi32>], vector<16xf32>,
      %gather3A_1377 = tpu.vector_load_idx %arg10[%iota3A, %and3A_1271, %broadcast_in_dim3A_1375] : memref<16x8x32xf32, #tpu.memory_space<vmem>>[vector<16xi32>, vector<16xi32>, vector<16xi32>], vector<16xf32>,
      %mul3A_1378 = arith.mulf %gather3A_1376, %gather3A_1377 : vector<16xf32>
      %add3A_1379 = arith.addf %add3A_1373, %mul3A_1378 : vector<16xf32>
      %broadcast_in_dim3A_1380 = arith.constant 18 : i32
      %broadcast_in_dim3A_1381 = vector.broadcast %broadcast_in_dim3A_1380 : i32 to vector<16xi32>
      %gather3A_1382 = tpu.vector_load_idx %arg9[%iota3A, %and3A_1266, %broadcast_in_dim3A_1381] : memref<16x8x32xf32, #tpu.memory_space<vmem>>[vector<16xi32>, vector<16xi32>, vector<16xi32>], vector<16xf32>,
      %gather3A_1383 = tpu.vector_load_idx %arg10[%iota3A, %and3A_1271, %broadcast_in_dim3A_1381] : memref<16x8x32xf32, #tpu.memory_space<vmem>>[vector<16xi32>, vector<16xi32>, vector<16xi32>], vector<16xf32>,
      %mul3A_1384 = arith.mulf %gather3A_1382, %gather3A_1383 : vector<16xf32>
      %add3A_1385 = arith.addf %add3A_1379, %mul3A_1384 : vector<16xf32>
      %broadcast_in_dim3A_1386 = arith.constant 19 : i32
      %broadcast_in_dim3A_1387 = vector.broadcast %broadcast_in_dim3A_1386 : i32 to vector<16xi32>
      %gather3A_1388 = tpu.vector_load_idx %arg9[%iota3A, %and3A_1266, %broadcast_in_dim3A_1387] : memref<16x8x32xf32, #tpu.memory_space<vmem>>[vector<16xi32>, vector<16xi32>, vector<16xi32>], vector<16xf32>,
      %gather3A_1389 = tpu.vector_load_idx %arg10[%iota3A, %and3A_1271, %broadcast_in_dim3A_1387] : memref<16x8x32xf32, #tpu.memory_space<vmem>>[vector<16xi32>, vector<16xi32>, vector<16xi32>], vector<16xf32>,
      %mul3A_1390 = arith.mulf %gather3A_1388, %gather3A_1389 : vector<16xf32>
      %add3A_1391 = arith.addf %add3A_1385, %mul3A_1390 : vector<16xf32>
      %broadcast_in_dim3A_1392 = arith.constant 20 : i32
      %broadcast_in_dim3A_1393 = vector.broadcast %broadcast_in_dim3A_1392 : i32 to vector<16xi32>
      %gather3A_1394 = tpu.vector_load_idx %arg9[%iota3A, %and3A_1266, %broadcast_in_dim3A_1393] : memref<16x8x32xf32, #tpu.memory_space<vmem>>[vector<16xi32>, vector<16xi32>, vector<16xi32>], vector<16xf32>,
      %gather3A_1395 = tpu.vector_load_idx %arg10[%iota3A, %and3A_1271, %broadcast_in_dim3A_1393] : memref<16x8x32xf32, #tpu.memory_space<vmem>>[vector<16xi32>, vector<16xi32>, vector<16xi32>], vector<16xf32>,
      %mul3A_1396 = arith.mulf %gather3A_1394, %gather3A_1395 : vector<16xf32>
      %add3A_1397 = arith.addf %add3A_1391, %mul3A_1396 : vector<16xf32>
      %broadcast_in_dim3A_1398 = arith.constant 21 : i32
      %broadcast_in_dim3A_1399 = vector.broadcast %broadcast_in_dim3A_1398 : i32 to vector<16xi32>
      %gather3A_1400 = tpu.vector_load_idx %arg9[%iota3A, %and3A_1266, %broadcast_in_dim3A_1399] : memref<16x8x32xf32, #tpu.memory_space<vmem>>[vector<16xi32>, vector<16xi32>, vector<16xi32>], vector<16xf32>,
      %gather3A_1401 = tpu.vector_load_idx %arg10[%iota3A, %and3A_1271, %broadcast_in_dim3A_1399] : memref<16x8x32xf32, #tpu.memory_space<vmem>>[vector<16xi32>, vector<16xi32>, vector<16xi32>], vector<16xf32>,
      %mul3A_1402 = arith.mulf %gather3A_1400, %gather3A_1401 : vector<16xf32>
      %add3A_1403 = arith.addf %add3A_1397, %mul3A_1402 : vector<16xf32>
      %broadcast_in_dim3A_1404 = arith.constant 22 : i32
      %broadcast_in_dim3A_1405 = vector.broadcast %broadcast_in_dim3A_1404 : i32 to vector<16xi32>
      %gather3A_1406 = tpu.vector_load_idx %arg9[%iota3A, %and3A_1266, %broadcast_in_dim3A_1405] : memref<16x8x32xf32, #tpu.memory_space<vmem>>[vector<16xi32>, vector<16xi32>, vector<16xi32>], vector<16xf32>,
      %gather3A_1407 = tpu.vector_load_idx %arg10[%iota3A, %and3A_1271, %broadcast_in_dim3A_1405] : memref<16x8x32xf32, #tpu.memory_space<vmem>>[vector<16xi32>, vector<16xi32>, vector<16xi32>], vector<16xf32>,
      %mul3A_1408 = arith.mulf %gather3A_1406, %gather3A_1407 : vector<16xf32>
      %add3A_1409 = arith.addf %add3A_1403, %mul3A_1408 : vector<16xf32>
      %broadcast_in_dim3A_1410 = arith.constant 23 : i32
      %broadcast_in_dim3A_1411 = vector.broadcast %broadcast_in_dim3A_1410 : i32 to vector<16xi32>
      %gather3A_1412 = tpu.vector_load_idx %arg9[%iota3A, %and3A_1266, %broadcast_in_dim3A_1411] : memref<16x8x32xf32, #tpu.memory_space<vmem>>[vector<16xi32>, vector<16xi32>, vector<16xi32>], vector<16xf32>,
      %gather3A_1413 = tpu.vector_load_idx %arg10[%iota3A, %and3A_1271, %broadcast_in_dim3A_1411] : memref<16x8x32xf32, #tpu.memory_space<vmem>>[vector<16xi32>, vector<16xi32>, vector<16xi32>], vector<16xf32>,
      %mul3A_1414 = arith.mulf %gather3A_1412, %gather3A_1413 : vector<16xf32>
      %add3A_1415 = arith.addf %add3A_1409, %mul3A_1414 : vector<16xf32>
      %broadcast_in_dim3A_1416 = arith.constant 24 : i32
      %broadcast_in_dim3A_1417 = vector.broadcast %broadcast_in_dim3A_1416 : i32 to vector<16xi32>
      %gather3A_1418 = tpu.vector_load_idx %arg9[%iota3A, %and3A_1266, %broadcast_in_dim3A_1417] : memref<16x8x32xf32, #tpu.memory_space<vmem>>[vector<16xi32>, vector<16xi32>, vector<16xi32>], vector<16xf32>,
      %gather3A_1419 = tpu.vector_load_idx %arg10[%iota3A, %and3A_1271, %broadcast_in_dim3A_1417] : memref<16x8x32xf32, #tpu.memory_space<vmem>>[vector<16xi32>, vector<16xi32>, vector<16xi32>], vector<16xf32>,
      %mul3A_1420 = arith.mulf %gather3A_1418, %gather3A_1419 : vector<16xf32>
      %add3A_1421 = arith.addf %add3A_1415, %mul3A_1420 : vector<16xf32>
      %broadcast_in_dim3A_1422 = arith.constant 25 : i32
      %broadcast_in_dim3A_1423 = vector.broadcast %broadcast_in_dim3A_1422 : i32 to vector<16xi32>
      %gather3A_1424 = tpu.vector_load_idx %arg9[%iota3A, %and3A_1266, %broadcast_in_dim3A_1423] : memref<16x8x32xf32, #tpu.memory_space<vmem>>[vector<16xi32>, vector<16xi32>, vector<16xi32>], vector<16xf32>,
      %gather3A_1425 = tpu.vector_load_idx %arg10[%iota3A, %and3A_1271, %broadcast_in_dim3A_1423] : memref<16x8x32xf32, #tpu.memory_space<vmem>>[vector<16xi32>, vector<16xi32>, vector<16xi32>], vector<16xf32>,
      %mul3A_1426 = arith.mulf %gather3A_1424, %gather3A_1425 : vector<16xf32>
      %add3A_1427 = arith.addf %add3A_1421, %mul3A_1426 : vector<16xf32>
      %broadcast_in_dim3A_1428 = arith.constant 26 : i32
      %broadcast_in_dim3A_1429 = vector.broadcast %broadcast_in_dim3A_1428 : i32 to vector<16xi32>
      %gather3A_1430 = tpu.vector_load_idx %arg9[%iota3A, %and3A_1266, %broadcast_in_dim3A_1429] : memref<16x8x32xf32, #tpu.memory_space<vmem>>[vector<16xi32>, vector<16xi32>, vector<16xi32>], vector<16xf32>,
      %gather3A_1431 = tpu.vector_load_idx %arg10[%iota3A, %and3A_1271, %broadcast_in_dim3A_1429] : memref<16x8x32xf32, #tpu.memory_space<vmem>>[vector<16xi32>, vector<16xi32>, vector<16xi32>], vector<16xf32>,
      %mul3A_1432 = arith.mulf %gather3A_1430, %gather3A_1431 : vector<16xf32>
      %add3A_1433 = arith.addf %add3A_1427, %mul3A_1432 : vector<16xf32>
      %broadcast_in_dim3A_1434 = arith.constant 27 : i32
      %broadcast_in_dim3A_1435 = vector.broadcast %broadcast_in_dim3A_1434 : i32 to vector<16xi32>
      %gather3A_1436 = tpu.vector_load_idx %arg9[%iota3A, %and3A_1266, %broadcast_in_dim3A_1435] : memref<16x8x32xf32, #tpu.memory_space<vmem>>[vector<16xi32>, vector<16xi32>, vector<16xi32>], vector<16xf32>,
      %gather3A_1437 = tpu.vector_load_idx %arg10[%iota3A, %and3A_1271, %broadcast_in_dim3A_1435] : memref<16x8x32xf32, #tpu.memory_space<vmem>>[vector<16xi32>, vector<16xi32>, vector<16xi32>], vector<16xf32>,
      %mul3A_1438 = arith.mulf %gather3A_1436, %gather3A_1437 : vector<16xf32>
      %add3A_1439 = arith.addf %add3A_1433, %mul3A_1438 : vector<16xf32>
      %broadcast_in_dim3A_1440 = arith.constant 28 : i32
      %broadcast_in_dim3A_1441 = vector.broadcast %broadcast_in_dim3A_1440 : i32 to vector<16xi32>
      %gather3A_1442 = tpu.vector_load_idx %arg9[%iota3A, %and3A_1266, %broadcast_in_dim3A_1441] : memref<16x8x32xf32, #tpu.memory_space<vmem>>[vector<16xi32>, vector<16xi32>, vector<16xi32>], vector<16xf32>,
      %gather3A_1443 = tpu.vector_load_idx %arg10[%iota3A, %and3A_1271, %broadcast_in_dim3A_1441] : memref<16x8x32xf32, #tpu.memory_space<vmem>>[vector<16xi32>, vector<16xi32>, vector<16xi32>], vector<16xf32>,
      %mul3A_1444 = arith.mulf %gather3A_1442, %gather3A_1443 : vector<16xf32>
      %add3A_1445 = arith.addf %add3A_1439, %mul3A_1444 : vector<16xf32>
      %broadcast_in_dim3A_1446 = arith.constant 29 : i32
      %broadcast_in_dim3A_1447 = vector.broadcast %broadcast_in_dim3A_1446 : i32 to vector<16xi32>
      %gather3A_1448 = tpu.vector_load_idx %arg9[%iota3A, %and3A_1266, %broadcast_in_dim3A_1447] : memref<16x8x32xf32, #tpu.memory_space<vmem>>[vector<16xi32>, vector<16xi32>, vector<16xi32>], vector<16xf32>,
      %gather3A_1449 = tpu.vector_load_idx %arg10[%iota3A, %and3A_1271, %broadcast_in_dim3A_1447] : memref<16x8x32xf32, #tpu.memory_space<vmem>>[vector<16xi32>, vector<16xi32>, vector<16xi32>], vector<16xf32>,
      %mul3A_1450 = arith.mulf %gather3A_1448, %gather3A_1449 : vector<16xf32>
      %add3A_1451 = arith.addf %add3A_1445, %mul3A_1450 : vector<16xf32>
      %broadcast_in_dim3A_1452 = arith.constant 30 : i32
      %broadcast_in_dim3A_1453 = vector.broadcast %broadcast_in_dim3A_1452 : i32 to vector<16xi32>
      %gather3A_1454 = tpu.vector_load_idx %arg9[%iota3A, %and3A_1266, %broadcast_in_dim3A_1453] : memref<16x8x32xf32, #tpu.memory_space<vmem>>[vector<16xi32>, vector<16xi32>, vector<16xi32>], vector<16xf32>,
      %gather3A_1455 = tpu.vector_load_idx %arg10[%iota3A, %and3A_1271, %broadcast_in_dim3A_1453] : memref<16x8x32xf32, #tpu.memory_space<vmem>>[vector<16xi32>, vector<16xi32>, vector<16xi32>], vector<16xf32>,
      %mul3A_1456 = arith.mulf %gather3A_1454, %gather3A_1455 : vector<16xf32>
      %add3A_1457 = arith.addf %add3A_1451, %mul3A_1456 : vector<16xf32>
      %broadcast_in_dim3A_1458 = arith.constant 31 : i32
      %broadcast_in_dim3A_1459 = vector.broadcast %broadcast_in_dim3A_1458 : i32 to vector<16xi32>
      %gather3A_1460 = tpu.vector_load_idx %arg9[%iota3A, %and3A_1266, %broadcast_in_dim3A_1459] : memref<16x8x32xf32, #tpu.memory_space<vmem>>[vector<16xi32>, vector<16xi32>, vector<16xi32>], vector<16xf32>,
      %gather3A_1461 = tpu.vector_load_idx %arg10[%iota3A, %and3A_1271, %broadcast_in_dim3A_1459] : memref<16x8x32xf32, #tpu.memory_space<vmem>>[vector<16xi32>, vector<16xi32>, vector<16xi32>], vector<16xf32>,
      %mul3A_1462 = arith.mulf %gather3A_1460, %gather3A_1461 : vector<16xf32>
      %add3A_1463 = arith.addf %add3A_1457, %mul3A_1462 : vector<16xf32>
      %swap3A = arith.index_cast %mul3A_1262 : i32 to index
      %swap3A_1464 = tpu.vector_load %arg13[%swap3A] {strides = array<i32>} : memref<512xf32, #tpu.memory_space<vmem>>, vector<16xf32>,
      tpu.vector_store %arg13[%swap3A], %add3A_1463 {strides = array<i32>} : memref<512xf32, #tpu.memory_space<vmem>>, vector<16xf32>,
      %lt3A = arith.constant 15 : i32
      %lt3A_1465 = arith.cmpi slt, %scan3A_621, %lt3A : i32
      %convert_element_type3A = arith.extui %lt3A_1465 : i1 to i32
      %cond3A = arith.constant 0 : i32
      %cond3A_1466 = arith.cmpi ne, %convert_element_type3A, %cond3A : i32
      scf.if %cond3A_1466 {
        %add3A_1693 = arith.constant 2 : i32
        %add3A_1694 = arith.addi %mul3A_623, %add3A_1693 : i32
        %mul3A_1695 = arith.constant 16 : i32
        %mul3A_1696 = arith.muli %add3A_1694, %mul3A_1695 : i32
        %get3A_1697 = arith.index_cast %mul3A_1696 : i32 to index
        %get3A_1698 = tpu.vector_load %arg7[%get3A_1697] {strides = array<i32>} : memref<512xi32, #tpu.memory_space<vmem>>, vector<16xi32>,
        %shift_right_logical3A_1699 = arith.constant 3 : i32
        %shift_right_logical3A_1700 = vector.broadcast %shift_right_logical3A_1699 : i32 to vector<16xi32>
        %shift_right_logical3A_1701 = arith.shrui %get3A_1698, %shift_right_logical3A_1700 : vector<16xi32>
        %get3A_1702 = arith.index_cast %mul3A_1696 : i32 to index
        %get3A_1703 = tpu.vector_load %arg8[%get3A_1702] {strides = array<i32>} : memref<512xi32, #tpu.memory_space<vmem>>, vector<16xi32>,
        %shift_right_logical3A_1704 = arith.constant 3 : i32
        %shift_right_logical3A_1705 = vector.broadcast %shift_right_logical3A_1704 : i32 to vector<16xi32>
        %shift_right_logical3A_1706 = arith.shrui %get3A_1703, %shift_right_logical3A_1705 : vector<16xi32>
        %slice3A_1707 = vector.extract_strided_slice %shift_right_logical3A_1701 {offsets = [0], sizes = [1], strides = [1]} : vector<16xi32> to vector<1xi32>
        %squeeze3A_1708 = vector.extract %slice3A_1707[0] : i32 from vector<1xi32>
        %dma_start3A_1709 = arith.constant 0 : i32
        %dma_start3A_1710 = arith.constant 0 : i32
        %dma_start3A_1711 = arith.constant 0 : i32
        %dma_start3A_1712 = tpu.memref_slice %arg9[%dma_start3A_1709, %dma_start3A_1710, %dma_start3A_1711] : memref<16x8x32xf32, #tpu.memory_space<vmem>> -> memref<1x8x32xf32, #tpu.memory_space<vmem>>
        %dma_start3A_1713 = tpu.memref_squeeze %dma_start3A_1712 : memref<1x8x32xf32, #tpu.memory_space<vmem>> -> memref<8x32xf32, #tpu.memory_space<vmem>>
        %dma_start3A_1714 = arith.constant 0 : i32
        %dma_start3A_1715 = arith.constant 0 : i32
        %dma_start3A_1716 = tpu.memref_slice %arg4[%squeeze3A_1708, %dma_start3A_1714, %dma_start3A_1715] : memref<125000x8x32xf32, #tpu.memory_space<hbm>> -> memref<1x8x32xf32, #tpu.memory_space<hbm>>
        %dma_start3A_1717 = tpu.memref_squeeze %dma_start3A_1716 : memref<1x8x32xf32, #tpu.memory_space<hbm>> -> memref<8x32xf32, #tpu.memory_space<hbm>>
        %dma_start3A_1718 = arith.constant 0 : i32
        %dma_start3A_1719 = arith.constant 0 : i32
        %dma_start3A_1720 = tpu.memref_slice %arg9[%dma_start3A_1709, %dma_start3A_1718, %dma_start3A_1719] : memref<16x8x32xf32, #tpu.memory_space<vmem>> -> memref<1x8x32xf32, #tpu.memory_space<vmem>>
        %dma_start3A_1721 = tpu.memref_squeeze %dma_start3A_1720 : memref<1x8x32xf32, #tpu.memory_space<vmem>> -> memref<8x32xf32, #tpu.memory_space<vmem>>
        %dma_start3A_1722 = arith.constant 0 : i32
        %dma_start3A_1723 = arith.constant 0 : i32
        %dma_start3A_1724 = tpu.memref_slice %arg4[%squeeze3A_1708, %dma_start3A_1722, %dma_start3A_1723] : memref<125000x8x32xf32, #tpu.memory_space<hbm>> -> memref<1x8x32xf32, #tpu.memory_space<hbm>>
        %dma_start3A_1725 = tpu.memref_squeeze %dma_start3A_1724 : memref<1x8x32xf32, #tpu.memory_space<hbm>> -> memref<8x32xf32, #tpu.memory_space<hbm>>
        tpu.enqueue_dma source(%dma_start3A_1725 : memref<8x32xf32, #tpu.memory_space<hbm>>) target(%dma_start3A_1721 : memref<8x32xf32, #tpu.memory_space<vmem>>) target_semaphore(%arg14 : memref<!tpu.dma_semaphore, #tpu.memory_space<semaphore_mem>>)
        %slice3A_1726 = vector.extract_strided_slice %shift_right_logical3A_1706 {offsets = [0], sizes = [1], strides = [1]} : vector<16xi32> to vector<1xi32>
        %squeeze3A_1727 = vector.extract %slice3A_1726[0] : i32 from vector<1xi32>
        %dma_start3A_1728 = arith.constant 0 : i32
        %dma_start3A_1729 = arith.constant 0 : i32
        %dma_start3A_1730 = arith.constant 0 : i32
        %dma_start3A_1731 = tpu.memref_slice %arg10[%dma_start3A_1728, %dma_start3A_1729, %dma_start3A_1730] : memref<16x8x32xf32, #tpu.memory_space<vmem>> -> memref<1x8x32xf32, #tpu.memory_space<vmem>>
        %dma_start3A_1732 = tpu.memref_squeeze %dma_start3A_1731 : memref<1x8x32xf32, #tpu.memory_space<vmem>> -> memref<8x32xf32, #tpu.memory_space<vmem>>
        %dma_start3A_1733 = arith.constant 0 : i32
        %dma_start3A_1734 = arith.constant 0 : i32
        %dma_start3A_1735 = tpu.memref_slice %arg5[%squeeze3A_1727, %dma_start3A_1733, %dma_start3A_1734] : memref<125000x8x32xf32, #tpu.memory_space<hbm>> -> memref<1x8x32xf32, #tpu.memory_space<hbm>>
        %dma_start3A_1736 = tpu.memref_squeeze %dma_start3A_1735 : memref<1x8x32xf32, #tpu.memory_space<hbm>> -> memref<8x32xf32, #tpu.memory_space<hbm>>
        %dma_start3A_1737 = arith.constant 0 : i32
        %dma_start3A_1738 = arith.constant 0 : i32
        %dma_start3A_1739 = tpu.memref_slice %arg10[%dma_start3A_1728, %dma_start3A_1737, %dma_start3A_1738] : memref<16x8x32xf32, #tpu.memory_space<vmem>> -> memref<1x8x32xf32, #tpu.memory_space<vmem>>
        %dma_start3A_1740 = tpu.memref_squeeze %dma_start3A_1739 : memref<1x8x32xf32, #tpu.memory_space<vmem>> -> memref<8x32xf32, #tpu.memory_space<vmem>>
        %dma_start3A_1741 = arith.constant 0 : i32
        %dma_start3A_1742 = arith.constant 0 : i32
        %dma_start3A_1743 = tpu.memref_slice %arg5[%squeeze3A_1727, %dma_start3A_1741, %dma_start3A_1742] : memref<125000x8x32xf32, #tpu.memory_space<hbm>> -> memref<1x8x32xf32, #tpu.memory_space<hbm>>
        %dma_start3A_1744 = tpu.memref_squeeze %dma_start3A_1743 : memref<1x8x32xf32, #tpu.memory_space<hbm>> -> memref<8x32xf32, #tpu.memory_space<hbm>>
        tpu.enqueue_dma source(%dma_start3A_1744 : memref<8x32xf32, #tpu.memory_space<hbm>>) target(%dma_start3A_1740 : memref<8x32xf32, #tpu.memory_space<vmem>>) target_semaphore(%arg14 : memref<!tpu.dma_semaphore, #tpu.memory_space<semaphore_mem>>)
        %slice3A_1745 = vector.extract_strided_slice %shift_right_logical3A_1701 {offsets = [1], sizes = [1], strides = [1]} : vector<16xi32> to vector<1xi32>
        %squeeze3A_1746 = vector.extract %slice3A_1745[0] : i32 from vector<1xi32>
        %dma_start3A_1747 = arith.constant 1 : i32
        %dma_start3A_1748 = arith.constant 0 : i32
        %dma_start3A_1749 = arith.constant 0 : i32
        %dma_start3A_1750 = tpu.memref_slice %arg9[%dma_start3A_1747, %dma_start3A_1748, %dma_start3A_1749] : memref<16x8x32xf32, #tpu.memory_space<vmem>> -> memref<1x8x32xf32, #tpu.memory_space<vmem>>
        %dma_start3A_1751 = tpu.memref_squeeze %dma_start3A_1750 : memref<1x8x32xf32, #tpu.memory_space<vmem>> -> memref<8x32xf32, #tpu.memory_space<vmem>>
        %dma_start3A_1752 = arith.constant 0 : i32
        %dma_start3A_1753 = arith.constant 0 : i32
        %dma_start3A_1754 = tpu.memref_slice %arg4[%squeeze3A_1746, %dma_start3A_1752, %dma_start3A_1753] : memref<125000x8x32xf32, #tpu.memory_space<hbm>> -> memref<1x8x32xf32, #tpu.memory_space<hbm>>
        %dma_start3A_1755 = tpu.memref_squeeze %dma_start3A_1754 : memref<1x8x32xf32, #tpu.memory_space<hbm>> -> memref<8x32xf32, #tpu.memory_space<hbm>>
        %dma_start3A_1756 = arith.constant 0 : i32
        %dma_start3A_1757 = arith.constant 0 : i32
        %dma_start3A_1758 = tpu.memref_slice %arg9[%dma_start3A_1747, %dma_start3A_1756, %dma_start3A_1757] : memref<16x8x32xf32, #tpu.memory_space<vmem>> -> memref<1x8x32xf32, #tpu.memory_space<vmem>>
        %dma_start3A_1759 = tpu.memref_squeeze %dma_start3A_1758 : memref<1x8x32xf32, #tpu.memory_space<vmem>> -> memref<8x32xf32, #tpu.memory_space<vmem>>
        %dma_start3A_1760 = arith.constant 0 : i32
        %dma_start3A_1761 = arith.constant 0 : i32
        %dma_start3A_1762 = tpu.memref_slice %arg4[%squeeze3A_1746, %dma_start3A_1760, %dma_start3A_1761] : memref<125000x8x32xf32, #tpu.memory_space<hbm>> -> memref<1x8x32xf32, #tpu.memory_space<hbm>>
        %dma_start3A_1763 = tpu.memref_squeeze %dma_start3A_1762 : memref<1x8x32xf32, #tpu.memory_space<hbm>> -> memref<8x32xf32, #tpu.memory_space<hbm>>
        tpu.enqueue_dma source(%dma_start3A_1763 : memref<8x32xf32, #tpu.memory_space<hbm>>) target(%dma_start3A_1759 : memref<8x32xf32, #tpu.memory_space<vmem>>) target_semaphore(%arg14 : memref<!tpu.dma_semaphore, #tpu.memory_space<semaphore_mem>>)
        %slice3A_1764 = vector.extract_strided_slice %shift_right_logical3A_1706 {offsets = [1], sizes = [1], strides = [1]} : vector<16xi32> to vector<1xi32>
        %squeeze3A_1765 = vector.extract %slice3A_1764[0] : i32 from vector<1xi32>
        %dma_start3A_1766 = arith.constant 1 : i32
        %dma_start3A_1767 = arith.constant 0 : i32
        %dma_start3A_1768 = arith.constant 0 : i32
        %dma_start3A_1769 = tpu.memref_slice %arg10[%dma_start3A_1766, %dma_start3A_1767, %dma_start3A_1768] : memref<16x8x32xf32, #tpu.memory_space<vmem>> -> memref<1x8x32xf32, #tpu.memory_space<vmem>>
        %dma_start3A_1770 = tpu.memref_squeeze %dma_start3A_1769 : memref<1x8x32xf32, #tpu.memory_space<vmem>> -> memref<8x32xf32, #tpu.memory_space<vmem>>
        %dma_start3A_1771 = arith.constant 0 : i32
        %dma_start3A_1772 = arith.constant 0 : i32
        %dma_start3A_1773 = tpu.memref_slice %arg5[%squeeze3A_1765, %dma_start3A_1771, %dma_start3A_1772] : memref<125000x8x32xf32, #tpu.memory_space<hbm>> -> memref<1x8x32xf32, #tpu.memory_space<hbm>>
        %dma_start3A_1774 = tpu.memref_squeeze %dma_start3A_1773 : memref<1x8x32xf32, #tpu.memory_space<hbm>> -> memref<8x32xf32, #tpu.memory_space<hbm>>
        %dma_start3A_1775 = arith.constant 0 : i32
        %dma_start3A_1776 = arith.constant 0 : i32
        %dma_start3A_1777 = tpu.memref_slice %arg10[%dma_start3A_1766, %dma_start3A_1775, %dma_start3A_1776] : memref<16x8x32xf32, #tpu.memory_space<vmem>> -> memref<1x8x32xf32, #tpu.memory_space<vmem>>
        %dma_start3A_1778 = tpu.memref_squeeze %dma_start3A_1777 : memref<1x8x32xf32, #tpu.memory_space<vmem>> -> memref<8x32xf32, #tpu.memory_space<vmem>>
        %dma_start3A_1779 = arith.constant 0 : i32
        %dma_start3A_1780 = arith.constant 0 : i32
        %dma_start3A_1781 = tpu.memref_slice %arg5[%squeeze3A_1765, %dma_start3A_1779, %dma_start3A_1780] : memref<125000x8x32xf32, #tpu.memory_space<hbm>> -> memref<1x8x32xf32, #tpu.memory_space<hbm>>
        %dma_start3A_1782 = tpu.memref_squeeze %dma_start3A_1781 : memref<1x8x32xf32, #tpu.memory_space<hbm>> -> memref<8x32xf32, #tpu.memory_space<hbm>>
        tpu.enqueue_dma source(%dma_start3A_1782 : memref<8x32xf32, #tpu.memory_space<hbm>>) target(%dma_start3A_1778 : memref<8x32xf32, #tpu.memory_space<vmem>>) target_semaphore(%arg14 : memref<!tpu.dma_semaphore, #tpu.memory_space<semaphore_mem>>)
        %slice3A_1783 = vector.extract_strided_slice %shift_right_logical3A_1701 {offsets = [2], sizes = [1], strides = [1]} : vector<16xi32> to vector<1xi32>
        %squeeze3A_1784 = vector.extract %slice3A_1783[0] : i32 from vector<1xi32>
        %dma_start3A_1785 = arith.constant 2 : i32
        %dma_start3A_1786 = arith.constant 0 : i32
        %dma_start3A_1787 = arith.constant 0 : i32
        %dma_start3A_1788 = tpu.memref_slice %arg9[%dma_start3A_1785, %dma_start3A_1786, %dma_start3A_1787] : memref<16x8x32xf32, #tpu.memory_space<vmem>> -> memref<1x8x32xf32, #tpu.memory_space<vmem>>
        %dma_start3A_1789 = tpu.memref_squeeze %dma_start3A_1788 : memref<1x8x32xf32, #tpu.memory_space<vmem>> -> memref<8x32xf32, #tpu.memory_space<vmem>>
        %dma_start3A_1790 = arith.constant 0 : i32
        %dma_start3A_1791 = arith.constant 0 : i32
        %dma_start3A_1792 = tpu.memref_slice %arg4[%squeeze3A_1784, %dma_start3A_1790, %dma_start3A_1791] : memref<125000x8x32xf32, #tpu.memory_space<hbm>> -> memref<1x8x32xf32, #tpu.memory_space<hbm>>
        %dma_start3A_1793 = tpu.memref_squeeze %dma_start3A_1792 : memref<1x8x32xf32, #tpu.memory_space<hbm>> -> memref<8x32xf32, #tpu.memory_space<hbm>>
        %dma_start3A_1794 = arith.constant 0 : i32
        %dma_start3A_1795 = arith.constant 0 : i32
        %dma_start3A_1796 = tpu.memref_slice %arg9[%dma_start3A_1785, %dma_start3A_1794, %dma_start3A_1795] : memref<16x8x32xf32, #tpu.memory_space<vmem>> -> memref<1x8x32xf32, #tpu.memory_space<vmem>>
        %dma_start3A_1797 = tpu.memref_squeeze %dma_start3A_1796 : memref<1x8x32xf32, #tpu.memory_space<vmem>> -> memref<8x32xf32, #tpu.memory_space<vmem>>
        %dma_start3A_1798 = arith.constant 0 : i32
        %dma_start3A_1799 = arith.constant 0 : i32
        %dma_start3A_1800 = tpu.memref_slice %arg4[%squeeze3A_1784, %dma_start3A_1798, %dma_start3A_1799] : memref<125000x8x32xf32, #tpu.memory_space<hbm>> -> memref<1x8x32xf32, #tpu.memory_space<hbm>>
        %dma_start3A_1801 = tpu.memref_squeeze %dma_start3A_1800 : memref<1x8x32xf32, #tpu.memory_space<hbm>> -> memref<8x32xf32, #tpu.memory_space<hbm>>
        tpu.enqueue_dma source(%dma_start3A_1801 : memref<8x32xf32, #tpu.memory_space<hbm>>) target(%dma_start3A_1797 : memref<8x32xf32, #tpu.memory_space<vmem>>) target_semaphore(%arg14 : memref<!tpu.dma_semaphore, #tpu.memory_space<semaphore_mem>>)
        %slice3A_1802 = vector.extract_strided_slice %shift_right_logical3A_1706 {offsets = [2], sizes = [1], strides = [1]} : vector<16xi32> to vector<1xi32>
        %squeeze3A_1803 = vector.extract %slice3A_1802[0] : i32 from vector<1xi32>
        %dma_start3A_1804 = arith.constant 2 : i32
        %dma_start3A_1805 = arith.constant 0 : i32
        %dma_start3A_1806 = arith.constant 0 : i32
        %dma_start3A_1807 = tpu.memref_slice %arg10[%dma_start3A_1804, %dma_start3A_1805, %dma_start3A_1806] : memref<16x8x32xf32, #tpu.memory_space<vmem>> -> memref<1x8x32xf32, #tpu.memory_space<vmem>>
        %dma_start3A_1808 = tpu.memref_squeeze %dma_start3A_1807 : memref<1x8x32xf32, #tpu.memory_space<vmem>> -> memref<8x32xf32, #tpu.memory_space<vmem>>
        %dma_start3A_1809 = arith.constant 0 : i32
        %dma_start3A_1810 = arith.constant 0 : i32
        %dma_start3A_1811 = tpu.memref_slice %arg5[%squeeze3A_1803, %dma_start3A_1809, %dma_start3A_1810] : memref<125000x8x32xf32, #tpu.memory_space<hbm>> -> memref<1x8x32xf32, #tpu.memory_space<hbm>>
        %dma_start3A_1812 = tpu.memref_squeeze %dma_start3A_1811 : memref<1x8x32xf32, #tpu.memory_space<hbm>> -> memref<8x32xf32, #tpu.memory_space<hbm>>
        %dma_start3A_1813 = arith.constant 0 : i32
        %dma_start3A_1814 = arith.constant 0 : i32
        %dma_start3A_1815 = tpu.memref_slice %arg10[%dma_start3A_1804, %dma_start3A_1813, %dma_start3A_1814] : memref<16x8x32xf32, #tpu.memory_space<vmem>> -> memref<1x8x32xf32, #tpu.memory_space<vmem>>
        %dma_start3A_1816 = tpu.memref_squeeze %dma_start3A_1815 : memref<1x8x32xf32, #tpu.memory_space<vmem>> -> memref<8x32xf32, #tpu.memory_space<vmem>>
        %dma_start3A_1817 = arith.constant 0 : i32
        %dma_start3A_1818 = arith.constant 0 : i32
        %dma_start3A_1819 = tpu.memref_slice %arg5[%squeeze3A_1803, %dma_start3A_1817, %dma_start3A_1818] : memref<125000x8x32xf32, #tpu.memory_space<hbm>> -> memref<1x8x32xf32, #tpu.memory_space<hbm>>
        %dma_start3A_1820 = tpu.memref_squeeze %dma_start3A_1819 : memref<1x8x32xf32, #tpu.memory_space<hbm>> -> memref<8x32xf32, #tpu.memory_space<hbm>>
        tpu.enqueue_dma source(%dma_start3A_1820 : memref<8x32xf32, #tpu.memory_space<hbm>>) target(%dma_start3A_1816 : memref<8x32xf32, #tpu.memory_space<vmem>>) target_semaphore(%arg14 : memref<!tpu.dma_semaphore, #tpu.memory_space<semaphore_mem>>)
        %slice3A_1821 = vector.extract_strided_slice %shift_right_logical3A_1701 {offsets = [3], sizes = [1], strides = [1]} : vector<16xi32> to vector<1xi32>
        %squeeze3A_1822 = vector.extract %slice3A_1821[0] : i32 from vector<1xi32>
        %dma_start3A_1823 = arith.constant 3 : i32
        %dma_start3A_1824 = arith.constant 0 : i32
        %dma_start3A_1825 = arith.constant 0 : i32
        %dma_start3A_1826 = tpu.memref_slice %arg9[%dma_start3A_1823, %dma_start3A_1824, %dma_start3A_1825] : memref<16x8x32xf32, #tpu.memory_space<vmem>> -> memref<1x8x32xf32, #tpu.memory_space<vmem>>
        %dma_start3A_1827 = tpu.memref_squeeze %dma_start3A_1826 : memref<1x8x32xf32, #tpu.memory_space<vmem>> -> memref<8x32xf32, #tpu.memory_space<vmem>>
        %dma_start3A_1828 = arith.constant 0 : i32
        %dma_start3A_1829 = arith.constant 0 : i32
        %dma_start3A_1830 = tpu.memref_slice %arg4[%squeeze3A_1822, %dma_start3A_1828, %dma_start3A_1829] : memref<125000x8x32xf32, #tpu.memory_space<hbm>> -> memref<1x8x32xf32, #tpu.memory_space<hbm>>
        %dma_start3A_1831 = tpu.memref_squeeze %dma_start3A_1830 : memref<1x8x32xf32, #tpu.memory_space<hbm>> -> memref<8x32xf32, #tpu.memory_space<hbm>>
        %dma_start3A_1832 = arith.constant 0 : i32
        %dma_start3A_1833 = arith.constant 0 : i32
        %dma_start3A_1834 = tpu.memref_slice %arg9[%dma_start3A_1823, %dma_start3A_1832, %dma_start3A_1833] : memref<16x8x32xf32, #tpu.memory_space<vmem>> -> memref<1x8x32xf32, #tpu.memory_space<vmem>>
        %dma_start3A_1835 = tpu.memref_squeeze %dma_start3A_1834 : memref<1x8x32xf32, #tpu.memory_space<vmem>> -> memref<8x32xf32, #tpu.memory_space<vmem>>
        %dma_start3A_1836 = arith.constant 0 : i32
        %dma_start3A_1837 = arith.constant 0 : i32
        %dma_start3A_1838 = tpu.memref_slice %arg4[%squeeze3A_1822, %dma_start3A_1836, %dma_start3A_1837] : memref<125000x8x32xf32, #tpu.memory_space<hbm>> -> memref<1x8x32xf32, #tpu.memory_space<hbm>>
        %dma_start3A_1839 = tpu.memref_squeeze %dma_start3A_1838 : memref<1x8x32xf32, #tpu.memory_space<hbm>> -> memref<8x32xf32, #tpu.memory_space<hbm>>
        tpu.enqueue_dma source(%dma_start3A_1839 : memref<8x32xf32, #tpu.memory_space<hbm>>) target(%dma_start3A_1835 : memref<8x32xf32, #tpu.memory_space<vmem>>) target_semaphore(%arg14 : memref<!tpu.dma_semaphore, #tpu.memory_space<semaphore_mem>>)
        %slice3A_1840 = vector.extract_strided_slice %shift_right_logical3A_1706 {offsets = [3], sizes = [1], strides = [1]} : vector<16xi32> to vector<1xi32>
        %squeeze3A_1841 = vector.extract %slice3A_1840[0] : i32 from vector<1xi32>
        %dma_start3A_1842 = arith.constant 3 : i32
        %dma_start3A_1843 = arith.constant 0 : i32
        %dma_start3A_1844 = arith.constant 0 : i32
        %dma_start3A_1845 = tpu.memref_slice %arg10[%dma_start3A_1842, %dma_start3A_1843, %dma_start3A_1844] : memref<16x8x32xf32, #tpu.memory_space<vmem>> -> memref<1x8x32xf32, #tpu.memory_space<vmem>>
        %dma_start3A_1846 = tpu.memref_squeeze %dma_start3A_1845 : memref<1x8x32xf32, #tpu.memory_space<vmem>> -> memref<8x32xf32, #tpu.memory_space<vmem>>
        %dma_start3A_1847 = arith.constant 0 : i32
        %dma_start3A_1848 = arith.constant 0 : i32
        %dma_start3A_1849 = tpu.memref_slice %arg5[%squeeze3A_1841, %dma_start3A_1847, %dma_start3A_1848] : memref<125000x8x32xf32, #tpu.memory_space<hbm>> -> memref<1x8x32xf32, #tpu.memory_space<hbm>>
        %dma_start3A_1850 = tpu.memref_squeeze %dma_start3A_1849 : memref<1x8x32xf32, #tpu.memory_space<hbm>> -> memref<8x32xf32, #tpu.memory_space<hbm>>
        %dma_start3A_1851 = arith.constant 0 : i32
        %dma_start3A_1852 = arith.constant 0 : i32
        %dma_start3A_1853 = tpu.memref_slice %arg10[%dma_start3A_1842, %dma_start3A_1851, %dma_start3A_1852] : memref<16x8x32xf32, #tpu.memory_space<vmem>> -> memref<1x8x32xf32, #tpu.memory_space<vmem>>
        %dma_start3A_1854 = tpu.memref_squeeze %dma_start3A_1853 : memref<1x8x32xf32, #tpu.memory_space<vmem>> -> memref<8x32xf32, #tpu.memory_space<vmem>>
        %dma_start3A_1855 = arith.constant 0 : i32
        %dma_start3A_1856 = arith.constant 0 : i32
        %dma_start3A_1857 = tpu.memref_slice %arg5[%squeeze3A_1841, %dma_start3A_1855, %dma_start3A_1856] : memref<125000x8x32xf32, #tpu.memory_space<hbm>> -> memref<1x8x32xf32, #tpu.memory_space<hbm>>
        %dma_start3A_1858 = tpu.memref_squeeze %dma_start3A_1857 : memref<1x8x32xf32, #tpu.memory_space<hbm>> -> memref<8x32xf32, #tpu.memory_space<hbm>>
        tpu.enqueue_dma source(%dma_start3A_1858 : memref<8x32xf32, #tpu.memory_space<hbm>>) target(%dma_start3A_1854 : memref<8x32xf32, #tpu.memory_space<vmem>>) target_semaphore(%arg14 : memref<!tpu.dma_semaphore, #tpu.memory_space<semaphore_mem>>)
        %slice3A_1859 = vector.extract_strided_slice %shift_right_logical3A_1701 {offsets = [4], sizes = [1], strides = [1]} : vector<16xi32> to vector<1xi32>
        %squeeze3A_1860 = vector.extract %slice3A_1859[0] : i32 from vector<1xi32>
        %dma_start3A_1861 = arith.constant 4 : i32
        %dma_start3A_1862 = arith.constant 0 : i32
        %dma_start3A_1863 = arith.constant 0 : i32
        %dma_start3A_1864 = tpu.memref_slice %arg9[%dma_start3A_1861, %dma_start3A_1862, %dma_start3A_1863] : memref<16x8x32xf32, #tpu.memory_space<vmem>> -> memref<1x8x32xf32, #tpu.memory_space<vmem>>
        %dma_start3A_1865 = tpu.memref_squeeze %dma_start3A_1864 : memref<1x8x32xf32, #tpu.memory_space<vmem>> -> memref<8x32xf32, #tpu.memory_space<vmem>>
        %dma_start3A_1866 = arith.constant 0 : i32
        %dma_start3A_1867 = arith.constant 0 : i32
        %dma_start3A_1868 = tpu.memref_slice %arg4[%squeeze3A_1860, %dma_start3A_1866, %dma_start3A_1867] : memref<125000x8x32xf32, #tpu.memory_space<hbm>> -> memref<1x8x32xf32, #tpu.memory_space<hbm>>
        %dma_start3A_1869 = tpu.memref_squeeze %dma_start3A_1868 : memref<1x8x32xf32, #tpu.memory_space<hbm>> -> memref<8x32xf32, #tpu.memory_space<hbm>>
        %dma_start3A_1870 = arith.constant 0 : i32
        %dma_start3A_1871 = arith.constant 0 : i32
        %dma_start3A_1872 = tpu.memref_slice %arg9[%dma_start3A_1861, %dma_start3A_1870, %dma_start3A_1871] : memref<16x8x32xf32, #tpu.memory_space<vmem>> -> memref<1x8x32xf32, #tpu.memory_space<vmem>>
        %dma_start3A_1873 = tpu.memref_squeeze %dma_start3A_1872 : memref<1x8x32xf32, #tpu.memory_space<vmem>> -> memref<8x32xf32, #tpu.memory_space<vmem>>
        %dma_start3A_1874 = arith.constant 0 : i32
        %dma_start3A_1875 = arith.constant 0 : i32
        %dma_start3A_1876 = tpu.memref_slice %arg4[%squeeze3A_1860, %dma_start3A_1874, %dma_start3A_1875] : memref<125000x8x32xf32, #tpu.memory_space<hbm>> -> memref<1x8x32xf32, #tpu.memory_space<hbm>>
        %dma_start3A_1877 = tpu.memref_squeeze %dma_start3A_1876 : memref<1x8x32xf32, #tpu.memory_space<hbm>> -> memref<8x32xf32, #tpu.memory_space<hbm>>
        tpu.enqueue_dma source(%dma_start3A_1877 : memref<8x32xf32, #tpu.memory_space<hbm>>) target(%dma_start3A_1873 : memref<8x32xf32, #tpu.memory_space<vmem>>) target_semaphore(%arg14 : memref<!tpu.dma_semaphore, #tpu.memory_space<semaphore_mem>>)
        %slice3A_1878 = vector.extract_strided_slice %shift_right_logical3A_1706 {offsets = [4], sizes = [1], strides = [1]} : vector<16xi32> to vector<1xi32>
        %squeeze3A_1879 = vector.extract %slice3A_1878[0] : i32 from vector<1xi32>
        %dma_start3A_1880 = arith.constant 4 : i32
        %dma_start3A_1881 = arith.constant 0 : i32
        %dma_start3A_1882 = arith.constant 0 : i32
        %dma_start3A_1883 = tpu.memref_slice %arg10[%dma_start3A_1880, %dma_start3A_1881, %dma_start3A_1882] : memref<16x8x32xf32, #tpu.memory_space<vmem>> -> memref<1x8x32xf32, #tpu.memory_space<vmem>>
        %dma_start3A_1884 = tpu.memref_squeeze %dma_start3A_1883 : memref<1x8x32xf32, #tpu.memory_space<vmem>> -> memref<8x32xf32, #tpu.memory_space<vmem>>
        %dma_start3A_1885 = arith.constant 0 : i32
        %dma_start3A_1886 = arith.constant 0 : i32
        %dma_start3A_1887 = tpu.memref_slice %arg5[%squeeze3A_1879, %dma_start3A_1885, %dma_start3A_1886] : memref<125000x8x32xf32, #tpu.memory_space<hbm>> -> memref<1x8x32xf32, #tpu.memory_space<hbm>>
        %dma_start3A_1888 = tpu.memref_squeeze %dma_start3A_1887 : memref<1x8x32xf32, #tpu.memory_space<hbm>> -> memref<8x32xf32, #tpu.memory_space<hbm>>
        %dma_start3A_1889 = arith.constant 0 : i32
        %dma_start3A_1890 = arith.constant 0 : i32
        %dma_start3A_1891 = tpu.memref_slice %arg10[%dma_start3A_1880, %dma_start3A_1889, %dma_start3A_1890] : memref<16x8x32xf32, #tpu.memory_space<vmem>> -> memref<1x8x32xf32, #tpu.memory_space<vmem>>
        %dma_start3A_1892 = tpu.memref_squeeze %dma_start3A_1891 : memref<1x8x32xf32, #tpu.memory_space<vmem>> -> memref<8x32xf32, #tpu.memory_space<vmem>>
        %dma_start3A_1893 = arith.constant 0 : i32
        %dma_start3A_1894 = arith.constant 0 : i32
        %dma_start3A_1895 = tpu.memref_slice %arg5[%squeeze3A_1879, %dma_start3A_1893, %dma_start3A_1894] : memref<125000x8x32xf32, #tpu.memory_space<hbm>> -> memref<1x8x32xf32, #tpu.memory_space<hbm>>
        %dma_start3A_1896 = tpu.memref_squeeze %dma_start3A_1895 : memref<1x8x32xf32, #tpu.memory_space<hbm>> -> memref<8x32xf32, #tpu.memory_space<hbm>>
        tpu.enqueue_dma source(%dma_start3A_1896 : memref<8x32xf32, #tpu.memory_space<hbm>>) target(%dma_start3A_1892 : memref<8x32xf32, #tpu.memory_space<vmem>>) target_semaphore(%arg14 : memref<!tpu.dma_semaphore, #tpu.memory_space<semaphore_mem>>)
        %slice3A_1897 = vector.extract_strided_slice %shift_right_logical3A_1701 {offsets = [5], sizes = [1], strides = [1]} : vector<16xi32> to vector<1xi32>
        %squeeze3A_1898 = vector.extract %slice3A_1897[0] : i32 from vector<1xi32>
        %dma_start3A_1899 = arith.constant 5 : i32
        %dma_start3A_1900 = arith.constant 0 : i32
        %dma_start3A_1901 = arith.constant 0 : i32
        %dma_start3A_1902 = tpu.memref_slice %arg9[%dma_start3A_1899, %dma_start3A_1900, %dma_start3A_1901] : memref<16x8x32xf32, #tpu.memory_space<vmem>> -> memref<1x8x32xf32, #tpu.memory_space<vmem>>
        %dma_start3A_1903 = tpu.memref_squeeze %dma_start3A_1902 : memref<1x8x32xf32, #tpu.memory_space<vmem>> -> memref<8x32xf32, #tpu.memory_space<vmem>>
        %dma_start3A_1904 = arith.constant 0 : i32
        %dma_start3A_1905 = arith.constant 0 : i32
        %dma_start3A_1906 = tpu.memref_slice %arg4[%squeeze3A_1898, %dma_start3A_1904, %dma_start3A_1905] : memref<125000x8x32xf32, #tpu.memory_space<hbm>> -> memref<1x8x32xf32, #tpu.memory_space<hbm>>
        %dma_start3A_1907 = tpu.memref_squeeze %dma_start3A_1906 : memref<1x8x32xf32, #tpu.memory_space<hbm>> -> memref<8x32xf32, #tpu.memory_space<hbm>>
        %dma_start3A_1908 = arith.constant 0 : i32
        %dma_start3A_1909 = arith.constant 0 : i32
        %dma_start3A_1910 = tpu.memref_slice %arg9[%dma_start3A_1899, %dma_start3A_1908, %dma_start3A_1909] : memref<16x8x32xf32, #tpu.memory_space<vmem>> -> memref<1x8x32xf32, #tpu.memory_space<vmem>>
        %dma_start3A_1911 = tpu.memref_squeeze %dma_start3A_1910 : memref<1x8x32xf32, #tpu.memory_space<vmem>> -> memref<8x32xf32, #tpu.memory_space<vmem>>
        %dma_start3A_1912 = arith.constant 0 : i32
        %dma_start3A_1913 = arith.constant 0 : i32
        %dma_start3A_1914 = tpu.memref_slice %arg4[%squeeze3A_1898, %dma_start3A_1912, %dma_start3A_1913] : memref<125000x8x32xf32, #tpu.memory_space<hbm>> -> memref<1x8x32xf32, #tpu.memory_space<hbm>>
        %dma_start3A_1915 = tpu.memref_squeeze %dma_start3A_1914 : memref<1x8x32xf32, #tpu.memory_space<hbm>> -> memref<8x32xf32, #tpu.memory_space<hbm>>
        tpu.enqueue_dma source(%dma_start3A_1915 : memref<8x32xf32, #tpu.memory_space<hbm>>) target(%dma_start3A_1911 : memref<8x32xf32, #tpu.memory_space<vmem>>) target_semaphore(%arg14 : memref<!tpu.dma_semaphore, #tpu.memory_space<semaphore_mem>>)
        %slice3A_1916 = vector.extract_strided_slice %shift_right_logical3A_1706 {offsets = [5], sizes = [1], strides = [1]} : vector<16xi32> to vector<1xi32>
        %squeeze3A_1917 = vector.extract %slice3A_1916[0] : i32 from vector<1xi32>
        %dma_start3A_1918 = arith.constant 5 : i32
        %dma_start3A_1919 = arith.constant 0 : i32
        %dma_start3A_1920 = arith.constant 0 : i32
        %dma_start3A_1921 = tpu.memref_slice %arg10[%dma_start3A_1918, %dma_start3A_1919, %dma_start3A_1920] : memref<16x8x32xf32, #tpu.memory_space<vmem>> -> memref<1x8x32xf32, #tpu.memory_space<vmem>>
        %dma_start3A_1922 = tpu.memref_squeeze %dma_start3A_1921 : memref<1x8x32xf32, #tpu.memory_space<vmem>> -> memref<8x32xf32, #tpu.memory_space<vmem>>
        %dma_start3A_1923 = arith.constant 0 : i32
        %dma_start3A_1924 = arith.constant 0 : i32
        %dma_start3A_1925 = tpu.memref_slice %arg5[%squeeze3A_1917, %dma_start3A_1923, %dma_start3A_1924] : memref<125000x8x32xf32, #tpu.memory_space<hbm>> -> memref<1x8x32xf32, #tpu.memory_space<hbm>>
        %dma_start3A_1926 = tpu.memref_squeeze %dma_start3A_1925 : memref<1x8x32xf32, #tpu.memory_space<hbm>> -> memref<8x32xf32, #tpu.memory_space<hbm>>
        %dma_start3A_1927 = arith.constant 0 : i32
        %dma_start3A_1928 = arith.constant 0 : i32
        %dma_start3A_1929 = tpu.memref_slice %arg10[%dma_start3A_1918, %dma_start3A_1927, %dma_start3A_1928] : memref<16x8x32xf32, #tpu.memory_space<vmem>> -> memref<1x8x32xf32, #tpu.memory_space<vmem>>
        %dma_start3A_1930 = tpu.memref_squeeze %dma_start3A_1929 : memref<1x8x32xf32, #tpu.memory_space<vmem>> -> memref<8x32xf32, #tpu.memory_space<vmem>>
        %dma_start3A_1931 = arith.constant 0 : i32
        %dma_start3A_1932 = arith.constant 0 : i32
        %dma_start3A_1933 = tpu.memref_slice %arg5[%squeeze3A_1917, %dma_start3A_1931, %dma_start3A_1932] : memref<125000x8x32xf32, #tpu.memory_space<hbm>> -> memref<1x8x32xf32, #tpu.memory_space<hbm>>
        %dma_start3A_1934 = tpu.memref_squeeze %dma_start3A_1933 : memref<1x8x32xf32, #tpu.memory_space<hbm>> -> memref<8x32xf32, #tpu.memory_space<hbm>>
        tpu.enqueue_dma source(%dma_start3A_1934 : memref<8x32xf32, #tpu.memory_space<hbm>>) target(%dma_start3A_1930 : memref<8x32xf32, #tpu.memory_space<vmem>>) target_semaphore(%arg14 : memref<!tpu.dma_semaphore, #tpu.memory_space<semaphore_mem>>)
        %slice3A_1935 = vector.extract_strided_slice %shift_right_logical3A_1701 {offsets = [6], sizes = [1], strides = [1]} : vector<16xi32> to vector<1xi32>
        %squeeze3A_1936 = vector.extract %slice3A_1935[0] : i32 from vector<1xi32>
        %dma_start3A_1937 = arith.constant 6 : i32
        %dma_start3A_1938 = arith.constant 0 : i32
        %dma_start3A_1939 = arith.constant 0 : i32
        %dma_start3A_1940 = tpu.memref_slice %arg9[%dma_start3A_1937, %dma_start3A_1938, %dma_start3A_1939] : memref<16x8x32xf32, #tpu.memory_space<vmem>> -> memref<1x8x32xf32, #tpu.memory_space<vmem>>
        %dma_start3A_1941 = tpu.memref_squeeze %dma_start3A_1940 : memref<1x8x32xf32, #tpu.memory_space<vmem>> -> memref<8x32xf32, #tpu.memory_space<vmem>>
        %dma_start3A_1942 = arith.constant 0 : i32
        %dma_start3A_1943 = arith.constant 0 : i32
        %dma_start3A_1944 = tpu.memref_slice %arg4[%squeeze3A_1936, %dma_start3A_1942, %dma_start3A_1943] : memref<125000x8x32xf32, #tpu.memory_space<hbm>> -> memref<1x8x32xf32, #tpu.memory_space<hbm>>
        %dma_start3A_1945 = tpu.memref_squeeze %dma_start3A_1944 : memref<1x8x32xf32, #tpu.memory_space<hbm>> -> memref<8x32xf32, #tpu.memory_space<hbm>>
        %dma_start3A_1946 = arith.constant 0 : i32
        %dma_start3A_1947 = arith.constant 0 : i32
        %dma_start3A_1948 = tpu.memref_slice %arg9[%dma_start3A_1937, %dma_start3A_1946, %dma_start3A_1947] : memref<16x8x32xf32, #tpu.memory_space<vmem>> -> memref<1x8x32xf32, #tpu.memory_space<vmem>>
        %dma_start3A_1949 = tpu.memref_squeeze %dma_start3A_1948 : memref<1x8x32xf32, #tpu.memory_space<vmem>> -> memref<8x32xf32, #tpu.memory_space<vmem>>
        %dma_start3A_1950 = arith.constant 0 : i32
        %dma_start3A_1951 = arith.constant 0 : i32
        %dma_start3A_1952 = tpu.memref_slice %arg4[%squeeze3A_1936, %dma_start3A_1950, %dma_start3A_1951] : memref<125000x8x32xf32, #tpu.memory_space<hbm>> -> memref<1x8x32xf32, #tpu.memory_space<hbm>>
        %dma_start3A_1953 = tpu.memref_squeeze %dma_start3A_1952 : memref<1x8x32xf32, #tpu.memory_space<hbm>> -> memref<8x32xf32, #tpu.memory_space<hbm>>
        tpu.enqueue_dma source(%dma_start3A_1953 : memref<8x32xf32, #tpu.memory_space<hbm>>) target(%dma_start3A_1949 : memref<8x32xf32, #tpu.memory_space<vmem>>) target_semaphore(%arg14 : memref<!tpu.dma_semaphore, #tpu.memory_space<semaphore_mem>>)
        %slice3A_1954 = vector.extract_strided_slice %shift_right_logical3A_1706 {offsets = [6], sizes = [1], strides = [1]} : vector<16xi32> to vector<1xi32>
        %squeeze3A_1955 = vector.extract %slice3A_1954[0] : i32 from vector<1xi32>
        %dma_start3A_1956 = arith.constant 6 : i32
        %dma_start3A_1957 = arith.constant 0 : i32
        %dma_start3A_1958 = arith.constant 0 : i32
        %dma_start3A_1959 = tpu.memref_slice %arg10[%dma_start3A_1956, %dma_start3A_1957, %dma_start3A_1958] : memref<16x8x32xf32, #tpu.memory_space<vmem>> -> memref<1x8x32xf32, #tpu.memory_space<vmem>>
        %dma_start3A_1960 = tpu.memref_squeeze %dma_start3A_1959 : memref<1x8x32xf32, #tpu.memory_space<vmem>> -> memref<8x32xf32, #tpu.memory_space<vmem>>
        %dma_start3A_1961 = arith.constant 0 : i32
        %dma_start3A_1962 = arith.constant 0 : i32
        %dma_start3A_1963 = tpu.memref_slice %arg5[%squeeze3A_1955, %dma_start3A_1961, %dma_start3A_1962] : memref<125000x8x32xf32, #tpu.memory_space<hbm>> -> memref<1x8x32xf32, #tpu.memory_space<hbm>>
        %dma_start3A_1964 = tpu.memref_squeeze %dma_start3A_1963 : memref<1x8x32xf32, #tpu.memory_space<hbm>> -> memref<8x32xf32, #tpu.memory_space<hbm>>
        %dma_start3A_1965 = arith.constant 0 : i32
        %dma_start3A_1966 = arith.constant 0 : i32
        %dma_start3A_1967 = tpu.memref_slice %arg10[%dma_start3A_1956, %dma_start3A_1965, %dma_start3A_1966] : memref<16x8x32xf32, #tpu.memory_space<vmem>> -> memref<1x8x32xf32, #tpu.memory_space<vmem>>
        %dma_start3A_1968 = tpu.memref_squeeze %dma_start3A_1967 : memref<1x8x32xf32, #tpu.memory_space<vmem>> -> memref<8x32xf32, #tpu.memory_space<vmem>>
        %dma_start3A_1969 = arith.constant 0 : i32
        %dma_start3A_1970 = arith.constant 0 : i32
        %dma_start3A_1971 = tpu.memref_slice %arg5[%squeeze3A_1955, %dma_start3A_1969, %dma_start3A_1970] : memref<125000x8x32xf32, #tpu.memory_space<hbm>> -> memref<1x8x32xf32, #tpu.memory_space<hbm>>
        %dma_start3A_1972 = tpu.memref_squeeze %dma_start3A_1971 : memref<1x8x32xf32, #tpu.memory_space<hbm>> -> memref<8x32xf32, #tpu.memory_space<hbm>>
        tpu.enqueue_dma source(%dma_start3A_1972 : memref<8x32xf32, #tpu.memory_space<hbm>>) target(%dma_start3A_1968 : memref<8x32xf32, #tpu.memory_space<vmem>>) target_semaphore(%arg14 : memref<!tpu.dma_semaphore, #tpu.memory_space<semaphore_mem>>)
        %slice3A_1973 = vector.extract_strided_slice %shift_right_logical3A_1701 {offsets = [7], sizes = [1], strides = [1]} : vector<16xi32> to vector<1xi32>
        %squeeze3A_1974 = vector.extract %slice3A_1973[0] : i32 from vector<1xi32>
        %dma_start3A_1975 = arith.constant 7 : i32
        %dma_start3A_1976 = arith.constant 0 : i32
        %dma_start3A_1977 = arith.constant 0 : i32
        %dma_start3A_1978 = tpu.memref_slice %arg9[%dma_start3A_1975, %dma_start3A_1976, %dma_start3A_1977] : memref<16x8x32xf32, #tpu.memory_space<vmem>> -> memref<1x8x32xf32, #tpu.memory_space<vmem>>
        %dma_start3A_1979 = tpu.memref_squeeze %dma_start3A_1978 : memref<1x8x32xf32, #tpu.memory_space<vmem>> -> memref<8x32xf32, #tpu.memory_space<vmem>>
        %dma_start3A_1980 = arith.constant 0 : i32
        %dma_start3A_1981 = arith.constant 0 : i32
        %dma_start3A_1982 = tpu.memref_slice %arg4[%squeeze3A_1974, %dma_start3A_1980, %dma_start3A_1981] : memref<125000x8x32xf32, #tpu.memory_space<hbm>> -> memref<1x8x32xf32, #tpu.memory_space<hbm>>
        %dma_start3A_1983 = tpu.memref_squeeze %dma_start3A_1982 : memref<1x8x32xf32, #tpu.memory_space<hbm>> -> memref<8x32xf32, #tpu.memory_space<hbm>>
        %dma_start3A_1984 = arith.constant 0 : i32
        %dma_start3A_1985 = arith.constant 0 : i32
        %dma_start3A_1986 = tpu.memref_slice %arg9[%dma_start3A_1975, %dma_start3A_1984, %dma_start3A_1985] : memref<16x8x32xf32, #tpu.memory_space<vmem>> -> memref<1x8x32xf32, #tpu.memory_space<vmem>>
        %dma_start3A_1987 = tpu.memref_squeeze %dma_start3A_1986 : memref<1x8x32xf32, #tpu.memory_space<vmem>> -> memref<8x32xf32, #tpu.memory_space<vmem>>
        %dma_start3A_1988 = arith.constant 0 : i32
        %dma_start3A_1989 = arith.constant 0 : i32
        %dma_start3A_1990 = tpu.memref_slice %arg4[%squeeze3A_1974, %dma_start3A_1988, %dma_start3A_1989] : memref<125000x8x32xf32, #tpu.memory_space<hbm>> -> memref<1x8x32xf32, #tpu.memory_space<hbm>>
        %dma_start3A_1991 = tpu.memref_squeeze %dma_start3A_1990 : memref<1x8x32xf32, #tpu.memory_space<hbm>> -> memref<8x32xf32, #tpu.memory_space<hbm>>
        tpu.enqueue_dma source(%dma_start3A_1991 : memref<8x32xf32, #tpu.memory_space<hbm>>) target(%dma_start3A_1987 : memref<8x32xf32, #tpu.memory_space<vmem>>) target_semaphore(%arg14 : memref<!tpu.dma_semaphore, #tpu.memory_space<semaphore_mem>>)
        %slice3A_1992 = vector.extract_strided_slice %shift_right_logical3A_1706 {offsets = [7], sizes = [1], strides = [1]} : vector<16xi32> to vector<1xi32>
        %squeeze3A_1993 = vector.extract %slice3A_1992[0] : i32 from vector<1xi32>
        %dma_start3A_1994 = arith.constant 7 : i32
        %dma_start3A_1995 = arith.constant 0 : i32
        %dma_start3A_1996 = arith.constant 0 : i32
        %dma_start3A_1997 = tpu.memref_slice %arg10[%dma_start3A_1994, %dma_start3A_1995, %dma_start3A_1996] : memref<16x8x32xf32, #tpu.memory_space<vmem>> -> memref<1x8x32xf32, #tpu.memory_space<vmem>>
        %dma_start3A_1998 = tpu.memref_squeeze %dma_start3A_1997 : memref<1x8x32xf32, #tpu.memory_space<vmem>> -> memref<8x32xf32, #tpu.memory_space<vmem>>
        %dma_start3A_1999 = arith.constant 0 : i32
        %dma_start3A_2000 = arith.constant 0 : i32
        %dma_start3A_2001 = tpu.memref_slice %arg5[%squeeze3A_1993, %dma_start3A_1999, %dma_start3A_2000] : memref<125000x8x32xf32, #tpu.memory_space<hbm>> -> memref<1x8x32xf32, #tpu.memory_space<hbm>>
        %dma_start3A_2002 = tpu.memref_squeeze %dma_start3A_2001 : memref<1x8x32xf32, #tpu.memory_space<hbm>> -> memref<8x32xf32, #tpu.memory_space<hbm>>
        %dma_start3A_2003 = arith.constant 0 : i32
        %dma_start3A_2004 = arith.constant 0 : i32
        %dma_start3A_2005 = tpu.memref_slice %arg10[%dma_start3A_1994, %dma_start3A_2003, %dma_start3A_2004] : memref<16x8x32xf32, #tpu.memory_space<vmem>> -> memref<1x8x32xf32, #tpu.memory_space<vmem>>
        %dma_start3A_2006 = tpu.memref_squeeze %dma_start3A_2005 : memref<1x8x32xf32, #tpu.memory_space<vmem>> -> memref<8x32xf32, #tpu.memory_space<vmem>>
        %dma_start3A_2007 = arith.constant 0 : i32
        %dma_start3A_2008 = arith.constant 0 : i32
        %dma_start3A_2009 = tpu.memref_slice %arg5[%squeeze3A_1993, %dma_start3A_2007, %dma_start3A_2008] : memref<125000x8x32xf32, #tpu.memory_space<hbm>> -> memref<1x8x32xf32, #tpu.memory_space<hbm>>
        %dma_start3A_2010 = tpu.memref_squeeze %dma_start3A_2009 : memref<1x8x32xf32, #tpu.memory_space<hbm>> -> memref<8x32xf32, #tpu.memory_space<hbm>>
        tpu.enqueue_dma source(%dma_start3A_2010 : memref<8x32xf32, #tpu.memory_space<hbm>>) target(%dma_start3A_2006 : memref<8x32xf32, #tpu.memory_space<vmem>>) target_semaphore(%arg14 : memref<!tpu.dma_semaphore, #tpu.memory_space<semaphore_mem>>)
        %slice3A_2011 = vector.extract_strided_slice %shift_right_logical3A_1701 {offsets = [8], sizes = [1], strides = [1]} : vector<16xi32> to vector<1xi32>
        %squeeze3A_2012 = vector.extract %slice3A_2011[0] : i32 from vector<1xi32>
        %dma_start3A_2013 = arith.constant 8 : i32
        %dma_start3A_2014 = arith.constant 0 : i32
        %dma_start3A_2015 = arith.constant 0 : i32
        %dma_start3A_2016 = tpu.memref_slice %arg9[%dma_start3A_2013, %dma_start3A_2014, %dma_start3A_2015] : memref<16x8x32xf32, #tpu.memory_space<vmem>> -> memref<1x8x32xf32, #tpu.memory_space<vmem>>
        %dma_start3A_2017 = tpu.memref_squeeze %dma_start3A_2016 : memref<1x8x32xf32, #tpu.memory_space<vmem>> -> memref<8x32xf32, #tpu.memory_space<vmem>>
        %dma_start3A_2018 = arith.constant 0 : i32
        %dma_start3A_2019 = arith.constant 0 : i32
        %dma_start3A_2020 = tpu.memref_slice %arg4[%squeeze3A_2012, %dma_start3A_2018, %dma_start3A_2019] : memref<125000x8x32xf32, #tpu.memory_space<hbm>> -> memref<1x8x32xf32, #tpu.memory_space<hbm>>
        %dma_start3A_2021 = tpu.memref_squeeze %dma_start3A_2020 : memref<1x8x32xf32, #tpu.memory_space<hbm>> -> memref<8x32xf32, #tpu.memory_space<hbm>>
        %dma_start3A_2022 = arith.constant 0 : i32
        %dma_start3A_2023 = arith.constant 0 : i32
        %dma_start3A_2024 = tpu.memref_slice %arg9[%dma_start3A_2013, %dma_start3A_2022, %dma_start3A_2023] : memref<16x8x32xf32, #tpu.memory_space<vmem>> -> memref<1x8x32xf32, #tpu.memory_space<vmem>>
        %dma_start3A_2025 = tpu.memref_squeeze %dma_start3A_2024 : memref<1x8x32xf32, #tpu.memory_space<vmem>> -> memref<8x32xf32, #tpu.memory_space<vmem>>
        %dma_start3A_2026 = arith.constant 0 : i32
        %dma_start3A_2027 = arith.constant 0 : i32
        %dma_start3A_2028 = tpu.memref_slice %arg4[%squeeze3A_2012, %dma_start3A_2026, %dma_start3A_2027] : memref<125000x8x32xf32, #tpu.memory_space<hbm>> -> memref<1x8x32xf32, #tpu.memory_space<hbm>>
        %dma_start3A_2029 = tpu.memref_squeeze %dma_start3A_2028 : memref<1x8x32xf32, #tpu.memory_space<hbm>> -> memref<8x32xf32, #tpu.memory_space<hbm>>
        tpu.enqueue_dma source(%dma_start3A_2029 : memref<8x32xf32, #tpu.memory_space<hbm>>) target(%dma_start3A_2025 : memref<8x32xf32, #tpu.memory_space<vmem>>) target_semaphore(%arg14 : memref<!tpu.dma_semaphore, #tpu.memory_space<semaphore_mem>>)
        %slice3A_2030 = vector.extract_strided_slice %shift_right_logical3A_1706 {offsets = [8], sizes = [1], strides = [1]} : vector<16xi32> to vector<1xi32>
        %squeeze3A_2031 = vector.extract %slice3A_2030[0] : i32 from vector<1xi32>
        %dma_start3A_2032 = arith.constant 8 : i32
        %dma_start3A_2033 = arith.constant 0 : i32
        %dma_start3A_2034 = arith.constant 0 : i32
        %dma_start3A_2035 = tpu.memref_slice %arg10[%dma_start3A_2032, %dma_start3A_2033, %dma_start3A_2034] : memref<16x8x32xf32, #tpu.memory_space<vmem>> -> memref<1x8x32xf32, #tpu.memory_space<vmem>>
        %dma_start3A_2036 = tpu.memref_squeeze %dma_start3A_2035 : memref<1x8x32xf32, #tpu.memory_space<vmem>> -> memref<8x32xf32, #tpu.memory_space<vmem>>
        %dma_start3A_2037 = arith.constant 0 : i32
        %dma_start3A_2038 = arith.constant 0 : i32
        %dma_start3A_2039 = tpu.memref_slice %arg5[%squeeze3A_2031, %dma_start3A_2037, %dma_start3A_2038] : memref<125000x8x32xf32, #tpu.memory_space<hbm>> -> memref<1x8x32xf32, #tpu.memory_space<hbm>>
        %dma_start3A_2040 = tpu.memref_squeeze %dma_start3A_2039 : memref<1x8x32xf32, #tpu.memory_space<hbm>> -> memref<8x32xf32, #tpu.memory_space<hbm>>
        %dma_start3A_2041 = arith.constant 0 : i32
        %dma_start3A_2042 = arith.constant 0 : i32
        %dma_start3A_2043 = tpu.memref_slice %arg10[%dma_start3A_2032, %dma_start3A_2041, %dma_start3A_2042] : memref<16x8x32xf32, #tpu.memory_space<vmem>> -> memref<1x8x32xf32, #tpu.memory_space<vmem>>
        %dma_start3A_2044 = tpu.memref_squeeze %dma_start3A_2043 : memref<1x8x32xf32, #tpu.memory_space<vmem>> -> memref<8x32xf32, #tpu.memory_space<vmem>>
        %dma_start3A_2045 = arith.constant 0 : i32
        %dma_start3A_2046 = arith.constant 0 : i32
        %dma_start3A_2047 = tpu.memref_slice %arg5[%squeeze3A_2031, %dma_start3A_2045, %dma_start3A_2046] : memref<125000x8x32xf32, #tpu.memory_space<hbm>> -> memref<1x8x32xf32, #tpu.memory_space<hbm>>
        %dma_start3A_2048 = tpu.memref_squeeze %dma_start3A_2047 : memref<1x8x32xf32, #tpu.memory_space<hbm>> -> memref<8x32xf32, #tpu.memory_space<hbm>>
        tpu.enqueue_dma source(%dma_start3A_2048 : memref<8x32xf32, #tpu.memory_space<hbm>>) target(%dma_start3A_2044 : memref<8x32xf32, #tpu.memory_space<vmem>>) target_semaphore(%arg14 : memref<!tpu.dma_semaphore, #tpu.memory_space<semaphore_mem>>)
        %slice3A_2049 = vector.extract_strided_slice %shift_right_logical3A_1701 {offsets = [9], sizes = [1], strides = [1]} : vector<16xi32> to vector<1xi32>
        %squeeze3A_2050 = vector.extract %slice3A_2049[0] : i32 from vector<1xi32>
        %dma_start3A_2051 = arith.constant 9 : i32
        %dma_start3A_2052 = arith.constant 0 : i32
        %dma_start3A_2053 = arith.constant 0 : i32
        %dma_start3A_2054 = tpu.memref_slice %arg9[%dma_start3A_2051, %dma_start3A_2052, %dma_start3A_2053] : memref<16x8x32xf32, #tpu.memory_space<vmem>> -> memref<1x8x32xf32, #tpu.memory_space<vmem>>
        %dma_start3A_2055 = tpu.memref_squeeze %dma_start3A_2054 : memref<1x8x32xf32, #tpu.memory_space<vmem>> -> memref<8x32xf32, #tpu.memory_space<vmem>>
        %dma_start3A_2056 = arith.constant 0 : i32
        %dma_start3A_2057 = arith.constant 0 : i32
        %dma_start3A_2058 = tpu.memref_slice %arg4[%squeeze3A_2050, %dma_start3A_2056, %dma_start3A_2057] : memref<125000x8x32xf32, #tpu.memory_space<hbm>> -> memref<1x8x32xf32, #tpu.memory_space<hbm>>
        %dma_start3A_2059 = tpu.memref_squeeze %dma_start3A_2058 : memref<1x8x32xf32, #tpu.memory_space<hbm>> -> memref<8x32xf32, #tpu.memory_space<hbm>>
        %dma_start3A_2060 = arith.constant 0 : i32
        %dma_start3A_2061 = arith.constant 0 : i32
        %dma_start3A_2062 = tpu.memref_slice %arg9[%dma_start3A_2051, %dma_start3A_2060, %dma_start3A_2061] : memref<16x8x32xf32, #tpu.memory_space<vmem>> -> memref<1x8x32xf32, #tpu.memory_space<vmem>>
        %dma_start3A_2063 = tpu.memref_squeeze %dma_start3A_2062 : memref<1x8x32xf32, #tpu.memory_space<vmem>> -> memref<8x32xf32, #tpu.memory_space<vmem>>
        %dma_start3A_2064 = arith.constant 0 : i32
        %dma_start3A_2065 = arith.constant 0 : i32
        %dma_start3A_2066 = tpu.memref_slice %arg4[%squeeze3A_2050, %dma_start3A_2064, %dma_start3A_2065] : memref<125000x8x32xf32, #tpu.memory_space<hbm>> -> memref<1x8x32xf32, #tpu.memory_space<hbm>>
        %dma_start3A_2067 = tpu.memref_squeeze %dma_start3A_2066 : memref<1x8x32xf32, #tpu.memory_space<hbm>> -> memref<8x32xf32, #tpu.memory_space<hbm>>
        tpu.enqueue_dma source(%dma_start3A_2067 : memref<8x32xf32, #tpu.memory_space<hbm>>) target(%dma_start3A_2063 : memref<8x32xf32, #tpu.memory_space<vmem>>) target_semaphore(%arg14 : memref<!tpu.dma_semaphore, #tpu.memory_space<semaphore_mem>>)
        %slice3A_2068 = vector.extract_strided_slice %shift_right_logical3A_1706 {offsets = [9], sizes = [1], strides = [1]} : vector<16xi32> to vector<1xi32>
        %squeeze3A_2069 = vector.extract %slice3A_2068[0] : i32 from vector<1xi32>
        %dma_start3A_2070 = arith.constant 9 : i32
        %dma_start3A_2071 = arith.constant 0 : i32
        %dma_start3A_2072 = arith.constant 0 : i32
        %dma_start3A_2073 = tpu.memref_slice %arg10[%dma_start3A_2070, %dma_start3A_2071, %dma_start3A_2072] : memref<16x8x32xf32, #tpu.memory_space<vmem>> -> memref<1x8x32xf32, #tpu.memory_space<vmem>>
        %dma_start3A_2074 = tpu.memref_squeeze %dma_start3A_2073 : memref<1x8x32xf32, #tpu.memory_space<vmem>> -> memref<8x32xf32, #tpu.memory_space<vmem>>
        %dma_start3A_2075 = arith.constant 0 : i32
        %dma_start3A_2076 = arith.constant 0 : i32
        %dma_start3A_2077 = tpu.memref_slice %arg5[%squeeze3A_2069, %dma_start3A_2075, %dma_start3A_2076] : memref<125000x8x32xf32, #tpu.memory_space<hbm>> -> memref<1x8x32xf32, #tpu.memory_space<hbm>>
        %dma_start3A_2078 = tpu.memref_squeeze %dma_start3A_2077 : memref<1x8x32xf32, #tpu.memory_space<hbm>> -> memref<8x32xf32, #tpu.memory_space<hbm>>
        %dma_start3A_2079 = arith.constant 0 : i32
        %dma_start3A_2080 = arith.constant 0 : i32
        %dma_start3A_2081 = tpu.memref_slice %arg10[%dma_start3A_2070, %dma_start3A_2079, %dma_start3A_2080] : memref<16x8x32xf32, #tpu.memory_space<vmem>> -> memref<1x8x32xf32, #tpu.memory_space<vmem>>
        %dma_start3A_2082 = tpu.memref_squeeze %dma_start3A_2081 : memref<1x8x32xf32, #tpu.memory_space<vmem>> -> memref<8x32xf32, #tpu.memory_space<vmem>>
        %dma_start3A_2083 = arith.constant 0 : i32
        %dma_start3A_2084 = arith.constant 0 : i32
        %dma_start3A_2085 = tpu.memref_slice %arg5[%squeeze3A_2069, %dma_start3A_2083, %dma_start3A_2084] : memref<125000x8x32xf32, #tpu.memory_space<hbm>> -> memref<1x8x32xf32, #tpu.memory_space<hbm>>
        %dma_start3A_2086 = tpu.memref_squeeze %dma_start3A_2085 : memref<1x8x32xf32, #tpu.memory_space<hbm>> -> memref<8x32xf32, #tpu.memory_space<hbm>>
        tpu.enqueue_dma source(%dma_start3A_2086 : memref<8x32xf32, #tpu.memory_space<hbm>>) target(%dma_start3A_2082 : memref<8x32xf32, #tpu.memory_space<vmem>>) target_semaphore(%arg14 : memref<!tpu.dma_semaphore, #tpu.memory_space<semaphore_mem>>)
        %slice3A_2087 = vector.extract_strided_slice %shift_right_logical3A_1701 {offsets = [10], sizes = [1], strides = [1]} : vector<16xi32> to vector<1xi32>
        %squeeze3A_2088 = vector.extract %slice3A_2087[0] : i32 from vector<1xi32>
        %dma_start3A_2089 = arith.constant 10 : i32
        %dma_start3A_2090 = arith.constant 0 : i32
        %dma_start3A_2091 = arith.constant 0 : i32
        %dma_start3A_2092 = tpu.memref_slice %arg9[%dma_start3A_2089, %dma_start3A_2090, %dma_start3A_2091] : memref<16x8x32xf32, #tpu.memory_space<vmem>> -> memref<1x8x32xf32, #tpu.memory_space<vmem>>
        %dma_start3A_2093 = tpu.memref_squeeze %dma_start3A_2092 : memref<1x8x32xf32, #tpu.memory_space<vmem>> -> memref<8x32xf32, #tpu.memory_space<vmem>>
        %dma_start3A_2094 = arith.constant 0 : i32
        %dma_start3A_2095 = arith.constant 0 : i32
        %dma_start3A_2096 = tpu.memref_slice %arg4[%squeeze3A_2088, %dma_start3A_2094, %dma_start3A_2095] : memref<125000x8x32xf32, #tpu.memory_space<hbm>> -> memref<1x8x32xf32, #tpu.memory_space<hbm>>
        %dma_start3A_2097 = tpu.memref_squeeze %dma_start3A_2096 : memref<1x8x32xf32, #tpu.memory_space<hbm>> -> memref<8x32xf32, #tpu.memory_space<hbm>>
        %dma_start3A_2098 = arith.constant 0 : i32
        %dma_start3A_2099 = arith.constant 0 : i32
        %dma_start3A_2100 = tpu.memref_slice %arg9[%dma_start3A_2089, %dma_start3A_2098, %dma_start3A_2099] : memref<16x8x32xf32, #tpu.memory_space<vmem>> -> memref<1x8x32xf32, #tpu.memory_space<vmem>>
        %dma_start3A_2101 = tpu.memref_squeeze %dma_start3A_2100 : memref<1x8x32xf32, #tpu.memory_space<vmem>> -> memref<8x32xf32, #tpu.memory_space<vmem>>
        %dma_start3A_2102 = arith.constant 0 : i32
        %dma_start3A_2103 = arith.constant 0 : i32
        %dma_start3A_2104 = tpu.memref_slice %arg4[%squeeze3A_2088, %dma_start3A_2102, %dma_start3A_2103] : memref<125000x8x32xf32, #tpu.memory_space<hbm>> -> memref<1x8x32xf32, #tpu.memory_space<hbm>>
        %dma_start3A_2105 = tpu.memref_squeeze %dma_start3A_2104 : memref<1x8x32xf32, #tpu.memory_space<hbm>> -> memref<8x32xf32, #tpu.memory_space<hbm>>
        tpu.enqueue_dma source(%dma_start3A_2105 : memref<8x32xf32, #tpu.memory_space<hbm>>) target(%dma_start3A_2101 : memref<8x32xf32, #tpu.memory_space<vmem>>) target_semaphore(%arg14 : memref<!tpu.dma_semaphore, #tpu.memory_space<semaphore_mem>>)
        %slice3A_2106 = vector.extract_strided_slice %shift_right_logical3A_1706 {offsets = [10], sizes = [1], strides = [1]} : vector<16xi32> to vector<1xi32>
        %squeeze3A_2107 = vector.extract %slice3A_2106[0] : i32 from vector<1xi32>
        %dma_start3A_2108 = arith.constant 10 : i32
        %dma_start3A_2109 = arith.constant 0 : i32
        %dma_start3A_2110 = arith.constant 0 : i32
        %dma_start3A_2111 = tpu.memref_slice %arg10[%dma_start3A_2108, %dma_start3A_2109, %dma_start3A_2110] : memref<16x8x32xf32, #tpu.memory_space<vmem>> -> memref<1x8x32xf32, #tpu.memory_space<vmem>>
        %dma_start3A_2112 = tpu.memref_squeeze %dma_start3A_2111 : memref<1x8x32xf32, #tpu.memory_space<vmem>> -> memref<8x32xf32, #tpu.memory_space<vmem>>
        %dma_start3A_2113 = arith.constant 0 : i32
        %dma_start3A_2114 = arith.constant 0 : i32
        %dma_start3A_2115 = tpu.memref_slice %arg5[%squeeze3A_2107, %dma_start3A_2113, %dma_start3A_2114] : memref<125000x8x32xf32, #tpu.memory_space<hbm>> -> memref<1x8x32xf32, #tpu.memory_space<hbm>>
        %dma_start3A_2116 = tpu.memref_squeeze %dma_start3A_2115 : memref<1x8x32xf32, #tpu.memory_space<hbm>> -> memref<8x32xf32, #tpu.memory_space<hbm>>
        %dma_start3A_2117 = arith.constant 0 : i32
        %dma_start3A_2118 = arith.constant 0 : i32
        %dma_start3A_2119 = tpu.memref_slice %arg10[%dma_start3A_2108, %dma_start3A_2117, %dma_start3A_2118] : memref<16x8x32xf32, #tpu.memory_space<vmem>> -> memref<1x8x32xf32, #tpu.memory_space<vmem>>
        %dma_start3A_2120 = tpu.memref_squeeze %dma_start3A_2119 : memref<1x8x32xf32, #tpu.memory_space<vmem>> -> memref<8x32xf32, #tpu.memory_space<vmem>>
        %dma_start3A_2121 = arith.constant 0 : i32
        %dma_start3A_2122 = arith.constant 0 : i32
        %dma_start3A_2123 = tpu.memref_slice %arg5[%squeeze3A_2107, %dma_start3A_2121, %dma_start3A_2122] : memref<125000x8x32xf32, #tpu.memory_space<hbm>> -> memref<1x8x32xf32, #tpu.memory_space<hbm>>
        %dma_start3A_2124 = tpu.memref_squeeze %dma_start3A_2123 : memref<1x8x32xf32, #tpu.memory_space<hbm>> -> memref<8x32xf32, #tpu.memory_space<hbm>>
        tpu.enqueue_dma source(%dma_start3A_2124 : memref<8x32xf32, #tpu.memory_space<hbm>>) target(%dma_start3A_2120 : memref<8x32xf32, #tpu.memory_space<vmem>>) target_semaphore(%arg14 : memref<!tpu.dma_semaphore, #tpu.memory_space<semaphore_mem>>)
        %slice3A_2125 = vector.extract_strided_slice %shift_right_logical3A_1701 {offsets = [11], sizes = [1], strides = [1]} : vector<16xi32> to vector<1xi32>
        %squeeze3A_2126 = vector.extract %slice3A_2125[0] : i32 from vector<1xi32>
        %dma_start3A_2127 = arith.constant 11 : i32
        %dma_start3A_2128 = arith.constant 0 : i32
        %dma_start3A_2129 = arith.constant 0 : i32
        %dma_start3A_2130 = tpu.memref_slice %arg9[%dma_start3A_2127, %dma_start3A_2128, %dma_start3A_2129] : memref<16x8x32xf32, #tpu.memory_space<vmem>> -> memref<1x8x32xf32, #tpu.memory_space<vmem>>
        %dma_start3A_2131 = tpu.memref_squeeze %dma_start3A_2130 : memref<1x8x32xf32, #tpu.memory_space<vmem>> -> memref<8x32xf32, #tpu.memory_space<vmem>>
        %dma_start3A_2132 = arith.constant 0 : i32
        %dma_start3A_2133 = arith.constant 0 : i32
        %dma_start3A_2134 = tpu.memref_slice %arg4[%squeeze3A_2126, %dma_start3A_2132, %dma_start3A_2133] : memref<125000x8x32xf32, #tpu.memory_space<hbm>> -> memref<1x8x32xf32, #tpu.memory_space<hbm>>
        %dma_start3A_2135 = tpu.memref_squeeze %dma_start3A_2134 : memref<1x8x32xf32, #tpu.memory_space<hbm>> -> memref<8x32xf32, #tpu.memory_space<hbm>>
        %dma_start3A_2136 = arith.constant 0 : i32
        %dma_start3A_2137 = arith.constant 0 : i32
        %dma_start3A_2138 = tpu.memref_slice %arg9[%dma_start3A_2127, %dma_start3A_2136, %dma_start3A_2137] : memref<16x8x32xf32, #tpu.memory_space<vmem>> -> memref<1x8x32xf32, #tpu.memory_space<vmem>>
        %dma_start3A_2139 = tpu.memref_squeeze %dma_start3A_2138 : memref<1x8x32xf32, #tpu.memory_space<vmem>> -> memref<8x32xf32, #tpu.memory_space<vmem>>
        %dma_start3A_2140 = arith.constant 0 : i32
        %dma_start3A_2141 = arith.constant 0 : i32
        %dma_start3A_2142 = tpu.memref_slice %arg4[%squeeze3A_2126, %dma_start3A_2140, %dma_start3A_2141] : memref<125000x8x32xf32, #tpu.memory_space<hbm>> -> memref<1x8x32xf32, #tpu.memory_space<hbm>>
        %dma_start3A_2143 = tpu.memref_squeeze %dma_start3A_2142 : memref<1x8x32xf32, #tpu.memory_space<hbm>> -> memref<8x32xf32, #tpu.memory_space<hbm>>
        tpu.enqueue_dma source(%dma_start3A_2143 : memref<8x32xf32, #tpu.memory_space<hbm>>) target(%dma_start3A_2139 : memref<8x32xf32, #tpu.memory_space<vmem>>) target_semaphore(%arg14 : memref<!tpu.dma_semaphore, #tpu.memory_space<semaphore_mem>>)
        %slice3A_2144 = vector.extract_strided_slice %shift_right_logical3A_1706 {offsets = [11], sizes = [1], strides = [1]} : vector<16xi32> to vector<1xi32>
        %squeeze3A_2145 = vector.extract %slice3A_2144[0] : i32 from vector<1xi32>
        %dma_start3A_2146 = arith.constant 11 : i32
        %dma_start3A_2147 = arith.constant 0 : i32
        %dma_start3A_2148 = arith.constant 0 : i32
        %dma_start3A_2149 = tpu.memref_slice %arg10[%dma_start3A_2146, %dma_start3A_2147, %dma_start3A_2148] : memref<16x8x32xf32, #tpu.memory_space<vmem>> -> memref<1x8x32xf32, #tpu.memory_space<vmem>>
        %dma_start3A_2150 = tpu.memref_squeeze %dma_start3A_2149 : memref<1x8x32xf32, #tpu.memory_space<vmem>> -> memref<8x32xf32, #tpu.memory_space<vmem>>
        %dma_start3A_2151 = arith.constant 0 : i32
        %dma_start3A_2152 = arith.constant 0 : i32
        %dma_start3A_2153 = tpu.memref_slice %arg5[%squeeze3A_2145, %dma_start3A_2151, %dma_start3A_2152] : memref<125000x8x32xf32, #tpu.memory_space<hbm>> -> memref<1x8x32xf32, #tpu.memory_space<hbm>>
        %dma_start3A_2154 = tpu.memref_squeeze %dma_start3A_2153 : memref<1x8x32xf32, #tpu.memory_space<hbm>> -> memref<8x32xf32, #tpu.memory_space<hbm>>
        %dma_start3A_2155 = arith.constant 0 : i32
        %dma_start3A_2156 = arith.constant 0 : i32
        %dma_start3A_2157 = tpu.memref_slice %arg10[%dma_start3A_2146, %dma_start3A_2155, %dma_start3A_2156] : memref<16x8x32xf32, #tpu.memory_space<vmem>> -> memref<1x8x32xf32, #tpu.memory_space<vmem>>
        %dma_start3A_2158 = tpu.memref_squeeze %dma_start3A_2157 : memref<1x8x32xf32, #tpu.memory_space<vmem>> -> memref<8x32xf32, #tpu.memory_space<vmem>>
        %dma_start3A_2159 = arith.constant 0 : i32
        %dma_start3A_2160 = arith.constant 0 : i32
        %dma_start3A_2161 = tpu.memref_slice %arg5[%squeeze3A_2145, %dma_start3A_2159, %dma_start3A_2160] : memref<125000x8x32xf32, #tpu.memory_space<hbm>> -> memref<1x8x32xf32, #tpu.memory_space<hbm>>
        %dma_start3A_2162 = tpu.memref_squeeze %dma_start3A_2161 : memref<1x8x32xf32, #tpu.memory_space<hbm>> -> memref<8x32xf32, #tpu.memory_space<hbm>>
        tpu.enqueue_dma source(%dma_start3A_2162 : memref<8x32xf32, #tpu.memory_space<hbm>>) target(%dma_start3A_2158 : memref<8x32xf32, #tpu.memory_space<vmem>>) target_semaphore(%arg14 : memref<!tpu.dma_semaphore, #tpu.memory_space<semaphore_mem>>)
        %slice3A_2163 = vector.extract_strided_slice %shift_right_logical3A_1701 {offsets = [12], sizes = [1], strides = [1]} : vector<16xi32> to vector<1xi32>
        %squeeze3A_2164 = vector.extract %slice3A_2163[0] : i32 from vector<1xi32>
        %dma_start3A_2165 = arith.constant 12 : i32
        %dma_start3A_2166 = arith.constant 0 : i32
        %dma_start3A_2167 = arith.constant 0 : i32
        %dma_start3A_2168 = tpu.memref_slice %arg9[%dma_start3A_2165, %dma_start3A_2166, %dma_start3A_2167] : memref<16x8x32xf32, #tpu.memory_space<vmem>> -> memref<1x8x32xf32, #tpu.memory_space<vmem>>
        %dma_start3A_2169 = tpu.memref_squeeze %dma_start3A_2168 : memref<1x8x32xf32, #tpu.memory_space<vmem>> -> memref<8x32xf32, #tpu.memory_space<vmem>>
        %dma_start3A_2170 = arith.constant 0 : i32
        %dma_start3A_2171 = arith.constant 0 : i32
        %dma_start3A_2172 = tpu.memref_slice %arg4[%squeeze3A_2164, %dma_start3A_2170, %dma_start3A_2171] : memref<125000x8x32xf32, #tpu.memory_space<hbm>> -> memref<1x8x32xf32, #tpu.memory_space<hbm>>
        %dma_start3A_2173 = tpu.memref_squeeze %dma_start3A_2172 : memref<1x8x32xf32, #tpu.memory_space<hbm>> -> memref<8x32xf32, #tpu.memory_space<hbm>>
        %dma_start3A_2174 = arith.constant 0 : i32
        %dma_start3A_2175 = arith.constant 0 : i32
        %dma_start3A_2176 = tpu.memref_slice %arg9[%dma_start3A_2165, %dma_start3A_2174, %dma_start3A_2175] : memref<16x8x32xf32, #tpu.memory_space<vmem>> -> memref<1x8x32xf32, #tpu.memory_space<vmem>>
        %dma_start3A_2177 = tpu.memref_squeeze %dma_start3A_2176 : memref<1x8x32xf32, #tpu.memory_space<vmem>> -> memref<8x32xf32, #tpu.memory_space<vmem>>
        %dma_start3A_2178 = arith.constant 0 : i32
        %dma_start3A_2179 = arith.constant 0 : i32
        %dma_start3A_2180 = tpu.memref_slice %arg4[%squeeze3A_2164, %dma_start3A_2178, %dma_start3A_2179] : memref<125000x8x32xf32, #tpu.memory_space<hbm>> -> memref<1x8x32xf32, #tpu.memory_space<hbm>>
        %dma_start3A_2181 = tpu.memref_squeeze %dma_start3A_2180 : memref<1x8x32xf32, #tpu.memory_space<hbm>> -> memref<8x32xf32, #tpu.memory_space<hbm>>
        tpu.enqueue_dma source(%dma_start3A_2181 : memref<8x32xf32, #tpu.memory_space<hbm>>) target(%dma_start3A_2177 : memref<8x32xf32, #tpu.memory_space<vmem>>) target_semaphore(%arg14 : memref<!tpu.dma_semaphore, #tpu.memory_space<semaphore_mem>>)
        %slice3A_2182 = vector.extract_strided_slice %shift_right_logical3A_1706 {offsets = [12], sizes = [1], strides = [1]} : vector<16xi32> to vector<1xi32>
        %squeeze3A_2183 = vector.extract %slice3A_2182[0] : i32 from vector<1xi32>
        %dma_start3A_2184 = arith.constant 12 : i32
        %dma_start3A_2185 = arith.constant 0 : i32
        %dma_start3A_2186 = arith.constant 0 : i32
        %dma_start3A_2187 = tpu.memref_slice %arg10[%dma_start3A_2184, %dma_start3A_2185, %dma_start3A_2186] : memref<16x8x32xf32, #tpu.memory_space<vmem>> -> memref<1x8x32xf32, #tpu.memory_space<vmem>>
        %dma_start3A_2188 = tpu.memref_squeeze %dma_start3A_2187 : memref<1x8x32xf32, #tpu.memory_space<vmem>> -> memref<8x32xf32, #tpu.memory_space<vmem>>
        %dma_start3A_2189 = arith.constant 0 : i32
        %dma_start3A_2190 = arith.constant 0 : i32
        %dma_start3A_2191 = tpu.memref_slice %arg5[%squeeze3A_2183, %dma_start3A_2189, %dma_start3A_2190] : memref<125000x8x32xf32, #tpu.memory_space<hbm>> -> memref<1x8x32xf32, #tpu.memory_space<hbm>>
        %dma_start3A_2192 = tpu.memref_squeeze %dma_start3A_2191 : memref<1x8x32xf32, #tpu.memory_space<hbm>> -> memref<8x32xf32, #tpu.memory_space<hbm>>
        %dma_start3A_2193 = arith.constant 0 : i32
        %dma_start3A_2194 = arith.constant 0 : i32
        %dma_start3A_2195 = tpu.memref_slice %arg10[%dma_start3A_2184, %dma_start3A_2193, %dma_start3A_2194] : memref<16x8x32xf32, #tpu.memory_space<vmem>> -> memref<1x8x32xf32, #tpu.memory_space<vmem>>
        %dma_start3A_2196 = tpu.memref_squeeze %dma_start3A_2195 : memref<1x8x32xf32, #tpu.memory_space<vmem>> -> memref<8x32xf32, #tpu.memory_space<vmem>>
        %dma_start3A_2197 = arith.constant 0 : i32
        %dma_start3A_2198 = arith.constant 0 : i32
        %dma_start3A_2199 = tpu.memref_slice %arg5[%squeeze3A_2183, %dma_start3A_2197, %dma_start3A_2198] : memref<125000x8x32xf32, #tpu.memory_space<hbm>> -> memref<1x8x32xf32, #tpu.memory_space<hbm>>
        %dma_start3A_2200 = tpu.memref_squeeze %dma_start3A_2199 : memref<1x8x32xf32, #tpu.memory_space<hbm>> -> memref<8x32xf32, #tpu.memory_space<hbm>>
        tpu.enqueue_dma source(%dma_start3A_2200 : memref<8x32xf32, #tpu.memory_space<hbm>>) target(%dma_start3A_2196 : memref<8x32xf32, #tpu.memory_space<vmem>>) target_semaphore(%arg14 : memref<!tpu.dma_semaphore, #tpu.memory_space<semaphore_mem>>)
        %slice3A_2201 = vector.extract_strided_slice %shift_right_logical3A_1701 {offsets = [13], sizes = [1], strides = [1]} : vector<16xi32> to vector<1xi32>
        %squeeze3A_2202 = vector.extract %slice3A_2201[0] : i32 from vector<1xi32>
        %dma_start3A_2203 = arith.constant 13 : i32
        %dma_start3A_2204 = arith.constant 0 : i32
        %dma_start3A_2205 = arith.constant 0 : i32
        %dma_start3A_2206 = tpu.memref_slice %arg9[%dma_start3A_2203, %dma_start3A_2204, %dma_start3A_2205] : memref<16x8x32xf32, #tpu.memory_space<vmem>> -> memref<1x8x32xf32, #tpu.memory_space<vmem>>
        %dma_start3A_2207 = tpu.memref_squeeze %dma_start3A_2206 : memref<1x8x32xf32, #tpu.memory_space<vmem>> -> memref<8x32xf32, #tpu.memory_space<vmem>>
        %dma_start3A_2208 = arith.constant 0 : i32
        %dma_start3A_2209 = arith.constant 0 : i32
        %dma_start3A_2210 = tpu.memref_slice %arg4[%squeeze3A_2202, %dma_start3A_2208, %dma_start3A_2209] : memref<125000x8x32xf32, #tpu.memory_space<hbm>> -> memref<1x8x32xf32, #tpu.memory_space<hbm>>
        %dma_start3A_2211 = tpu.memref_squeeze %dma_start3A_2210 : memref<1x8x32xf32, #tpu.memory_space<hbm>> -> memref<8x32xf32, #tpu.memory_space<hbm>>
        %dma_start3A_2212 = arith.constant 0 : i32
        %dma_start3A_2213 = arith.constant 0 : i32
        %dma_start3A_2214 = tpu.memref_slice %arg9[%dma_start3A_2203, %dma_start3A_2212, %dma_start3A_2213] : memref<16x8x32xf32, #tpu.memory_space<vmem>> -> memref<1x8x32xf32, #tpu.memory_space<vmem>>
        %dma_start3A_2215 = tpu.memref_squeeze %dma_start3A_2214 : memref<1x8x32xf32, #tpu.memory_space<vmem>> -> memref<8x32xf32, #tpu.memory_space<vmem>>
        %dma_start3A_2216 = arith.constant 0 : i32
        %dma_start3A_2217 = arith.constant 0 : i32
        %dma_start3A_2218 = tpu.memref_slice %arg4[%squeeze3A_2202, %dma_start3A_2216, %dma_start3A_2217] : memref<125000x8x32xf32, #tpu.memory_space<hbm>> -> memref<1x8x32xf32, #tpu.memory_space<hbm>>
        %dma_start3A_2219 = tpu.memref_squeeze %dma_start3A_2218 : memref<1x8x32xf32, #tpu.memory_space<hbm>> -> memref<8x32xf32, #tpu.memory_space<hbm>>
        tpu.enqueue_dma source(%dma_start3A_2219 : memref<8x32xf32, #tpu.memory_space<hbm>>) target(%dma_start3A_2215 : memref<8x32xf32, #tpu.memory_space<vmem>>) target_semaphore(%arg14 : memref<!tpu.dma_semaphore, #tpu.memory_space<semaphore_mem>>)
        %slice3A_2220 = vector.extract_strided_slice %shift_right_logical3A_1706 {offsets = [13], sizes = [1], strides = [1]} : vector<16xi32> to vector<1xi32>
        %squeeze3A_2221 = vector.extract %slice3A_2220[0] : i32 from vector<1xi32>
        %dma_start3A_2222 = arith.constant 13 : i32
        %dma_start3A_2223 = arith.constant 0 : i32
        %dma_start3A_2224 = arith.constant 0 : i32
        %dma_start3A_2225 = tpu.memref_slice %arg10[%dma_start3A_2222, %dma_start3A_2223, %dma_start3A_2224] : memref<16x8x32xf32, #tpu.memory_space<vmem>> -> memref<1x8x32xf32, #tpu.memory_space<vmem>>
        %dma_start3A_2226 = tpu.memref_squeeze %dma_start3A_2225 : memref<1x8x32xf32, #tpu.memory_space<vmem>> -> memref<8x32xf32, #tpu.memory_space<vmem>>
        %dma_start3A_2227 = arith.constant 0 : i32
        %dma_start3A_2228 = arith.constant 0 : i32
        %dma_start3A_2229 = tpu.memref_slice %arg5[%squeeze3A_2221, %dma_start3A_2227, %dma_start3A_2228] : memref<125000x8x32xf32, #tpu.memory_space<hbm>> -> memref<1x8x32xf32, #tpu.memory_space<hbm>>
        %dma_start3A_2230 = tpu.memref_squeeze %dma_start3A_2229 : memref<1x8x32xf32, #tpu.memory_space<hbm>> -> memref<8x32xf32, #tpu.memory_space<hbm>>
        %dma_start3A_2231 = arith.constant 0 : i32
        %dma_start3A_2232 = arith.constant 0 : i32
        %dma_start3A_2233 = tpu.memref_slice %arg10[%dma_start3A_2222, %dma_start3A_2231, %dma_start3A_2232] : memref<16x8x32xf32, #tpu.memory_space<vmem>> -> memref<1x8x32xf32, #tpu.memory_space<vmem>>
        %dma_start3A_2234 = tpu.memref_squeeze %dma_start3A_2233 : memref<1x8x32xf32, #tpu.memory_space<vmem>> -> memref<8x32xf32, #tpu.memory_space<vmem>>
        %dma_start3A_2235 = arith.constant 0 : i32
        %dma_start3A_2236 = arith.constant 0 : i32
        %dma_start3A_2237 = tpu.memref_slice %arg5[%squeeze3A_2221, %dma_start3A_2235, %dma_start3A_2236] : memref<125000x8x32xf32, #tpu.memory_space<hbm>> -> memref<1x8x32xf32, #tpu.memory_space<hbm>>
        %dma_start3A_2238 = tpu.memref_squeeze %dma_start3A_2237 : memref<1x8x32xf32, #tpu.memory_space<hbm>> -> memref<8x32xf32, #tpu.memory_space<hbm>>
        tpu.enqueue_dma source(%dma_start3A_2238 : memref<8x32xf32, #tpu.memory_space<hbm>>) target(%dma_start3A_2234 : memref<8x32xf32, #tpu.memory_space<vmem>>) target_semaphore(%arg14 : memref<!tpu.dma_semaphore, #tpu.memory_space<semaphore_mem>>)
        %slice3A_2239 = vector.extract_strided_slice %shift_right_logical3A_1701 {offsets = [14], sizes = [1], strides = [1]} : vector<16xi32> to vector<1xi32>
        %squeeze3A_2240 = vector.extract %slice3A_2239[0] : i32 from vector<1xi32>
        %dma_start3A_2241 = arith.constant 14 : i32
        %dma_start3A_2242 = arith.constant 0 : i32
        %dma_start3A_2243 = arith.constant 0 : i32
        %dma_start3A_2244 = tpu.memref_slice %arg9[%dma_start3A_2241, %dma_start3A_2242, %dma_start3A_2243] : memref<16x8x32xf32, #tpu.memory_space<vmem>> -> memref<1x8x32xf32, #tpu.memory_space<vmem>>
        %dma_start3A_2245 = tpu.memref_squeeze %dma_start3A_2244 : memref<1x8x32xf32, #tpu.memory_space<vmem>> -> memref<8x32xf32, #tpu.memory_space<vmem>>
        %dma_start3A_2246 = arith.constant 0 : i32
        %dma_start3A_2247 = arith.constant 0 : i32
        %dma_start3A_2248 = tpu.memref_slice %arg4[%squeeze3A_2240, %dma_start3A_2246, %dma_start3A_2247] : memref<125000x8x32xf32, #tpu.memory_space<hbm>> -> memref<1x8x32xf32, #tpu.memory_space<hbm>>
        %dma_start3A_2249 = tpu.memref_squeeze %dma_start3A_2248 : memref<1x8x32xf32, #tpu.memory_space<hbm>> -> memref<8x32xf32, #tpu.memory_space<hbm>>
        %dma_start3A_2250 = arith.constant 0 : i32
        %dma_start3A_2251 = arith.constant 0 : i32
        %dma_start3A_2252 = tpu.memref_slice %arg9[%dma_start3A_2241, %dma_start3A_2250, %dma_start3A_2251] : memref<16x8x32xf32, #tpu.memory_space<vmem>> -> memref<1x8x32xf32, #tpu.memory_space<vmem>>
        %dma_start3A_2253 = tpu.memref_squeeze %dma_start3A_2252 : memref<1x8x32xf32, #tpu.memory_space<vmem>> -> memref<8x32xf32, #tpu.memory_space<vmem>>
        %dma_start3A_2254 = arith.constant 0 : i32
        %dma_start3A_2255 = arith.constant 0 : i32
        %dma_start3A_2256 = tpu.memref_slice %arg4[%squeeze3A_2240, %dma_start3A_2254, %dma_start3A_2255] : memref<125000x8x32xf32, #tpu.memory_space<hbm>> -> memref<1x8x32xf32, #tpu.memory_space<hbm>>
        %dma_start3A_2257 = tpu.memref_squeeze %dma_start3A_2256 : memref<1x8x32xf32, #tpu.memory_space<hbm>> -> memref<8x32xf32, #tpu.memory_space<hbm>>
        tpu.enqueue_dma source(%dma_start3A_2257 : memref<8x32xf32, #tpu.memory_space<hbm>>) target(%dma_start3A_2253 : memref<8x32xf32, #tpu.memory_space<vmem>>) target_semaphore(%arg14 : memref<!tpu.dma_semaphore, #tpu.memory_space<semaphore_mem>>)
        %slice3A_2258 = vector.extract_strided_slice %shift_right_logical3A_1706 {offsets = [14], sizes = [1], strides = [1]} : vector<16xi32> to vector<1xi32>
        %squeeze3A_2259 = vector.extract %slice3A_2258[0] : i32 from vector<1xi32>
        %dma_start3A_2260 = arith.constant 14 : i32
        %dma_start3A_2261 = arith.constant 0 : i32
        %dma_start3A_2262 = arith.constant 0 : i32
        %dma_start3A_2263 = tpu.memref_slice %arg10[%dma_start3A_2260, %dma_start3A_2261, %dma_start3A_2262] : memref<16x8x32xf32, #tpu.memory_space<vmem>> -> memref<1x8x32xf32, #tpu.memory_space<vmem>>
        %dma_start3A_2264 = tpu.memref_squeeze %dma_start3A_2263 : memref<1x8x32xf32, #tpu.memory_space<vmem>> -> memref<8x32xf32, #tpu.memory_space<vmem>>
        %dma_start3A_2265 = arith.constant 0 : i32
        %dma_start3A_2266 = arith.constant 0 : i32
        %dma_start3A_2267 = tpu.memref_slice %arg5[%squeeze3A_2259, %dma_start3A_2265, %dma_start3A_2266] : memref<125000x8x32xf32, #tpu.memory_space<hbm>> -> memref<1x8x32xf32, #tpu.memory_space<hbm>>
        %dma_start3A_2268 = tpu.memref_squeeze %dma_start3A_2267 : memref<1x8x32xf32, #tpu.memory_space<hbm>> -> memref<8x32xf32, #tpu.memory_space<hbm>>
        %dma_start3A_2269 = arith.constant 0 : i32
        %dma_start3A_2270 = arith.constant 0 : i32
        %dma_start3A_2271 = tpu.memref_slice %arg10[%dma_start3A_2260, %dma_start3A_2269, %dma_start3A_2270] : memref<16x8x32xf32, #tpu.memory_space<vmem>> -> memref<1x8x32xf32, #tpu.memory_space<vmem>>
        %dma_start3A_2272 = tpu.memref_squeeze %dma_start3A_2271 : memref<1x8x32xf32, #tpu.memory_space<vmem>> -> memref<8x32xf32, #tpu.memory_space<vmem>>
        %dma_start3A_2273 = arith.constant 0 : i32
        %dma_start3A_2274 = arith.constant 0 : i32
        %dma_start3A_2275 = tpu.memref_slice %arg5[%squeeze3A_2259, %dma_start3A_2273, %dma_start3A_2274] : memref<125000x8x32xf32, #tpu.memory_space<hbm>> -> memref<1x8x32xf32, #tpu.memory_space<hbm>>
        %dma_start3A_2276 = tpu.memref_squeeze %dma_start3A_2275 : memref<1x8x32xf32, #tpu.memory_space<hbm>> -> memref<8x32xf32, #tpu.memory_space<hbm>>
        tpu.enqueue_dma source(%dma_start3A_2276 : memref<8x32xf32, #tpu.memory_space<hbm>>) target(%dma_start3A_2272 : memref<8x32xf32, #tpu.memory_space<vmem>>) target_semaphore(%arg14 : memref<!tpu.dma_semaphore, #tpu.memory_space<semaphore_mem>>)
        %slice3A_2277 = vector.extract_strided_slice %shift_right_logical3A_1701 {offsets = [15], sizes = [1], strides = [1]} : vector<16xi32> to vector<1xi32>
        %squeeze3A_2278 = vector.extract %slice3A_2277[0] : i32 from vector<1xi32>
        %dma_start3A_2279 = arith.constant 15 : i32
        %dma_start3A_2280 = arith.constant 0 : i32
        %dma_start3A_2281 = arith.constant 0 : i32
        %dma_start3A_2282 = tpu.memref_slice %arg9[%dma_start3A_2279, %dma_start3A_2280, %dma_start3A_2281] : memref<16x8x32xf32, #tpu.memory_space<vmem>> -> memref<1x8x32xf32, #tpu.memory_space<vmem>>
        %dma_start3A_2283 = tpu.memref_squeeze %dma_start3A_2282 : memref<1x8x32xf32, #tpu.memory_space<vmem>> -> memref<8x32xf32, #tpu.memory_space<vmem>>
        %dma_start3A_2284 = arith.constant 0 : i32
        %dma_start3A_2285 = arith.constant 0 : i32
        %dma_start3A_2286 = tpu.memref_slice %arg4[%squeeze3A_2278, %dma_start3A_2284, %dma_start3A_2285] : memref<125000x8x32xf32, #tpu.memory_space<hbm>> -> memref<1x8x32xf32, #tpu.memory_space<hbm>>
        %dma_start3A_2287 = tpu.memref_squeeze %dma_start3A_2286 : memref<1x8x32xf32, #tpu.memory_space<hbm>> -> memref<8x32xf32, #tpu.memory_space<hbm>>
        %dma_start3A_2288 = arith.constant 0 : i32
        %dma_start3A_2289 = arith.constant 0 : i32
        %dma_start3A_2290 = tpu.memref_slice %arg9[%dma_start3A_2279, %dma_start3A_2288, %dma_start3A_2289] : memref<16x8x32xf32, #tpu.memory_space<vmem>> -> memref<1x8x32xf32, #tpu.memory_space<vmem>>
        %dma_start3A_2291 = tpu.memref_squeeze %dma_start3A_2290 : memref<1x8x32xf32, #tpu.memory_space<vmem>> -> memref<8x32xf32, #tpu.memory_space<vmem>>
        %dma_start3A_2292 = arith.constant 0 : i32
        %dma_start3A_2293 = arith.constant 0 : i32
        %dma_start3A_2294 = tpu.memref_slice %arg4[%squeeze3A_2278, %dma_start3A_2292, %dma_start3A_2293] : memref<125000x8x32xf32, #tpu.memory_space<hbm>> -> memref<1x8x32xf32, #tpu.memory_space<hbm>>
        %dma_start3A_2295 = tpu.memref_squeeze %dma_start3A_2294 : memref<1x8x32xf32, #tpu.memory_space<hbm>> -> memref<8x32xf32, #tpu.memory_space<hbm>>
        tpu.enqueue_dma source(%dma_start3A_2295 : memref<8x32xf32, #tpu.memory_space<hbm>>) target(%dma_start3A_2291 : memref<8x32xf32, #tpu.memory_space<vmem>>) target_semaphore(%arg14 : memref<!tpu.dma_semaphore, #tpu.memory_space<semaphore_mem>>)
        %slice3A_2296 = vector.extract_strided_slice %shift_right_logical3A_1706 {offsets = [15], sizes = [1], strides = [1]} : vector<16xi32> to vector<1xi32>
        %squeeze3A_2297 = vector.extract %slice3A_2296[0] : i32 from vector<1xi32>
        %dma_start3A_2298 = arith.constant 15 : i32
        %dma_start3A_2299 = arith.constant 0 : i32
        %dma_start3A_2300 = arith.constant 0 : i32
        %dma_start3A_2301 = tpu.memref_slice %arg10[%dma_start3A_2298, %dma_start3A_2299, %dma_start3A_2300] : memref<16x8x32xf32, #tpu.memory_space<vmem>> -> memref<1x8x32xf32, #tpu.memory_space<vmem>>
        %dma_start3A_2302 = tpu.memref_squeeze %dma_start3A_2301 : memref<1x8x32xf32, #tpu.memory_space<vmem>> -> memref<8x32xf32, #tpu.memory_space<vmem>>
        %dma_start3A_2303 = arith.constant 0 : i32
        %dma_start3A_2304 = arith.constant 0 : i32
        %dma_start3A_2305 = tpu.memref_slice %arg5[%squeeze3A_2297, %dma_start3A_2303, %dma_start3A_2304] : memref<125000x8x32xf32, #tpu.memory_space<hbm>> -> memref<1x8x32xf32, #tpu.memory_space<hbm>>
        %dma_start3A_2306 = tpu.memref_squeeze %dma_start3A_2305 : memref<1x8x32xf32, #tpu.memory_space<hbm>> -> memref<8x32xf32, #tpu.memory_space<hbm>>
        %dma_start3A_2307 = arith.constant 0 : i32
        %dma_start3A_2308 = arith.constant 0 : i32
        %dma_start3A_2309 = tpu.memref_slice %arg10[%dma_start3A_2298, %dma_start3A_2307, %dma_start3A_2308] : memref<16x8x32xf32, #tpu.memory_space<vmem>> -> memref<1x8x32xf32, #tpu.memory_space<vmem>>
        %dma_start3A_2310 = tpu.memref_squeeze %dma_start3A_2309 : memref<1x8x32xf32, #tpu.memory_space<vmem>> -> memref<8x32xf32, #tpu.memory_space<vmem>>
        %dma_start3A_2311 = arith.constant 0 : i32
        %dma_start3A_2312 = arith.constant 0 : i32
        %dma_start3A_2313 = tpu.memref_slice %arg5[%squeeze3A_2297, %dma_start3A_2311, %dma_start3A_2312] : memref<125000x8x32xf32, #tpu.memory_space<hbm>> -> memref<1x8x32xf32, #tpu.memory_space<hbm>>
        %dma_start3A_2314 = tpu.memref_squeeze %dma_start3A_2313 : memref<1x8x32xf32, #tpu.memory_space<hbm>> -> memref<8x32xf32, #tpu.memory_space<hbm>>
        tpu.enqueue_dma source(%dma_start3A_2314 : memref<8x32xf32, #tpu.memory_space<hbm>>) target(%dma_start3A_2310 : memref<8x32xf32, #tpu.memory_space<vmem>>) target_semaphore(%arg14 : memref<!tpu.dma_semaphore, #tpu.memory_space<semaphore_mem>>)
      } else {
      }
      %dma_wait3A_1467 = arith.constant 0 : i32
      %dma_wait3A_1468 = arith.constant 0 : i32
      %dma_wait3A_1469 = arith.constant 0 : i32
      %dma_wait3A_1470 = tpu.memref_slice %arg4[%dma_wait3A_1467, %dma_wait3A_1468, %dma_wait3A_1469] : memref<125000x8x32xf32, #tpu.memory_space<hbm>> -> memref<16x8x32xf32, #tpu.memory_space<hbm>>
      %dma_wait3A_1471 = arith.constant 0 : i32
      %dma_wait3A_1472 = arith.constant 0 : i32
      %dma_wait3A_1473 = arith.constant 0 : i32
      %dma_wait3A_1474 = tpu.memref_slice %arg4[%dma_wait3A_1471, %dma_wait3A_1472, %dma_wait3A_1473] : memref<125000x8x32xf32, #tpu.memory_space<hbm>> -> memref<16x8x32xf32, #tpu.memory_space<hbm>>
      tpu.wait_dma2 semaphore(%arg15 : memref<!tpu.dma_semaphore, #tpu.memory_space<semaphore_mem>>) src(%dma_wait3A_1474 : memref<16x8x32xf32, #tpu.memory_space<hbm>>) dst(%arg11 : memref<16x8x32xf32, #tpu.memory_space<vmem>>)
      %dma_wait3A_1475 = arith.constant 0 : i32
      %dma_wait3A_1476 = arith.constant 0 : i32
      %dma_wait3A_1477 = arith.constant 0 : i32
      %dma_wait3A_1478 = tpu.memref_slice %arg5[%dma_wait3A_1475, %dma_wait3A_1476, %dma_wait3A_1477] : memref<125000x8x32xf32, #tpu.memory_space<hbm>> -> memref<16x8x32xf32, #tpu.memory_space<hbm>>
      %dma_wait3A_1479 = arith.constant 0 : i32
      %dma_wait3A_1480 = arith.constant 0 : i32
      %dma_wait3A_1481 = arith.constant 0 : i32
      %dma_wait3A_1482 = tpu.memref_slice %arg5[%dma_wait3A_1479, %dma_wait3A_1480, %dma_wait3A_1481] : memref<125000x8x32xf32, #tpu.memory_space<hbm>> -> memref<16x8x32xf32, #tpu.memory_space<hbm>>
      tpu.wait_dma2 semaphore(%arg15 : memref<!tpu.dma_semaphore, #tpu.memory_space<semaphore_mem>>) src(%dma_wait3A_1482 : memref<16x8x32xf32, #tpu.memory_space<hbm>>) dst(%arg12 : memref<16x8x32xf32, #tpu.memory_space<vmem>>)
      %add3A_1483 = arith.constant 1 : i32
      %add3A_1484 = arith.addi %mul3A_623, %add3A_1483 : i32
      %mul3A_1485 = arith.constant 16 : i32
      %mul3A_1486 = arith.muli %add3A_1484, %mul3A_1485 : i32
      %get3A_1487 = arith.index_cast %mul3A_1486 : i32 to index
      %get3A_1488 = tpu.vector_load %arg7[%get3A_1487] {strides = array<i32>} : memref<512xi32, #tpu.memory_space<vmem>>, vector<16xi32>,
      %and3A_1489 = arith.constant 7 : i32
      %and3A_1490 = vector.broadcast %and3A_1489 : i32 to vector<16xi32>
      %and3A_1491 = arith.andi %get3A_1488, %and3A_1490 : vector<16xi32>
      %get3A_1492 = arith.index_cast %mul3A_1486 : i32 to index
      %get3A_1493 = tpu.vector_load %arg8[%get3A_1492] {strides = array<i32>} : memref<512xi32, #tpu.memory_space<vmem>>, vector<16xi32>,
      %and3A_1494 = arith.constant 7 : i32
      %and3A_1495 = vector.broadcast %and3A_1494 : i32 to vector<16xi32>
      %and3A_1496 = arith.andi %get3A_1493, %and3A_1495 : vector<16xi32>
      %broadcast_in_dim3A_1497 = arith.constant 0.000000e+00 : f32
      %broadcast_in_dim3A_1498 = vector.broadcast %broadcast_in_dim3A_1497 : f32 to vector<16xf32>
      %broadcast_in_dim3A_1499 = arith.constant 0 : i32
      %broadcast_in_dim3A_1500 = vector.broadcast %broadcast_in_dim3A_1499 : i32 to vector<16xi32>
      %gather3A_1501 = tpu.vector_load_idx %arg11[%iota3A, %and3A_1491, %broadcast_in_dim3A_1500] : memref<16x8x32xf32, #tpu.memory_space<vmem>>[vector<16xi32>, vector<16xi32>, vector<16xi32>], vector<16xf32>,
      %gather3A_1502 = tpu.vector_load_idx %arg12[%iota3A, %and3A_1496, %broadcast_in_dim3A_1500] : memref<16x8x32xf32, #tpu.memory_space<vmem>>[vector<16xi32>, vector<16xi32>, vector<16xi32>], vector<16xf32>,
      %mul3A_1503 = arith.mulf %gather3A_1501, %gather3A_1502 : vector<16xf32>
      %add3A_1504 = arith.addf %broadcast_in_dim3A_1498, %mul3A_1503 : vector<16xf32>
      %broadcast_in_dim3A_1505 = arith.constant 1 : i32
      %broadcast_in_dim3A_1506 = vector.broadcast %broadcast_in_dim3A_1505 : i32 to vector<16xi32>
      %gather3A_1507 = tpu.vector_load_idx %arg11[%iota3A, %and3A_1491, %broadcast_in_dim3A_1506] : memref<16x8x32xf32, #tpu.memory_space<vmem>>[vector<16xi32>, vector<16xi32>, vector<16xi32>], vector<16xf32>,
      %gather3A_1508 = tpu.vector_load_idx %arg12[%iota3A, %and3A_1496, %broadcast_in_dim3A_1506] : memref<16x8x32xf32, #tpu.memory_space<vmem>>[vector<16xi32>, vector<16xi32>, vector<16xi32>], vector<16xf32>,
      %mul3A_1509 = arith.mulf %gather3A_1507, %gather3A_1508 : vector<16xf32>
      %add3A_1510 = arith.addf %add3A_1504, %mul3A_1509 : vector<16xf32>
      %broadcast_in_dim3A_1511 = arith.constant 2 : i32
      %broadcast_in_dim3A_1512 = vector.broadcast %broadcast_in_dim3A_1511 : i32 to vector<16xi32>
      %gather3A_1513 = tpu.vector_load_idx %arg11[%iota3A, %and3A_1491, %broadcast_in_dim3A_1512] : memref<16x8x32xf32, #tpu.memory_space<vmem>>[vector<16xi32>, vector<16xi32>, vector<16xi32>], vector<16xf32>,
      %gather3A_1514 = tpu.vector_load_idx %arg12[%iota3A, %and3A_1496, %broadcast_in_dim3A_1512] : memref<16x8x32xf32, #tpu.memory_space<vmem>>[vector<16xi32>, vector<16xi32>, vector<16xi32>], vector<16xf32>,
      %mul3A_1515 = arith.mulf %gather3A_1513, %gather3A_1514 : vector<16xf32>
      %add3A_1516 = arith.addf %add3A_1510, %mul3A_1515 : vector<16xf32>
      %broadcast_in_dim3A_1517 = arith.constant 3 : i32
      %broadcast_in_dim3A_1518 = vector.broadcast %broadcast_in_dim3A_1517 : i32 to vector<16xi32>
      %gather3A_1519 = tpu.vector_load_idx %arg11[%iota3A, %and3A_1491, %broadcast_in_dim3A_1518] : memref<16x8x32xf32, #tpu.memory_space<vmem>>[vector<16xi32>, vector<16xi32>, vector<16xi32>], vector<16xf32>,
      %gather3A_1520 = tpu.vector_load_idx %arg12[%iota3A, %and3A_1496, %broadcast_in_dim3A_1518] : memref<16x8x32xf32, #tpu.memory_space<vmem>>[vector<16xi32>, vector<16xi32>, vector<16xi32>], vector<16xf32>,
      %mul3A_1521 = arith.mulf %gather3A_1519, %gather3A_1520 : vector<16xf32>
      %add3A_1522 = arith.addf %add3A_1516, %mul3A_1521 : vector<16xf32>
      %broadcast_in_dim3A_1523 = arith.constant 4 : i32
      %broadcast_in_dim3A_1524 = vector.broadcast %broadcast_in_dim3A_1523 : i32 to vector<16xi32>
      %gather3A_1525 = tpu.vector_load_idx %arg11[%iota3A, %and3A_1491, %broadcast_in_dim3A_1524] : memref<16x8x32xf32, #tpu.memory_space<vmem>>[vector<16xi32>, vector<16xi32>, vector<16xi32>], vector<16xf32>,
      %gather3A_1526 = tpu.vector_load_idx %arg12[%iota3A, %and3A_1496, %broadcast_in_dim3A_1524] : memref<16x8x32xf32, #tpu.memory_space<vmem>>[vector<16xi32>, vector<16xi32>, vector<16xi32>], vector<16xf32>,
      %mul3A_1527 = arith.mulf %gather3A_1525, %gather3A_1526 : vector<16xf32>
      %add3A_1528 = arith.addf %add3A_1522, %mul3A_1527 : vector<16xf32>
      %broadcast_in_dim3A_1529 = arith.constant 5 : i32
      %broadcast_in_dim3A_1530 = vector.broadcast %broadcast_in_dim3A_1529 : i32 to vector<16xi32>
      %gather3A_1531 = tpu.vector_load_idx %arg11[%iota3A, %and3A_1491, %broadcast_in_dim3A_1530] : memref<16x8x32xf32, #tpu.memory_space<vmem>>[vector<16xi32>, vector<16xi32>, vector<16xi32>], vector<16xf32>,
      %gather3A_1532 = tpu.vector_load_idx %arg12[%iota3A, %and3A_1496, %broadcast_in_dim3A_1530] : memref<16x8x32xf32, #tpu.memory_space<vmem>>[vector<16xi32>, vector<16xi32>, vector<16xi32>], vector<16xf32>,
      %mul3A_1533 = arith.mulf %gather3A_1531, %gather3A_1532 : vector<16xf32>
      %add3A_1534 = arith.addf %add3A_1528, %mul3A_1533 : vector<16xf32>
      %broadcast_in_dim3A_1535 = arith.constant 6 : i32
      %broadcast_in_dim3A_1536 = vector.broadcast %broadcast_in_dim3A_1535 : i32 to vector<16xi32>
      %gather3A_1537 = tpu.vector_load_idx %arg11[%iota3A, %and3A_1491, %broadcast_in_dim3A_1536] : memref<16x8x32xf32, #tpu.memory_space<vmem>>[vector<16xi32>, vector<16xi32>, vector<16xi32>], vector<16xf32>,
      %gather3A_1538 = tpu.vector_load_idx %arg12[%iota3A, %and3A_1496, %broadcast_in_dim3A_1536] : memref<16x8x32xf32, #tpu.memory_space<vmem>>[vector<16xi32>, vector<16xi32>, vector<16xi32>], vector<16xf32>,
      %mul3A_1539 = arith.mulf %gather3A_1537, %gather3A_1538 : vector<16xf32>
      %add3A_1540 = arith.addf %add3A_1534, %mul3A_1539 : vector<16xf32>
      %broadcast_in_dim3A_1541 = arith.constant 7 : i32
      %broadcast_in_dim3A_1542 = vector.broadcast %broadcast_in_dim3A_1541 : i32 to vector<16xi32>
      %gather3A_1543 = tpu.vector_load_idx %arg11[%iota3A, %and3A_1491, %broadcast_in_dim3A_1542] : memref<16x8x32xf32, #tpu.memory_space<vmem>>[vector<16xi32>, vector<16xi32>, vector<16xi32>], vector<16xf32>,
      %gather3A_1544 = tpu.vector_load_idx %arg12[%iota3A, %and3A_1496, %broadcast_in_dim3A_1542] : memref<16x8x32xf32, #tpu.memory_space<vmem>>[vector<16xi32>, vector<16xi32>, vector<16xi32>], vector<16xf32>,
      %mul3A_1545 = arith.mulf %gather3A_1543, %gather3A_1544 : vector<16xf32>
      %add3A_1546 = arith.addf %add3A_1540, %mul3A_1545 : vector<16xf32>
      %broadcast_in_dim3A_1547 = arith.constant 8 : i32
      %broadcast_in_dim3A_1548 = vector.broadcast %broadcast_in_dim3A_1547 : i32 to vector<16xi32>
      %gather3A_1549 = tpu.vector_load_idx %arg11[%iota3A, %and3A_1491, %broadcast_in_dim3A_1548] : memref<16x8x32xf32, #tpu.memory_space<vmem>>[vector<16xi32>, vector<16xi32>, vector<16xi32>], vector<16xf32>,
      %gather3A_1550 = tpu.vector_load_idx %arg12[%iota3A, %and3A_1496, %broadcast_in_dim3A_1548] : memref<16x8x32xf32, #tpu.memory_space<vmem>>[vector<16xi32>, vector<16xi32>, vector<16xi32>], vector<16xf32>,
      %mul3A_1551 = arith.mulf %gather3A_1549, %gather3A_1550 : vector<16xf32>
      %add3A_1552 = arith.addf %add3A_1546, %mul3A_1551 : vector<16xf32>
      %broadcast_in_dim3A_1553 = arith.constant 9 : i32
      %broadcast_in_dim3A_1554 = vector.broadcast %broadcast_in_dim3A_1553 : i32 to vector<16xi32>
      %gather3A_1555 = tpu.vector_load_idx %arg11[%iota3A, %and3A_1491, %broadcast_in_dim3A_1554] : memref<16x8x32xf32, #tpu.memory_space<vmem>>[vector<16xi32>, vector<16xi32>, vector<16xi32>], vector<16xf32>,
      %gather3A_1556 = tpu.vector_load_idx %arg12[%iota3A, %and3A_1496, %broadcast_in_dim3A_1554] : memref<16x8x32xf32, #tpu.memory_space<vmem>>[vector<16xi32>, vector<16xi32>, vector<16xi32>], vector<16xf32>,
      %mul3A_1557 = arith.mulf %gather3A_1555, %gather3A_1556 : vector<16xf32>
      %add3A_1558 = arith.addf %add3A_1552, %mul3A_1557 : vector<16xf32>
      %broadcast_in_dim3A_1559 = arith.constant 10 : i32
      %broadcast_in_dim3A_1560 = vector.broadcast %broadcast_in_dim3A_1559 : i32 to vector<16xi32>
      %gather3A_1561 = tpu.vector_load_idx %arg11[%iota3A, %and3A_1491, %broadcast_in_dim3A_1560] : memref<16x8x32xf32, #tpu.memory_space<vmem>>[vector<16xi32>, vector<16xi32>, vector<16xi32>], vector<16xf32>,
      %gather3A_1562 = tpu.vector_load_idx %arg12[%iota3A, %and3A_1496, %broadcast_in_dim3A_1560] : memref<16x8x32xf32, #tpu.memory_space<vmem>>[vector<16xi32>, vector<16xi32>, vector<16xi32>], vector<16xf32>,
      %mul3A_1563 = arith.mulf %gather3A_1561, %gather3A_1562 : vector<16xf32>
      %add3A_1564 = arith.addf %add3A_1558, %mul3A_1563 : vector<16xf32>
      %broadcast_in_dim3A_1565 = arith.constant 11 : i32
      %broadcast_in_dim3A_1566 = vector.broadcast %broadcast_in_dim3A_1565 : i32 to vector<16xi32>
      %gather3A_1567 = tpu.vector_load_idx %arg11[%iota3A, %and3A_1491, %broadcast_in_dim3A_1566] : memref<16x8x32xf32, #tpu.memory_space<vmem>>[vector<16xi32>, vector<16xi32>, vector<16xi32>], vector<16xf32>,
      %gather3A_1568 = tpu.vector_load_idx %arg12[%iota3A, %and3A_1496, %broadcast_in_dim3A_1566] : memref<16x8x32xf32, #tpu.memory_space<vmem>>[vector<16xi32>, vector<16xi32>, vector<16xi32>], vector<16xf32>,
      %mul3A_1569 = arith.mulf %gather3A_1567, %gather3A_1568 : vector<16xf32>
      %add3A_1570 = arith.addf %add3A_1564, %mul3A_1569 : vector<16xf32>
      %broadcast_in_dim3A_1571 = arith.constant 12 : i32
      %broadcast_in_dim3A_1572 = vector.broadcast %broadcast_in_dim3A_1571 : i32 to vector<16xi32>
      %gather3A_1573 = tpu.vector_load_idx %arg11[%iota3A, %and3A_1491, %broadcast_in_dim3A_1572] : memref<16x8x32xf32, #tpu.memory_space<vmem>>[vector<16xi32>, vector<16xi32>, vector<16xi32>], vector<16xf32>,
      %gather3A_1574 = tpu.vector_load_idx %arg12[%iota3A, %and3A_1496, %broadcast_in_dim3A_1572] : memref<16x8x32xf32, #tpu.memory_space<vmem>>[vector<16xi32>, vector<16xi32>, vector<16xi32>], vector<16xf32>,
      %mul3A_1575 = arith.mulf %gather3A_1573, %gather3A_1574 : vector<16xf32>
      %add3A_1576 = arith.addf %add3A_1570, %mul3A_1575 : vector<16xf32>
      %broadcast_in_dim3A_1577 = arith.constant 13 : i32
      %broadcast_in_dim3A_1578 = vector.broadcast %broadcast_in_dim3A_1577 : i32 to vector<16xi32>
      %gather3A_1579 = tpu.vector_load_idx %arg11[%iota3A, %and3A_1491, %broadcast_in_dim3A_1578] : memref<16x8x32xf32, #tpu.memory_space<vmem>>[vector<16xi32>, vector<16xi32>, vector<16xi32>], vector<16xf32>,
      %gather3A_1580 = tpu.vector_load_idx %arg12[%iota3A, %and3A_1496, %broadcast_in_dim3A_1578] : memref<16x8x32xf32, #tpu.memory_space<vmem>>[vector<16xi32>, vector<16xi32>, vector<16xi32>], vector<16xf32>,
      %mul3A_1581 = arith.mulf %gather3A_1579, %gather3A_1580 : vector<16xf32>
      %add3A_1582 = arith.addf %add3A_1576, %mul3A_1581 : vector<16xf32>
      %broadcast_in_dim3A_1583 = arith.constant 14 : i32
      %broadcast_in_dim3A_1584 = vector.broadcast %broadcast_in_dim3A_1583 : i32 to vector<16xi32>
      %gather3A_1585 = tpu.vector_load_idx %arg11[%iota3A, %and3A_1491, %broadcast_in_dim3A_1584] : memref<16x8x32xf32, #tpu.memory_space<vmem>>[vector<16xi32>, vector<16xi32>, vector<16xi32>], vector<16xf32>,
      %gather3A_1586 = tpu.vector_load_idx %arg12[%iota3A, %and3A_1496, %broadcast_in_dim3A_1584] : memref<16x8x32xf32, #tpu.memory_space<vmem>>[vector<16xi32>, vector<16xi32>, vector<16xi32>], vector<16xf32>,
      %mul3A_1587 = arith.mulf %gather3A_1585, %gather3A_1586 : vector<16xf32>
      %add3A_1588 = arith.addf %add3A_1582, %mul3A_1587 : vector<16xf32>
      %broadcast_in_dim3A_1589 = arith.constant 15 : i32
      %broadcast_in_dim3A_1590 = vector.broadcast %broadcast_in_dim3A_1589 : i32 to vector<16xi32>
      %gather3A_1591 = tpu.vector_load_idx %arg11[%iota3A, %and3A_1491, %broadcast_in_dim3A_1590] : memref<16x8x32xf32, #tpu.memory_space<vmem>>[vector<16xi32>, vector<16xi32>, vector<16xi32>], vector<16xf32>,
      %gather3A_1592 = tpu.vector_load_idx %arg12[%iota3A, %and3A_1496, %broadcast_in_dim3A_1590] : memref<16x8x32xf32, #tpu.memory_space<vmem>>[vector<16xi32>, vector<16xi32>, vector<16xi32>], vector<16xf32>,
      %mul3A_1593 = arith.mulf %gather3A_1591, %gather3A_1592 : vector<16xf32>
      %add3A_1594 = arith.addf %add3A_1588, %mul3A_1593 : vector<16xf32>
      %broadcast_in_dim3A_1595 = arith.constant 16 : i32
      %broadcast_in_dim3A_1596 = vector.broadcast %broadcast_in_dim3A_1595 : i32 to vector<16xi32>
      %gather3A_1597 = tpu.vector_load_idx %arg11[%iota3A, %and3A_1491, %broadcast_in_dim3A_1596] : memref<16x8x32xf32, #tpu.memory_space<vmem>>[vector<16xi32>, vector<16xi32>, vector<16xi32>], vector<16xf32>,
      %gather3A_1598 = tpu.vector_load_idx %arg12[%iota3A, %and3A_1496, %broadcast_in_dim3A_1596] : memref<16x8x32xf32, #tpu.memory_space<vmem>>[vector<16xi32>, vector<16xi32>, vector<16xi32>], vector<16xf32>,
      %mul3A_1599 = arith.mulf %gather3A_1597, %gather3A_1598 : vector<16xf32>
      %add3A_1600 = arith.addf %add3A_1594, %mul3A_1599 : vector<16xf32>
      %broadcast_in_dim3A_1601 = arith.constant 17 : i32
      %broadcast_in_dim3A_1602 = vector.broadcast %broadcast_in_dim3A_1601 : i32 to vector<16xi32>
      %gather3A_1603 = tpu.vector_load_idx %arg11[%iota3A, %and3A_1491, %broadcast_in_dim3A_1602] : memref<16x8x32xf32, #tpu.memory_space<vmem>>[vector<16xi32>, vector<16xi32>, vector<16xi32>], vector<16xf32>,
      %gather3A_1604 = tpu.vector_load_idx %arg12[%iota3A, %and3A_1496, %broadcast_in_dim3A_1602] : memref<16x8x32xf32, #tpu.memory_space<vmem>>[vector<16xi32>, vector<16xi32>, vector<16xi32>], vector<16xf32>,
      %mul3A_1605 = arith.mulf %gather3A_1603, %gather3A_1604 : vector<16xf32>
      %add3A_1606 = arith.addf %add3A_1600, %mul3A_1605 : vector<16xf32>
      %broadcast_in_dim3A_1607 = arith.constant 18 : i32
      %broadcast_in_dim3A_1608 = vector.broadcast %broadcast_in_dim3A_1607 : i32 to vector<16xi32>
      %gather3A_1609 = tpu.vector_load_idx %arg11[%iota3A, %and3A_1491, %broadcast_in_dim3A_1608] : memref<16x8x32xf32, #tpu.memory_space<vmem>>[vector<16xi32>, vector<16xi32>, vector<16xi32>], vector<16xf32>,
      %gather3A_1610 = tpu.vector_load_idx %arg12[%iota3A, %and3A_1496, %broadcast_in_dim3A_1608] : memref<16x8x32xf32, #tpu.memory_space<vmem>>[vector<16xi32>, vector<16xi32>, vector<16xi32>], vector<16xf32>,
      %mul3A_1611 = arith.mulf %gather3A_1609, %gather3A_1610 : vector<16xf32>
      %add3A_1612 = arith.addf %add3A_1606, %mul3A_1611 : vector<16xf32>
      %broadcast_in_dim3A_1613 = arith.constant 19 : i32
      %broadcast_in_dim3A_1614 = vector.broadcast %broadcast_in_dim3A_1613 : i32 to vector<16xi32>
      %gather3A_1615 = tpu.vector_load_idx %arg11[%iota3A, %and3A_1491, %broadcast_in_dim3A_1614] : memref<16x8x32xf32, #tpu.memory_space<vmem>>[vector<16xi32>, vector<16xi32>, vector<16xi32>], vector<16xf32>,
      %gather3A_1616 = tpu.vector_load_idx %arg12[%iota3A, %and3A_1496, %broadcast_in_dim3A_1614] : memref<16x8x32xf32, #tpu.memory_space<vmem>>[vector<16xi32>, vector<16xi32>, vector<16xi32>], vector<16xf32>,
      %mul3A_1617 = arith.mulf %gather3A_1615, %gather3A_1616 : vector<16xf32>
      %add3A_1618 = arith.addf %add3A_1612, %mul3A_1617 : vector<16xf32>
      %broadcast_in_dim3A_1619 = arith.constant 20 : i32
      %broadcast_in_dim3A_1620 = vector.broadcast %broadcast_in_dim3A_1619 : i32 to vector<16xi32>
      %gather3A_1621 = tpu.vector_load_idx %arg11[%iota3A, %and3A_1491, %broadcast_in_dim3A_1620] : memref<16x8x32xf32, #tpu.memory_space<vmem>>[vector<16xi32>, vector<16xi32>, vector<16xi32>], vector<16xf32>,
      %gather3A_1622 = tpu.vector_load_idx %arg12[%iota3A, %and3A_1496, %broadcast_in_dim3A_1620] : memref<16x8x32xf32, #tpu.memory_space<vmem>>[vector<16xi32>, vector<16xi32>, vector<16xi32>], vector<16xf32>,
      %mul3A_1623 = arith.mulf %gather3A_1621, %gather3A_1622 : vector<16xf32>
      %add3A_1624 = arith.addf %add3A_1618, %mul3A_1623 : vector<16xf32>
      %broadcast_in_dim3A_1625 = arith.constant 21 : i32
      %broadcast_in_dim3A_1626 = vector.broadcast %broadcast_in_dim3A_1625 : i32 to vector<16xi32>
      %gather3A_1627 = tpu.vector_load_idx %arg11[%iota3A, %and3A_1491, %broadcast_in_dim3A_1626] : memref<16x8x32xf32, #tpu.memory_space<vmem>>[vector<16xi32>, vector<16xi32>, vector<16xi32>], vector<16xf32>,
      %gather3A_1628 = tpu.vector_load_idx %arg12[%iota3A, %and3A_1496, %broadcast_in_dim3A_1626] : memref<16x8x32xf32, #tpu.memory_space<vmem>>[vector<16xi32>, vector<16xi32>, vector<16xi32>], vector<16xf32>,
      %mul3A_1629 = arith.mulf %gather3A_1627, %gather3A_1628 : vector<16xf32>
      %add3A_1630 = arith.addf %add3A_1624, %mul3A_1629 : vector<16xf32>
      %broadcast_in_dim3A_1631 = arith.constant 22 : i32
      %broadcast_in_dim3A_1632 = vector.broadcast %broadcast_in_dim3A_1631 : i32 to vector<16xi32>
      %gather3A_1633 = tpu.vector_load_idx %arg11[%iota3A, %and3A_1491, %broadcast_in_dim3A_1632] : memref<16x8x32xf32, #tpu.memory_space<vmem>>[vector<16xi32>, vector<16xi32>, vector<16xi32>], vector<16xf32>,
      %gather3A_1634 = tpu.vector_load_idx %arg12[%iota3A, %and3A_1496, %broadcast_in_dim3A_1632] : memref<16x8x32xf32, #tpu.memory_space<vmem>>[vector<16xi32>, vector<16xi32>, vector<16xi32>], vector<16xf32>,
      %mul3A_1635 = arith.mulf %gather3A_1633, %gather3A_1634 : vector<16xf32>
      %add3A_1636 = arith.addf %add3A_1630, %mul3A_1635 : vector<16xf32>
      %broadcast_in_dim3A_1637 = arith.constant 23 : i32
      %broadcast_in_dim3A_1638 = vector.broadcast %broadcast_in_dim3A_1637 : i32 to vector<16xi32>
      %gather3A_1639 = tpu.vector_load_idx %arg11[%iota3A, %and3A_1491, %broadcast_in_dim3A_1638] : memref<16x8x32xf32, #tpu.memory_space<vmem>>[vector<16xi32>, vector<16xi32>, vector<16xi32>], vector<16xf32>,
      %gather3A_1640 = tpu.vector_load_idx %arg12[%iota3A, %and3A_1496, %broadcast_in_dim3A_1638] : memref<16x8x32xf32, #tpu.memory_space<vmem>>[vector<16xi32>, vector<16xi32>, vector<16xi32>], vector<16xf32>,
      %mul3A_1641 = arith.mulf %gather3A_1639, %gather3A_1640 : vector<16xf32>
      %add3A_1642 = arith.addf %add3A_1636, %mul3A_1641 : vector<16xf32>
      %broadcast_in_dim3A_1643 = arith.constant 24 : i32
      %broadcast_in_dim3A_1644 = vector.broadcast %broadcast_in_dim3A_1643 : i32 to vector<16xi32>
      %gather3A_1645 = tpu.vector_load_idx %arg11[%iota3A, %and3A_1491, %broadcast_in_dim3A_1644] : memref<16x8x32xf32, #tpu.memory_space<vmem>>[vector<16xi32>, vector<16xi32>, vector<16xi32>], vector<16xf32>,
      %gather3A_1646 = tpu.vector_load_idx %arg12[%iota3A, %and3A_1496, %broadcast_in_dim3A_1644] : memref<16x8x32xf32, #tpu.memory_space<vmem>>[vector<16xi32>, vector<16xi32>, vector<16xi32>], vector<16xf32>,
      %mul3A_1647 = arith.mulf %gather3A_1645, %gather3A_1646 : vector<16xf32>
      %add3A_1648 = arith.addf %add3A_1642, %mul3A_1647 : vector<16xf32>
      %broadcast_in_dim3A_1649 = arith.constant 25 : i32
      %broadcast_in_dim3A_1650 = vector.broadcast %broadcast_in_dim3A_1649 : i32 to vector<16xi32>
      %gather3A_1651 = tpu.vector_load_idx %arg11[%iota3A, %and3A_1491, %broadcast_in_dim3A_1650] : memref<16x8x32xf32, #tpu.memory_space<vmem>>[vector<16xi32>, vector<16xi32>, vector<16xi32>], vector<16xf32>,
      %gather3A_1652 = tpu.vector_load_idx %arg12[%iota3A, %and3A_1496, %broadcast_in_dim3A_1650] : memref<16x8x32xf32, #tpu.memory_space<vmem>>[vector<16xi32>, vector<16xi32>, vector<16xi32>], vector<16xf32>,
      %mul3A_1653 = arith.mulf %gather3A_1651, %gather3A_1652 : vector<16xf32>
      %add3A_1654 = arith.addf %add3A_1648, %mul3A_1653 : vector<16xf32>
      %broadcast_in_dim3A_1655 = arith.constant 26 : i32
      %broadcast_in_dim3A_1656 = vector.broadcast %broadcast_in_dim3A_1655 : i32 to vector<16xi32>
      %gather3A_1657 = tpu.vector_load_idx %arg11[%iota3A, %and3A_1491, %broadcast_in_dim3A_1656] : memref<16x8x32xf32, #tpu.memory_space<vmem>>[vector<16xi32>, vector<16xi32>, vector<16xi32>], vector<16xf32>,
      %gather3A_1658 = tpu.vector_load_idx %arg12[%iota3A, %and3A_1496, %broadcast_in_dim3A_1656] : memref<16x8x32xf32, #tpu.memory_space<vmem>>[vector<16xi32>, vector<16xi32>, vector<16xi32>], vector<16xf32>,
      %mul3A_1659 = arith.mulf %gather3A_1657, %gather3A_1658 : vector<16xf32>
      %add3A_1660 = arith.addf %add3A_1654, %mul3A_1659 : vector<16xf32>
      %broadcast_in_dim3A_1661 = arith.constant 27 : i32
      %broadcast_in_dim3A_1662 = vector.broadcast %broadcast_in_dim3A_1661 : i32 to vector<16xi32>
      %gather3A_1663 = tpu.vector_load_idx %arg11[%iota3A, %and3A_1491, %broadcast_in_dim3A_1662] : memref<16x8x32xf32, #tpu.memory_space<vmem>>[vector<16xi32>, vector<16xi32>, vector<16xi32>], vector<16xf32>,
      %gather3A_1664 = tpu.vector_load_idx %arg12[%iota3A, %and3A_1496, %broadcast_in_dim3A_1662] : memref<16x8x32xf32, #tpu.memory_space<vmem>>[vector<16xi32>, vector<16xi32>, vector<16xi32>], vector<16xf32>,
      %mul3A_1665 = arith.mulf %gather3A_1663, %gather3A_1664 : vector<16xf32>
      %add3A_1666 = arith.addf %add3A_1660, %mul3A_1665 : vector<16xf32>
      %broadcast_in_dim3A_1667 = arith.constant 28 : i32
      %broadcast_in_dim3A_1668 = vector.broadcast %broadcast_in_dim3A_1667 : i32 to vector<16xi32>
      %gather3A_1669 = tpu.vector_load_idx %arg11[%iota3A, %and3A_1491, %broadcast_in_dim3A_1668] : memref<16x8x32xf32, #tpu.memory_space<vmem>>[vector<16xi32>, vector<16xi32>, vector<16xi32>], vector<16xf32>,
      %gather3A_1670 = tpu.vector_load_idx %arg12[%iota3A, %and3A_1496, %broadcast_in_dim3A_1668] : memref<16x8x32xf32, #tpu.memory_space<vmem>>[vector<16xi32>, vector<16xi32>, vector<16xi32>], vector<16xf32>,
      %mul3A_1671 = arith.mulf %gather3A_1669, %gather3A_1670 : vector<16xf32>
      %add3A_1672 = arith.addf %add3A_1666, %mul3A_1671 : vector<16xf32>
      %broadcast_in_dim3A_1673 = arith.constant 29 : i32
      %broadcast_in_dim3A_1674 = vector.broadcast %broadcast_in_dim3A_1673 : i32 to vector<16xi32>
      %gather3A_1675 = tpu.vector_load_idx %arg11[%iota3A, %and3A_1491, %broadcast_in_dim3A_1674] : memref<16x8x32xf32, #tpu.memory_space<vmem>>[vector<16xi32>, vector<16xi32>, vector<16xi32>], vector<16xf32>,
      %gather3A_1676 = tpu.vector_load_idx %arg12[%iota3A, %and3A_1496, %broadcast_in_dim3A_1674] : memref<16x8x32xf32, #tpu.memory_space<vmem>>[vector<16xi32>, vector<16xi32>, vector<16xi32>], vector<16xf32>,
      %mul3A_1677 = arith.mulf %gather3A_1675, %gather3A_1676 : vector<16xf32>
      %add3A_1678 = arith.addf %add3A_1672, %mul3A_1677 : vector<16xf32>
      %broadcast_in_dim3A_1679 = arith.constant 30 : i32
      %broadcast_in_dim3A_1680 = vector.broadcast %broadcast_in_dim3A_1679 : i32 to vector<16xi32>
      %gather3A_1681 = tpu.vector_load_idx %arg11[%iota3A, %and3A_1491, %broadcast_in_dim3A_1680] : memref<16x8x32xf32, #tpu.memory_space<vmem>>[vector<16xi32>, vector<16xi32>, vector<16xi32>], vector<16xf32>,
      %gather3A_1682 = tpu.vector_load_idx %arg12[%iota3A, %and3A_1496, %broadcast_in_dim3A_1680] : memref<16x8x32xf32, #tpu.memory_space<vmem>>[vector<16xi32>, vector<16xi32>, vector<16xi32>], vector<16xf32>,
      %mul3A_1683 = arith.mulf %gather3A_1681, %gather3A_1682 : vector<16xf32>
      %add3A_1684 = arith.addf %add3A_1678, %mul3A_1683 : vector<16xf32>
      %broadcast_in_dim3A_1685 = arith.constant 31 : i32
      %broadcast_in_dim3A_1686 = vector.broadcast %broadcast_in_dim3A_1685 : i32 to vector<16xi32>
      %gather3A_1687 = tpu.vector_load_idx %arg11[%iota3A, %and3A_1491, %broadcast_in_dim3A_1686] : memref<16x8x32xf32, #tpu.memory_space<vmem>>[vector<16xi32>, vector<16xi32>, vector<16xi32>], vector<16xf32>,
      %gather3A_1688 = tpu.vector_load_idx %arg12[%iota3A, %and3A_1496, %broadcast_in_dim3A_1686] : memref<16x8x32xf32, #tpu.memory_space<vmem>>[vector<16xi32>, vector<16xi32>, vector<16xi32>], vector<16xf32>,
      %mul3A_1689 = arith.mulf %gather3A_1687, %gather3A_1688 : vector<16xf32>
      %add3A_1690 = arith.addf %add3A_1684, %mul3A_1689 : vector<16xf32>
      %swap3A_1691 = arith.index_cast %mul3A_1486 : i32 to index
      %swap3A_1692 = tpu.vector_load %arg13[%swap3A_1691] {strides = array<i32>} : memref<512xf32, #tpu.memory_space<vmem>>, vector<16xf32>,
      tpu.vector_store %arg13[%swap3A_1691], %add3A_1690 {strides = array<i32>} : memref<512xf32, #tpu.memory_space<vmem>>, vector<16xf32>,
    }
    %scan3A_620 = arith.constant 16 : i32
    "tpu.region"() ({
      %run_scoped3A = tpu.sem_alloc : memref<!tpu.dma_semaphore, #tpu.memory_space<semaphore_mem>>
      %dma_start3A_621 = tpu.memref_slice %arg6[%mul3A_2] : memref<16384xf32, #tpu.memory_space<hbm>> -> memref<512xf32, #tpu.memory_space<hbm>>
      %dma_start3A_622 = tpu.memref_slice %arg6[%mul3A_2] : memref<16384xf32, #tpu.memory_space<hbm>> -> memref<512xf32, #tpu.memory_space<hbm>>
      tpu.enqueue_dma source(%arg13 : memref<512xf32, #tpu.memory_space<vmem>>) target(%dma_start3A_622 : memref<512xf32, #tpu.memory_space<hbm>>) target_semaphore(%run_scoped3A : memref<!tpu.dma_semaphore, #tpu.memory_space<semaphore_mem>>)
      %dma_wait3A = tpu.memref_slice %arg6[%mul3A_2] : memref<16384xf32, #tpu.memory_space<hbm>> -> memref<512xf32, #tpu.memory_space<hbm>>
      %dma_wait3A_623 = tpu.memref_slice %arg6[%mul3A_2] : memref<16384xf32, #tpu.memory_space<hbm>> -> memref<512xf32, #tpu.memory_space<hbm>>
      tpu.wait_dma2 semaphore(%run_scoped3A : memref<!tpu.dma_semaphore, #tpu.memory_space<semaphore_mem>>) src(%arg13 : memref<512xf32, #tpu.memory_space<vmem>>) dst(%dma_wait3A_623 : memref<512xf32, #tpu.memory_space<hbm>>)
      tpu.yield
    }) : () -> ()
    return
  }
}

</mosaic_0001>

<sc_bundles>
// kernel: kernel.3.cloned.1.call-start
scs
__scs_entry_jumppad:
0x0: {  	(pc) =	sbr.rel $0x88, $3  }
0x1: {  	(tag) =	ssettag $0x0;
	lr =	simm.s32 $0x1  }
0x2: {  	[smem:$0x3F9D] =	sst lr;
	_ =	strace $0xD0000000  }
0x3: {  	_ = 	snop  }
0x4: {  	_ = 	snop  }
0x5: {  	_ = 	snop  }
0x6: {  	_ = 	snop  }
0x7: {  	_ = 	snop  }
__scs_overlays_trampoline_lowered:
0x8: {  	[smem:$0x3FAC] =	sst s0  }
0x9: {  	[smem:$0x3FAD] =	sst s1  }
0xa: {  	[smem:$0x3FAE] =	sst s2  }
0xb: {  	[smem:$0x3FAF] =	sst s3  }
0xc: {  	[smem:$0x3FB0] =	sst s4  }
0xd: {  	[smem:$0x3FB1] =	sst s5  }
0xe: {  	[smem:$0x3FB2] =	sst s6  }
0xf: {  	[smem:$0x3FB3] =	sst s7  }
0x10: {  	[smem:$0x3FB4] =	sst s8  }
0x11: {  	[smem:$0x3FB5] =	sst s9;
	s0 =	simm.s32 @!p0 $0x0  }
0x12: {  	s1 =	sld [smem:$0x3F9B];
	s0 =	simm.s32 @p0 $0x1  }
0x13: {  	[smem:$0x3FB6] =	sst s0;
	s0 =	simm.s32 @!p1 $0x0  }
0x14: {  	s2 =	sld [smem:$0x3F9A];
	s0 =	simm.s32 @p1 $0x1  }
0x15: {  	[smem:$0x3FB7] =	sst s0;
	s0 =	simm.s32 @!p2 $0x0  }
0x16: {  	s3 =	sld [smem:$0x3FDB];
	s0 =	simm.s32 @p2 $0x1  }
0x17: {  	s4 =	simm.s32 $0x1BF5;
	[smem:$0x3FB9] =	sst s0  }
0x18: {  	s0 =	sld [smem:$0x3F9C];
	_ =	swait.ge [sflag:s4], $0x0  }
0x19: {  	s7 =	sld [smem:$0x3F9D]  }
0x1a: {  	s8 =	sadd.s32 $0xFFFFE003, lr  }
0x1b: {  	s9 =	sadd.s32 $0xFFFFFEF7, lr;
	s5 =	simm.s32 $0xFFFFFFFF;
	p2 =	slt.u32 s8, $0xFFFFF086  }
0x1c: {  	p1 =	slt.u32 s9, $0xF7A;
	s5 =	simm.s32 @!p2 $0x0  }
0x1d: {  	s5 =	simm.s32 @p1 $0x1;
	p0 =	seq.s32 s7, s2  }
0x1e: {  	s7 =	smul.u32 @!p0 $0xF7A, s2;
	p2 =	seq.s32 @!p0 s5, $0x0  }
0x1f: {  	s9 =	smul.u32 $0xF7A, s1;
	s8 =	simm.s32 @!p0 $0x1BF5;
	p2 =	por !p2, p0  }
0x20: {  	[sflag:s8] =	ssyncset.s32 @!p0 $0xFFFFF086;
	s6 =	sadd.s32 @!p0 s3, s7;
	s7 =	simm.s32 @!p0 $0x108  }
0x21: {  	s3 =	sadd.s32 s3, s9;
	s6 =	sadd.s32 @!p0 $0x88, s6;
	s7 =	simm.s32 @p2 $0x1082  }
0x22: {  	[simem:s7], [sflag:s8] =	dma.local @!p0 [hbm:s6], $0xF7A  }
0x23: {  	s9 =	sor.u32 $0xD0000000, s2;
	s6 =	simm.s32 $0x108;
	_ =	swait.ge @!p0 [sflag:s8], $0x0  }
0x24: {  	s3 =	sadd.s32 $0x88, s3;
	s6 =	simm.s32 @!p1 $0x1082;
	[sflag:s4] =	ssyncset.s32 $0xFFFFF086  }
0x25: {  	[simem:s6], [sflag:s4] =	dma.local [hbm:s3], $0xF7A  }
0x26: {  	[smem:$0x3F9D] =	sst s1;
	(tag) =	ssettag s2;
	_ =	strace s9  }
0x27: {  	s1 =	sld [smem:$0x3FAD]  }
0x28: {  	s2 =	sld [smem:$0x3FAE]  }
0x29: {  	s4 =	sld [smem:$0x3FB0]  }
0x2a: {  	p0 =	seq.s32 s5, $0x0;
	s5 =	sld [smem:$0x3FB1]  }
0x2b: {  	s6 =	sld [smem:$0x3FB2]  }
0x2c: {  	s7 =	sld [smem:$0x3FB3]  }
0x2d: {  	s3 =	simm.s32 $0x108;
	s8 =	sld [smem:$0x3FB4]  }
0x2e: {  	s3 =	simm.s32 @!p0 $0x1082;
	s9 =	sld [smem:$0x3FB5]  }
0x2f: {  	lr =	sadd.s32 s0, s3;
	s0 =	sld [smem:$0x3FAC]  }
0x30: {  	s3 =	sld [smem:$0x3FAF]  }
0x31: {  	[smem:$0x3FB8] =	sst s10  }
0x32: {  	s10 =	sld [smem:$0x3FB6];
	_ =	sdelay $0x3  }
0x33: {  	p0 =	seq.s32 s10, $0x1;
	s10 =	sld [smem:$0x3FB8];
	_ =	sdelay $0x3  }
0x34: {  	[smem:$0x3FB8] =	sst s10  }
0x35: {  	s10 =	sld [smem:$0x3FB7];
	_ =	sdelay $0x3  }
0x36: {  	p1 =	seq.s32 s10, $0x1;
	s10 =	sld [smem:$0x3FB8];
	_ =	sdelay $0x3  }
0x37: {  	[smem:$0x3FB8] =	sst s10  }
0x38: {  	s10 =	sld [smem:$0x3FB9]  }
0x39: {  	_ = 	snop;
	(pc) =	sbr.ind lr, $3  }
0x3a: {  	_ = 	snop  }
0x3b: {  	_ = 	snop  }
0x3c: {  	p2 =	seq.s32 s10, $0x1;
	s10 =	sld [smem:$0x3FB8]  }
0x3d: {  	_ =	shalt  }
0x3e: {  	_ =	shalt  }
0x3f: {  	_ =	shalt  }
0x40: {  	_ =	shalt  }
0x41: {  	_ =	shalt  }
0x42: {  	_ =	shalt  }
0x43: {  	_ =	shalt  }
0x44: {  	_ =	shalt  }
0x45: {  	_ =	shalt  }
0x46: {  	_ =	shalt  }
0x47: {  	_ =	shalt  }
0x48: {  	_ =	shalt  }
0x49: {  	_ =	shalt  }
0x4a: {  	_ =	shalt  }
0x4b: {  	_ =	shalt  }
0x4c: {  	_ =	shalt  }
0x4d: {  	_ =	shalt  }
0x4e: {  	_ =	shalt  }
0x4f: {  	_ =	shalt  }
0x50: {  	_ =	shalt  }
0x51: {  	_ =	shalt  }
0x52: {  	_ =	shalt  }
0x53: {  	_ =	shalt  }
0x54: {  	_ =	shalt  }
0x55: {  	_ =	shalt  }
0x56: {  	_ =	shalt  }
0x57: {  	_ =	shalt  }
0x58: {  	_ =	shalt  }
0x59: {  	_ =	shalt  }
0x5a: {  	_ =	shalt  }
0x5b: {  	_ =	shalt  }
0x5c: {  	_ =	shalt  }
0x5d: {  	_ =	shalt  }
0x5e: {  	_ =	shalt  }
0x5f: {  	_ =	shalt  }
0x60: {  	_ =	shalt  }
0x61: {  	_ =	shalt  }
0x62: {  	_ =	shalt  }
0x63: {  	_ =	shalt  }
0x64: {  	_ =	shalt  }
0x65: {  	_ =	shalt  }
0x66: {  	_ =	shalt  }
0x67: {  	_ =	shalt  }
0x68: {  	_ =	shalt  }
0x69: {  	_ =	shalt  }
0x6a: {  	_ =	shalt  }
0x6b: {  	_ =	shalt  }
0x6c: {  	_ =	shalt  }
0x6d: {  	_ =	shalt  }
0x6e: {  	_ =	shalt  }
0x6f: {  	_ =	shalt  }
0x70: {  	_ =	shalt  }
0x71: {  	_ =	shalt  }
0x72: {  	_ =	shalt  }
0x73: {  	_ =	shalt  }
0x74: {  	_ =	shalt  }
0x75: {  	_ =	shalt  }
0x76: {  	_ =	shalt  }
0x77: {  	_ =	shalt  }
0x78: {  	_ =	shalt  }
0x79: {  	_ =	shalt  }
0x7a: {  	_ =	shalt  }
0x7b: {  	_ =	shalt  }
0x7c: {  	_ =	shalt  }
0x7d: {  	_ =	shalt  }
0x7e: {  	_ =	shalt  }
0x7f: {  	_ =	shalt  }
0x80: {  	_ =	shalt  }
0x81: {  	_ =	shalt  }
0x82: {  	_ =	shalt  }
0x83: {  	_ =	shalt  }
0x84: {  	_ =	shalt  }
0x85: {  	_ =	shalt  }
0x86: {  	_ =	shalt  }
0x87: {  	_ =	shalt  }
.Lfunc_end0:
.L_simem_size_0:
called_computation_lowered:
.L_overlay_start_0:
0x88: {  	s2 =	sld [smem:$0x3FD9]  }
0x89: {  	s3 =	sld [smem:$0x3FFE];
	_ =	sdelay $0x1  }
0x8a: {  	s1 =	srdreg.scid  }
0x8b: {  	s0 =	sand.u32 $0x1, s1  }
0x8c: {  	s17 =	sshll.u32 s0, $0xA;
	s2 =	sadd.s32 s3, s2  }
0x8d: {  	s2 =	sadd.s32 s2, s17  }
0x8e: {  	[smem:$0x3FC4] =	sst s2  }
0x8f: {  	_ = 	snop  }
0x90: {  	s2 =	sld [smem:$0x3FC9]  }
0x91: {  	s18 =	sld [smem:$0x3FC8]  }
0x92: {  	s4 =	sld [smem:$0x3FD0];
	(tm) =	ssettm $0x1  }
0x93: {  	s5 =	sld [smem:$0x3FFB];
	_ =	sdelay $0x3  }
0x94: {  	_ =	strace s5  }
0x95: {  	s5 =	sld [smem:$0x3FFC];
	_ =	sdelay $0x3  }
0x96: {  	_ =	strace s5  }
0x97: {  	s5 =	sld [smem:$0x3FFD];
	_ =	sdelay $0x3  }
0x98: {  	_ =	strace s5  }
0x99: {  	_ =	strace $0x8FFFFFFF  }
0x9a: {  	s19 =	sld [smem:$0x3FDB];
	_ =	sdelay $0x1  }
0x9b: {  	s6 =	simm.s32 $_scs_section_size  }
0x9c: {  	s7 =	simm.s32 $_size__tile_overlayer_lowered;
	s8 =	simm.s32 $_tile_overlayer_lowered  }
0x9d: {  	s22 =	simm.s32 $0x1BFF;
	s21 =	sshll.u32 s8, $0x1;
	s5 =	sadd.s32 s6, s19  }
0x9e: {  	s9 =	simm.s32 $0x0;
	s20 =	sshll.u32 s7, $0x1;
	s7 =	sadd.s32 s21, s5  }
0x9f: {  	[timem:s9], [sflag:s22] =	dma.local [hbm:s7], s20  }
0xa0: {  	_ =	swait.ge [sflag:s22], s20  }
0xa1: {  	s6 =	ssub.s32 $0x0, s20;
	[sflag:s22] =	ssyncset.done $0x0  }
0xa2: {  	[sflag:s22] =	ssyncadd.s32 s6;
	_ =	sdelay $0x1  }
0xa3: {  	s23 =	simm.s32 $0x1B8B  }
0xa4: {  	_ =	swait.ge [sflag:s23], $0x1  }
0xa5: {  	[sflag:s23] =	ssyncset.done $0x0  }
0xa6: {  	s25 =	simm.s32 $0x1B8E;
	s24 =	sld [smem:$0x3FFE];
	[sflag:s23] =	ssyncadd.s32 $0xFFFFFFFF  }
0xa7: {  	s26 =	simm.s32 $execute0_lowered;
	[smem:$0x3FD2] =	sst s25  }
0xa8: {  	s7 =	sshll.u32 s26, $0x1;
	_ =	strace $0x80000046;
	[dreg:$0x1] =	wrdreg $0xFFFFFFFF  }
0xa9: {  	s28 =	simm.s32 $_size_execute0_lowered;
	s5 =	sadd.s32 s5, s7;
	[dreg:$0x0] =	wrdreg $0x0  }
0xaa: {  	s7 =	sshll.u32 s28, $0x1;
	[dreg:$0x2] =	wrdreg s5  }
0xab: {  	[dreg:$0x3] =	wrdreg s7  }
0xac: {  	[dreg:$0x4] =	wrdreg $0xC0  }
0xad: {  	_ =	task [dreg:s9], $0x5FFFF  }
0xae: {  	[dreg:$0x1] =	wrdreg $0xFFFFFFFF  }
0xaf: {  	[dreg:$0x0] =	wrdreg $0x60  }
0xb0: {  	[dreg:$0x2] =	wrdreg s2  }
0xb1: {  	[dreg:$0x3] =	wrdreg s18  }
0xb2: {  	[dreg:$0x4] =	wrdreg s24  }
0xb3: {  	[dreg:$0x5] =	wrdreg s4  }
0xb4: {  	[dreg:$0x6] =	wrdreg $0x9  }
0xb5: {  	_ =	task.clear_ibuf [dreg:s9], $0x7FFFF;
	_ =	strace $0x90000046  }
0xb6: {  	s29 =	simm.s32 $0x9;
	_ =	strace $0x80000048  }
0xb7: {  	_ =	swait.ge [sflag:s29], $0x1  }
0xb8: {  	[sflag:s29] =	ssyncadd.s32 $0xFFFFFFFF  }
0xb9: {  	_ =	strace $0x90000048  }
0xba: {  	_ =	sfence  }
0xbb: {  	s30 =	sld [smem:$0x0];
	_ =	sdelay $0x2  }
0xbc: {  	s31 =	sshll.u32 s1, $0xD;
	s1 =	sshrl.u32 s1, $0x2  }
0xbd: {  	s3 =	sand.u32 $0x4000, s31;
	s1 =	sadd.s32 s1, s30  }
0xbe: {  	s0 =	sor.u32 s3, s0;
	s1 =	sshll.u32 s1, $0x11  }
0xbf: {  	s0 =	sor.u32 s1, s0  }
0xc0: {  	s0 =	sadd.s32 $0x8F2B, s0  }
0xc1: {  	[sflag:s0] =	ssyncadd.remote.s32 $0x1  }
0xc2: {  	_ =	sfence.sel $0xFFFF  }
0xc3: {  	[dreg:$0x0] =	wrdreg $0xFFFFFFFF;
	(pc) =	sbr.abs _section_cstart, $3  }
0xc4: {  	[dreg:$0x1] =	wrdreg $0xFFFFFFFF  }
0xc5: {  	_ =	task.clear_ibuf [dreg:s9], $0x2FFFF;
	_ =	strace $0x9FFFFFFF  }
0xc6: {  	(tm) =	ssettm $0x7FFFFFFF  }
0xc7: {  	_ =	shalt  }
tec
execute0_lowered:
.L_overlay_start_1:
0x0: {  	(tag) =	ssettag $0x1  }
0x1: {  	s0 =	rddreg [dreg:$0x0]  }
0x2: {  	s2 =	rddreg [dreg:$0x1]  }
0x3: {  	s4 =	rddreg [dreg:$0x2]  }
0x4: {  	s5 =	rddreg [dreg:$0x3];
	s1 =	simm.s32 $0x0  }
0x5: {  	s6 =	srdreg.scid;
	s8 =	stileid.u32;
	s29 =	simm.s32 $0x3  }
0x6: {  	s11 =	simm.s32 $0x400;
	s12 =	simm.s32 $0x4400;
	s17 =	simm.s32 $0x8400  }
0x7: {  	v0 =	vlaneseq.u32;
	s18 =	simm.s32 $0xC400;
	s31 =	simm.s32 $0x8800;
	s10 =	simm.s32 $0xA400  }
0x8: {  	s13 =	simm.s32 $0xB000;
	s14 =	simm.s32 $0xF000;
	s15 =	simm.s32 $0xB400;
	v0 =	vmul.u32 $0x400, v0  }
0x9: {  	s16 =	simm.s32 $0xF400;
	s19 =	simm.s32 $0xB800;
	s20 =	simm.s32 $0xF800  }
0xa: {  	s21 =	simm.s32 $0xBC00;
	s22 =	simm.s32 $0xFC00;
	s23 =	simm.s32 $0xC000;
	v1 =	vor.u32 $0x1, v0  }
0xb: {  	s24 =	simm.s32 $0x10000;
	s25 =	simm.s32 $0x1;
	[smem:$0x7FF] =	sst s1;
	v2 =	vor.u32 $0x2, v0;
	v3 =	vor.u32 $0x3, v0;
	v4 =	vor.u32 $0x4, v0  }
0xc: {  	s3 =	sadd.s32 $0x400, s4;
	s6 =	sand.u32 $0x1, s6;
	s8 =	sshll.u32 s8, $0x7;
	v5 =	vor.u32 $0x5, v0;
	v6 =	vor.u32 $0x6, v0;
	v7 =	vor.u32 $0x7, v0  }
0xd: {  	s4 =	sadd.s32 $0xF42800, s4;
	s7 =	ssub.s32 $0x2, s6;
	s6 =	sshll.u32 s6, $0x6;
	v8 =	vor.u32 $0x8, v0;
	v9 =	vor.u32 $0x9, v0;
	v10 =	vor.u32 $0xA, v0  }
0xe: {  	_ =	strace $0x80000047;
	s9 =	sshrl.u32 s7, $0x1;
	s6 =	sor.u32 s6, s8;
	v11 =	vor.u32 $0xB, v0;
	v12 =	vor.u32 $0xC, v0;
	v13 =	vor.u32 $0xD, v0  }
0xf: {  	v14 =	vor.u32 $0xE, v0;
	v15 =	vor.u32 $0xF, v0;
	v16 =	vor.u32 $0x10, v0;
	s8 =	simm.s32 $0xAC00;
	s7 =	ssub.s32 s7, s9;
	s0 =	sadd.s32 s0, s6  }
.Ltmp0:
0x10: {  	v17 =	vor.u32 $0x11, v0;
	v18 =	vor.u32 $0x12, v0;
	v19 =	vor.u32 $0x13, v0;
	s26 =	sadd.s32 s2, s6;
	s28 =	sadd.s32 s5, s6;
	(pc) =	sbr.rel .LBB2_1-.Ltmp0, $4  }
0x11: {  	v20 =	vor.u32 $0x14, v0;
	v21 =	vor.u32 $0x15, v0;
	v22 =	vor.u32 $0x16, v0;
	s2 =	simm.s32 $0xE000;
	s5 =	simm.s32 $0xE400;
	[dreg:$0x5] =	wrdreg s0  }
0x12: {  	v23 =	vor.u32 $0x17, v0;
	v24 =	vor.u32 $0x18, v0;
	v25 =	vor.u32 $0x19, v0;
	s6 =	simm.s32 $0xA800;
	s9 =	simm.s32 $0xEC00;
	[dreg:$0x6] =	wrdreg s26  }
0x13: {  	v26 =	vor.u32 $0x1A, v0;
	v27 =	vor.u32 $0x1B, v0;
	v28 =	vor.u32 $0x1C, v0;
	[dreg:$0x7] =	wrdreg s28;
	s30 =	smax.u32 s7, $0x1;
	s7 =	simm.s32 $0xE800  }
0x14: {  	v29 =	vor.u32 $0x1D, v0;
	v30 =	vor.u32 $0x1E, v0;
	v31 =	vor.u32 $0x1F, v0;
	s26 =	simm.s32 $0x2;
	s0 =	simm.s32 $0x0;
	[dreg:$0x8] =	wrdreg s30  }
.LBB2_5:
0x15: {  	s28 =	rddreg [dreg:$0x7];
	s0 =	simm.s32 $0x10400;
	s29 =	simm.s32 $0x3  }
0x16: {  	[hbm4b:s28+s1] =	stream.linear.scatter [tilespmem:s0], [sflag:$0x3], $0x200, $0x38;
	[tilespmem:$0x10600] =	vst v63  }
0x17: {  	_ =	swait.ge [sflag:s29], $0x200  }
0x18: {  	s28 =	rddreg [dreg:$0x9]  }
0x19: {  	s30 =	rddreg [dreg:$0x8];
	s0 =	sadd.s32 $0x1, s28  }
0x1a: {  	p0 =	sne.s32 s0, s30  }
.Ltmp1:
0x1b: {  	_ = 	snop;
	(pc) =	sbr.rel @!p0 .LBB2_6-.Ltmp1, $3  }
0x1c: {  	_ =	sdelay $0x1  }
0x1d: {  	[sflag:s29] =	ssyncset.done $0x0  }
0x1e: {  	[sflag:s29] =	ssyncadd.s32 $0xFFFFFE00  }
.LBB2_1:
0x1f: {  	[dreg:$0x9] =	wrdreg s0  }
0x20: {  	s28 =	rddreg [dreg:$0x5]  }
0x21: {  	[tilespmem:s1], [sflag:$0x3] =	stream.linear.gather [hbm4b:s28+s1], $0x200, $0x38;
	[tilespmem:$0x10600] =	vst v63  }
0x22: {  	_ =	swait.ge [sflag:s29], $0x200  }
0x23: {  	[sflag:s29] =	ssyncset.done $0x0  }
0x24: {  	s30 =	simm.s32 $0x200;
	s28 =	rddreg [dreg:$0x6];
	[sflag:s29] =	ssyncadd.s32 $0xFFFFFE00  }
0x25: {  	[tilespmem:s30], [sflag:$0x3] =	stream.linear.gather [hbm4b:s28+s1], $0x200, $0x38;
	[tilespmem:$0x10600] =	vst v63  }
0x26: {  	_ =	swait.ge [sflag:s29], $0x200  }
0x27: {  	[sflag:s29] =	ssyncset.done $0x0  }
0x28: {  	[sflag:s29] =	ssyncadd.s32 $0xFFFFFE00  }
0x29: {  	v32 =	vld [tilespmem:$0x0];
	_ =	sdelay $0x3  }
0x2a: {  	v34 =	vld [tilespmem:$0x200]  }
0x2b: {  	v32 =	vshrl.u32 v32, $0x3  }
0x2c: {  	v33 =	vshll.u32 v32, $0x7  }
0x2d: {  	(v2sf) =	vpush v33, $0x0;
	_ =	sdelay $0x1  }
0x2e: {  	v63 =	vshrl.u32 v34, $0x3  }
0x2f: {  	v32 =	vshll.u32 v63, $0x7  }
0x30: {  	(v2sf) =	vpush v32, $0x0;
	_ =	sdelay $0x3  }
0x31: {  	(v2sf) =	vpush v33, $0x1;
	_ =	sdelay $0x3  }
0x32: {  	(v2sf) =	vpush v32, $0x1;
	_ =	sdelay $0x2  }
0x33: {  	s28 =	spop (v2sf)  }
0x34: {  	(v2sf) =	vpush v33, $0x2;
	s28 =	sand.u32 $0x1FFFFF80, s28  }
0x35: {  	s28 =	sadd.s32 s3, s28  }
0x36: {  	[tilespmem:s11], [sflag:$0x1] =	stream.linear.gather [hbm4b:s28+s1], $0x400, $0x38;
	[tilespmem:$0x10600] =	vst v63  }
0x37: {  	s28 =	spop (v2sf)  }
0x38: {  	(v2sf) =	vpush v32, $0x2;
	s28 =	sand.u32 $0x1FFFFF80, s28  }
0x39: {  	s28 =	sadd.s32 s4, s28  }
0x3a: {  	[tilespmem:s12], [sflag:$0x1] =	stream.linear.gather [hbm4b:s28+s1], $0x400, $0x38;
	[tilespmem:$0x10600] =	vst v63  }
0x3b: {  	s28 =	spop (v2sf)  }
0x3c: {  	(v2sf) =	vpush v33, $0x3;
	s28 =	sand.u32 $0x1FFFFF80, s28  }
0x3d: {  	s0 =	simm.s32 $0x800;
	s28 =	sadd.s32 s3, s28  }
0x3e: {  	[tilespmem:s0], [sflag:$0x1] =	stream.linear.gather [hbm4b:s28+s1], $0x400, $0x38;
	[tilespmem:$0x10600] =	vst v63  }
0x3f: {  	s28 =	spop (v2sf)  }
0x40: {  	(v2sf) =	vpush v32, $0x3;
	s28 =	sand.u32 $0x1FFFFF80, s28  }
0x41: {  	s30 =	simm.s32 $0x4800;
	s28 =	sadd.s32 s4, s28  }
0x42: {  	[tilespmem:s30], [sflag:$0x1] =	stream.linear.gather [hbm4b:s28+s1], $0x400, $0x38;
	[tilespmem:$0x10600] =	vst v63  }
0x43: {  	s28 =	spop (v2sf)  }
0x44: {  	(v2sf) =	vpush v33, $0x4;
	s28 =	sand.u32 $0x1FFFFF80, s28  }
0x45: {  	s0 =	simm.s32 $0xC00;
	s28 =	sadd.s32 s3, s28  }
0x46: {  	[tilespmem:s0], [sflag:$0x1] =	stream.linear.gather [hbm4b:s28+s1], $0x400, $0x38;
	[tilespmem:$0x10600] =	vst v63  }
0x47: {  	s28 =	spop (v2sf)  }
0x48: {  	(v2sf) =	vpush v32, $0x4;
	s28 =	sand.u32 $0x1FFFFF80, s28  }
0x49: {  	s30 =	simm.s32 $0x4C00;
	s28 =	sadd.s32 s4, s28  }
0x4a: {  	[tilespmem:s30], [sflag:$0x1] =	stream.linear.gather [hbm4b:s28+s1], $0x400, $0x38;
	[tilespmem:$0x10600] =	vst v63  }
0x4b: {  	s28 =	spop (v2sf)  }
0x4c: {  	(v2sf) =	vpush v33, $0x5;
	s28 =	sand.u32 $0x1FFFFF80, s28  }
0x4d: {  	s0 =	simm.s32 $0x1000;
	s28 =	sadd.s32 s3, s28  }
0x4e: {  	[tilespmem:s0], [sflag:$0x1] =	stream.linear.gather [hbm4b:s28+s1], $0x400, $0x38;
	[tilespmem:$0x10600] =	vst v63  }
0x4f: {  	s28 =	spop (v2sf)  }
0x50: {  	(v2sf) =	vpush v32, $0x5;
	s28 =	sand.u32 $0x1FFFFF80, s28  }
0x51: {  	s30 =	simm.s32 $0x5000;
	s28 =	sadd.s32 s4, s28  }
0x52: {  	[tilespmem:s30], [sflag:$0x1] =	stream.linear.gather [hbm4b:s28+s1], $0x400, $0x38;
	[tilespmem:$0x10600] =	vst v63  }
0x53: {  	s28 =	spop (v2sf)  }
0x54: {  	(v2sf) =	vpush v33, $0x6;
	s28 =	sand.u32 $0x1FFFFF80, s28  }
0x55: {  	s0 =	simm.s32 $0x1400;
	s28 =	sadd.s32 s3, s28  }
0x56: {  	[tilespmem:s0], [sflag:$0x1] =	stream.linear.gather [hbm4b:s28+s1], $0x400, $0x38;
	[tilespmem:$0x10600] =	vst v63  }
0x57: {  	s28 =	spop (v2sf)  }
0x58: {  	(v2sf) =	vpush v32, $0x6;
	s28 =	sand.u32 $0x1FFFFF80, s28  }
0x59: {  	s30 =	simm.s32 $0x5400;
	s28 =	sadd.s32 s4, s28  }
0x5a: {  	[tilespmem:s30], [sflag:$0x1] =	stream.linear.gather [hbm4b:s28+s1], $0x400, $0x38;
	[tilespmem:$0x10600] =	vst v63  }
0x5b: {  	s28 =	spop (v2sf)  }
0x5c: {  	(v2sf) =	vpush v33, $0x7;
	s28 =	sand.u32 $0x1FFFFF80, s28  }
0x5d: {  	s0 =	simm.s32 $0x1800;
	s28 =	sadd.s32 s3, s28  }
0x5e: {  	[tilespmem:s0], [sflag:$0x1] =	stream.linear.gather [hbm4b:s28+s1], $0x400, $0x38;
	[tilespmem:$0x10600] =	vst v63  }
0x5f: {  	s28 =	spop (v2sf)  }
0x60: {  	(v2sf) =	vpush v32, $0x7;
	s28 =	sand.u32 $0x1FFFFF80, s28  }
0x61: {  	s30 =	simm.s32 $0x5800;
	s28 =	sadd.s32 s4, s28  }
0x62: {  	[tilespmem:s30], [sflag:$0x1] =	stream.linear.gather [hbm4b:s28+s1], $0x400, $0x38;
	[tilespmem:$0x10600] =	vst v63  }
0x63: {  	s28 =	spop (v2sf)  }
0x64: {  	(v2sf) =	vpush v33, $0x8;
	s28 =	sand.u32 $0x1FFFFF80, s28  }
0x65: {  	s0 =	simm.s32 $0x1C00;
	s28 =	sadd.s32 s3, s28  }
0x66: {  	[tilespmem:s0], [sflag:$0x1] =	stream.linear.gather [hbm4b:s28+s1], $0x400, $0x38;
	[tilespmem:$0x10600] =	vst v63  }
0x67: {  	s28 =	spop (v2sf)  }
0x68: {  	(v2sf) =	vpush v32, $0x8;
	s28 =	sand.u32 $0x1FFFFF80, s28  }
0x69: {  	s30 =	simm.s32 $0x5C00;
	s28 =	sadd.s32 s4, s28  }
0x6a: {  	[tilespmem:s30], [sflag:$0x1] =	stream.linear.gather [hbm4b:s28+s1], $0x400, $0x38;
	[tilespmem:$0x10600] =	vst v63  }
0x6b: {  	s28 =	spop (v2sf)  }
0x6c: {  	(v2sf) =	vpush v33, $0x9;
	s28 =	sand.u32 $0x1FFFFF80, s28  }
0x6d: {  	s0 =	simm.s32 $0x2000;
	s28 =	sadd.s32 s3, s28  }
0x6e: {  	[tilespmem:s0], [sflag:$0x1] =	stream.linear.gather [hbm4b:s28+s1], $0x400, $0x38;
	[tilespmem:$0x10600] =	vst v63  }
0x6f: {  	s28 =	spop (v2sf)  }
0x70: {  	(v2sf) =	vpush v32, $0x9;
	s28 =	sand.u32 $0x1FFFFF80, s28  }
0x71: {  	s30 =	simm.s32 $0x6000;
	s28 =	sadd.s32 s4, s28  }
0x72: {  	[tilespmem:s30], [sflag:$0x1] =	stream.linear.gather [hbm4b:s28+s1], $0x400, $0x38;
	[tilespmem:$0x10600] =	vst v63  }
0x73: {  	s28 =	spop (v2sf)  }
0x74: {  	(v2sf) =	vpush v33, $0xA;
	s28 =	sand.u32 $0x1FFFFF80, s28  }
0x75: {  	s0 =	simm.s32 $0x2400;
	s28 =	sadd.s32 s3, s28  }
0x76: {  	[tilespmem:s0], [sflag:$0x1] =	stream.linear.gather [hbm4b:s28+s1], $0x400, $0x38;
	[tilespmem:$0x10600] =	vst v63  }
0x77: {  	s28 =	spop (v2sf)  }
0x78: {  	(v2sf) =	vpush v32, $0xA;
	s28 =	sand.u32 $0x1FFFFF80, s28  }
0x79: {  	s30 =	simm.s32 $0x6400;
	s28 =	sadd.s32 s4, s28  }
0x7a: {  	[tilespmem:s30], [sflag:$0x1] =	stream.linear.gather [hbm4b:s28+s1], $0x400, $0x38;
	[tilespmem:$0x10600] =	vst v63  }
0x7b: {  	s28 =	spop (v2sf)  }
0x7c: {  	(v2sf) =	vpush v33, $0xB;
	s28 =	sand.u32 $0x1FFFFF80, s28  }
0x7d: {  	s0 =	simm.s32 $0x2800;
	s28 =	sadd.s32 s3, s28  }
0x7e: {  	[tilespmem:s0], [sflag:$0x1] =	stream.linear.gather [hbm4b:s28+s1], $0x400, $0x38;
	[tilespmem:$0x10600] =	vst v63  }
0x7f: {  	s28 =	spop (v2sf)  }
0x80: {  	(v2sf) =	vpush v32, $0xB;
	s28 =	sand.u32 $0x1FFFFF80, s28  }
0x81: {  	s30 =	simm.s32 $0x6800;
	s28 =	sadd.s32 s4, s28  }
0x82: {  	[tilespmem:s30], [sflag:$0x1] =	stream.linear.gather [hbm4b:s28+s1], $0x400, $0x38;
	[tilespmem:$0x10600] =	vst v63  }
0x83: {  	s28 =	spop (v2sf)  }
0x84: {  	(v2sf) =	vpush v33, $0xC;
	s28 =	sand.u32 $0x1FFFFF80, s28  }
0x85: {  	s0 =	simm.s32 $0x2C00;
	s28 =	sadd.s32 s3, s28  }
0x86: {  	[tilespmem:s0], [sflag:$0x1] =	stream.linear.gather [hbm4b:s28+s1], $0x400, $0x38;
	[tilespmem:$0x10600] =	vst v63  }
0x87: {  	s28 =	spop (v2sf)  }
0x88: {  	(v2sf) =	vpush v32, $0xC;
	s28 =	sand.u32 $0x1FFFFF80, s28  }
0x89: {  	s30 =	simm.s32 $0x6C00;
	s28 =	sadd.s32 s4, s28  }
0x8a: {  	[tilespmem:s30], [sflag:$0x1] =	stream.linear.gather [hbm4b:s28+s1], $0x400, $0x38;
	[tilespmem:$0x10600] =	vst v63  }
0x8b: {  	s28 =	spop (v2sf)  }
0x8c: {  	(v2sf) =	vpush v33, $0xD;
	s28 =	sand.u32 $0x1FFFFF80, s28  }
0x8d: {  	s0 =	simm.s32 $0x3000;
	s28 =	sadd.s32 s3, s28  }
0x8e: {  	[tilespmem:s0], [sflag:$0x1] =	stream.linear.gather [hbm4b:s28+s1], $0x400, $0x38;
	[tilespmem:$0x10600] =	vst v63  }
0x8f: {  	s28 =	spop (v2sf)  }
0x90: {  	(v2sf) =	vpush v32, $0xD;
	s28 =	sand.u32 $0x1FFFFF80, s28  }
0x91: {  	s30 =	simm.s32 $0x7000;
	s28 =	sadd.s32 s4, s28  }
0x92: {  	[tilespmem:s30], [sflag:$0x1] =	stream.linear.gather [hbm4b:s28+s1], $0x400, $0x38;
	[tilespmem:$0x10600] =	vst v63  }
0x93: {  	s28 =	spop (v2sf)  }
0x94: {  	(v2sf) =	vpush v33, $0xE;
	s28 =	sand.u32 $0x1FFFFF80, s28  }
0x95: {  	s0 =	simm.s32 $0x3400;
	s28 =	sadd.s32 s3, s28  }
0x96: {  	[tilespmem:s0], [sflag:$0x1] =	stream.linear.gather [hbm4b:s28+s1], $0x400, $0x38;
	[tilespmem:$0x10600] =	vst v63  }
0x97: {  	s28 =	spop (v2sf)  }
0x98: {  	(v2sf) =	vpush v32, $0xE;
	s28 =	sand.u32 $0x1FFFFF80, s28  }
0x99: {  	s30 =	simm.s32 $0x7400;
	s28 =	sadd.s32 s4, s28  }
0x9a: {  	[tilespmem:s30], [sflag:$0x1] =	stream.linear.gather [hbm4b:s28+s1], $0x400, $0x38;
	[tilespmem:$0x10600] =	vst v63  }
0x9b: {  	s28 =	spop (v2sf)  }
0x9c: {  	(v2sf) =	vpush v33, $0xF;
	s28 =	sand.u32 $0x1FFFFF80, s28  }
0x9d: {  	s0 =	simm.s32 $0x3800;
	s28 =	sadd.s32 s3, s28  }
0x9e: {  	[tilespmem:s0], [sflag:$0x1] =	stream.linear.gather [hbm4b:s28+s1], $0x400, $0x38;
	[tilespmem:$0x10600] =	vst v63  }
0x9f: {  	s28 =	spop (v2sf)  }
0xa0: {  	(v2sf) =	vpush v32, $0xF;
	s28 =	sand.u32 $0x1FFFFF80, s28  }
0xa1: {  	s30 =	simm.s32 $0x7800;
	s28 =	sadd.s32 s4, s28  }
0xa2: {  	[tilespmem:s30], [sflag:$0x1] =	stream.linear.gather [hbm4b:s28+s1], $0x400, $0x38;
	[tilespmem:$0x10600] =	vst v63  }
0xa3: {  	s28 =	spop (v2sf)  }
0xa4: {  	s28 =	sand.u32 $0x1FFFFF80, s28  }
0xa5: {  	s0 =	simm.s32 $0x3C00;
	s28 =	sadd.s32 s3, s28  }
0xa6: {  	[tilespmem:s0], [sflag:$0x1] =	stream.linear.gather [hbm4b:s28+s1], $0x400, $0x38;
	[tilespmem:$0x10600] =	vst v63  }
0xa7: {  	s28 =	spop (v2sf)  }
0xa8: {  	s28 =	sand.u32 $0x1FFFFF80, s28  }
0xa9: {  	s30 =	simm.s32 $0x7C00;
	s28 =	sadd.s32 s4, s28  }
0xaa: {  	[tilespmem:s30], [sflag:$0x1] =	stream.linear.gather [hbm4b:s28+s1], $0x400, $0x38;
	[tilespmem:$0x10600] =	vst v63  }
0xab: {  	s28 =	spop (v2sf)  }
0xac: {  	s28 =	sand.u32 $0x1FFFFF80, s28  }
0xad: {  	s0 =	simm.s32 $0x4000;
	s28 =	sadd.s32 s3, s28  }
0xae: {  	[tilespmem:s0], [sflag:$0x1] =	stream.linear.gather [hbm4b:s28+s1], $0x400, $0x38;
	[tilespmem:$0x10600] =	vst v63  }
.Ltmp2:
0xaf: {  	s28 =	spop (v2sf);
	(pc) =	sbr.rel .LBB2_2-.Ltmp2, $4  }
0xb0: {  	s28 =	sand.u32 $0x1FFFFF80, s28  }
0xb1: {  	s30 =	simm.s32 $0x8000;
	s28 =	sadd.s32 s4, s28  }
0xb2: {  	[tilespmem:s30], [sflag:$0x1] =	stream.linear.gather [hbm4b:s28+s1], $0x400, $0x38;
	[tilespmem:$0x10600] =	vst v63  }
0xb3: {  	s28 =	simm.s32 $0x0  }
.LBB2_4:
0xb4: {  	_ =	swait.ge [sflag:s26], $0x4000  }
0xb5: {  	[sflag:s26] =	ssyncset.done $0x0  }
0xb6: {  	[sflag:s26] =	ssyncadd.s32 $0xFFFFC000  }
0xb7: {  	_ =	swait.ge [sflag:s26], $0x4000  }
0xb8: {  	[sflag:s26] =	ssyncset.done $0x0  }
0xb9: {  	[sflag:s26] =	ssyncadd.s32 $0xFFFFC000  }
0xba: {  	v32 =	vld [tilespmem:s29+$0x10]  }
0xbb: {  	v34 =	vld [tilespmem:s29+$0x210];
	_ =	sdelay $0x3  }
0xbc: {  	v32 =	vshll.u32 v32, $0x7  }
0xbd: {  	v51 =	vshll.u32 v34, $0x7;
	v33 =	vand.u32 $0x380, v32  }
0xbe: {  	v32 =	vand.u32 $0x380, v51;
	v52 =	vor.u32 v0, v33  }
0xbf: {  	v35 =	vor.u32 v0, v32  }
0xc0: {  	v36 =	vor.u32 v1, v33  }
0xc1: {  	v37 =	vor.u32 v1, v32  }
0xc2: {  	v38 =	vor.u32 v2, v33  }
0xc3: {  	v39 =	vor.u32 v2, v32;
	v34 =	vld.idx.msk [tilespmem:v52+s17+$0x0], $0xffff  }
0xc4: {  	v40 =	vor.u32 v3, v33;
	v35 =	vld.idx.msk [tilespmem:v35+s18+$0x0], $0xffff  }
0xc5: {  	v41 =	vor.u32 v3, v32;
	v36 =	vld.idx.msk [tilespmem:v36+s17+$0x0], $0xffff  }
0xc6: {  	v42 =	vor.u32 v4, v33;
	v37 =	vld.idx.msk [tilespmem:v37+s18+$0x0], $0xffff  }
0xc7: {  	v43 =	vor.u32 v4, v32;
	v38 =	vld.idx.msk [tilespmem:v38+s17+$0x0], $0xffff  }
0xc8: {  	v44 =	vor.u32 v5, v33;
	v39 =	vld.idx.msk [tilespmem:v39+s18+$0x0], $0xffff  }
0xc9: {  	v54 =	vor.u32 v5, v32;
	v53 =	vld.idx.msk [tilespmem:v40+s17+$0x0], $0xffff;
	v34 =	vmul.f32 v35, v34  }
0xca: {  	v45 =	vor.u32 v6, v33;
	v41 =	vld.idx.msk [tilespmem:v41+s18+$0x0], $0xffff  }
0xcb: {  	v56 =	vor.u32 v6, v32;
	v55 =	vld.idx.msk [tilespmem:v42+s17+$0x0], $0xffff;
	v36 =	vmul.f32 v37, v36;
	v34 =	vadd.f32 $0.0e+00, v34  }
0xcc: {  	v46 =	vor.u32 v7, v33;
	v43 =	vld.idx.msk [tilespmem:v43+s18+$0x0], $0xffff  }
0xcd: {  	v59 =	vor.u32 v7, v32;
	v58 =	vld.idx.msk [tilespmem:v44+s17+$0x0], $0xffff;
	v57 =	vmul.f32 v39, v38;
	v34 =	vadd.f32 v36, v34  }
0xce: {  	v60 =	vor.u32 v8, v33;
	v40 =	vld.idx.msk [tilespmem:v54+s18+$0x0], $0xffff  }
0xcf: {  	v62 =	vor.u32 v8, v32;
	v61 =	vld.idx.msk [tilespmem:v45+s17+$0x0], $0xffff;
	v35 =	vmul.f32 v41, v53;
	v34 =	vadd.f32 v57, v34  }
0xd0: {  	v50 =	vor.u32 v9, v32;
	v42 =	vld.idx.msk [tilespmem:v56+s18+$0x0], $0xffff  }
0xd1: {  	v63 =	vor.u32 v9, v33;
	v49 =	vld.idx.msk [tilespmem:v46+s17+$0x0], $0xffff;
	v48 =	vmul.f32 v43, v55;
	v34 =	vadd.f32 v35, v34  }
0xd2: {  	v51 =	vor.u32 v10, v33;
	v39 =	vld.idx.msk [tilespmem:v59+s18+$0x0], $0xffff  }
0xd3: {  	v54 =	vor.u32 v10, v32;
	v52 =	vmul.f32 v40, v58;
	v53 =	vld.idx.msk [tilespmem:v60+s17+$0x0], $0xffff;
	v34 =	vadd.f32 v48, v34  }
0xd4: {  	v41 =	vld.idx.msk [tilespmem:v62+s18+$0x0], $0xffff;
	v55 =	vor.u32 v11, v33  }
0xd5: {  	v56 =	vmul.f32 v42, v61;
	v58 =	vor.u32 v11, v32;
	v43 =	vld.idx.msk [tilespmem:v50+s18+$0x0], $0xffff;
	v34 =	vadd.f32 v52, v34  }
0xd6: {  	v62 =	vor.u32 v12, v32;
	v57 =	vld.idx.msk [tilespmem:v63+s17+$0x0], $0xffff  }
0xd7: {  	v59 =	vor.u32 v12, v33;
	v61 =	vld.idx.msk [tilespmem:v51+s17+$0x0], $0xffff;
	v60 =	vmul.f32 v39, v49;
	v34 =	vadd.f32 v56, v34  }
0xd8: {  	v40 =	vld.idx.msk [tilespmem:v54+s18+$0x0], $0xffff;
	v50 =	vor.u32 v13, v32  }
0xd9: {  	v49 =	vld.idx.msk [tilespmem:v55+s17+$0x0], $0xffff;
	v63 =	vor.u32 v13, v33;
	v48 =	vmul.f32 v41, v53;
	v34 =	vadd.f32 v60, v34  }
0xda: {  	v54 =	vor.u32 v14, v32;
	v42 =	vld.idx.msk [tilespmem:v58+s18+$0x0], $0xffff  }
0xdb: {  	v51 =	vor.u32 v14, v33;
	v39 =	vld.idx.msk [tilespmem:v62+s18+$0x0], $0xffff;
	v52 =	vmul.f32 v43, v57;
	v34 =	vadd.f32 v48, v34  }
0xdc: {  	v58 =	vor.u32 v15, v32;
	v53 =	vld.idx.msk [tilespmem:v59+s17+$0x0], $0xffff  }
0xdd: {  	v55 =	vor.u32 v15, v33;
	v41 =	vld.idx.msk [tilespmem:v50+s18+$0x0], $0xffff;
	v56 =	vmul.f32 v40, v61;
	v34 =	vadd.f32 v52, v34  }
0xde: {  	v62 =	vor.u32 v16, v32;
	v57 =	vld.idx.msk [tilespmem:v63+s17+$0x0], $0xffff  }
0xdf: {  	v59 =	vor.u32 v16, v33;
	v43 =	vld.idx.msk [tilespmem:v54+s18+$0x0], $0xffff;
	v60 =	vmul.f32 v42, v49;
	v34 =	vadd.f32 v56, v34  }
0xe0: {  	v50 =	vor.u32 v17, v32;
	v61 =	vld.idx.msk [tilespmem:v51+s17+$0x0], $0xffff  }
0xe1: {  	v63 =	vor.u32 v17, v33;
	v40 =	vld.idx.msk [tilespmem:v58+s18+$0x0], $0xffff;
	v48 =	vmul.f32 v39, v53;
	v34 =	vadd.f32 v60, v34  }
0xe2: {  	v54 =	vor.u32 v18, v32;
	v49 =	vld.idx.msk [tilespmem:v55+s17+$0x0], $0xffff  }
0xe3: {  	v51 =	vor.u32 v18, v33;
	v42 =	vld.idx.msk [tilespmem:v62+s18+$0x0], $0xffff;
	v52 =	vmul.f32 v41, v57;
	v34 =	vadd.f32 v48, v34  }
0xe4: {  	v58 =	vor.u32 v19, v32;
	v53 =	vld.idx.msk [tilespmem:v59+s17+$0x0], $0xffff  }
0xe5: {  	v55 =	vor.u32 v19, v33;
	v39 =	vld.idx.msk [tilespmem:v50+s18+$0x0], $0xffff;
	v56 =	vmul.f32 v43, v61;
	v34 =	vadd.f32 v52, v34  }
0xe6: {  	v62 =	vor.u32 v20, v32;
	v57 =	vld.idx.msk [tilespmem:v63+s17+$0x0], $0xffff  }
0xe7: {  	v59 =	vor.u32 v20, v33;
	v41 =	vld.idx.msk [tilespmem:v54+s18+$0x0], $0xffff;
	v60 =	vmul.f32 v40, v49;
	v34 =	vadd.f32 v56, v34  }
0xe8: {  	v50 =	vor.u32 v21, v32;
	v61 =	vld.idx.msk [tilespmem:v51+s17+$0x0], $0xffff  }
0xe9: {  	v63 =	vor.u32 v21, v33;
	v43 =	vld.idx.msk [tilespmem:v58+s18+$0x0], $0xffff;
	v48 =	vmul.f32 v42, v53;
	v34 =	vadd.f32 v60, v34  }
0xea: {  	v54 =	vor.u32 v22, v32;
	v49 =	vld.idx.msk [tilespmem:v55+s17+$0x0], $0xffff  }
0xeb: {  	v51 =	vor.u32 v22, v33;
	v40 =	vld.idx.msk [tilespmem:v62+s18+$0x0], $0xffff;
	v52 =	vmul.f32 v39, v57;
	v34 =	vadd.f32 v48, v34  }
0xec: {  	v58 =	vor.u32 v23, v32;
	v53 =	vld.idx.msk [tilespmem:v59+s17+$0x0], $0xffff  }
0xed: {  	v55 =	vor.u32 v23, v33;
	v42 =	vld.idx.msk [tilespmem:v50+s18+$0x0], $0xffff;
	v56 =	vmul.f32 v41, v61;
	v34 =	vadd.f32 v52, v34  }
0xee: {  	v62 =	vor.u32 v24, v32;
	v57 =	vld.idx.msk [tilespmem:v63+s17+$0x0], $0xffff  }
0xef: {  	v59 =	vor.u32 v24, v33;
	v39 =	vld.idx.msk [tilespmem:v54+s18+$0x0], $0xffff;
	v60 =	vmul.f32 v43, v49;
	v34 =	vadd.f32 v56, v34  }
0xf0: {  	v50 =	vor.u32 v25, v32;
	v61 =	vld.idx.msk [tilespmem:v51+s17+$0x0], $0xffff  }
0xf1: {  	v63 =	vor.u32 v25, v33;
	v41 =	vld.idx.msk [tilespmem:v58+s18+$0x0], $0xffff;
	v48 =	vmul.f32 v40, v53;
	v34 =	vadd.f32 v60, v34  }
0xf2: {  	v54 =	vor.u32 v26, v32;
	v49 =	vld.idx.msk [tilespmem:v55+s17+$0x0], $0xffff  }
0xf3: {  	v51 =	vor.u32 v26, v33;
	v43 =	vld.idx.msk [tilespmem:v62+s18+$0x0], $0xffff;
	v52 =	vmul.f32 v42, v57;
	v34 =	vadd.f32 v48, v34  }
0xf4: {  	v58 =	vor.u32 v27, v32;
	v53 =	vld.idx.msk [tilespmem:v59+s17+$0x0], $0xffff  }
0xf5: {  	v55 =	vor.u32 v27, v33;
	v40 =	vld.idx.msk [tilespmem:v50+s18+$0x0], $0xffff;
	v56 =	vmul.f32 v39, v61;
	v34 =	vadd.f32 v52, v34  }
0xf6: {  	v62 =	vor.u32 v28, v32;
	v57 =	vld.idx.msk [tilespmem:v63+s17+$0x0], $0xffff  }
0xf7: {  	v59 =	vor.u32 v28, v33;
	v42 =	vld.idx.msk [tilespmem:v54+s18+$0x0], $0xffff;
	v60 =	vmul.f32 v41, v49;
	v34 =	vadd.f32 v56, v34  }
0xf8: {  	v50 =	vor.u32 v29, v32;
	v61 =	vld.idx.msk [tilespmem:v51+s17+$0x0], $0xffff  }
0xf9: {  	v63 =	vor.u32 v29, v33;
	v39 =	vld.idx.msk [tilespmem:v58+s18+$0x0], $0xffff;
	v48 =	vmul.f32 v43, v53;
	v34 =	vadd.f32 v60, v34  }
0xfa: {  	v51 =	vor.u32 v30, v33;
	v49 =	vld.idx.msk [tilespmem:v55+s17+$0x0], $0xffff  }
0xfb: {  	v54 =	vor.u32 v30, v32;
	v41 =	vld.idx.msk [tilespmem:v62+s18+$0x0], $0xffff;
	v52 =	vmul.f32 v40, v57;
	v34 =	vadd.f32 v48, v34  }
0xfc: {  	v32 =	vor.u32 v31, v32;
	v53 =	vld.idx.msk [tilespmem:v59+s17+$0x0], $0xffff  }
0xfd: {  	v33 =	vor.u32 v31, v33;
	v55 =	vmul.f32 v42, v61;
	v57 =	vld.idx.msk [tilespmem:v50+s18+$0x0], $0xffff;
	v34 =	vadd.f32 v52, v34  }
0xfe: {  	v56 =	vld.idx.msk [tilespmem:v63+s17+$0x0], $0xffff  }
0xff: {  	v59 =	vld.idx.msk [tilespmem:v51+s17+$0x0], $0xffff;
	v58 =	vmul.f32 v39, v49;
	v34 =	vadd.f32 v55, v34  }
0x100: {  	v60 =	vld.idx.msk [tilespmem:v54+s18+$0x0], $0xffff  }
0x101: {  	v32 =	vld.idx.msk [tilespmem:v32+s18+$0x0], $0xffff;
	v61 =	vmul.f32 v41, v53;
	v34 =	vadd.f32 v58, v34  }
0x102: {  	v33 =	vld.idx.msk [tilespmem:v33+s17+$0x0], $0xffff  }
0x103: {  	v62 =	vmul.f32 v57, v56;
	v34 =	vadd.f32 v61, v34;
	_ =	sdelay $0x1  }
0x104: {  	s28 =	sadd.s32 $0x80, s28;
	v63 =	vmul.f32 v60, v59;
	v34 =	vadd.f32 v62, v34  }
0x105: {  	p0 =	sne.s32 s28, $0x800  }
.Ltmp3:
0x106: {  	v32 =	vmul.f32 v32, v33;
	v34 =	vadd.f32 v63, v34;
	(pc) =	sbr.rel @!p0 .LBB2_5-.Ltmp3, $3  }
0x107: {  	_ = 	snop  }
0x108: {  	v32 =	vadd.f32 v32, v34;
	_ =	sdelay $0x1  }
0x109: {  	[tilespmem:s29+$0x10410] =	vst v32  }
.LBB2_2:
0x10a: {  	s29 =	sshra.s32 s28, $0x2  }
0x10b: {  	v32 =	vld [tilespmem:s29+$0x10];
	_ =	sdelay $0x3  }
0x10c: {  	v34 =	vld [tilespmem:s29+$0x210]  }
0x10d: {  	v32 =	vshrl.u32 v32, $0x3  }
0x10e: {  	v33 =	vshll.u32 v32, $0x7  }
0x10f: {  	(v2sf) =	vpush v33, $0x0;
	_ =	sdelay $0x1  }
0x110: {  	v48 =	vshrl.u32 v34, $0x3  }
0x111: {  	v32 =	vshll.u32 v48, $0x7  }
0x112: {  	(v2sf) =	vpush v32, $0x0;
	_ =	sdelay $0x2  }
0x113: {  	(v2sf) =	vpush v33, $0x1;
	_ =	sdelay $0x2  }
0x114: {  	(v2sf) =	vpush v32, $0x1;
	_ =	sdelay $0x4  }
0x115: {  	s30 =	spop (v2sf);
	(v2sf) =	vpush v33, $0x2;
	_ =	sdelay $0x2  }
0x116: {  	s30 =	sand.u32 $0x1FFFFF80, s30  }
0x117: {  	s0 =	spop (v2sf);
	(v2sf) =	vpush v32, $0x2;
	s30 =	sadd.s32 s3, s30  }
0x118: {  	[tilespmem:s17], [sflag:$0x2] =	stream.linear.gather [hbm4b:s30+s1], $0x400, $0x38;
	[tilespmem:$0x10600] =	vst v63  }
0x119: {  	s30 =	sand.u32 $0x1FFFFF80, s0  }
0x11a: {  	s0 =	spop (v2sf);
	s30 =	sadd.s32 s4, s30  }
0x11b: {  	(v2sf) =	vpush v33, $0x3;
	[tilespmem:s18], [sflag:$0x2] =	stream.linear.gather [hbm4b:s30+s1], $0x400, $0x38;
	[tilespmem:$0x10600] =	vst v63  }
0x11c: {  	s30 =	sand.u32 $0x1FFFFF80, s0  }
0x11d: {  	s0 =	spop (v2sf);
	s30 =	sadd.s32 s3, s30  }
0x11e: {  	[tilespmem:s31], [sflag:$0x2] =	stream.linear.gather [hbm4b:s30+s1], $0x400, $0x38;
	[tilespmem:$0x10600] =	vst v63  }
0x11f: {  	(v2sf) =	vpush v32, $0x3;
	s30 =	sand.u32 $0x1FFFFF80, s0  }
0x120: {  	s0 =	simm.s32 $0xC800;
	s30 =	sadd.s32 s4, s30  }
0x121: {  	[tilespmem:s0], [sflag:$0x2] =	stream.linear.gather [hbm4b:s30+s1], $0x400, $0x38;
	[tilespmem:$0x10600] =	vst v63  }
0x122: {  	s0 =	spop (v2sf)  }
0x123: {  	(v2sf) =	vpush v33, $0x4;
	s30 =	sand.u32 $0x1FFFFF80, s0  }
0x124: {  	s0 =	simm.s32 $0x8C00;
	s30 =	sadd.s32 s3, s30  }
0x125: {  	[tilespmem:s0], [sflag:$0x2] =	stream.linear.gather [hbm4b:s30+s1], $0x400, $0x38;
	[tilespmem:$0x10600] =	vst v63  }
0x126: {  	s0 =	spop (v2sf)  }
0x127: {  	(v2sf) =	vpush v32, $0x4;
	s30 =	sand.u32 $0x1FFFFF80, s0  }
0x128: {  	s0 =	simm.s32 $0xCC00;
	s30 =	sadd.s32 s4, s30  }
0x129: {  	[tilespmem:s0], [sflag:$0x2] =	stream.linear.gather [hbm4b:s30+s1], $0x400, $0x38;
	[tilespmem:$0x10600] =	vst v63  }
0x12a: {  	s0 =	spop (v2sf)  }
0x12b: {  	(v2sf) =	vpush v33, $0x5;
	s30 =	sand.u32 $0x1FFFFF80, s0  }
0x12c: {  	s0 =	simm.s32 $0x9000;
	s30 =	sadd.s32 s3, s30  }
0x12d: {  	[tilespmem:s0], [sflag:$0x2] =	stream.linear.gather [hbm4b:s30+s1], $0x400, $0x38;
	[tilespmem:$0x10600] =	vst v63  }
0x12e: {  	s0 =	spop (v2sf)  }
0x12f: {  	(v2sf) =	vpush v32, $0x5;
	s30 =	sand.u32 $0x1FFFFF80, s0  }
0x130: {  	s0 =	simm.s32 $0xD000;
	s30 =	sadd.s32 s4, s30  }
0x131: {  	[tilespmem:s0], [sflag:$0x2] =	stream.linear.gather [hbm4b:s30+s1], $0x400, $0x38;
	[tilespmem:$0x10600] =	vst v63  }
0x132: {  	s0 =	spop (v2sf)  }
0x133: {  	(v2sf) =	vpush v33, $0x6;
	s30 =	sand.u32 $0x1FFFFF80, s0  }
0x134: {  	s0 =	simm.s32 $0x9400;
	s30 =	sadd.s32 s3, s30  }
0x135: {  	[tilespmem:s0], [sflag:$0x2] =	stream.linear.gather [hbm4b:s30+s1], $0x400, $0x38;
	[tilespmem:$0x10600] =	vst v63  }
0x136: {  	s0 =	spop (v2sf)  }
0x137: {  	(v2sf) =	vpush v32, $0x6;
	s30 =	sand.u32 $0x1FFFFF80, s0  }
0x138: {  	s0 =	simm.s32 $0xD400;
	s30 =	sadd.s32 s4, s30  }
0x139: {  	[tilespmem:s0], [sflag:$0x2] =	stream.linear.gather [hbm4b:s30+s1], $0x400, $0x38;
	[tilespmem:$0x10600] =	vst v63  }
0x13a: {  	s0 =	spop (v2sf)  }
0x13b: {  	(v2sf) =	vpush v33, $0x7;
	s30 =	sand.u32 $0x1FFFFF80, s0  }
0x13c: {  	s0 =	simm.s32 $0x9800;
	s30 =	sadd.s32 s3, s30  }
0x13d: {  	[tilespmem:s0], [sflag:$0x2] =	stream.linear.gather [hbm4b:s30+s1], $0x400, $0x38;
	[tilespmem:$0x10600] =	vst v63  }
0x13e: {  	s0 =	spop (v2sf)  }
0x13f: {  	(v2sf) =	vpush v32, $0x7;
	s30 =	sand.u32 $0x1FFFFF80, s0  }
0x140: {  	s0 =	simm.s32 $0xD800;
	s30 =	sadd.s32 s4, s30  }
0x141: {  	[tilespmem:s0], [sflag:$0x2] =	stream.linear.gather [hbm4b:s30+s1], $0x400, $0x38;
	[tilespmem:$0x10600] =	vst v63  }
0x142: {  	s0 =	spop (v2sf)  }
0x143: {  	(v2sf) =	vpush v33, $0x8;
	s30 =	sand.u32 $0x1FFFFF80, s0  }
0x144: {  	s0 =	simm.s32 $0x9C00;
	s30 =	sadd.s32 s3, s30  }
0x145: {  	[tilespmem:s0], [sflag:$0x2] =	stream.linear.gather [hbm4b:s30+s1], $0x400, $0x38;
	[tilespmem:$0x10600] =	vst v63  }
0x146: {  	s0 =	spop (v2sf)  }
0x147: {  	(v2sf) =	vpush v32, $0x8;
	s30 =	sand.u32 $0x1FFFFF80, s0  }
0x148: {  	s0 =	simm.s32 $0xDC00;
	s30 =	sadd.s32 s4, s30  }
0x149: {  	[tilespmem:s0], [sflag:$0x2] =	stream.linear.gather [hbm4b:s30+s1], $0x400, $0x38;
	[tilespmem:$0x10600] =	vst v63  }
0x14a: {  	s0 =	spop (v2sf)  }
0x14b: {  	(v2sf) =	vpush v33, $0x9;
	s30 =	sand.u32 $0x1FFFFF80, s0  }
0x14c: {  	s0 =	simm.s32 $0xA000;
	s30 =	sadd.s32 s3, s30  }
0x14d: {  	[tilespmem:s0], [sflag:$0x2] =	stream.linear.gather [hbm4b:s30+s1], $0x400, $0x38;
	[tilespmem:$0x10600] =	vst v63  }
0x14e: {  	s0 =	spop (v2sf)  }
0x14f: {  	(v2sf) =	vpush v32, $0x9;
	s30 =	sand.u32 $0x1FFFFF80, s0  }
0x150: {  	s30 =	sadd.s32 s4, s30  }
0x151: {  	[tilespmem:s2], [sflag:$0x2] =	stream.linear.gather [hbm4b:s30+s1], $0x400, $0x38;
	[tilespmem:$0x10600] =	vst v63  }
0x152: {  	s0 =	spop (v2sf)  }
0x153: {  	(v2sf) =	vpush v33, $0xA;
	s30 =	sand.u32 $0x1FFFFF80, s0  }
0x154: {  	s30 =	sadd.s32 s3, s30  }
0x155: {  	[tilespmem:s10], [sflag:$0x2] =	stream.linear.gather [hbm4b:s30+s1], $0x400, $0x38;
	[tilespmem:$0x10600] =	vst v63  }
0x156: {  	s0 =	spop (v2sf)  }
0x157: {  	(v2sf) =	vpush v32, $0xA;
	s30 =	sand.u32 $0x1FFFFF80, s0  }
0x158: {  	s30 =	sadd.s32 s4, s30  }
0x159: {  	[tilespmem:s5], [sflag:$0x2] =	stream.linear.gather [hbm4b:s30+s1], $0x400, $0x38;
	[tilespmem:$0x10600] =	vst v63  }
0x15a: {  	s0 =	spop (v2sf)  }
0x15b: {  	(v2sf) =	vpush v33, $0xB;
	s30 =	sand.u32 $0x1FFFFF80, s0  }
0x15c: {  	s30 =	sadd.s32 s3, s30  }
0x15d: {  	[tilespmem:s6], [sflag:$0x2] =	stream.linear.gather [hbm4b:s30+s1], $0x400, $0x38;
	[tilespmem:$0x10600] =	vst v63  }
0x15e: {  	s0 =	spop (v2sf)  }
0x15f: {  	(v2sf) =	vpush v32, $0xB;
	s30 =	sand.u32 $0x1FFFFF80, s0  }
0x160: {  	s30 =	sadd.s32 s4, s30  }
0x161: {  	[tilespmem:s7], [sflag:$0x2] =	stream.linear.gather [hbm4b:s30+s1], $0x400, $0x38;
	[tilespmem:$0x10600] =	vst v63  }
0x162: {  	s0 =	spop (v2sf)  }
0x163: {  	(v2sf) =	vpush v33, $0xC;
	s30 =	sand.u32 $0x1FFFFF80, s0  }
0x164: {  	s30 =	sadd.s32 s3, s30  }
0x165: {  	[tilespmem:s8], [sflag:$0x2] =	stream.linear.gather [hbm4b:s30+s1], $0x400, $0x38;
	[tilespmem:$0x10600] =	vst v63  }
0x166: {  	s0 =	spop (v2sf)  }
0x167: {  	(v2sf) =	vpush v32, $0xC;
	s30 =	sand.u32 $0x1FFFFF80, s0  }
0x168: {  	s30 =	sadd.s32 s4, s30  }
0x169: {  	[tilespmem:s9], [sflag:$0x2] =	stream.linear.gather [hbm4b:s30+s1], $0x400, $0x38;
	[tilespmem:$0x10600] =	vst v63  }
0x16a: {  	s0 =	spop (v2sf)  }
0x16b: {  	(v2sf) =	vpush v33, $0xD;
	s30 =	sand.u32 $0x1FFFFF80, s0  }
0x16c: {  	s30 =	sadd.s32 s3, s30  }
0x16d: {  	[tilespmem:s13], [sflag:$0x2] =	stream.linear.gather [hbm4b:s30+s1], $0x400, $0x38;
	[tilespmem:$0x10600] =	vst v63  }
0x16e: {  	s0 =	spop (v2sf)  }
0x16f: {  	(v2sf) =	vpush v32, $0xD;
	s30 =	sand.u32 $0x1FFFFF80, s0  }
0x170: {  	s30 =	sadd.s32 s4, s30  }
0x171: {  	[tilespmem:s14], [sflag:$0x2] =	stream.linear.gather [hbm4b:s30+s1], $0x400, $0x38;
	[tilespmem:$0x10600] =	vst v63  }
0x172: {  	s0 =	spop (v2sf)  }
0x173: {  	(v2sf) =	vpush v33, $0xE;
	s30 =	sand.u32 $0x1FFFFF80, s0  }
0x174: {  	s30 =	sadd.s32 s3, s30  }
0x175: {  	[tilespmem:s15], [sflag:$0x2] =	stream.linear.gather [hbm4b:s30+s1], $0x400, $0x38;
	[tilespmem:$0x10600] =	vst v63  }
0x176: {  	s0 =	spop (v2sf)  }
0x177: {  	(v2sf) =	vpush v32, $0xE;
	s30 =	sand.u32 $0x1FFFFF80, s0  }
0x178: {  	s30 =	sadd.s32 s4, s30  }
0x179: {  	[tilespmem:s16], [sflag:$0x2] =	stream.linear.gather [hbm4b:s30+s1], $0x400, $0x38;
	[tilespmem:$0x10600] =	vst v63  }
0x17a: {  	s0 =	spop (v2sf)  }
0x17b: {  	(v2sf) =	vpush v33, $0xF;
	s30 =	sand.u32 $0x1FFFFF80, s0  }
0x17c: {  	s30 =	sadd.s32 s3, s30  }
0x17d: {  	[tilespmem:s19], [sflag:$0x2] =	stream.linear.gather [hbm4b:s30+s1], $0x400, $0x38;
	[tilespmem:$0x10600] =	vst v63  }
0x17e: {  	s0 =	spop (v2sf)  }
0x17f: {  	(v2sf) =	vpush v32, $0xF;
	s30 =	sand.u32 $0x1FFFFF80, s0  }
0x180: {  	s30 =	sadd.s32 s4, s30  }
0x181: {  	[tilespmem:s20], [sflag:$0x2] =	stream.linear.gather [hbm4b:s30+s1], $0x400, $0x38;
	[tilespmem:$0x10600] =	vst v63  }
0x182: {  	s0 =	spop (v2sf)  }
0x183: {  	s30 =	sand.u32 $0x1FFFFF80, s0  }
0x184: {  	s30 =	sadd.s32 s3, s30  }
0x185: {  	[tilespmem:s21], [sflag:$0x2] =	stream.linear.gather [hbm4b:s30+s1], $0x400, $0x38;
	[tilespmem:$0x10600] =	vst v63  }
0x186: {  	s0 =	spop (v2sf)  }
0x187: {  	s30 =	sand.u32 $0x1FFFFF80, s0  }
0x188: {  	s30 =	sadd.s32 s4, s30  }
0x189: {  	[tilespmem:s22], [sflag:$0x2] =	stream.linear.gather [hbm4b:s30+s1], $0x400, $0x38;
	[tilespmem:$0x10600] =	vst v63  }
0x18a: {  	s0 =	spop (v2sf)  }
0x18b: {  	s30 =	sand.u32 $0x1FFFFF80, s0  }
0x18c: {  	s30 =	sadd.s32 s3, s30  }
0x18d: {  	[tilespmem:s23], [sflag:$0x2] =	stream.linear.gather [hbm4b:s30+s1], $0x400, $0x38;
	[tilespmem:$0x10600] =	vst v63  }
0x18e: {  	s0 =	spop (v2sf)  }
0x18f: {  	s30 =	sand.u32 $0x1FFFFF80, s0  }
0x190: {  	s30 =	sadd.s32 s4, s30  }
0x191: {  	[tilespmem:s24], [sflag:$0x2] =	stream.linear.gather [hbm4b:s30+s1], $0x400, $0x38;
	[tilespmem:$0x10600] =	vst v63  }
0x192: {  	_ =	swait.ge [sflag:s25], $0x4000  }
0x193: {  	[sflag:s25] =	ssyncset.done $0x0  }
0x194: {  	[sflag:s25] =	ssyncadd.s32 $0xFFFFC000  }
0x195: {  	_ =	swait.ge [sflag:s25], $0x4000  }
0x196: {  	[sflag:s25] =	ssyncset.done $0x0  }
0x197: {  	[sflag:s25] =	ssyncadd.s32 $0xFFFFC000  }
0x198: {  	v49 =	vld [tilespmem:s29+$0x0]  }
0x199: {  	v50 =	vld [tilespmem:s29+$0x200];
	_ =	sdelay $0x3  }
0x19a: {  	v32 =	vshll.u32 v49, $0x7  }
0x19b: {  	v51 =	vshll.u32 v50, $0x7;
	v33 =	vand.u32 $0x380, v32  }
0x19c: {  	v32 =	vand.u32 $0x380, v51;
	v52 =	vor.u32 v0, v33  }
0x19d: {  	v35 =	vor.u32 v0, v32  }
0x19e: {  	v36 =	vor.u32 v1, v33  }
0x19f: {  	v37 =	vor.u32 v1, v32  }
0x1a0: {  	v38 =	vor.u32 v2, v33  }
0x1a1: {  	v39 =	vor.u32 v2, v32;
	v34 =	vld.idx.msk [tilespmem:v52+s11+$0x0], $0xffff  }
0x1a2: {  	v40 =	vor.u32 v3, v33;
	v35 =	vld.idx.msk [tilespmem:v35+s12+$0x0], $0xffff  }
0x1a3: {  	v41 =	vor.u32 v3, v32;
	v36 =	vld.idx.msk [tilespmem:v36+s11+$0x0], $0xffff  }
0x1a4: {  	v42 =	vor.u32 v4, v33;
	v37 =	vld.idx.msk [tilespmem:v37+s12+$0x0], $0xffff  }
0x1a5: {  	v43 =	vor.u32 v4, v32;
	v38 =	vld.idx.msk [tilespmem:v38+s11+$0x0], $0xffff  }
0x1a6: {  	v44 =	vor.u32 v5, v33;
	v39 =	vld.idx.msk [tilespmem:v39+s12+$0x0], $0xffff  }
0x1a7: {  	v54 =	vor.u32 v5, v32;
	v53 =	vld.idx.msk [tilespmem:v40+s11+$0x0], $0xffff;
	v34 =	vmul.f32 v35, v34  }
0x1a8: {  	v45 =	vor.u32 v6, v33;
	v41 =	vld.idx.msk [tilespmem:v41+s12+$0x0], $0xffff  }
0x1a9: {  	v56 =	vor.u32 v6, v32;
	v55 =	vld.idx.msk [tilespmem:v42+s11+$0x0], $0xffff;
	v36 =	vmul.f32 v37, v36;
	v34 =	vadd.f32 $0.0e+00, v34  }
0x1aa: {  	v46 =	vor.u32 v7, v33;
	v43 =	vld.idx.msk [tilespmem:v43+s12+$0x0], $0xffff  }
0x1ab: {  	v59 =	vor.u32 v7, v32;
	v58 =	vld.idx.msk [tilespmem:v44+s11+$0x0], $0xffff;
	v57 =	vmul.f32 v39, v38;
	v34 =	vadd.f32 v36, v34  }
0x1ac: {  	v60 =	vor.u32 v8, v33;
	v40 =	vld.idx.msk [tilespmem:v54+s12+$0x0], $0xffff  }
0x1ad: {  	v62 =	vor.u32 v8, v32;
	v61 =	vld.idx.msk [tilespmem:v45+s11+$0x0], $0xffff;
	v35 =	vmul.f32 v41, v53;
	v34 =	vadd.f32 v57, v34  }
0x1ae: {  	v50 =	vor.u32 v9, v32;
	v42 =	vld.idx.msk [tilespmem:v56+s12+$0x0], $0xffff  }
0x1af: {  	v63 =	vor.u32 v9, v33;
	v49 =	vld.idx.msk [tilespmem:v46+s11+$0x0], $0xffff;
	v48 =	vmul.f32 v43, v55;
	v34 =	vadd.f32 v35, v34  }
0x1b0: {  	v51 =	vor.u32 v10, v33;
	v39 =	vld.idx.msk [tilespmem:v59+s12+$0x0], $0xffff  }
0x1b1: {  	v54 =	vor.u32 v10, v32;
	v52 =	vmul.f32 v40, v58;
	v53 =	vld.idx.msk [tilespmem:v60+s11+$0x0], $0xffff;
	v34 =	vadd.f32 v48, v34  }
0x1b2: {  	v41 =	vld.idx.msk [tilespmem:v62+s12+$0x0], $0xffff;
	v55 =	vor.u32 v11, v33  }
0x1b3: {  	v56 =	vmul.f32 v42, v61;
	v58 =	vor.u32 v11, v32;
	v43 =	vld.idx.msk [tilespmem:v50+s12+$0x0], $0xffff;
	v34 =	vadd.f32 v52, v34  }
0x1b4: {  	v62 =	vor.u32 v12, v32;
	v57 =	vld.idx.msk [tilespmem:v63+s11+$0x0], $0xffff  }
0x1b5: {  	v59 =	vor.u32 v12, v33;
	v61 =	vld.idx.msk [tilespmem:v51+s11+$0x0], $0xffff;
	v60 =	vmul.f32 v39, v49;
	v34 =	vadd.f32 v56, v34  }
0x1b6: {  	v40 =	vld.idx.msk [tilespmem:v54+s12+$0x0], $0xffff;
	v50 =	vor.u32 v13, v32  }
0x1b7: {  	v49 =	vld.idx.msk [tilespmem:v55+s11+$0x0], $0xffff;
	v63 =	vor.u32 v13, v33;
	v48 =	vmul.f32 v41, v53;
	v34 =	vadd.f32 v60, v34  }
0x1b8: {  	v54 =	vor.u32 v14, v32;
	v42 =	vld.idx.msk [tilespmem:v58+s12+$0x0], $0xffff  }
0x1b9: {  	v51 =	vor.u32 v14, v33;
	v39 =	vld.idx.msk [tilespmem:v62+s12+$0x0], $0xffff;
	v52 =	vmul.f32 v43, v57;
	v34 =	vadd.f32 v48, v34  }
0x1ba: {  	v58 =	vor.u32 v15, v32;
	v53 =	vld.idx.msk [tilespmem:v59+s11+$0x0], $0xffff  }
0x1bb: {  	v55 =	vor.u32 v15, v33;
	v41 =	vld.idx.msk [tilespmem:v50+s12+$0x0], $0xffff;
	v56 =	vmul.f32 v40, v61;
	v34 =	vadd.f32 v52, v34  }
0x1bc: {  	v62 =	vor.u32 v16, v32;
	v57 =	vld.idx.msk [tilespmem:v63+s11+$0x0], $0xffff  }
0x1bd: {  	v59 =	vor.u32 v16, v33;
	v43 =	vld.idx.msk [tilespmem:v54+s12+$0x0], $0xffff;
	v60 =	vmul.f32 v42, v49;
	v34 =	vadd.f32 v56, v34  }
0x1be: {  	v50 =	vor.u32 v17, v32;
	v61 =	vld.idx.msk [tilespmem:v51+s11+$0x0], $0xffff  }
0x1bf: {  	v63 =	vor.u32 v17, v33;
	v40 =	vld.idx.msk [tilespmem:v58+s12+$0x0], $0xffff;
	v48 =	vmul.f32 v39, v53;
	v34 =	vadd.f32 v60, v34  }
0x1c0: {  	v54 =	vor.u32 v18, v32;
	v49 =	vld.idx.msk [tilespmem:v55+s11+$0x0], $0xffff  }
0x1c1: {  	v51 =	vor.u32 v18, v33;
	v42 =	vld.idx.msk [tilespmem:v62+s12+$0x0], $0xffff;
	v52 =	vmul.f32 v41, v57;
	v34 =	vadd.f32 v48, v34  }
0x1c2: {  	v58 =	vor.u32 v19, v32;
	v53 =	vld.idx.msk [tilespmem:v59+s11+$0x0], $0xffff  }
0x1c3: {  	v55 =	vor.u32 v19, v33;
	v39 =	vld.idx.msk [tilespmem:v50+s12+$0x0], $0xffff;
	v56 =	vmul.f32 v43, v61;
	v34 =	vadd.f32 v52, v34  }
0x1c4: {  	v62 =	vor.u32 v20, v32;
	v57 =	vld.idx.msk [tilespmem:v63+s11+$0x0], $0xffff  }
0x1c5: {  	v59 =	vor.u32 v20, v33;
	v41 =	vld.idx.msk [tilespmem:v54+s12+$0x0], $0xffff;
	v60 =	vmul.f32 v40, v49;
	v34 =	vadd.f32 v56, v34  }
0x1c6: {  	v50 =	vor.u32 v21, v32;
	v61 =	vld.idx.msk [tilespmem:v51+s11+$0x0], $0xffff  }
0x1c7: {  	v63 =	vor.u32 v21, v33;
	v43 =	vld.idx.msk [tilespmem:v58+s12+$0x0], $0xffff;
	v48 =	vmul.f32 v42, v53;
	v34 =	vadd.f32 v60, v34  }
0x1c8: {  	v54 =	vor.u32 v22, v32;
	v49 =	vld.idx.msk [tilespmem:v55+s11+$0x0], $0xffff  }
0x1c9: {  	v51 =	vor.u32 v22, v33;
	v40 =	vld.idx.msk [tilespmem:v62+s12+$0x0], $0xffff;
	v52 =	vmul.f32 v39, v57;
	v34 =	vadd.f32 v48, v34  }
0x1ca: {  	v58 =	vor.u32 v23, v32;
	v53 =	vld.idx.msk [tilespmem:v59+s11+$0x0], $0xffff  }
0x1cb: {  	v55 =	vor.u32 v23, v33;
	v42 =	vld.idx.msk [tilespmem:v50+s12+$0x0], $0xffff;
	v56 =	vmul.f32 v41, v61;
	v34 =	vadd.f32 v52, v34  }
0x1cc: {  	v62 =	vor.u32 v24, v32;
	v57 =	vld.idx.msk [tilespmem:v63+s11+$0x0], $0xffff  }
0x1cd: {  	v59 =	vor.u32 v24, v33;
	v39 =	vld.idx.msk [tilespmem:v54+s12+$0x0], $0xffff;
	v60 =	vmul.f32 v43, v49;
	v34 =	vadd.f32 v56, v34  }
0x1ce: {  	v50 =	vor.u32 v25, v32;
	v61 =	vld.idx.msk [tilespmem:v51+s11+$0x0], $0xffff  }
0x1cf: {  	v63 =	vor.u32 v25, v33;
	v41 =	vld.idx.msk [tilespmem:v58+s12+$0x0], $0xffff;
	v48 =	vmul.f32 v40, v53;
	v34 =	vadd.f32 v60, v34  }
0x1d0: {  	v54 =	vor.u32 v26, v32;
	v49 =	vld.idx.msk [tilespmem:v55+s11+$0x0], $0xffff  }
0x1d1: {  	v51 =	vor.u32 v26, v33;
	v43 =	vld.idx.msk [tilespmem:v62+s12+$0x0], $0xffff;
	v52 =	vmul.f32 v42, v57;
	v34 =	vadd.f32 v48, v34  }
0x1d2: {  	v58 =	vor.u32 v27, v32;
	v53 =	vld.idx.msk [tilespmem:v59+s11+$0x0], $0xffff  }
0x1d3: {  	v55 =	vor.u32 v27, v33;
	v40 =	vld.idx.msk [tilespmem:v50+s12+$0x0], $0xffff;
	v56 =	vmul.f32 v39, v61;
	v34 =	vadd.f32 v52, v34  }
0x1d4: {  	v62 =	vor.u32 v28, v32;
	v57 =	vld.idx.msk [tilespmem:v63+s11+$0x0], $0xffff  }
0x1d5: {  	v59 =	vor.u32 v28, v33;
	v42 =	vld.idx.msk [tilespmem:v54+s12+$0x0], $0xffff;
	v60 =	vmul.f32 v41, v49;
	v34 =	vadd.f32 v56, v34  }
0x1d6: {  	v50 =	vor.u32 v29, v32;
	v61 =	vld.idx.msk [tilespmem:v51+s11+$0x0], $0xffff  }
0x1d7: {  	v63 =	vor.u32 v29, v33;
	v39 =	vld.idx.msk [tilespmem:v58+s12+$0x0], $0xffff;
	v48 =	vmul.f32 v43, v53;
	v34 =	vadd.f32 v60, v34  }
0x1d8: {  	v51 =	vor.u32 v30, v33;
	v49 =	vld.idx.msk [tilespmem:v55+s11+$0x0], $0xffff  }
0x1d9: {  	v54 =	vor.u32 v30, v32;
	v41 =	vld.idx.msk [tilespmem:v62+s12+$0x0], $0xffff;
	v52 =	vmul.f32 v40, v57;
	v34 =	vadd.f32 v48, v34  }
0x1da: {  	v32 =	vor.u32 v31, v32;
	v53 =	vld.idx.msk [tilespmem:v59+s11+$0x0], $0xffff  }
0x1db: {  	v33 =	vor.u32 v31, v33;
	v55 =	vmul.f32 v42, v61;
	v57 =	vld.idx.msk [tilespmem:v50+s12+$0x0], $0xffff;
	v34 =	vadd.f32 v52, v34  }
0x1dc: {  	v56 =	vld.idx.msk [tilespmem:v63+s11+$0x0], $0xffff  }
0x1dd: {  	v59 =	vld.idx.msk [tilespmem:v51+s11+$0x0], $0xffff;
	v58 =	vmul.f32 v39, v49;
	v34 =	vadd.f32 v55, v34  }
0x1de: {  	v60 =	vld.idx.msk [tilespmem:v54+s12+$0x0], $0xffff  }
0x1df: {  	v32 =	vld.idx.msk [tilespmem:v32+s12+$0x0], $0xffff;
	v61 =	vmul.f32 v41, v53;
	v34 =	vadd.f32 v58, v34  }
0x1e0: {  	v33 =	vld.idx.msk [tilespmem:v33+s11+$0x0], $0xffff  }
0x1e1: {  	v62 =	vmul.f32 v57, v56;
	v34 =	vadd.f32 v61, v34;
	_ =	sdelay $0x1  }
0x1e2: {  	v63 =	vmul.f32 v60, v59;
	v34 =	vadd.f32 v62, v34  }
0x1e3: {  	p0 =	seq.s32 s28, $0x780  }
.Ltmp4:
0x1e4: {  	v32 =	vmul.f32 v32, v33;
	v34 =	vadd.f32 v63, v34;
	(pc) =	sbr.rel @p0 .LBB2_4-.Ltmp4, $3  }
0x1e5: {  	_ = 	snop  }
0x1e6: {  	v32 =	vadd.f32 v32, v34;
	_ =	sdelay $0x1  }
0x1e7: {  	[tilespmem:s29+$0x10400] =	vst v32  }
0x1e8: {  	v32 =	vld [tilespmem:s29+$0x20];
	_ =	sdelay $0x1  }
0x1e9: {  	v34 =	vld [tilespmem:s29+$0x220];
	_ =	sdelay $0x2  }
0x1ea: {  	v32 =	vshrl.u32 v32, $0x3  }
0x1eb: {  	v33 =	vshll.u32 v32, $0x7  }
0x1ec: {  	v63 =	vshrl.u32 v34, $0x3;
	(v2sf) =	vpush v33, $0x0  }
0x1ed: {  	v32 =	vshll.u32 v63, $0x7  }
0x1ee: {  	(v2sf) =	vpush v32, $0x0;
	_ =	sdelay $0x2  }
0x1ef: {  	(v2sf) =	vpush v33, $0x1;
	_ =	sdelay $0x4  }
0x1f0: {  	(v2sf) =	vpush v32, $0x1;
	_ =	sdelay $0x4  }
0x1f1: {  	s30 =	spop (v2sf);
	(v2sf) =	vpush v33, $0x2;
	_ =	sdelay $0x1  }
0x1f2: {  	s30 =	sand.u32 $0x1FFFFF80, s30;
	s0 =	spop (v2sf);
	(v2sf) =	vpush v32, $0x2  }
0x1f3: {  	s30 =	sadd.s32 s3, s30  }
0x1f4: {  	[tilespmem:s11], [sflag:$0x1] =	stream.linear.gather [hbm4b:s30+s1], $0x400, $0x38;
	[tilespmem:$0x10600] =	vst v63  }
0x1f5: {  	s30 =	sand.u32 $0x1FFFFF80, s0;
	s0 =	spop (v2sf);
	(v2sf) =	vpush v33, $0x3;
	_ =	sdelay $0x2  }
0x1f6: {  	s30 =	sadd.s32 s4, s30  }
0x1f7: {  	[tilespmem:s12], [sflag:$0x1] =	stream.linear.gather [hbm4b:s30+s1], $0x400, $0x38;
	[tilespmem:$0x10600] =	vst v63  }
0x1f8: {  	s30 =	sand.u32 $0x1FFFFF80, s0;
	s0 =	spop (v2sf);
	(v2sf) =	vpush v32, $0x3;
	_ =	sdelay $0x1  }
0x1f9: {  	s31 =	simm.s32 $0x800;
	s30 =	sadd.s32 s3, s30  }
0x1fa: {  	[tilespmem:s31], [sflag:$0x1] =	stream.linear.gather [hbm4b:s30+s1], $0x400, $0x38;
	[tilespmem:$0x10600] =	vst v63  }
0x1fb: {  	s30 =	sand.u32 $0x1FFFFF80, s0  }
0x1fc: {  	s31 =	simm.s32 $0x4800;
	s30 =	sadd.s32 s4, s30;
	s0 =	spop (v2sf);
	(v2sf) =	vpush v33, $0x4  }
0x1fd: {  	[tilespmem:s31], [sflag:$0x1] =	stream.linear.gather [hbm4b:s30+s1], $0x400, $0x38;
	[tilespmem:$0x10600] =	vst v63  }
0x1fe: {  	s30 =	sand.u32 $0x1FFFFF80, s0;
	s0 =	spop (v2sf);
	(v2sf) =	vpush v32, $0x4  }
0x1ff: {  	s31 =	simm.s32 $0xC00;
	s30 =	sadd.s32 s3, s30  }
0x200: {  	[tilespmem:s31], [sflag:$0x1] =	stream.linear.gather [hbm4b:s30+s1], $0x400, $0x38;
	[tilespmem:$0x10600] =	vst v63  }
0x201: {  	s30 =	sand.u32 $0x1FFFFF80, s0;
	s0 =	spop (v2sf);
	(v2sf) =	vpush v33, $0x5;
	_ =	sdelay $0x2  }
0x202: {  	s31 =	simm.s32 $0x4C00;
	s30 =	sadd.s32 s4, s30  }
0x203: {  	[tilespmem:s31], [sflag:$0x1] =	stream.linear.gather [hbm4b:s30+s1], $0x400, $0x38;
	[tilespmem:$0x10600] =	vst v63  }
0x204: {  	s30 =	sand.u32 $0x1FFFFF80, s0;
	s0 =	spop (v2sf);
	(v2sf) =	vpush v32, $0x5;
	_ =	sdelay $0x1  }
0x205: {  	s31 =	simm.s32 $0x1000;
	s30 =	sadd.s32 s3, s30  }
0x206: {  	[tilespmem:s31], [sflag:$0x1] =	stream.linear.gather [hbm4b:s30+s1], $0x400, $0x38;
	[tilespmem:$0x10600] =	vst v63  }
0x207: {  	s30 =	sand.u32 $0x1FFFFF80, s0  }
0x208: {  	s31 =	simm.s32 $0x5000;
	s30 =	sadd.s32 s4, s30;
	s0 =	spop (v2sf);
	(v2sf) =	vpush v33, $0x6  }
0x209: {  	[tilespmem:s31], [sflag:$0x1] =	stream.linear.gather [hbm4b:s30+s1], $0x400, $0x38;
	[tilespmem:$0x10600] =	vst v63  }
0x20a: {  	s30 =	sand.u32 $0x1FFFFF80, s0;
	s0 =	spop (v2sf);
	(v2sf) =	vpush v32, $0x6  }
0x20b: {  	s31 =	simm.s32 $0x1400;
	s30 =	sadd.s32 s3, s30  }
0x20c: {  	[tilespmem:s31], [sflag:$0x1] =	stream.linear.gather [hbm4b:s30+s1], $0x400, $0x38;
	[tilespmem:$0x10600] =	vst v63  }
0x20d: {  	s30 =	sand.u32 $0x1FFFFF80, s0;
	s0 =	spop (v2sf);
	(v2sf) =	vpush v33, $0x7;
	_ =	sdelay $0x2  }
0x20e: {  	s31 =	simm.s32 $0x5400;
	s30 =	sadd.s32 s4, s30  }
0x20f: {  	[tilespmem:s31], [sflag:$0x1] =	stream.linear.gather [hbm4b:s30+s1], $0x400, $0x38;
	[tilespmem:$0x10600] =	vst v63  }
0x210: {  	s30 =	sand.u32 $0x1FFFFF80, s0;
	s0 =	spop (v2sf);
	(v2sf) =	vpush v32, $0x7;
	_ =	sdelay $0x1  }
0x211: {  	s31 =	simm.s32 $0x1800;
	s30 =	sadd.s32 s3, s30  }
0x212: {  	[tilespmem:s31], [sflag:$0x1] =	stream.linear.gather [hbm4b:s30+s1], $0x400, $0x38;
	[tilespmem:$0x10600] =	vst v63  }
0x213: {  	s30 =	sand.u32 $0x1FFFFF80, s0  }
0x214: {  	s31 =	simm.s32 $0x5800;
	s30 =	sadd.s32 s4, s30;
	s0 =	spop (v2sf);
	(v2sf) =	vpush v33, $0x8  }
0x215: {  	[tilespmem:s31], [sflag:$0x1] =	stream.linear.gather [hbm4b:s30+s1], $0x400, $0x38;
	[tilespmem:$0x10600] =	vst v63  }
0x216: {  	s30 =	sand.u32 $0x1FFFFF80, s0;
	s0 =	spop (v2sf);
	(v2sf) =	vpush v32, $0x8  }
0x217: {  	s31 =	simm.s32 $0x1C00;
	s30 =	sadd.s32 s3, s30  }
0x218: {  	[tilespmem:s31], [sflag:$0x1] =	stream.linear.gather [hbm4b:s30+s1], $0x400, $0x38;
	[tilespmem:$0x10600] =	vst v63  }
0x219: {  	s30 =	sand.u32 $0x1FFFFF80, s0;
	s0 =	spop (v2sf);
	(v2sf) =	vpush v33, $0x9;
	_ =	sdelay $0x2  }
0x21a: {  	s31 =	simm.s32 $0x5C00;
	s30 =	sadd.s32 s4, s30  }
0x21b: {  	[tilespmem:s31], [sflag:$0x1] =	stream.linear.gather [hbm4b:s30+s1], $0x400, $0x38;
	[tilespmem:$0x10600] =	vst v63  }
0x21c: {  	s30 =	sand.u32 $0x1FFFFF80, s0;
	s0 =	spop (v2sf);
	(v2sf) =	vpush v32, $0x9;
	_ =	sdelay $0x1  }
0x21d: {  	s31 =	simm.s32 $0x2000;
	s30 =	sadd.s32 s3, s30  }
0x21e: {  	[tilespmem:s31], [sflag:$0x1] =	stream.linear.gather [hbm4b:s30+s1], $0x400, $0x38;
	[tilespmem:$0x10600] =	vst v63  }
0x21f: {  	s30 =	sand.u32 $0x1FFFFF80, s0  }
0x220: {  	s31 =	simm.s32 $0x6000;
	s30 =	sadd.s32 s4, s30;
	s0 =	spop (v2sf);
	(v2sf) =	vpush v33, $0xA  }
0x221: {  	[tilespmem:s31], [sflag:$0x1] =	stream.linear.gather [hbm4b:s30+s1], $0x400, $0x38;
	[tilespmem:$0x10600] =	vst v63  }
0x222: {  	s30 =	sand.u32 $0x1FFFFF80, s0;
	s0 =	spop (v2sf);
	(v2sf) =	vpush v32, $0xA  }
0x223: {  	s31 =	simm.s32 $0x2400;
	s30 =	sadd.s32 s3, s30  }
0x224: {  	[tilespmem:s31], [sflag:$0x1] =	stream.linear.gather [hbm4b:s30+s1], $0x400, $0x38;
	[tilespmem:$0x10600] =	vst v63  }
0x225: {  	s30 =	sand.u32 $0x1FFFFF80, s0;
	s0 =	spop (v2sf);
	(v2sf) =	vpush v33, $0xB;
	_ =	sdelay $0x2  }
0x226: {  	s31 =	simm.s32 $0x6400;
	s30 =	sadd.s32 s4, s30  }
0x227: {  	[tilespmem:s31], [sflag:$0x1] =	stream.linear.gather [hbm4b:s30+s1], $0x400, $0x38;
	[tilespmem:$0x10600] =	vst v63  }
0x228: {  	s30 =	sand.u32 $0x1FFFFF80, s0;
	s0 =	spop (v2sf);
	(v2sf) =	vpush v32, $0xB;
	_ =	sdelay $0x1  }
0x229: {  	s31 =	simm.s32 $0x2800;
	s30 =	sadd.s32 s3, s30  }
0x22a: {  	[tilespmem:s31], [sflag:$0x1] =	stream.linear.gather [hbm4b:s30+s1], $0x400, $0x38;
	[tilespmem:$0x10600] =	vst v63  }
0x22b: {  	s30 =	sand.u32 $0x1FFFFF80, s0  }
0x22c: {  	s31 =	simm.s32 $0x6800;
	s30 =	sadd.s32 s4, s30;
	s0 =	spop (v2sf);
	(v2sf) =	vpush v33, $0xC  }
0x22d: {  	[tilespmem:s31], [sflag:$0x1] =	stream.linear.gather [hbm4b:s30+s1], $0x400, $0x38;
	[tilespmem:$0x10600] =	vst v63  }
0x22e: {  	s30 =	sand.u32 $0x1FFFFF80, s0;
	s0 =	spop (v2sf);
	(v2sf) =	vpush v32, $0xC  }
0x22f: {  	s31 =	simm.s32 $0x2C00;
	s30 =	sadd.s32 s3, s30  }
0x230: {  	[tilespmem:s31], [sflag:$0x1] =	stream.linear.gather [hbm4b:s30+s1], $0x400, $0x38;
	[tilespmem:$0x10600] =	vst v63  }
0x231: {  	s30 =	sand.u32 $0x1FFFFF80, s0;
	s0 =	spop (v2sf);
	(v2sf) =	vpush v33, $0xD;
	_ =	sdelay $0x2  }
0x232: {  	s31 =	simm.s32 $0x6C00;
	s30 =	sadd.s32 s4, s30  }
0x233: {  	[tilespmem:s31], [sflag:$0x1] =	stream.linear.gather [hbm4b:s30+s1], $0x400, $0x38;
	[tilespmem:$0x10600] =	vst v63  }
0x234: {  	s30 =	sand.u32 $0x1FFFFF80, s0;
	s0 =	spop (v2sf);
	(v2sf) =	vpush v32, $0xD;
	_ =	sdelay $0x1  }
0x235: {  	s31 =	simm.s32 $0x3000;
	s30 =	sadd.s32 s3, s30  }
0x236: {  	[tilespmem:s31], [sflag:$0x1] =	stream.linear.gather [hbm4b:s30+s1], $0x400, $0x38;
	[tilespmem:$0x10600] =	vst v63  }
0x237: {  	s30 =	sand.u32 $0x1FFFFF80, s0  }
0x238: {  	s31 =	simm.s32 $0x7000;
	s30 =	sadd.s32 s4, s30;
	s0 =	spop (v2sf);
	(v2sf) =	vpush v33, $0xE  }
0x239: {  	[tilespmem:s31], [sflag:$0x1] =	stream.linear.gather [hbm4b:s30+s1], $0x400, $0x38;
	[tilespmem:$0x10600] =	vst v63  }
0x23a: {  	s30 =	sand.u32 $0x1FFFFF80, s0;
	s0 =	spop (v2sf);
	(v2sf) =	vpush v32, $0xE  }
0x23b: {  	s31 =	simm.s32 $0x3400;
	s30 =	sadd.s32 s3, s30  }
0x23c: {  	[tilespmem:s31], [sflag:$0x1] =	stream.linear.gather [hbm4b:s30+s1], $0x400, $0x38;
	[tilespmem:$0x10600] =	vst v63  }
0x23d: {  	s30 =	sand.u32 $0x1FFFFF80, s0;
	s0 =	spop (v2sf);
	(v2sf) =	vpush v33, $0xF;
	_ =	sdelay $0x1  }
0x23e: {  	s31 =	simm.s32 $0x7400;
	s30 =	sadd.s32 s4, s30  }
0x23f: {  	[tilespmem:s31], [sflag:$0x1] =	stream.linear.gather [hbm4b:s30+s1], $0x400, $0x38;
	[tilespmem:$0x10600] =	vst v63  }
0x240: {  	s30 =	sand.u32 $0x1FFFFF80, s0  }
0x241: {  	s31 =	simm.s32 $0x3800;
	s0 =	spop (v2sf);
	(v2sf) =	vpush v32, $0xF;
	s30 =	sadd.s32 s3, s30  }
0x242: {  	[tilespmem:s31], [sflag:$0x1] =	stream.linear.gather [hbm4b:s30+s1], $0x400, $0x38;
	[tilespmem:$0x10600] =	vst v63  }
0x243: {  	s30 =	sand.u32 $0x1FFFFF80, s0  }
0x244: {  	s31 =	simm.s32 $0x7800;
	s30 =	sadd.s32 s4, s30  }
0x245: {  	[tilespmem:s31], [sflag:$0x1] =	stream.linear.gather [hbm4b:s30+s1], $0x400, $0x38;
	[tilespmem:$0x10600] =	vst v63  }
0x246: {  	s0 =	spop (v2sf)  }
0x247: {  	s30 =	sand.u32 $0x1FFFFF80, s0  }
0x248: {  	s31 =	simm.s32 $0x3C00;
	s0 =	spop (v2sf);
	s30 =	sadd.s32 s3, s30  }
0x249: {  	[tilespmem:s31], [sflag:$0x1] =	stream.linear.gather [hbm4b:s30+s1], $0x400, $0x38;
	[tilespmem:$0x10600] =	vst v63  }
0x24a: {  	s30 =	sand.u32 $0x1FFFFF80, s0  }
0x24b: {  	s31 =	simm.s32 $0x7C00;
	s0 =	spop (v2sf);
	s30 =	sadd.s32 s4, s30  }
0x24c: {  	[tilespmem:s31], [sflag:$0x1] =	stream.linear.gather [hbm4b:s30+s1], $0x400, $0x38;
	[tilespmem:$0x10600] =	vst v63  }
0x24d: {  	s30 =	sand.u32 $0x1FFFFF80, s0  }
0x24e: {  	s31 =	simm.s32 $0x4000;
	s30 =	sadd.s32 s3, s30  }
0x24f: {  	[tilespmem:s31], [sflag:$0x1] =	stream.linear.gather [hbm4b:s30+s1], $0x400, $0x38;
	[tilespmem:$0x10600] =	vst v63  }
.Ltmp5:
0x250: {  	s0 =	spop (v2sf);
	(pc) =	sbr.rel .LBB2_4-.Ltmp5, $4  }
0x251: {  	s30 =	sand.u32 $0x1FFFFF80, s0  }
0x252: {  	s31 =	simm.s32 $0x8000;
	s30 =	sadd.s32 s4, s30  }
0x253: {  	[tilespmem:s31], [sflag:$0x1] =	stream.linear.gather [hbm4b:s30+s1], $0x400, $0x38;
	[tilespmem:$0x10600] =	vst v63  }
0x254: {  	s31 =	simm.s32 $0x8800  }
.LBB2_6:
0x255: {  	_ =	sfence.sel $0x180000  }
0x256: {  	[bflag:$0x0] =	sbarrier.arrive $0xFFFF  }
0x257: {  	_ =	strace $0x90000047  }
0x258: {  	s0 =	stileid.u32;
	[bflag:$0x2] =	sbarrier.arrive $0xFFFF  }
0x259: {  	p0 =	sne.s32 s0, $0x0;
	s0 =	rddreg [dreg:$0x4]  }
0x25a: {  	s0 =	sadd.s32 @!p0 $0x100000, s0  }
0x25b: {  	[sflag:s0] =	ssyncadd.tile.s32 @!p0 $0x1;
	_ =	shalt  }
.Lfunc_end2:
_tile_overlayer_lowered:
.L_overlay_start_2:
0x25c: {  	(tag) =	ssettag $0x2  }
0x25d: {  	s0 =	rddreg [dreg:$0x0];
	s2 =	stileid.u32  }
0x25e: {  	s1 =	rddreg [dreg:$0x1];
	p0 =	sne.s32 s2, $0x0  }
0x25f: {  	s3 =	rddreg [dreg:$0x2];
	[bflag:$0x3] =	sbarrier.arrive $0xFFFF;
	s2 =	simm.s32 @!p0 $0x1C03  }
0x260: {  	[timem:s3], [sflag:s2] =	dma.local @!p0 [hbm:s0], s1  }
0x261: {  	s0 =	simm.s32 @!p0 $0x3  }
0x262: {  	_ =	swait.ge @!p0 [sflag:s0], s1  }
0x263: {  	s1 =	ssub.s32 @!p0 $0x0, s1;
	[sflag:s0] =	ssyncset.done @!p0 $0x0  }
0x264: {  	[sflag:s0] =	ssyncadd.s32 @!p0 s1  }
0x265: {  	[bflag:$0x3] =	sbarrier.arrive $0xFFFF  }
0x266: {  	_ =	shalt  }

</sc_bundles>
